<compile_context>
chip_gen: v7x
topology: tpu7x:2x2x1
jax: 0.10.2.dev20260603
libtpu: 0.0.44.dev20260713+nightly
codegen_flags: <defaults>
</compile_context>

<pallas_src>
import functools

import jax
import jax.numpy as jnp
from jax import lax
from jax.experimental import pallas as pl
from jax.experimental.pallas import tpu as pltpu
from jax.experimental.pallas import tpu_sc as plsc

N = 10000
K = 32
D = 128
NW = 32
N_PAD = 10240
R = N_PAD // NW
CHUNK_NODES = 4
CHUNK_ROWS = CHUNK_NODES * K
N_CHUNKS = R // CHUNK_NODES
N_CHUNKS_PAD = N_CHUNKS + 1
GROUPS = 10
GROUP_CHUNKS = N_CHUNKS // GROUPS
GW = GROUP_CHUNKS * CHUNK_NODES * K
LANES = 16

_mesh = plsc.VectorSubcoreMesh(core_axis_name="c", subcore_axis_name="s")


def _splat(vec, j):
    idx = jnp.full((LANES, 1), j, dtype=jnp.int32)
    return lax.gather(
        vec, idx,
        dimension_numbers=lax.GatherDimensionNumbers(
            offset_dims=(), collapsed_slice_dims=(0,), start_index_map=(0,)),
        slice_sizes=(1,),
        mode=lax.GatherScatterMode.PROMISE_IN_BOUNDS)


@functools.partial(
    pl.kernel,
    mesh=_mesh,
    out_type=jax.ShapeDtypeStruct((N_PAD, D), jnp.float32),
    scratch_types=[
        pltpu.VMEM((N_CHUNKS_PAD, CHUNK_ROWS), jnp.int32),
        pltpu.VMEM((GW,), jnp.float32),
        pltpu.VMEM((CHUNK_ROWS, D), jnp.float32),
        pltpu.VMEM((CHUNK_ROWS, D), jnp.float32),
        pltpu.VMEM((GROUP_CHUNKS * CHUNK_NODES, D), jnp.float32),
        pltpu.VMEM_SHARED((N, D), jnp.float32),
        pltpu.SemaphoreType.DMA,
        pltpu.SemaphoreType.DMA,
    ],
)
def _sc_agg(h_hbm, idx_hbm, w_hbm, agg_hbm, idx_v, w_g, rows0, rows1, ob,
            h_sp, sem0, sem1):
    sid = lax.axis_index("s")
    wid = sid * 2 + lax.axis_index("c")
    pltpu.sync_copy(h_hbm.at[pl.ds(sid * 624, 624)],
                    h_sp.at[pl.ds(sid * 624, 624)])

    @pl.when(sid == 0)
    def _():
        pltpu.sync_copy(h_hbm.at[pl.ds(9984, 16)], h_sp.at[pl.ds(9984, 16)])
    pltpu.sync_copy(idx_hbm.at[wid], idx_v)
    plsc.subcore_barrier()

    bufs = (rows0, rows1)
    sems = (sem0, sem1)
    pltpu.async_copy(h_sp.at[idx_v.at[0]], rows0, sem0)

    def compute_chunk(j, b, rows):
        def node_body(nl, c2):
            woff = (2 * j + b) * CHUNK_NODES * K + nl * K
            wv0 = w_g[pl.ds(woff, LANES)]
            wv1 = w_g[pl.ds(woff + LANES, LANES)]
            acc = [jnp.zeros((LANES,), jnp.float32) for _ in range(8)]
            for k in range(K):
                s = _splat(wv0 if k < LANES else wv1, k % LANES)
                r = nl * K + k
                for dd in range(8):
                    acc[dd] = acc[dd] + s * rows[r, pl.ds(dd * LANES, LANES)]
            for dd in range(8):
                ob[(2 * j + b) * CHUNK_NODES + nl,
                   pl.ds(dd * LANES, LANES)] = acc[dd]
            return c2

        lax.fori_loop(0, CHUNK_NODES, node_body, 0)

    def group_body(grp, carry):
        pltpu.sync_copy(w_hbm.at[wid * GROUPS + grp], w_g)

        def pair_body(j, c2):
            g0 = grp * GROUP_CHUNKS + 2 * j
            for b in range(2):
                g = g0 + b
                pltpu.make_async_copy(h_sp.at[idx_v.at[g]], bufs[b],
                                      sems[b]).wait()
                pltpu.async_copy(h_sp.at[idx_v.at[g + 1]], bufs[1 - b],
                                 sems[1 - b])
                compute_chunk(j, b, bufs[b])
            return c2

        lax.fori_loop(0, GROUP_CHUNKS // 2, pair_body, 0)
        pltpu.sync_copy(
            ob, agg_hbm.at[pl.ds(wid * R + grp * GROUP_CHUNKS * CHUNK_NODES,
                                 GROUP_CHUNKS * CHUNK_NODES)])
        return carry

    lax.fori_loop(0, GROUPS, group_body, 0)
    pltpu.make_async_copy(h_sp.at[idx_v.at[N_CHUNKS]], rows0, sem0).wait()


BLK = 512
GRID = N_PAD // BLK


def _tc1_body(h_ref, ws_ref, o_ref):
    o_ref[...] = jnp.dot(h_ref[...], ws_ref[...],
                         preferred_element_type=jnp.float32)


def _tc1_call(h, ws_t):
    return pl.pallas_call(
        _tc1_body,
        grid=(GRID,),
        in_specs=[
            pl.BlockSpec((BLK, D), lambda i: (i, 0)),
            pl.BlockSpec((D, D), lambda i: (0, 0)),
        ],
        out_specs=pl.BlockSpec((BLK, D), lambda i: (i, 0)),
        out_shape=jax.ShapeDtypeStruct((N, D), jnp.float32),
    )(h, ws_t)


def _tc2_body(y1_ref, a_ref, wn_ref, g_ref, b_ref, o_ref):
    y = y1_ref[...] + jnp.dot(a_ref[...], wn_ref[...],
                              preferred_element_type=jnp.float32)
    y = 0.5 * y * (1.0 + lax.erf(y * 0.7071067811865476))
    mu = jnp.mean(y, axis=-1, keepdims=True)
    var = jnp.mean((y - mu) ** 2, axis=-1, keepdims=True)
    o_ref[...] = (y - mu) * lax.rsqrt(var + 1e-5) * g_ref[...] + b_ref[...]


def _tc2_call(y1, agg, wn_t, gamma, beta):
    return pl.pallas_call(
        _tc2_body,
        grid=(GRID,),
        in_specs=[
            pl.BlockSpec((BLK, D), lambda i: (i, 0)),
            pl.BlockSpec((BLK, D), lambda i: (i, 0)),
            pl.BlockSpec((D, D), lambda i: (0, 0)),
            pl.BlockSpec((1, D), lambda i: (0, 0)),
            pl.BlockSpec((1, D), lambda i: (0, 0)),
        ],
        out_specs=pl.BlockSpec((BLK, D), lambda i: (i, 0)),
        out_shape=jax.ShapeDtypeStruct((N, D), jnp.float32),
    )(y1, agg, wn_t, gamma, beta)


def kernel(h, nbr_idx, nbr_w, W_self, W_nei, gamma, beta):
    pad = N_PAD - N
    idx_pad = jnp.pad(nbr_idx.astype(jnp.int32), ((0, pad), (0, 0)))
    idx_pad = idx_pad.reshape(NW, N_CHUNKS, CHUNK_ROWS)
    idx_pad = jnp.pad(idx_pad, ((0, 0), (0, 1), (0, 0)))
    w_pad = jnp.pad(nbr_w, ((0, pad), (0, 0))).reshape(NW * GROUPS, GW)
    agg = _sc_agg(h, idx_pad, w_pad)
    y1 = _tc1_call(h, W_self.T)
    return _tc2_call(y1, agg, W_nei.T,
                     gamma.reshape(1, D), beta.reshape(1, D))

# --- scband reference (transcript-rebuilt; emitter-appended) ---
"""Pipeline reference for scband-graph-sagelayer-22187801051307 (READ-ONLY COPY).

The authoritative reference and input builder live on the scoring server;
editing this copy changes nothing except your own understanding.
"""

import jax, jax.numpy as jnp
import numpy as np

N, K, D = 10000, 32, 128


def setup_inputs(seed: int = 0) -> dict:
    key = jax.random.key(seed)
    k1, k2, k3, k4, k5 = jax.random.split(key, 5)
    h = jax.random.normal(k1, (N, D), dtype=jnp.float32)
    nbr_idx = jax.random.randint(k2, (N, K), 0, N)
    nbr_w = jax.random.uniform(k3, (N, K), dtype=jnp.float32)
    scale = 1.0 / np.sqrt(D)
    W_self = jax.random.normal(k4, (D, D), dtype=jnp.float32) * scale
    W_nei = jax.random.normal(k5, (D, D), dtype=jnp.float32) * scale
    gamma = jnp.ones((D,), dtype=jnp.float32)
    beta = jnp.zeros((D,), dtype=jnp.float32)
    return {"h": h, "nbr_idx": nbr_idx, "nbr_w": nbr_w, "W_self": W_self, "W_nei": W_nei, "gamma": gamma, "beta": beta}


def reference(h, nbr_idx, nbr_w, W_self, W_nei, gamma, beta):
    # nei = h[nbr_idx.reshape(-1)].reshape(N, k, D)  -> gather
    nei = jnp.take(h, nbr_idx.reshape(-1), axis=0).reshape(h.shape[0], nbr_idx.shape[1], h.shape[1])
    # weighted neighbor aggregation
    agg = jnp.sum(nbr_w[:, :, None] * nei, axis=1)
    # out = gelu(W_self h + W_nei agg)  (torch F.gelu default = exact erf)
    out = jax.nn.gelu(h @ W_self.T + agg @ W_nei.T, approximate=False)
    # dropout is identity at inference; LayerNorm (eps=1e-5, biased variance)
    mu = jnp.mean(out, axis=-1, keepdims=True)
    var = jnp.var(out, axis=-1, keepdims=True)
    out = (out - mu) / jnp.sqrt(var + 1e-5) * gamma + beta
    return out

if __name__ == "__main__":
    import jax
    _d = setup_inputs()
    print(jax.jit(kernel)(*tuple(_d.values())))

</pallas_src>

<mosaic_0001>
#map = affine_map<(d0, d1) -> (0, 0)>
#map1 = affine_map<(d0, d1) -> (0, 0, 0)>
module attributes {stable_mosaic.version = 14 : i64} {
  func.func @_sc_agg(%arg0: i32, %arg1: i32, %arg2: memref<10000x128xf32, #tpu.memory_space<hbm>>, %arg3: memref<32x81x128xi32, #tpu.memory_space<hbm>>, %arg4: memref<320x1024xf32, #tpu.memory_space<hbm>>, %arg5: memref<10240x128xf32, #tpu.memory_space<hbm>>, %arg6: memref<81x128xi32, #tpu.memory_space<vmem>>, %arg7: memref<1024xf32, #tpu.memory_space<vmem>>, %arg8: memref<128x128xf32, #tpu.memory_space<vmem>>, %arg9: memref<128x128xf32, #tpu.memory_space<vmem>>, %arg10: memref<32x128xf32, #tpu.memory_space<vmem>>, %arg11: memref<10000x128xf32, #tpu.memory_space<vmem_shared>>, %arg12: memref<!tpu.dma_semaphore, #tpu.memory_space<semaphore_mem>>, %arg13: memref<!tpu.dma_semaphore, #tpu.memory_space<semaphore_mem>>) attributes {dimension_semantics = [#tpu.dimension_semantics<core_parallel>, #tpu.dimension_semantics<subcore_parallel>], iteration_bounds = array<i64: 2, 16>, scalar_prefetch = 0 : i64, scratch_operands = 8 : i64, tpu.core_type = #tpu.core_type<sc_vector_subcore>, window_params = [{transform_indices = #map}, {transform_indices = #map1}, {transform_indices = #map}, {transform_indices = #map}]} {
    %mul3A = arith.constant 2 : i32
    %mul3A_0 = arith.muli %arg1, %mul3A : i32
    %add3A = arith.addi %mul3A_0, %arg0 : i32
    %mul3A_1 = arith.constant 624 : i32
    %mul3A_2 = arith.muli %arg1, %mul3A_1 : i32
    %mul3A_3 = arith.constant 624 : i32
    %mul3A_4 = arith.muli %arg1, %mul3A_3 : i32
    "tpu.region"() ({
      %run_scoped3A = tpu.sem_alloc : memref<!tpu.dma_semaphore, #tpu.memory_space<semaphore_mem>>
      %dma_start3A_24 = arith.constant 0 : i32
      %dma_start3A_25 = tpu.memref_slice %arg11[%mul3A_4, %dma_start3A_24] : memref<10000x128xf32, #tpu.memory_space<vmem_shared>> -> memref<624x128xf32, #tpu.memory_space<vmem_shared>>
      %dma_start3A_26 = arith.constant 0 : i32
      %dma_start3A_27 = tpu.memref_slice %arg2[%mul3A_2, %dma_start3A_26] : memref<10000x128xf32, #tpu.memory_space<hbm>> -> memref<624x128xf32, #tpu.memory_space<hbm>>
      tpu.enqueue_dma source(%dma_start3A_27 : memref<624x128xf32, #tpu.memory_space<hbm>>) target(%dma_start3A_25 : memref<624x128xf32, #tpu.memory_space<vmem_shared>>) target_semaphore(%run_scoped3A : memref<!tpu.dma_semaphore, #tpu.memory_space<semaphore_mem>>)
      %dma_wait3A_28 = arith.constant 0 : i32
      %dma_wait3A_29 = tpu.memref_slice %arg11[%mul3A_4, %dma_wait3A_28] : memref<10000x128xf32, #tpu.memory_space<vmem_shared>> -> memref<624x128xf32, #tpu.memory_space<vmem_shared>>
      %dma_wait3A_30 = arith.constant 0 : i32
      %dma_wait3A_31 = tpu.memref_slice %arg2[%mul3A_2, %dma_wait3A_30] : memref<10000x128xf32, #tpu.memory_space<hbm>> -> memref<624x128xf32, #tpu.memory_space<hbm>>
      tpu.wait_dma2 semaphore(%run_scoped3A : memref<!tpu.dma_semaphore, #tpu.memory_space<semaphore_mem>>) src(%dma_wait3A_31 : memref<624x128xf32, #tpu.memory_space<hbm>>) dst(%dma_wait3A_29 : memref<624x128xf32, #tpu.memory_space<vmem_shared>>)
      tpu.yield
    }) : () -> ()
    %eq3A = arith.constant 0 : i32
    %eq3A_5 = arith.cmpi eq, %arg1, %eq3A : i32
    %convert_element_type3A = arith.extui %eq3A_5 : i1 to i32
    %cond3A = arith.constant 0 : i32
    %cond3A_6 = arith.cmpi ne, %convert_element_type3A, %cond3A : i32
    scf.if %cond3A_6 {
      "tpu.region"() ({
        %run_scoped3A = tpu.sem_alloc : memref<!tpu.dma_semaphore, #tpu.memory_space<semaphore_mem>>
        %dma_start3A_24 = arith.constant 9984 : i32
        %dma_start3A_25 = arith.constant 0 : i32
        %dma_start3A_26 = tpu.memref_slice %arg11[%dma_start3A_24, %dma_start3A_25] : memref<10000x128xf32, #tpu.memory_space<vmem_shared>> -> memref<16x128xf32, #tpu.memory_space<vmem_shared>>
        %dma_start3A_27 = arith.constant 9984 : i32
        %dma_start3A_28 = arith.constant 0 : i32
        %dma_start3A_29 = tpu.memref_slice %arg2[%dma_start3A_27, %dma_start3A_28] : memref<10000x128xf32, #tpu.memory_space<hbm>> -> memref<16x128xf32, #tpu.memory_space<hbm>>
        tpu.enqueue_dma source(%dma_start3A_29 : memref<16x128xf32, #tpu.memory_space<hbm>>) target(%dma_start3A_26 : memref<16x128xf32, #tpu.memory_space<vmem_shared>>) target_semaphore(%run_scoped3A : memref<!tpu.dma_semaphore, #tpu.memory_space<semaphore_mem>>)
        %dma_wait3A_30 = arith.constant 9984 : i32
        %dma_wait3A_31 = arith.constant 0 : i32
        %dma_wait3A_32 = tpu.memref_slice %arg11[%dma_wait3A_30, %dma_wait3A_31] : memref<10000x128xf32, #tpu.memory_space<vmem_shared>> -> memref<16x128xf32, #tpu.memory_space<vmem_shared>>
        %dma_wait3A_33 = arith.constant 9984 : i32
        %dma_wait3A_34 = arith.constant 0 : i32
        %dma_wait3A_35 = tpu.memref_slice %arg2[%dma_wait3A_33, %dma_wait3A_34] : memref<10000x128xf32, #tpu.memory_space<hbm>> -> memref<16x128xf32, #tpu.memory_space<hbm>>
        tpu.wait_dma2 semaphore(%run_scoped3A : memref<!tpu.dma_semaphore, #tpu.memory_space<semaphore_mem>>) src(%dma_wait3A_35 : memref<16x128xf32, #tpu.memory_space<hbm>>) dst(%dma_wait3A_32 : memref<16x128xf32, #tpu.memory_space<vmem_shared>>)
        tpu.yield
      }) : () -> ()
    } else {
    }
    "tpu.region"() ({
      %run_scoped3A = tpu.sem_alloc : memref<!tpu.dma_semaphore, #tpu.memory_space<semaphore_mem>>
      %dma_start3A_24 = arith.constant 0 : i32
      %dma_start3A_25 = arith.constant 0 : i32
      %dma_start3A_26 = tpu.memref_slice %arg3[%add3A, %dma_start3A_24, %dma_start3A_25] : memref<32x81x128xi32, #tpu.memory_space<hbm>> -> memref<1x81x128xi32, #tpu.memory_space<hbm>>
      %dma_start3A_27 = tpu.memref_squeeze %dma_start3A_26 : memref<1x81x128xi32, #tpu.memory_space<hbm>> -> memref<81x128xi32, #tpu.memory_space<hbm>>
      %dma_start3A_28 = arith.constant 0 : i32
      %dma_start3A_29 = arith.constant 0 : i32
      %dma_start3A_30 = tpu.memref_slice %arg3[%add3A, %dma_start3A_28, %dma_start3A_29] : memref<32x81x128xi32, #tpu.memory_space<hbm>> -> memref<1x81x128xi32, #tpu.memory_space<hbm>>
      %dma_start3A_31 = tpu.memref_squeeze %dma_start3A_30 : memref<1x81x128xi32, #tpu.memory_space<hbm>> -> memref<81x128xi32, #tpu.memory_space<hbm>>
      tpu.enqueue_dma source(%dma_start3A_31 : memref<81x128xi32, #tpu.memory_space<hbm>>) target(%arg6 : memref<81x128xi32, #tpu.memory_space<vmem>>) target_semaphore(%run_scoped3A : memref<!tpu.dma_semaphore, #tpu.memory_space<semaphore_mem>>)
      %dma_wait3A_32 = arith.constant 0 : i32
      %dma_wait3A_33 = arith.constant 0 : i32
      %dma_wait3A_34 = tpu.memref_slice %arg3[%add3A, %dma_wait3A_32, %dma_wait3A_33] : memref<32x81x128xi32, #tpu.memory_space<hbm>> -> memref<1x81x128xi32, #tpu.memory_space<hbm>>
      %dma_wait3A_35 = tpu.memref_squeeze %dma_wait3A_34 : memref<1x81x128xi32, #tpu.memory_space<hbm>> -> memref<81x128xi32, #tpu.memory_space<hbm>>
      %dma_wait3A_36 = arith.constant 0 : i32
      %dma_wait3A_37 = arith.constant 0 : i32
      %dma_wait3A_38 = tpu.memref_slice %arg3[%add3A, %dma_wait3A_36, %dma_wait3A_37] : memref<32x81x128xi32, #tpu.memory_space<hbm>> -> memref<1x81x128xi32, #tpu.memory_space<hbm>>
      %dma_wait3A_39 = tpu.memref_squeeze %dma_wait3A_38 : memref<1x81x128xi32, #tpu.memory_space<hbm>> -> memref<81x128xi32, #tpu.memory_space<hbm>>
      tpu.wait_dma2 semaphore(%run_scoped3A : memref<!tpu.dma_semaphore, #tpu.memory_space<semaphore_mem>>) src(%dma_wait3A_39 : memref<81x128xi32, #tpu.memory_space<hbm>>) dst(%arg6 : memref<81x128xi32, #tpu.memory_space<vmem>>)
      tpu.yield
    }) : () -> ()
    %barrier3A = arith.constant 0 : index
    tpu.barrier barrier_id(%barrier3A)
    %dma_start3A = arith.constant 0 : i32
    %dma_start3A_7 = arith.constant 0 : i32
    %dma_start3A_8 = tpu.memref_slice %arg6[%dma_start3A, %dma_start3A_7] : memref<81x128xi32, #tpu.memory_space<vmem>> -> memref<1x128xi32, #tpu.memory_space<vmem>>
    %dma_start3A_9 = tpu.memref_squeeze %dma_start3A_8 : memref<1x128xi32, #tpu.memory_space<vmem>> -> memref<128xi32, #tpu.memory_space<vmem>>
    %dma_start3A_10 = arith.constant 0 : i32
    %dma_start3A_11 = arith.constant 0 : i32
    %dma_start3A_12 = tpu.memref_slice %arg11[%dma_start3A_10, %dma_start3A_11] : memref<10000x128xf32, #tpu.memory_space<vmem_shared>> -> memref<10000x128xf32, #tpu.memory_space<vmem_shared>>
    tpu.enqueue_indirect_dma source(%dma_start3A_12 : memref<10000x128xf32, #tpu.memory_space<vmem_shared>>) target(%arg8 : memref<128x128xf32, #tpu.memory_space<vmem>>) offsets(%dma_start3A_9 : memref<128xi32, #tpu.memory_space<vmem>>) semaphore(%arg12 : memref<!tpu.dma_semaphore, #tpu.memory_space<semaphore_mem>>)
    %scan3A = arith.constant 0 : i32
    %scan3A_13 = arith.constant 0 : i32
    %scan3A_14 = arith.constant 10 : i32
    %scan3A_15 = arith.addi %scan3A_13, %scan3A_14 : i32
    %scan3A_16 = arith.constant 1 : i32
    scf.for %scan3A_24 = %scan3A_13 to %scan3A_15 step %scan3A_16  : i32 {
      %mul3A_25 = arith.constant 10 : i32
      %mul3A_26 = arith.muli %add3A, %mul3A_25 : i32
      %add3A_27 = arith.addi %mul3A_26, %scan3A_24 : i32
      "tpu.region"() ({
        %run_scoped3A = tpu.sem_alloc : memref<!tpu.dma_semaphore, #tpu.memory_space<semaphore_mem>>
        %dma_start3A_41 = arith.constant 0 : i32
        %dma_start3A_42 = tpu.memref_slice %arg4[%add3A_27, %dma_start3A_41] : memref<320x1024xf32, #tpu.memory_space<hbm>> -> memref<1x1024xf32, #tpu.memory_space<hbm>>
        %dma_start3A_43 = tpu.memref_squeeze %dma_start3A_42 : memref<1x1024xf32, #tpu.memory_space<hbm>> -> memref<1024xf32, #tpu.memory_space<hbm>>
        %dma_start3A_44 = arith.constant 0 : i32
        %dma_start3A_45 = tpu.memref_slice %arg4[%add3A_27, %dma_start3A_44] : memref<320x1024xf32, #tpu.memory_space<hbm>> -> memref<1x1024xf32, #tpu.memory_space<hbm>>
        %dma_start3A_46 = tpu.memref_squeeze %dma_start3A_45 : memref<1x1024xf32, #tpu.memory_space<hbm>> -> memref<1024xf32, #tpu.memory_space<hbm>>
        tpu.enqueue_dma source(%dma_start3A_46 : memref<1024xf32, #tpu.memory_space<hbm>>) target(%arg7 : memref<1024xf32, #tpu.memory_space<vmem>>) target_semaphore(%run_scoped3A : memref<!tpu.dma_semaphore, #tpu.memory_space<semaphore_mem>>)
        %dma_wait3A_47 = arith.constant 0 : i32
        %dma_wait3A_48 = tpu.memref_slice %arg4[%add3A_27, %dma_wait3A_47] : memref<320x1024xf32, #tpu.memory_space<hbm>> -> memref<1x1024xf32, #tpu.memory_space<hbm>>
        %dma_wait3A_49 = tpu.memref_squeeze %dma_wait3A_48 : memref<1x1024xf32, #tpu.memory_space<hbm>> -> memref<1024xf32, #tpu.memory_space<hbm>>
        %dma_wait3A_50 = arith.constant 0 : i32
        %dma_wait3A_51 = tpu.memref_slice %arg4[%add3A_27, %dma_wait3A_50] : memref<320x1024xf32, #tpu.memory_space<hbm>> -> memref<1x1024xf32, #tpu.memory_space<hbm>>
        %dma_wait3A_52 = tpu.memref_squeeze %dma_wait3A_51 : memref<1x1024xf32, #tpu.memory_space<hbm>> -> memref<1024xf32, #tpu.memory_space<hbm>>
        tpu.wait_dma2 semaphore(%run_scoped3A : memref<!tpu.dma_semaphore, #tpu.memory_space<semaphore_mem>>) src(%dma_wait3A_52 : memref<1024xf32, #tpu.memory_space<hbm>>) dst(%arg7 : memref<1024xf32, #tpu.memory_space<vmem>>)
        tpu.yield
      }) : () -> ()
      %scan3A_28 = arith.constant 0 : i32
      %scan3A_29 = arith.constant 0 : i32
      %scan3A_30 = arith.constant 4 : i32
      %scan3A_31 = arith.addi %scan3A_29, %scan3A_30 : i32
      %scan3A_32 = arith.constant 1 : i32
      scf.for %scan3A_41 = %scan3A_29 to %scan3A_31 step %scan3A_32  : i32 {
        %mul3A_42 = arith.constant 8 : i32
        %mul3A_43 = arith.muli %scan3A_24, %mul3A_42 : i32
        %mul3A_44 = arith.constant 2 : i32
        %mul3A_45 = arith.muli %mul3A_44, %scan3A_41 : i32
        %add3A_46 = arith.addi %mul3A_43, %mul3A_45 : i32
        %add3A_47 = arith.constant 0 : i32
        %add3A_48 = arith.addi %add3A_46, %add3A_47 : i32
        %dma_wait3A_49 = arith.constant 0 : i32
        %dma_wait3A_50 = tpu.memref_slice %arg6[%add3A_48, %dma_wait3A_49] : memref<81x128xi32, #tpu.memory_space<vmem>> -> memref<1x128xi32, #tpu.memory_space<vmem>>
        %dma_wait3A_51 = tpu.memref_squeeze %dma_wait3A_50 : memref<1x128xi32, #tpu.memory_space<vmem>> -> memref<128xi32, #tpu.memory_space<vmem>>
        %dma_wait3A_52 = arith.constant 0 : i32
        %dma_wait3A_53 = arith.constant 0 : i32
        %dma_wait3A_54 = tpu.memref_slice %arg11[%dma_wait3A_52, %dma_wait3A_53] : memref<10000x128xf32, #tpu.memory_space<vmem_shared>> -> memref<10000x128xf32, #tpu.memory_space<vmem_shared>>
        tpu.wait_indirect_dma semaphore(%arg12 : memref<!tpu.dma_semaphore, #tpu.memory_space<semaphore_mem>>) src(%dma_wait3A_54 : memref<10000x128xf32, #tpu.memory_space<vmem_shared>>) dst(%arg8 : memref<128x128xf32, #tpu.memory_space<vmem>>)
        %add3A_55 = arith.constant 1 : i32
        %add3A_56 = arith.addi %add3A_48, %add3A_55 : i32
        %dma_start3A_57 = arith.constant 0 : i32
        %dma_start3A_58 = tpu.memref_slice %arg6[%add3A_56, %dma_start3A_57] : memref<81x128xi32, #tpu.memory_space<vmem>> -> memref<1x128xi32, #tpu.memory_space<vmem>>
        %dma_start3A_59 = tpu.memref_squeeze %dma_start3A_58 : memref<1x128xi32, #tpu.memory_space<vmem>> -> memref<128xi32, #tpu.memory_space<vmem>>
        %dma_start3A_60 = arith.constant 0 : i32
        %dma_start3A_61 = arith.constant 0 : i32
        %dma_start3A_62 = tpu.memref_slice %arg11[%dma_start3A_60, %dma_start3A_61] : memref<10000x128xf32, #tpu.memory_space<vmem_shared>> -> memref<10000x128xf32, #tpu.memory_space<vmem_shared>>
        tpu.enqueue_indirect_dma source(%dma_start3A_62 : memref<10000x128xf32, #tpu.memory_space<vmem_shared>>) target(%arg9 : memref<128x128xf32, #tpu.memory_space<vmem>>) offsets(%dma_start3A_59 : memref<128xi32, #tpu.memory_space<vmem>>) semaphore(%arg13 : memref<!tpu.dma_semaphore, #tpu.memory_space<semaphore_mem>>)
        %scan3A_63 = arith.constant 0 : i32
        %scan3A_64 = arith.constant 0 : i32
        %scan3A_65 = arith.constant 4 : i32
        %scan3A_66 = arith.addi %scan3A_64, %scan3A_65 : i32
        %scan3A_67 = arith.constant 1 : i32
        scf.for %scan3A_91 = %scan3A_64 to %scan3A_66 step %scan3A_67  : i32 {
          %mul3A_92 = arith.constant 2 : i32
          %mul3A_93 = arith.muli %mul3A_92, %scan3A_41 : i32
          %add3A_94 = arith.constant 0 : i32
          %add3A_95 = arith.addi %mul3A_93, %add3A_94 : i32
          %mul3A_96 = arith.constant 4 : i32
          %mul3A_97 = arith.muli %add3A_95, %mul3A_96 : i32
          %mul3A_98 = arith.constant 32 : i32
          %mul3A_99 = arith.muli %mul3A_97, %mul3A_98 : i32
          %mul3A_100 = arith.constant 32 : i32
          %mul3A_101 = arith.muli %scan3A_91, %mul3A_100 : i32
          %add3A_102 = arith.addi %mul3A_99, %mul3A_101 : i32
          %get3A = arith.index_cast %add3A_102 : i32 to index
          %get3A_103 = tpu.vector_load %arg7[%get3A] {strides = array<i32>} : memref<1024xf32, #tpu.memory_space<vmem>>, vector<16xf32>,
          %get3A_104 = vector.shape_cast %get3A_103 : vector<16xf32> to vector<16xf32>
          %add3A_105 = arith.constant 16 : i32
          %add3A_106 = arith.addi %add3A_102, %add3A_105 : i32
          %get3A_107 = arith.index_cast %add3A_106 : i32 to index
          %get3A_108 = tpu.vector_load %arg7[%get3A_107] {strides = array<i32>} : memref<1024xf32, #tpu.memory_space<vmem>>, vector<16xf32>,
          %get3A_109 = vector.shape_cast %get3A_108 : vector<16xf32> to vector<16xf32>
          %broadcast_in_dim3A = arith.constant 0.000000e+00 : f32
          %broadcast_in_dim3A_110 = vector.broadcast %broadcast_in_dim3A : f32 to vector<16xf32>
          %broadcast_in_dim3A_111 = arith.constant 0.000000e+00 : f32
          %broadcast_in_dim3A_112 = vector.broadcast %broadcast_in_dim3A_111 : f32 to vector<16xf32>
          %broadcast_in_dim3A_113 = arith.constant 0.000000e+00 : f32
          %broadcast_in_dim3A_114 = vector.broadcast %broadcast_in_dim3A_113 : f32 to vector<16xf32>
          %broadcast_in_dim3A_115 = arith.constant 0.000000e+00 : f32
          %broadcast_in_dim3A_116 = vector.broadcast %broadcast_in_dim3A_115 : f32 to vector<16xf32>
          %broadcast_in_dim3A_117 = arith.constant 0.000000e+00 : f32
          %broadcast_in_dim3A_118 = vector.broadcast %broadcast_in_dim3A_117 : f32 to vector<16xf32>
          %broadcast_in_dim3A_119 = arith.constant 0.000000e+00 : f32
          %broadcast_in_dim3A_120 = vector.broadcast %broadcast_in_dim3A_119 : f32 to vector<16xf32>
          %broadcast_in_dim3A_121 = arith.constant 0.000000e+00 : f32
          %broadcast_in_dim3A_122 = vector.broadcast %broadcast_in_dim3A_121 : f32 to vector<16xf32>
          %broadcast_in_dim3A_123 = arith.constant 0.000000e+00 : f32
          %broadcast_in_dim3A_124 = vector.broadcast %broadcast_in_dim3A_123 : f32 to vector<16xf32>
          %broadcast_in_dim3A_125 = arith.constant 0 : i32
          %broadcast_in_dim3A_126 = vector.broadcast %broadcast_in_dim3A_125 : i32 to vector<16x1xi32>
          %gather3A = vector.shape_cast %broadcast_in_dim3A_126 : vector<16x1xi32> to vector<16xi32>
          %gather3A_127 = tpu.dynamic_gather %get3A_104[%gather3A] in [0] : vector<16xf32>, vector<16xi32> -> vector<16xf32>
          %mul3A_128 = arith.constant 32 : i32
          %mul3A_129 = arith.muli %scan3A_91, %mul3A_128 : i32
          %add3A_130 = arith.constant 0 : i32
          %add3A_131 = arith.addi %mul3A_129, %add3A_130 : i32
          %get3A_132 = arith.index_cast %add3A_131 : i32 to index
          %get3A_133 = arith.constant 0 : index
          %get3A_134 = tpu.vector_load %arg8[%get3A_132, %get3A_133] {strides = array<i32>} : memref<128x128xf32, #tpu.memory_space<vmem>>, vector<1x16xf32>,
          %get3A_135 = vector.shape_cast %get3A_134 : vector<1x16xf32> to vector<16xf32>
          %mul3A_136 = arith.mulf %gather3A_127, %get3A_135 : vector<16xf32>
          %add3A_137 = arith.addf %broadcast_in_dim3A_110, %mul3A_136 : vector<16xf32>
          %get3A_138 = arith.index_cast %add3A_131 : i32 to index
          %get3A_139 = arith.constant 16 : index
          %get3A_140 = tpu.vector_load %arg8[%get3A_138, %get3A_139] {strides = array<i32>} : memref<128x128xf32, #tpu.memory_space<vmem>>, vector<1x16xf32>,
          %get3A_141 = vector.shape_cast %get3A_140 : vector<1x16xf32> to vector<16xf32>
          %mul3A_142 = arith.mulf %gather3A_127, %get3A_141 : vector<16xf32>
          %add3A_143 = arith.addf %broadcast_in_dim3A_112, %mul3A_142 : vector<16xf32>
          %get3A_144 = arith.index_cast %add3A_131 : i32 to index
          %get3A_145 = arith.constant 32 : index
          %get3A_146 = tpu.vector_load %arg8[%get3A_144, %get3A_145] {strides = array<i32>} : memref<128x128xf32, #tpu.memory_space<vmem>>, vector<1x16xf32>,
          %get3A_147 = vector.shape_cast %get3A_146 : vector<1x16xf32> to vector<16xf32>
          %mul3A_148 = arith.mulf %gather3A_127, %get3A_147 : vector<16xf32>
          %add3A_149 = arith.addf %broadcast_in_dim3A_114, %mul3A_148 : vector<16xf32>
          %get3A_150 = arith.index_cast %add3A_131 : i32 to index
          %get3A_151 = arith.constant 48 : index
          %get3A_152 = tpu.vector_load %arg8[%get3A_150, %get3A_151] {strides = array<i32>} : memref<128x128xf32, #tpu.memory_space<vmem>>, vector<1x16xf32>,
          %get3A_153 = vector.shape_cast %get3A_152 : vector<1x16xf32> to vector<16xf32>
          %mul3A_154 = arith.mulf %gather3A_127, %get3A_153 : vector<16xf32>
          %add3A_155 = arith.addf %broadcast_in_dim3A_116, %mul3A_154 : vector<16xf32>
          %get3A_156 = arith.index_cast %add3A_131 : i32 to index
          %get3A_157 = arith.constant 64 : index
          %get3A_158 = tpu.vector_load %arg8[%get3A_156, %get3A_157] {strides = array<i32>} : memref<128x128xf32, #tpu.memory_space<vmem>>, vector<1x16xf32>,
          %get3A_159 = vector.shape_cast %get3A_158 : vector<1x16xf32> to vector<16xf32>
          %mul3A_160 = arith.mulf %gather3A_127, %get3A_159 : vector<16xf32>
          %add3A_161 = arith.addf %broadcast_in_dim3A_118, %mul3A_160 : vector<16xf32>
          %get3A_162 = arith.index_cast %add3A_131 : i32 to index
          %get3A_163 = arith.constant 80 : index
          %get3A_164 = tpu.vector_load %arg8[%get3A_162, %get3A_163] {strides = array<i32>} : memref<128x128xf32, #tpu.memory_space<vmem>>, vector<1x16xf32>,
          %get3A_165 = vector.shape_cast %get3A_164 : vector<1x16xf32> to vector<16xf32>
          %mul3A_166 = arith.mulf %gather3A_127, %get3A_165 : vector<16xf32>
          %add3A_167 = arith.addf %broadcast_in_dim3A_120, %mul3A_166 : vector<16xf32>
          %get3A_168 = arith.index_cast %add3A_131 : i32 to index
          %get3A_169 = arith.constant 96 : index
          %get3A_170 = tpu.vector_load %arg8[%get3A_168, %get3A_169] {strides = array<i32>} : memref<128x128xf32, #tpu.memory_space<vmem>>, vector<1x16xf32>,
          %get3A_171 = vector.shape_cast %get3A_170 : vector<1x16xf32> to vector<16xf32>
          %mul3A_172 = arith.mulf %gather3A_127, %get3A_171 : vector<16xf32>
          %add3A_173 = arith.addf %broadcast_in_dim3A_122, %mul3A_172 : vector<16xf32>
          %get3A_174 = arith.index_cast %add3A_131 : i32 to index
          %get3A_175 = arith.constant 112 : index
          %get3A_176 = tpu.vector_load %arg8[%get3A_174, %get3A_175] {strides = array<i32>} : memref<128x128xf32, #tpu.memory_space<vmem>>, vector<1x16xf32>,
          %get3A_177 = vector.shape_cast %get3A_176 : vector<1x16xf32> to vector<16xf32>
          %mul3A_178 = arith.mulf %gather3A_127, %get3A_177 : vector<16xf32>
          %add3A_179 = arith.addf %broadcast_in_dim3A_124, %mul3A_178 : vector<16xf32>
          %broadcast_in_dim3A_180 = arith.constant 1 : i32
          %broadcast_in_dim3A_181 = vector.broadcast %broadcast_in_dim3A_180 : i32 to vector<16x1xi32>
          %gather3A_182 = vector.shape_cast %broadcast_in_dim3A_181 : vector<16x1xi32> to vector<16xi32>
          %gather3A_183 = tpu.dynamic_gather %get3A_104[%gather3A_182] in [0] : vector<16xf32>, vector<16xi32> -> vector<16xf32>
          %mul3A_184 = arith.constant 32 : i32
          %mul3A_185 = arith.muli %scan3A_91, %mul3A_184 : i32
          %add3A_186 = arith.constant 1 : i32
          %add3A_187 = arith.addi %mul3A_185, %add3A_186 : i32
          %get3A_188 = arith.index_cast %add3A_187 : i32 to index
          %get3A_189 = arith.constant 0 : index
          %get3A_190 = tpu.vector_load %arg8[%get3A_188, %get3A_189] {strides = array<i32>} : memref<128x128xf32, #tpu.memory_space<vmem>>, vector<1x16xf32>,
          %get3A_191 = vector.shape_cast %get3A_190 : vector<1x16xf32> to vector<16xf32>
          %mul3A_192 = arith.mulf %gather3A_183, %get3A_191 : vector<16xf32>
          %add3A_193 = arith.addf %add3A_137, %mul3A_192 : vector<16xf32>
          %get3A_194 = arith.index_cast %add3A_187 : i32 to index
          %get3A_195 = arith.constant 16 : index
          %get3A_196 = tpu.vector_load %arg8[%get3A_194, %get3A_195] {strides = array<i32>} : memref<128x128xf32, #tpu.memory_space<vmem>>, vector<1x16xf32>,
          %get3A_197 = vector.shape_cast %get3A_196 : vector<1x16xf32> to vector<16xf32>
          %mul3A_198 = arith.mulf %gather3A_183, %get3A_197 : vector<16xf32>
          %add3A_199 = arith.addf %add3A_143, %mul3A_198 : vector<16xf32>
          %get3A_200 = arith.index_cast %add3A_187 : i32 to index
          %get3A_201 = arith.constant 32 : index
          %get3A_202 = tpu.vector_load %arg8[%get3A_200, %get3A_201] {strides = array<i32>} : memref<128x128xf32, #tpu.memory_space<vmem>>, vector<1x16xf32>,
          %get3A_203 = vector.shape_cast %get3A_202 : vector<1x16xf32> to vector<16xf32>
          %mul3A_204 = arith.mulf %gather3A_183, %get3A_203 : vector<16xf32>
          %add3A_205 = arith.addf %add3A_149, %mul3A_204 : vector<16xf32>
          %get3A_206 = arith.index_cast %add3A_187 : i32 to index
          %get3A_207 = arith.constant 48 : index
          %get3A_208 = tpu.vector_load %arg8[%get3A_206, %get3A_207] {strides = array<i32>} : memref<128x128xf32, #tpu.memory_space<vmem>>, vector<1x16xf32>,
          %get3A_209 = vector.shape_cast %get3A_208 : vector<1x16xf32> to vector<16xf32>
          %mul3A_210 = arith.mulf %gather3A_183, %get3A_209 : vector<16xf32>
          %add3A_211 = arith.addf %add3A_155, %mul3A_210 : vector<16xf32>
          %get3A_212 = arith.index_cast %add3A_187 : i32 to index
          %get3A_213 = arith.constant 64 : index
          %get3A_214 = tpu.vector_load %arg8[%get3A_212, %get3A_213] {strides = array<i32>} : memref<128x128xf32, #tpu.memory_space<vmem>>, vector<1x16xf32>,
          %get3A_215 = vector.shape_cast %get3A_214 : vector<1x16xf32> to vector<16xf32>
          %mul3A_216 = arith.mulf %gather3A_183, %get3A_215 : vector<16xf32>
          %add3A_217 = arith.addf %add3A_161, %mul3A_216 : vector<16xf32>
          %get3A_218 = arith.index_cast %add3A_187 : i32 to index
          %get3A_219 = arith.constant 80 : index
          %get3A_220 = tpu.vector_load %arg8[%get3A_218, %get3A_219] {strides = array<i32>} : memref<128x128xf32, #tpu.memory_space<vmem>>, vector<1x16xf32>,
          %get3A_221 = vector.shape_cast %get3A_220 : vector<1x16xf32> to vector<16xf32>
          %mul3A_222 = arith.mulf %gather3A_183, %get3A_221 : vector<16xf32>
          %add3A_223 = arith.addf %add3A_167, %mul3A_222 : vector<16xf32>
          %get3A_224 = arith.index_cast %add3A_187 : i32 to index
          %get3A_225 = arith.constant 96 : index
          %get3A_226 = tpu.vector_load %arg8[%get3A_224, %get3A_225] {strides = array<i32>} : memref<128x128xf32, #tpu.memory_space<vmem>>, vector<1x16xf32>,
          %get3A_227 = vector.shape_cast %get3A_226 : vector<1x16xf32> to vector<16xf32>
          %mul3A_228 = arith.mulf %gather3A_183, %get3A_227 : vector<16xf32>
          %add3A_229 = arith.addf %add3A_173, %mul3A_228 : vector<16xf32>
          %get3A_230 = arith.index_cast %add3A_187 : i32 to index
          %get3A_231 = arith.constant 112 : index
          %get3A_232 = tpu.vector_load %arg8[%get3A_230, %get3A_231] {strides = array<i32>} : memref<128x128xf32, #tpu.memory_space<vmem>>, vector<1x16xf32>,
          %get3A_233 = vector.shape_cast %get3A_232 : vector<1x16xf32> to vector<16xf32>
          %mul3A_234 = arith.mulf %gather3A_183, %get3A_233 : vector<16xf32>
          %add3A_235 = arith.addf %add3A_179, %mul3A_234 : vector<16xf32>
          %broadcast_in_dim3A_236 = arith.constant 2 : i32
          %broadcast_in_dim3A_237 = vector.broadcast %broadcast_in_dim3A_236 : i32 to vector<16x1xi32>
          %gather3A_238 = vector.shape_cast %broadcast_in_dim3A_237 : vector<16x1xi32> to vector<16xi32>
          %gather3A_239 = tpu.dynamic_gather %get3A_104[%gather3A_238] in [0] : vector<16xf32>, vector<16xi32> -> vector<16xf32>
          %mul3A_240 = arith.constant 32 : i32
          %mul3A_241 = arith.muli %scan3A_91, %mul3A_240 : i32
          %add3A_242 = arith.constant 2 : i32
          %add3A_243 = arith.addi %mul3A_241, %add3A_242 : i32
          %get3A_244 = arith.index_cast %add3A_243 : i32 to index
          %get3A_245 = arith.constant 0 : index
          %get3A_246 = tpu.vector_load %arg8[%get3A_244, %get3A_245] {strides = array<i32>} : memref<128x128xf32, #tpu.memory_space<vmem>>, vector<1x16xf32>,
          %get3A_247 = vector.shape_cast %get3A_246 : vector<1x16xf32> to vector<16xf32>
          %mul3A_248 = arith.mulf %gather3A_239, %get3A_247 : vector<16xf32>
          %add3A_249 = arith.addf %add3A_193, %mul3A_248 : vector<16xf32>
          %get3A_250 = arith.index_cast %add3A_243 : i32 to index
          %get3A_251 = arith.constant 16 : index
          %get3A_252 = tpu.vector_load %arg8[%get3A_250, %get3A_251] {strides = array<i32>} : memref<128x128xf32, #tpu.memory_space<vmem>>, vector<1x16xf32>,
          %get3A_253 = vector.shape_cast %get3A_252 : vector<1x16xf32> to vector<16xf32>
          %mul3A_254 = arith.mulf %gather3A_239, %get3A_253 : vector<16xf32>
          %add3A_255 = arith.addf %add3A_199, %mul3A_254 : vector<16xf32>
          %get3A_256 = arith.index_cast %add3A_243 : i32 to index
          %get3A_257 = arith.constant 32 : index
          %get3A_258 = tpu.vector_load %arg8[%get3A_256, %get3A_257] {strides = array<i32>} : memref<128x128xf32, #tpu.memory_space<vmem>>, vector<1x16xf32>,
          %get3A_259 = vector.shape_cast %get3A_258 : vector<1x16xf32> to vector<16xf32>
          %mul3A_260 = arith.mulf %gather3A_239, %get3A_259 : vector<16xf32>
          %add3A_261 = arith.addf %add3A_205, %mul3A_260 : vector<16xf32>
          %get3A_262 = arith.index_cast %add3A_243 : i32 to index
          %get3A_263 = arith.constant 48 : index
          %get3A_264 = tpu.vector_load %arg8[%get3A_262, %get3A_263] {strides = array<i32>} : memref<128x128xf32, #tpu.memory_space<vmem>>, vector<1x16xf32>,
          %get3A_265 = vector.shape_cast %get3A_264 : vector<1x16xf32> to vector<16xf32>
          %mul3A_266 = arith.mulf %gather3A_239, %get3A_265 : vector<16xf32>
          %add3A_267 = arith.addf %add3A_211, %mul3A_266 : vector<16xf32>
          %get3A_268 = arith.index_cast %add3A_243 : i32 to index
          %get3A_269 = arith.constant 64 : index
          %get3A_270 = tpu.vector_load %arg8[%get3A_268, %get3A_269] {strides = array<i32>} : memref<128x128xf32, #tpu.memory_space<vmem>>, vector<1x16xf32>,
          %get3A_271 = vector.shape_cast %get3A_270 : vector<1x16xf32> to vector<16xf32>
          %mul3A_272 = arith.mulf %gather3A_239, %get3A_271 : vector<16xf32>
          %add3A_273 = arith.addf %add3A_217, %mul3A_272 : vector<16xf32>
          %get3A_274 = arith.index_cast %add3A_243 : i32 to index
          %get3A_275 = arith.constant 80 : index
          %get3A_276 = tpu.vector_load %arg8[%get3A_274, %get3A_275] {strides = array<i32>} : memref<128x128xf32, #tpu.memory_space<vmem>>, vector<1x16xf32>,
          %get3A_277 = vector.shape_cast %get3A_276 : vector<1x16xf32> to vector<16xf32>
          %mul3A_278 = arith.mulf %gather3A_239, %get3A_277 : vector<16xf32>
          %add3A_279 = arith.addf %add3A_223, %mul3A_278 : vector<16xf32>
          %get3A_280 = arith.index_cast %add3A_243 : i32 to index
          %get3A_281 = arith.constant 96 : index
          %get3A_282 = tpu.vector_load %arg8[%get3A_280, %get3A_281] {strides = array<i32>} : memref<128x128xf32, #tpu.memory_space<vmem>>, vector<1x16xf32>,
          %get3A_283 = vector.shape_cast %get3A_282 : vector<1x16xf32> to vector<16xf32>
          %mul3A_284 = arith.mulf %gather3A_239, %get3A_283 : vector<16xf32>
          %add3A_285 = arith.addf %add3A_229, %mul3A_284 : vector<16xf32>
          %get3A_286 = arith.index_cast %add3A_243 : i32 to index
          %get3A_287 = arith.constant 112 : index
          %get3A_288 = tpu.vector_load %arg8[%get3A_286, %get3A_287] {strides = array<i32>} : memref<128x128xf32, #tpu.memory_space<vmem>>, vector<1x16xf32>,
          %get3A_289 = vector.shape_cast %get3A_288 : vector<1x16xf32> to vector<16xf32>
          %mul3A_290 = arith.mulf %gather3A_239, %get3A_289 : vector<16xf32>
          %add3A_291 = arith.addf %add3A_235, %mul3A_290 : vector<16xf32>
          %broadcast_in_dim3A_292 = arith.constant 3 : i32
          %broadcast_in_dim3A_293 = vector.broadcast %broadcast_in_dim3A_292 : i32 to vector<16x1xi32>
          %gather3A_294 = vector.shape_cast %broadcast_in_dim3A_293 : vector<16x1xi32> to vector<16xi32>
          %gather3A_295 = tpu.dynamic_gather %get3A_104[%gather3A_294] in [0] : vector<16xf32>, vector<16xi32> -> vector<16xf32>
          %mul3A_296 = arith.constant 32 : i32
          %mul3A_297 = arith.muli %scan3A_91, %mul3A_296 : i32
          %add3A_298 = arith.constant 3 : i32
          %add3A_299 = arith.addi %mul3A_297, %add3A_298 : i32
          %get3A_300 = arith.index_cast %add3A_299 : i32 to index
          %get3A_301 = arith.constant 0 : index
          %get3A_302 = tpu.vector_load %arg8[%get3A_300, %get3A_301] {strides = array<i32>} : memref<128x128xf32, #tpu.memory_space<vmem>>, vector<1x16xf32>,
          %get3A_303 = vector.shape_cast %get3A_302 : vector<1x16xf32> to vector<16xf32>
          %mul3A_304 = arith.mulf %gather3A_295, %get3A_303 : vector<16xf32>
          %add3A_305 = arith.addf %add3A_249, %mul3A_304 : vector<16xf32>
          %get3A_306 = arith.index_cast %add3A_299 : i32 to index
          %get3A_307 = arith.constant 16 : index
          %get3A_308 = tpu.vector_load %arg8[%get3A_306, %get3A_307] {strides = array<i32>} : memref<128x128xf32, #tpu.memory_space<vmem>>, vector<1x16xf32>,
          %get3A_309 = vector.shape_cast %get3A_308 : vector<1x16xf32> to vector<16xf32>
          %mul3A_310 = arith.mulf %gather3A_295, %get3A_309 : vector<16xf32>
          %add3A_311 = arith.addf %add3A_255, %mul3A_310 : vector<16xf32>
          %get3A_312 = arith.index_cast %add3A_299 : i32 to index
          %get3A_313 = arith.constant 32 : index
          %get3A_314 = tpu.vector_load %arg8[%get3A_312, %get3A_313] {strides = array<i32>} : memref<128x128xf32, #tpu.memory_space<vmem>>, vector<1x16xf32>,
          %get3A_315 = vector.shape_cast %get3A_314 : vector<1x16xf32> to vector<16xf32>
          %mul3A_316 = arith.mulf %gather3A_295, %get3A_315 : vector<16xf32>
          %add3A_317 = arith.addf %add3A_261, %mul3A_316 : vector<16xf32>
          %get3A_318 = arith.index_cast %add3A_299 : i32 to index
          %get3A_319 = arith.constant 48 : index
          %get3A_320 = tpu.vector_load %arg8[%get3A_318, %get3A_319] {strides = array<i32>} : memref<128x128xf32, #tpu.memory_space<vmem>>, vector<1x16xf32>,
          %get3A_321 = vector.shape_cast %get3A_320 : vector<1x16xf32> to vector<16xf32>
          %mul3A_322 = arith.mulf %gather3A_295, %get3A_321 : vector<16xf32>
          %add3A_323 = arith.addf %add3A_267, %mul3A_322 : vector<16xf32>
          %get3A_324 = arith.index_cast %add3A_299 : i32 to index
          %get3A_325 = arith.constant 64 : index
          %get3A_326 = tpu.vector_load %arg8[%get3A_324, %get3A_325] {strides = array<i32>} : memref<128x128xf32, #tpu.memory_space<vmem>>, vector<1x16xf32>,
          %get3A_327 = vector.shape_cast %get3A_326 : vector<1x16xf32> to vector<16xf32>
          %mul3A_328 = arith.mulf %gather3A_295, %get3A_327 : vector<16xf32>
          %add3A_329 = arith.addf %add3A_273, %mul3A_328 : vector<16xf32>
          %get3A_330 = arith.index_cast %add3A_299 : i32 to index
          %get3A_331 = arith.constant 80 : index
          %get3A_332 = tpu.vector_load %arg8[%get3A_330, %get3A_331] {strides = array<i32>} : memref<128x128xf32, #tpu.memory_space<vmem>>, vector<1x16xf32>,
          %get3A_333 = vector.shape_cast %get3A_332 : vector<1x16xf32> to vector<16xf32>
          %mul3A_334 = arith.mulf %gather3A_295, %get3A_333 : vector<16xf32>
          %add3A_335 = arith.addf %add3A_279, %mul3A_334 : vector<16xf32>
          %get3A_336 = arith.index_cast %add3A_299 : i32 to index
          %get3A_337 = arith.constant 96 : index
          %get3A_338 = tpu.vector_load %arg8[%get3A_336, %get3A_337] {strides = array<i32>} : memref<128x128xf32, #tpu.memory_space<vmem>>, vector<1x16xf32>,
          %get3A_339 = vector.shape_cast %get3A_338 : vector<1x16xf32> to vector<16xf32>
          %mul3A_340 = arith.mulf %gather3A_295, %get3A_339 : vector<16xf32>
          %add3A_341 = arith.addf %add3A_285, %mul3A_340 : vector<16xf32>
          %get3A_342 = arith.index_cast %add3A_299 : i32 to index
          %get3A_343 = arith.constant 112 : index
          %get3A_344 = tpu.vector_load %arg8[%get3A_342, %get3A_343] {strides = array<i32>} : memref<128x128xf32, #tpu.memory_space<vmem>>, vector<1x16xf32>,
          %get3A_345 = vector.shape_cast %get3A_344 : vector<1x16xf32> to vector<16xf32>
          %mul3A_346 = arith.mulf %gather3A_295, %get3A_345 : vector<16xf32>
          %add3A_347 = arith.addf %add3A_291, %mul3A_346 : vector<16xf32>
          %broadcast_in_dim3A_348 = arith.constant 4 : i32
          %broadcast_in_dim3A_349 = vector.broadcast %broadcast_in_dim3A_348 : i32 to vector<16x1xi32>
          %gather3A_350 = vector.shape_cast %broadcast_in_dim3A_349 : vector<16x1xi32> to vector<16xi32>
          %gather3A_351 = tpu.dynamic_gather %get3A_104[%gather3A_350] in [0] : vector<16xf32>, vector<16xi32> -> vector<16xf32>
          %mul3A_352 = arith.constant 32 : i32
          %mul3A_353 = arith.muli %scan3A_91, %mul3A_352 : i32
          %add3A_354 = arith.constant 4 : i32
          %add3A_355 = arith.addi %mul3A_353, %add3A_354 : i32
          %get3A_356 = arith.index_cast %add3A_355 : i32 to index
          %get3A_357 = arith.constant 0 : index
          %get3A_358 = tpu.vector_load %arg8[%get3A_356, %get3A_357] {strides = array<i32>} : memref<128x128xf32, #tpu.memory_space<vmem>>, vector<1x16xf32>,
          %get3A_359 = vector.shape_cast %get3A_358 : vector<1x16xf32> to vector<16xf32>
          %mul3A_360 = arith.mulf %gather3A_351, %get3A_359 : vector<16xf32>
          %add3A_361 = arith.addf %add3A_305, %mul3A_360 : vector<16xf32>
          %get3A_362 = arith.index_cast %add3A_355 : i32 to index
          %get3A_363 = arith.constant 16 : index
          %get3A_364 = tpu.vector_load %arg8[%get3A_362, %get3A_363] {strides = array<i32>} : memref<128x128xf32, #tpu.memory_space<vmem>>, vector<1x16xf32>,
          %get3A_365 = vector.shape_cast %get3A_364 : vector<1x16xf32> to vector<16xf32>
          %mul3A_366 = arith.mulf %gather3A_351, %get3A_365 : vector<16xf32>
          %add3A_367 = arith.addf %add3A_311, %mul3A_366 : vector<16xf32>
          %get3A_368 = arith.index_cast %add3A_355 : i32 to index
          %get3A_369 = arith.constant 32 : index
          %get3A_370 = tpu.vector_load %arg8[%get3A_368, %get3A_369] {strides = array<i32>} : memref<128x128xf32, #tpu.memory_space<vmem>>, vector<1x16xf32>,
          %get3A_371 = vector.shape_cast %get3A_370 : vector<1x16xf32> to vector<16xf32>
          %mul3A_372 = arith.mulf %gather3A_351, %get3A_371 : vector<16xf32>
          %add3A_373 = arith.addf %add3A_317, %mul3A_372 : vector<16xf32>
          %get3A_374 = arith.index_cast %add3A_355 : i32 to index
          %get3A_375 = arith.constant 48 : index
          %get3A_376 = tpu.vector_load %arg8[%get3A_374, %get3A_375] {strides = array<i32>} : memref<128x128xf32, #tpu.memory_space<vmem>>, vector<1x16xf32>,
          %get3A_377 = vector.shape_cast %get3A_376 : vector<1x16xf32> to vector<16xf32>
          %mul3A_378 = arith.mulf %gather3A_351, %get3A_377 : vector<16xf32>
          %add3A_379 = arith.addf %add3A_323, %mul3A_378 : vector<16xf32>
          %get3A_380 = arith.index_cast %add3A_355 : i32 to index
          %get3A_381 = arith.constant 64 : index
          %get3A_382 = tpu.vector_load %arg8[%get3A_380, %get3A_381] {strides = array<i32>} : memref<128x128xf32, #tpu.memory_space<vmem>>, vector<1x16xf32>,
          %get3A_383 = vector.shape_cast %get3A_382 : vector<1x16xf32> to vector<16xf32>
          %mul3A_384 = arith.mulf %gather3A_351, %get3A_383 : vector<16xf32>
          %add3A_385 = arith.addf %add3A_329, %mul3A_384 : vector<16xf32>
          %get3A_386 = arith.index_cast %add3A_355 : i32 to index
          %get3A_387 = arith.constant 80 : index
          %get3A_388 = tpu.vector_load %arg8[%get3A_386, %get3A_387] {strides = array<i32>} : memref<128x128xf32, #tpu.memory_space<vmem>>, vector<1x16xf32>,
          %get3A_389 = vector.shape_cast %get3A_388 : vector<1x16xf32> to vector<16xf32>
          %mul3A_390 = arith.mulf %gather3A_351, %get3A_389 : vector<16xf32>
          %add3A_391 = arith.addf %add3A_335, %mul3A_390 : vector<16xf32>
          %get3A_392 = arith.index_cast %add3A_355 : i32 to index
          %get3A_393 = arith.constant 96 : index
          %get3A_394 = tpu.vector_load %arg8[%get3A_392, %get3A_393] {strides = array<i32>} : memref<128x128xf32, #tpu.memory_space<vmem>>, vector<1x16xf32>,
          %get3A_395 = vector.shape_cast %get3A_394 : vector<1x16xf32> to vector<16xf32>
          %mul3A_396 = arith.mulf %gather3A_351, %get3A_395 : vector<16xf32>
          %add3A_397 = arith.addf %add3A_341, %mul3A_396 : vector<16xf32>
          %get3A_398 = arith.index_cast %add3A_355 : i32 to index
          %get3A_399 = arith.constant 112 : index
          %get3A_400 = tpu.vector_load %arg8[%get3A_398, %get3A_399] {strides = array<i32>} : memref<128x128xf32, #tpu.memory_space<vmem>>, vector<1x16xf32>,
          %get3A_401 = vector.shape_cast %get3A_400 : vector<1x16xf32> to vector<16xf32>
          %mul3A_402 = arith.mulf %gather3A_351, %get3A_401 : vector<16xf32>
          %add3A_403 = arith.addf %add3A_347, %mul3A_402 : vector<16xf32>
          %broadcast_in_dim3A_404 = arith.constant 5 : i32
          %broadcast_in_dim3A_405 = vector.broadcast %broadcast_in_dim3A_404 : i32 to vector<16x1xi32>
          %gather3A_406 = vector.shape_cast %broadcast_in_dim3A_405 : vector<16x1xi32> to vector<16xi32>
          %gather3A_407 = tpu.dynamic_gather %get3A_104[%gather3A_406] in [0] : vector<16xf32>, vector<16xi32> -> vector<16xf32>
          %mul3A_408 = arith.constant 32 : i32
          %mul3A_409 = arith.muli %scan3A_91, %mul3A_408 : i32
          %add3A_410 = arith.constant 5 : i32
          %add3A_411 = arith.addi %mul3A_409, %add3A_410 : i32
          %get3A_412 = arith.index_cast %add3A_411 : i32 to index
          %get3A_413 = arith.constant 0 : index
          %get3A_414 = tpu.vector_load %arg8[%get3A_412, %get3A_413] {strides = array<i32>} : memref<128x128xf32, #tpu.memory_space<vmem>>, vector<1x16xf32>,
          %get3A_415 = vector.shape_cast %get3A_414 : vector<1x16xf32> to vector<16xf32>
          %mul3A_416 = arith.mulf %gather3A_407, %get3A_415 : vector<16xf32>
          %add3A_417 = arith.addf %add3A_361, %mul3A_416 : vector<16xf32>
          %get3A_418 = arith.index_cast %add3A_411 : i32 to index
          %get3A_419 = arith.constant 16 : index
          %get3A_420 = tpu.vector_load %arg8[%get3A_418, %get3A_419] {strides = array<i32>} : memref<128x128xf32, #tpu.memory_space<vmem>>, vector<1x16xf32>,
          %get3A_421 = vector.shape_cast %get3A_420 : vector<1x16xf32> to vector<16xf32>
          %mul3A_422 = arith.mulf %gather3A_407, %get3A_421 : vector<16xf32>
          %add3A_423 = arith.addf %add3A_367, %mul3A_422 : vector<16xf32>
          %get3A_424 = arith.index_cast %add3A_411 : i32 to index
          %get3A_425 = arith.constant 32 : index
          %get3A_426 = tpu.vector_load %arg8[%get3A_424, %get3A_425] {strides = array<i32>} : memref<128x128xf32, #tpu.memory_space<vmem>>, vector<1x16xf32>,
          %get3A_427 = vector.shape_cast %get3A_426 : vector<1x16xf32> to vector<16xf32>
          %mul3A_428 = arith.mulf %gather3A_407, %get3A_427 : vector<16xf32>
          %add3A_429 = arith.addf %add3A_373, %mul3A_428 : vector<16xf32>
          %get3A_430 = arith.index_cast %add3A_411 : i32 to index
          %get3A_431 = arith.constant 48 : index
          %get3A_432 = tpu.vector_load %arg8[%get3A_430, %get3A_431] {strides = array<i32>} : memref<128x128xf32, #tpu.memory_space<vmem>>, vector<1x16xf32>,
          %get3A_433 = vector.shape_cast %get3A_432 : vector<1x16xf32> to vector<16xf32>
          %mul3A_434 = arith.mulf %gather3A_407, %get3A_433 : vector<16xf32>
          %add3A_435 = arith.addf %add3A_379, %mul3A_434 : vector<16xf32>
          %get3A_436 = arith.index_cast %add3A_411 : i32 to index
          %get3A_437 = arith.constant 64 : index
          %get3A_438 = tpu.vector_load %arg8[%get3A_436, %get3A_437] {strides = array<i32>} : memref<128x128xf32, #tpu.memory_space<vmem>>, vector<1x16xf32>,
          %get3A_439 = vector.shape_cast %get3A_438 : vector<1x16xf32> to vector<16xf32>
          %mul3A_440 = arith.mulf %gather3A_407, %get3A_439 : vector<16xf32>
          %add3A_441 = arith.addf %add3A_385, %mul3A_440 : vector<16xf32>
          %get3A_442 = arith.index_cast %add3A_411 : i32 to index
          %get3A_443 = arith.constant 80 : index
          %get3A_444 = tpu.vector_load %arg8[%get3A_442, %get3A_443] {strides = array<i32>} : memref<128x128xf32, #tpu.memory_space<vmem>>, vector<1x16xf32>,
          %get3A_445 = vector.shape_cast %get3A_444 : vector<1x16xf32> to vector<16xf32>
          %mul3A_446 = arith.mulf %gather3A_407, %get3A_445 : vector<16xf32>
          %add3A_447 = arith.addf %add3A_391, %mul3A_446 : vector<16xf32>
          %get3A_448 = arith.index_cast %add3A_411 : i32 to index
          %get3A_449 = arith.constant 96 : index
          %get3A_450 = tpu.vector_load %arg8[%get3A_448, %get3A_449] {strides = array<i32>} : memref<128x128xf32, #tpu.memory_space<vmem>>, vector<1x16xf32>,
          %get3A_451 = vector.shape_cast %get3A_450 : vector<1x16xf32> to vector<16xf32>
          %mul3A_452 = arith.mulf %gather3A_407, %get3A_451 : vector<16xf32>
          %add3A_453 = arith.addf %add3A_397, %mul3A_452 : vector<16xf32>
          %get3A_454 = arith.index_cast %add3A_411 : i32 to index
          %get3A_455 = arith.constant 112 : index
          %get3A_456 = tpu.vector_load %arg8[%get3A_454, %get3A_455] {strides = array<i32>} : memref<128x128xf32, #tpu.memory_space<vmem>>, vector<1x16xf32>,
          %get3A_457 = vector.shape_cast %get3A_456 : vector<1x16xf32> to vector<16xf32>
          %mul3A_458 = arith.mulf %gather3A_407, %get3A_457 : vector<16xf32>
          %add3A_459 = arith.addf %add3A_403, %mul3A_458 : vector<16xf32>
          %broadcast_in_dim3A_460 = arith.constant 6 : i32
          %broadcast_in_dim3A_461 = vector.broadcast %broadcast_in_dim3A_460 : i32 to vector<16x1xi32>
          %gather3A_462 = vector.shape_cast %broadcast_in_dim3A_461 : vector<16x1xi32> to vector<16xi32>
          %gather3A_463 = tpu.dynamic_gather %get3A_104[%gather3A_462] in [0] : vector<16xf32>, vector<16xi32> -> vector<16xf32>
          %mul3A_464 = arith.constant 32 : i32
          %mul3A_465 = arith.muli %scan3A_91, %mul3A_464 : i32
          %add3A_466 = arith.constant 6 : i32
          %add3A_467 = arith.addi %mul3A_465, %add3A_466 : i32
          %get3A_468 = arith.index_cast %add3A_467 : i32 to index
          %get3A_469 = arith.constant 0 : index
          %get3A_470 = tpu.vector_load %arg8[%get3A_468, %get3A_469] {strides = array<i32>} : memref<128x128xf32, #tpu.memory_space<vmem>>, vector<1x16xf32>,
          %get3A_471 = vector.shape_cast %get3A_470 : vector<1x16xf32> to vector<16xf32>
          %mul3A_472 = arith.mulf %gather3A_463, %get3A_471 : vector<16xf32>
          %add3A_473 = arith.addf %add3A_417, %mul3A_472 : vector<16xf32>
          %get3A_474 = arith.index_cast %add3A_467 : i32 to index
          %get3A_475 = arith.constant 16 : index
          %get3A_476 = tpu.vector_load %arg8[%get3A_474, %get3A_475] {strides = array<i32>} : memref<128x128xf32, #tpu.memory_space<vmem>>, vector<1x16xf32>,
          %get3A_477 = vector.shape_cast %get3A_476 : vector<1x16xf32> to vector<16xf32>
          %mul3A_478 = arith.mulf %gather3A_463, %get3A_477 : vector<16xf32>
          %add3A_479 = arith.addf %add3A_423, %mul3A_478 : vector<16xf32>
          %get3A_480 = arith.index_cast %add3A_467 : i32 to index
          %get3A_481 = arith.constant 32 : index
          %get3A_482 = tpu.vector_load %arg8[%get3A_480, %get3A_481] {strides = array<i32>} : memref<128x128xf32, #tpu.memory_space<vmem>>, vector<1x16xf32>,
          %get3A_483 = vector.shape_cast %get3A_482 : vector<1x16xf32> to vector<16xf32>
          %mul3A_484 = arith.mulf %gather3A_463, %get3A_483 : vector<16xf32>
          %add3A_485 = arith.addf %add3A_429, %mul3A_484 : vector<16xf32>
          %get3A_486 = arith.index_cast %add3A_467 : i32 to index
          %get3A_487 = arith.constant 48 : index
          %get3A_488 = tpu.vector_load %arg8[%get3A_486, %get3A_487] {strides = array<i32>} : memref<128x128xf32, #tpu.memory_space<vmem>>, vector<1x16xf32>,
          %get3A_489 = vector.shape_cast %get3A_488 : vector<1x16xf32> to vector<16xf32>
          %mul3A_490 = arith.mulf %gather3A_463, %get3A_489 : vector<16xf32>
          %add3A_491 = arith.addf %add3A_435, %mul3A_490 : vector<16xf32>
          %get3A_492 = arith.index_cast %add3A_467 : i32 to index
          %get3A_493 = arith.constant 64 : index
          %get3A_494 = tpu.vector_load %arg8[%get3A_492, %get3A_493] {strides = array<i32>} : memref<128x128xf32, #tpu.memory_space<vmem>>, vector<1x16xf32>,
          %get3A_495 = vector.shape_cast %get3A_494 : vector<1x16xf32> to vector<16xf32>
          %mul3A_496 = arith.mulf %gather3A_463, %get3A_495 : vector<16xf32>
          %add3A_497 = arith.addf %add3A_441, %mul3A_496 : vector<16xf32>
          %get3A_498 = arith.index_cast %add3A_467 : i32 to index
          %get3A_499 = arith.constant 80 : index
          %get3A_500 = tpu.vector_load %arg8[%get3A_498, %get3A_499] {strides = array<i32>} : memref<128x128xf32, #tpu.memory_space<vmem>>, vector<1x16xf32>,
          %get3A_501 = vector.shape_cast %get3A_500 : vector<1x16xf32> to vector<16xf32>
          %mul3A_502 = arith.mulf %gather3A_463, %get3A_501 : vector<16xf32>
          %add3A_503 = arith.addf %add3A_447, %mul3A_502 : vector<16xf32>
          %get3A_504 = arith.index_cast %add3A_467 : i32 to index
          %get3A_505 = arith.constant 96 : index
          %get3A_506 = tpu.vector_load %arg8[%get3A_504, %get3A_505] {strides = array<i32>} : memref<128x128xf32, #tpu.memory_space<vmem>>, vector<1x16xf32>,
          %get3A_507 = vector.shape_cast %get3A_506 : vector<1x16xf32> to vector<16xf32>
          %mul3A_508 = arith.mulf %gather3A_463, %get3A_507 : vector<16xf32>
          %add3A_509 = arith.addf %add3A_453, %mul3A_508 : vector<16xf32>
          %get3A_510 = arith.index_cast %add3A_467 : i32 to index
          %get3A_511 = arith.constant 112 : index
          %get3A_512 = tpu.vector_load %arg8[%get3A_510, %get3A_511] {strides = array<i32>} : memref<128x128xf32, #tpu.memory_space<vmem>>, vector<1x16xf32>,
          %get3A_513 = vector.shape_cast %get3A_512 : vector<1x16xf32> to vector<16xf32>
          %mul3A_514 = arith.mulf %gather3A_463, %get3A_513 : vector<16xf32>
          %add3A_515 = arith.addf %add3A_459, %mul3A_514 : vector<16xf32>
          %broadcast_in_dim3A_516 = arith.constant 7 : i32
          %broadcast_in_dim3A_517 = vector.broadcast %broadcast_in_dim3A_516 : i32 to vector<16x1xi32>
          %gather3A_518 = vector.shape_cast %broadcast_in_dim3A_517 : vector<16x1xi32> to vector<16xi32>
          %gather3A_519 = tpu.dynamic_gather %get3A_104[%gather3A_518] in [0] : vector<16xf32>, vector<16xi32> -> vector<16xf32>
          %mul3A_520 = arith.constant 32 : i32
          %mul3A_521 = arith.muli %scan3A_91, %mul3A_520 : i32
          %add3A_522 = arith.constant 7 : i32
          %add3A_523 = arith.addi %mul3A_521, %add3A_522 : i32
          %get3A_524 = arith.index_cast %add3A_523 : i32 to index
          %get3A_525 = arith.constant 0 : index
          %get3A_526 = tpu.vector_load %arg8[%get3A_524, %get3A_525] {strides = array<i32>} : memref<128x128xf32, #tpu.memory_space<vmem>>, vector<1x16xf32>,
          %get3A_527 = vector.shape_cast %get3A_526 : vector<1x16xf32> to vector<16xf32>
          %mul3A_528 = arith.mulf %gather3A_519, %get3A_527 : vector<16xf32>
          %add3A_529 = arith.addf %add3A_473, %mul3A_528 : vector<16xf32>
          %get3A_530 = arith.index_cast %add3A_523 : i32 to index
          %get3A_531 = arith.constant 16 : index
          %get3A_532 = tpu.vector_load %arg8[%get3A_530, %get3A_531] {strides = array<i32>} : memref<128x128xf32, #tpu.memory_space<vmem>>, vector<1x16xf32>,
          %get3A_533 = vector.shape_cast %get3A_532 : vector<1x16xf32> to vector<16xf32>
          %mul3A_534 = arith.mulf %gather3A_519, %get3A_533 : vector<16xf32>
          %add3A_535 = arith.addf %add3A_479, %mul3A_534 : vector<16xf32>
          %get3A_536 = arith.index_cast %add3A_523 : i32 to index
          %get3A_537 = arith.constant 32 : index
          %get3A_538 = tpu.vector_load %arg8[%get3A_536, %get3A_537] {strides = array<i32>} : memref<128x128xf32, #tpu.memory_space<vmem>>, vector<1x16xf32>,
          %get3A_539 = vector.shape_cast %get3A_538 : vector<1x16xf32> to vector<16xf32>
          %mul3A_540 = arith.mulf %gather3A_519, %get3A_539 : vector<16xf32>
          %add3A_541 = arith.addf %add3A_485, %mul3A_540 : vector<16xf32>
          %get3A_542 = arith.index_cast %add3A_523 : i32 to index
          %get3A_543 = arith.constant 48 : index
          %get3A_544 = tpu.vector_load %arg8[%get3A_542, %get3A_543] {strides = array<i32>} : memref<128x128xf32, #tpu.memory_space<vmem>>, vector<1x16xf32>,
          %get3A_545 = vector.shape_cast %get3A_544 : vector<1x16xf32> to vector<16xf32>
          %mul3A_546 = arith.mulf %gather3A_519, %get3A_545 : vector<16xf32>
          %add3A_547 = arith.addf %add3A_491, %mul3A_546 : vector<16xf32>
          %get3A_548 = arith.index_cast %add3A_523 : i32 to index
          %get3A_549 = arith.constant 64 : index
          %get3A_550 = tpu.vector_load %arg8[%get3A_548, %get3A_549] {strides = array<i32>} : memref<128x128xf32, #tpu.memory_space<vmem>>, vector<1x16xf32>,
          %get3A_551 = vector.shape_cast %get3A_550 : vector<1x16xf32> to vector<16xf32>
          %mul3A_552 = arith.mulf %gather3A_519, %get3A_551 : vector<16xf32>
          %add3A_553 = arith.addf %add3A_497, %mul3A_552 : vector<16xf32>
          %get3A_554 = arith.index_cast %add3A_523 : i32 to index
          %get3A_555 = arith.constant 80 : index
          %get3A_556 = tpu.vector_load %arg8[%get3A_554, %get3A_555] {strides = array<i32>} : memref<128x128xf32, #tpu.memory_space<vmem>>, vector<1x16xf32>,
          %get3A_557 = vector.shape_cast %get3A_556 : vector<1x16xf32> to vector<16xf32>
          %mul3A_558 = arith.mulf %gather3A_519, %get3A_557 : vector<16xf32>
          %add3A_559 = arith.addf %add3A_503, %mul3A_558 : vector<16xf32>
          %get3A_560 = arith.index_cast %add3A_523 : i32 to index
          %get3A_561 = arith.constant 96 : index
          %get3A_562 = tpu.vector_load %arg8[%get3A_560, %get3A_561] {strides = array<i32>} : memref<128x128xf32, #tpu.memory_space<vmem>>, vector<1x16xf32>,
          %get3A_563 = vector.shape_cast %get3A_562 : vector<1x16xf32> to vector<16xf32>
          %mul3A_564 = arith.mulf %gather3A_519, %get3A_563 : vector<16xf32>
          %add3A_565 = arith.addf %add3A_509, %mul3A_564 : vector<16xf32>
          %get3A_566 = arith.index_cast %add3A_523 : i32 to index
          %get3A_567 = arith.constant 112 : index
          %get3A_568 = tpu.vector_load %arg8[%get3A_566, %get3A_567] {strides = array<i32>} : memref<128x128xf32, #tpu.memory_space<vmem>>, vector<1x16xf32>,
          %get3A_569 = vector.shape_cast %get3A_568 : vector<1x16xf32> to vector<16xf32>
          %mul3A_570 = arith.mulf %gather3A_519, %get3A_569 : vector<16xf32>
          %add3A_571 = arith.addf %add3A_515, %mul3A_570 : vector<16xf32>
          %broadcast_in_dim3A_572 = arith.constant 8 : i32
          %broadcast_in_dim3A_573 = vector.broadcast %broadcast_in_dim3A_572 : i32 to vector<16x1xi32>
          %gather3A_574 = vector.shape_cast %broadcast_in_dim3A_573 : vector<16x1xi32> to vector<16xi32>
          %gather3A_575 = tpu.dynamic_gather %get3A_104[%gather3A_574] in [0] : vector<16xf32>, vector<16xi32> -> vector<16xf32>
          %mul3A_576 = arith.constant 32 : i32
          %mul3A_577 = arith.muli %scan3A_91, %mul3A_576 : i32
          %add3A_578 = arith.constant 8 : i32
          %add3A_579 = arith.addi %mul3A_577, %add3A_578 : i32
          %get3A_580 = arith.index_cast %add3A_579 : i32 to index
          %get3A_581 = arith.constant 0 : index
          %get3A_582 = tpu.vector_load %arg8[%get3A_580, %get3A_581] {strides = array<i32>} : memref<128x128xf32, #tpu.memory_space<vmem>>, vector<1x16xf32>,
          %get3A_583 = vector.shape_cast %get3A_582 : vector<1x16xf32> to vector<16xf32>
          %mul3A_584 = arith.mulf %gather3A_575, %get3A_583 : vector<16xf32>
          %add3A_585 = arith.addf %add3A_529, %mul3A_584 : vector<16xf32>
          %get3A_586 = arith.index_cast %add3A_579 : i32 to index
          %get3A_587 = arith.constant 16 : index
          %get3A_588 = tpu.vector_load %arg8[%get3A_586, %get3A_587] {strides = array<i32>} : memref<128x128xf32, #tpu.memory_space<vmem>>, vector<1x16xf32>,
          %get3A_589 = vector.shape_cast %get3A_588 : vector<1x16xf32> to vector<16xf32>
          %mul3A_590 = arith.mulf %gather3A_575, %get3A_589 : vector<16xf32>
          %add3A_591 = arith.addf %add3A_535, %mul3A_590 : vector<16xf32>
          %get3A_592 = arith.index_cast %add3A_579 : i32 to index
          %get3A_593 = arith.constant 32 : index
          %get3A_594 = tpu.vector_load %arg8[%get3A_592, %get3A_593] {strides = array<i32>} : memref<128x128xf32, #tpu.memory_space<vmem>>, vector<1x16xf32>,
          %get3A_595 = vector.shape_cast %get3A_594 : vector<1x16xf32> to vector<16xf32>
          %mul3A_596 = arith.mulf %gather3A_575, %get3A_595 : vector<16xf32>
          %add3A_597 = arith.addf %add3A_541, %mul3A_596 : vector<16xf32>
          %get3A_598 = arith.index_cast %add3A_579 : i32 to index
          %get3A_599 = arith.constant 48 : index
          %get3A_600 = tpu.vector_load %arg8[%get3A_598, %get3A_599] {strides = array<i32>} : memref<128x128xf32, #tpu.memory_space<vmem>>, vector<1x16xf32>,
          %get3A_601 = vector.shape_cast %get3A_600 : vector<1x16xf32> to vector<16xf32>
          %mul3A_602 = arith.mulf %gather3A_575, %get3A_601 : vector<16xf32>
          %add3A_603 = arith.addf %add3A_547, %mul3A_602 : vector<16xf32>
          %get3A_604 = arith.index_cast %add3A_579 : i32 to index
          %get3A_605 = arith.constant 64 : index
          %get3A_606 = tpu.vector_load %arg8[%get3A_604, %get3A_605] {strides = array<i32>} : memref<128x128xf32, #tpu.memory_space<vmem>>, vector<1x16xf32>,
          %get3A_607 = vector.shape_cast %get3A_606 : vector<1x16xf32> to vector<16xf32>
          %mul3A_608 = arith.mulf %gather3A_575, %get3A_607 : vector<16xf32>
          %add3A_609 = arith.addf %add3A_553, %mul3A_608 : vector<16xf32>
          %get3A_610 = arith.index_cast %add3A_579 : i32 to index
          %get3A_611 = arith.constant 80 : index
          %get3A_612 = tpu.vector_load %arg8[%get3A_610, %get3A_611] {strides = array<i32>} : memref<128x128xf32, #tpu.memory_space<vmem>>, vector<1x16xf32>,
          %get3A_613 = vector.shape_cast %get3A_612 : vector<1x16xf32> to vector<16xf32>
          %mul3A_614 = arith.mulf %gather3A_575, %get3A_613 : vector<16xf32>
          %add3A_615 = arith.addf %add3A_559, %mul3A_614 : vector<16xf32>
          %get3A_616 = arith.index_cast %add3A_579 : i32 to index
          %get3A_617 = arith.constant 96 : index
          %get3A_618 = tpu.vector_load %arg8[%get3A_616, %get3A_617] {strides = array<i32>} : memref<128x128xf32, #tpu.memory_space<vmem>>, vector<1x16xf32>,
          %get3A_619 = vector.shape_cast %get3A_618 : vector<1x16xf32> to vector<16xf32>
          %mul3A_620 = arith.mulf %gather3A_575, %get3A_619 : vector<16xf32>
          %add3A_621 = arith.addf %add3A_565, %mul3A_620 : vector<16xf32>
          %get3A_622 = arith.index_cast %add3A_579 : i32 to index
          %get3A_623 = arith.constant 112 : index
          %get3A_624 = tpu.vector_load %arg8[%get3A_622, %get3A_623] {strides = array<i32>} : memref<128x128xf32, #tpu.memory_space<vmem>>, vector<1x16xf32>,
          %get3A_625 = vector.shape_cast %get3A_624 : vector<1x16xf32> to vector<16xf32>
          %mul3A_626 = arith.mulf %gather3A_575, %get3A_625 : vector<16xf32>
          %add3A_627 = arith.addf %add3A_571, %mul3A_626 : vector<16xf32>
          %broadcast_in_dim3A_628 = arith.constant 9 : i32
          %broadcast_in_dim3A_629 = vector.broadcast %broadcast_in_dim3A_628 : i32 to vector<16x1xi32>
          %gather3A_630 = vector.shape_cast %broadcast_in_dim3A_629 : vector<16x1xi32> to vector<16xi32>
          %gather3A_631 = tpu.dynamic_gather %get3A_104[%gather3A_630] in [0] : vector<16xf32>, vector<16xi32> -> vector<16xf32>
          %mul3A_632 = arith.constant 32 : i32
          %mul3A_633 = arith.muli %scan3A_91, %mul3A_632 : i32
          %add3A_634 = arith.constant 9 : i32
          %add3A_635 = arith.addi %mul3A_633, %add3A_634 : i32
          %get3A_636 = arith.index_cast %add3A_635 : i32 to index
          %get3A_637 = arith.constant 0 : index
          %get3A_638 = tpu.vector_load %arg8[%get3A_636, %get3A_637] {strides = array<i32>} : memref<128x128xf32, #tpu.memory_space<vmem>>, vector<1x16xf32>,
          %get3A_639 = vector.shape_cast %get3A_638 : vector<1x16xf32> to vector<16xf32>
          %mul3A_640 = arith.mulf %gather3A_631, %get3A_639 : vector<16xf32>
          %add3A_641 = arith.addf %add3A_585, %mul3A_640 : vector<16xf32>
          %get3A_642 = arith.index_cast %add3A_635 : i32 to index
          %get3A_643 = arith.constant 16 : index
          %get3A_644 = tpu.vector_load %arg8[%get3A_642, %get3A_643] {strides = array<i32>} : memref<128x128xf32, #tpu.memory_space<vmem>>, vector<1x16xf32>,
          %get3A_645 = vector.shape_cast %get3A_644 : vector<1x16xf32> to vector<16xf32>
          %mul3A_646 = arith.mulf %gather3A_631, %get3A_645 : vector<16xf32>
          %add3A_647 = arith.addf %add3A_591, %mul3A_646 : vector<16xf32>
          %get3A_648 = arith.index_cast %add3A_635 : i32 to index
          %get3A_649 = arith.constant 32 : index
          %get3A_650 = tpu.vector_load %arg8[%get3A_648, %get3A_649] {strides = array<i32>} : memref<128x128xf32, #tpu.memory_space<vmem>>, vector<1x16xf32>,
          %get3A_651 = vector.shape_cast %get3A_650 : vector<1x16xf32> to vector<16xf32>
          %mul3A_652 = arith.mulf %gather3A_631, %get3A_651 : vector<16xf32>
          %add3A_653 = arith.addf %add3A_597, %mul3A_652 : vector<16xf32>
          %get3A_654 = arith.index_cast %add3A_635 : i32 to index
          %get3A_655 = arith.constant 48 : index
          %get3A_656 = tpu.vector_load %arg8[%get3A_654, %get3A_655] {strides = array<i32>} : memref<128x128xf32, #tpu.memory_space<vmem>>, vector<1x16xf32>,
          %get3A_657 = vector.shape_cast %get3A_656 : vector<1x16xf32> to vector<16xf32>
          %mul3A_658 = arith.mulf %gather3A_631, %get3A_657 : vector<16xf32>
          %add3A_659 = arith.addf %add3A_603, %mul3A_658 : vector<16xf32>
          %get3A_660 = arith.index_cast %add3A_635 : i32 to index
          %get3A_661 = arith.constant 64 : index
          %get3A_662 = tpu.vector_load %arg8[%get3A_660, %get3A_661] {strides = array<i32>} : memref<128x128xf32, #tpu.memory_space<vmem>>, vector<1x16xf32>,
          %get3A_663 = vector.shape_cast %get3A_662 : vector<1x16xf32> to vector<16xf32>
          %mul3A_664 = arith.mulf %gather3A_631, %get3A_663 : vector<16xf32>
          %add3A_665 = arith.addf %add3A_609, %mul3A_664 : vector<16xf32>
          %get3A_666 = arith.index_cast %add3A_635 : i32 to index
          %get3A_667 = arith.constant 80 : index
          %get3A_668 = tpu.vector_load %arg8[%get3A_666, %get3A_667] {strides = array<i32>} : memref<128x128xf32, #tpu.memory_space<vmem>>, vector<1x16xf32>,
          %get3A_669 = vector.shape_cast %get3A_668 : vector<1x16xf32> to vector<16xf32>
          %mul3A_670 = arith.mulf %gather3A_631, %get3A_669 : vector<16xf32>
          %add3A_671 = arith.addf %add3A_615, %mul3A_670 : vector<16xf32>
          %get3A_672 = arith.index_cast %add3A_635 : i32 to index
          %get3A_673 = arith.constant 96 : index
          %get3A_674 = tpu.vector_load %arg8[%get3A_672, %get3A_673] {strides = array<i32>} : memref<128x128xf32, #tpu.memory_space<vmem>>, vector<1x16xf32>,
          %get3A_675 = vector.shape_cast %get3A_674 : vector<1x16xf32> to vector<16xf32>
          %mul3A_676 = arith.mulf %gather3A_631, %get3A_675 : vector<16xf32>
          %add3A_677 = arith.addf %add3A_621, %mul3A_676 : vector<16xf32>
          %get3A_678 = arith.index_cast %add3A_635 : i32 to index
          %get3A_679 = arith.constant 112 : index
          %get3A_680 = tpu.vector_load %arg8[%get3A_678, %get3A_679] {strides = array<i32>} : memref<128x128xf32, #tpu.memory_space<vmem>>, vector<1x16xf32>,
          %get3A_681 = vector.shape_cast %get3A_680 : vector<1x16xf32> to vector<16xf32>
          %mul3A_682 = arith.mulf %gather3A_631, %get3A_681 : vector<16xf32>
          %add3A_683 = arith.addf %add3A_627, %mul3A_682 : vector<16xf32>
          %broadcast_in_dim3A_684 = arith.constant 10 : i32
          %broadcast_in_dim3A_685 = vector.broadcast %broadcast_in_dim3A_684 : i32 to vector<16x1xi32>
          %gather3A_686 = vector.shape_cast %broadcast_in_dim3A_685 : vector<16x1xi32> to vector<16xi32>
          %gather3A_687 = tpu.dynamic_gather %get3A_104[%gather3A_686] in [0] : vector<16xf32>, vector<16xi32> -> vector<16xf32>
          %mul3A_688 = arith.constant 32 : i32
          %mul3A_689 = arith.muli %scan3A_91, %mul3A_688 : i32
          %add3A_690 = arith.constant 10 : i32
          %add3A_691 = arith.addi %mul3A_689, %add3A_690 : i32
          %get3A_692 = arith.index_cast %add3A_691 : i32 to index
          %get3A_693 = arith.constant 0 : index
          %get3A_694 = tpu.vector_load %arg8[%get3A_692, %get3A_693] {strides = array<i32>} : memref<128x128xf32, #tpu.memory_space<vmem>>, vector<1x16xf32>,
          %get3A_695 = vector.shape_cast %get3A_694 : vector<1x16xf32> to vector<16xf32>
          %mul3A_696 = arith.mulf %gather3A_687, %get3A_695 : vector<16xf32>
          %add3A_697 = arith.addf %add3A_641, %mul3A_696 : vector<16xf32>
          %get3A_698 = arith.index_cast %add3A_691 : i32 to index
          %get3A_699 = arith.constant 16 : index
          %get3A_700 = tpu.vector_load %arg8[%get3A_698, %get3A_699] {strides = array<i32>} : memref<128x128xf32, #tpu.memory_space<vmem>>, vector<1x16xf32>,
          %get3A_701 = vector.shape_cast %get3A_700 : vector<1x16xf32> to vector<16xf32>
          %mul3A_702 = arith.mulf %gather3A_687, %get3A_701 : vector<16xf32>
          %add3A_703 = arith.addf %add3A_647, %mul3A_702 : vector<16xf32>
          %get3A_704 = arith.index_cast %add3A_691 : i32 to index
          %get3A_705 = arith.constant 32 : index
          %get3A_706 = tpu.vector_load %arg8[%get3A_704, %get3A_705] {strides = array<i32>} : memref<128x128xf32, #tpu.memory_space<vmem>>, vector<1x16xf32>,
          %get3A_707 = vector.shape_cast %get3A_706 : vector<1x16xf32> to vector<16xf32>
          %mul3A_708 = arith.mulf %gather3A_687, %get3A_707 : vector<16xf32>
          %add3A_709 = arith.addf %add3A_653, %mul3A_708 : vector<16xf32>
          %get3A_710 = arith.index_cast %add3A_691 : i32 to index
          %get3A_711 = arith.constant 48 : index
          %get3A_712 = tpu.vector_load %arg8[%get3A_710, %get3A_711] {strides = array<i32>} : memref<128x128xf32, #tpu.memory_space<vmem>>, vector<1x16xf32>,
          %get3A_713 = vector.shape_cast %get3A_712 : vector<1x16xf32> to vector<16xf32>
          %mul3A_714 = arith.mulf %gather3A_687, %get3A_713 : vector<16xf32>
          %add3A_715 = arith.addf %add3A_659, %mul3A_714 : vector<16xf32>
          %get3A_716 = arith.index_cast %add3A_691 : i32 to index
          %get3A_717 = arith.constant 64 : index
          %get3A_718 = tpu.vector_load %arg8[%get3A_716, %get3A_717] {strides = array<i32>} : memref<128x128xf32, #tpu.memory_space<vmem>>, vector<1x16xf32>,
          %get3A_719 = vector.shape_cast %get3A_718 : vector<1x16xf32> to vector<16xf32>
          %mul3A_720 = arith.mulf %gather3A_687, %get3A_719 : vector<16xf32>
          %add3A_721 = arith.addf %add3A_665, %mul3A_720 : vector<16xf32>
          %get3A_722 = arith.index_cast %add3A_691 : i32 to index
          %get3A_723 = arith.constant 80 : index
          %get3A_724 = tpu.vector_load %arg8[%get3A_722, %get3A_723] {strides = array<i32>} : memref<128x128xf32, #tpu.memory_space<vmem>>, vector<1x16xf32>,
          %get3A_725 = vector.shape_cast %get3A_724 : vector<1x16xf32> to vector<16xf32>
          %mul3A_726 = arith.mulf %gather3A_687, %get3A_725 : vector<16xf32>
          %add3A_727 = arith.addf %add3A_671, %mul3A_726 : vector<16xf32>
          %get3A_728 = arith.index_cast %add3A_691 : i32 to index
          %get3A_729 = arith.constant 96 : index
          %get3A_730 = tpu.vector_load %arg8[%get3A_728, %get3A_729] {strides = array<i32>} : memref<128x128xf32, #tpu.memory_space<vmem>>, vector<1x16xf32>,
          %get3A_731 = vector.shape_cast %get3A_730 : vector<1x16xf32> to vector<16xf32>
          %mul3A_732 = arith.mulf %gather3A_687, %get3A_731 : vector<16xf32>
          %add3A_733 = arith.addf %add3A_677, %mul3A_732 : vector<16xf32>
          %get3A_734 = arith.index_cast %add3A_691 : i32 to index
          %get3A_735 = arith.constant 112 : index
          %get3A_736 = tpu.vector_load %arg8[%get3A_734, %get3A_735] {strides = array<i32>} : memref<128x128xf32, #tpu.memory_space<vmem>>, vector<1x16xf32>,
          %get3A_737 = vector.shape_cast %get3A_736 : vector<1x16xf32> to vector<16xf32>
          %mul3A_738 = arith.mulf %gather3A_687, %get3A_737 : vector<16xf32>
          %add3A_739 = arith.addf %add3A_683, %mul3A_738 : vector<16xf32>
          %broadcast_in_dim3A_740 = arith.constant 11 : i32
          %broadcast_in_dim3A_741 = vector.broadcast %broadcast_in_dim3A_740 : i32 to vector<16x1xi32>
          %gather3A_742 = vector.shape_cast %broadcast_in_dim3A_741 : vector<16x1xi32> to vector<16xi32>
          %gather3A_743 = tpu.dynamic_gather %get3A_104[%gather3A_742] in [0] : vector<16xf32>, vector<16xi32> -> vector<16xf32>
          %mul3A_744 = arith.constant 32 : i32
          %mul3A_745 = arith.muli %scan3A_91, %mul3A_744 : i32
          %add3A_746 = arith.constant 11 : i32
          %add3A_747 = arith.addi %mul3A_745, %add3A_746 : i32
          %get3A_748 = arith.index_cast %add3A_747 : i32 to index
          %get3A_749 = arith.constant 0 : index
          %get3A_750 = tpu.vector_load %arg8[%get3A_748, %get3A_749] {strides = array<i32>} : memref<128x128xf32, #tpu.memory_space<vmem>>, vector<1x16xf32>,
          %get3A_751 = vector.shape_cast %get3A_750 : vector<1x16xf32> to vector<16xf32>
          %mul3A_752 = arith.mulf %gather3A_743, %get3A_751 : vector<16xf32>
          %add3A_753 = arith.addf %add3A_697, %mul3A_752 : vector<16xf32>
          %get3A_754 = arith.index_cast %add3A_747 : i32 to index
          %get3A_755 = arith.constant 16 : index
          %get3A_756 = tpu.vector_load %arg8[%get3A_754, %get3A_755] {strides = array<i32>} : memref<128x128xf32, #tpu.memory_space<vmem>>, vector<1x16xf32>,
          %get3A_757 = vector.shape_cast %get3A_756 : vector<1x16xf32> to vector<16xf32>
          %mul3A_758 = arith.mulf %gather3A_743, %get3A_757 : vector<16xf32>
          %add3A_759 = arith.addf %add3A_703, %mul3A_758 : vector<16xf32>
          %get3A_760 = arith.index_cast %add3A_747 : i32 to index
          %get3A_761 = arith.constant 32 : index
          %get3A_762 = tpu.vector_load %arg8[%get3A_760, %get3A_761] {strides = array<i32>} : memref<128x128xf32, #tpu.memory_space<vmem>>, vector<1x16xf32>,
          %get3A_763 = vector.shape_cast %get3A_762 : vector<1x16xf32> to vector<16xf32>
          %mul3A_764 = arith.mulf %gather3A_743, %get3A_763 : vector<16xf32>
          %add3A_765 = arith.addf %add3A_709, %mul3A_764 : vector<16xf32>
          %get3A_766 = arith.index_cast %add3A_747 : i32 to index
          %get3A_767 = arith.constant 48 : index
          %get3A_768 = tpu.vector_load %arg8[%get3A_766, %get3A_767] {strides = array<i32>} : memref<128x128xf32, #tpu.memory_space<vmem>>, vector<1x16xf32>,
          %get3A_769 = vector.shape_cast %get3A_768 : vector<1x16xf32> to vector<16xf32>
          %mul3A_770 = arith.mulf %gather3A_743, %get3A_769 : vector<16xf32>
          %add3A_771 = arith.addf %add3A_715, %mul3A_770 : vector<16xf32>
          %get3A_772 = arith.index_cast %add3A_747 : i32 to index
          %get3A_773 = arith.constant 64 : index
          %get3A_774 = tpu.vector_load %arg8[%get3A_772, %get3A_773] {strides = array<i32>} : memref<128x128xf32, #tpu.memory_space<vmem>>, vector<1x16xf32>,
          %get3A_775 = vector.shape_cast %get3A_774 : vector<1x16xf32> to vector<16xf32>
          %mul3A_776 = arith.mulf %gather3A_743, %get3A_775 : vector<16xf32>
          %add3A_777 = arith.addf %add3A_721, %mul3A_776 : vector<16xf32>
          %get3A_778 = arith.index_cast %add3A_747 : i32 to index
          %get3A_779 = arith.constant 80 : index
          %get3A_780 = tpu.vector_load %arg8[%get3A_778, %get3A_779] {strides = array<i32>} : memref<128x128xf32, #tpu.memory_space<vmem>>, vector<1x16xf32>,
          %get3A_781 = vector.shape_cast %get3A_780 : vector<1x16xf32> to vector<16xf32>
          %mul3A_782 = arith.mulf %gather3A_743, %get3A_781 : vector<16xf32>
          %add3A_783 = arith.addf %add3A_727, %mul3A_782 : vector<16xf32>
          %get3A_784 = arith.index_cast %add3A_747 : i32 to index
          %get3A_785 = arith.constant 96 : index
          %get3A_786 = tpu.vector_load %arg8[%get3A_784, %get3A_785] {strides = array<i32>} : memref<128x128xf32, #tpu.memory_space<vmem>>, vector<1x16xf32>,
          %get3A_787 = vector.shape_cast %get3A_786 : vector<1x16xf32> to vector<16xf32>
          %mul3A_788 = arith.mulf %gather3A_743, %get3A_787 : vector<16xf32>
          %add3A_789 = arith.addf %add3A_733, %mul3A_788 : vector<16xf32>
          %get3A_790 = arith.index_cast %add3A_747 : i32 to index
          %get3A_791 = arith.constant 112 : index
          %get3A_792 = tpu.vector_load %arg8[%get3A_790, %get3A_791] {strides = array<i32>} : memref<128x128xf32, #tpu.memory_space<vmem>>, vector<1x16xf32>,
          %get3A_793 = vector.shape_cast %get3A_792 : vector<1x16xf32> to vector<16xf32>
          %mul3A_794 = arith.mulf %gather3A_743, %get3A_793 : vector<16xf32>
          %add3A_795 = arith.addf %add3A_739, %mul3A_794 : vector<16xf32>
          %broadcast_in_dim3A_796 = arith.constant 12 : i32
          %broadcast_in_dim3A_797 = vector.broadcast %broadcast_in_dim3A_796 : i32 to vector<16x1xi32>
          %gather3A_798 = vector.shape_cast %broadcast_in_dim3A_797 : vector<16x1xi32> to vector<16xi32>
          %gather3A_799 = tpu.dynamic_gather %get3A_104[%gather3A_798] in [0] : vector<16xf32>, vector<16xi32> -> vector<16xf32>
          %mul3A_800 = arith.constant 32 : i32
          %mul3A_801 = arith.muli %scan3A_91, %mul3A_800 : i32
          %add3A_802 = arith.constant 12 : i32
          %add3A_803 = arith.addi %mul3A_801, %add3A_802 : i32
          %get3A_804 = arith.index_cast %add3A_803 : i32 to index
          %get3A_805 = arith.constant 0 : index
          %get3A_806 = tpu.vector_load %arg8[%get3A_804, %get3A_805] {strides = array<i32>} : memref<128x128xf32, #tpu.memory_space<vmem>>, vector<1x16xf32>,
          %get3A_807 = vector.shape_cast %get3A_806 : vector<1x16xf32> to vector<16xf32>
          %mul3A_808 = arith.mulf %gather3A_799, %get3A_807 : vector<16xf32>
          %add3A_809 = arith.addf %add3A_753, %mul3A_808 : vector<16xf32>
          %get3A_810 = arith.index_cast %add3A_803 : i32 to index
          %get3A_811 = arith.constant 16 : index
          %get3A_812 = tpu.vector_load %arg8[%get3A_810, %get3A_811] {strides = array<i32>} : memref<128x128xf32, #tpu.memory_space<vmem>>, vector<1x16xf32>,
          %get3A_813 = vector.shape_cast %get3A_812 : vector<1x16xf32> to vector<16xf32>
          %mul3A_814 = arith.mulf %gather3A_799, %get3A_813 : vector<16xf32>
          %add3A_815 = arith.addf %add3A_759, %mul3A_814 : vector<16xf32>
          %get3A_816 = arith.index_cast %add3A_803 : i32 to index
          %get3A_817 = arith.constant 32 : index
          %get3A_818 = tpu.vector_load %arg8[%get3A_816, %get3A_817] {strides = array<i32>} : memref<128x128xf32, #tpu.memory_space<vmem>>, vector<1x16xf32>,
          %get3A_819 = vector.shape_cast %get3A_818 : vector<1x16xf32> to vector<16xf32>
          %mul3A_820 = arith.mulf %gather3A_799, %get3A_819 : vector<16xf32>
          %add3A_821 = arith.addf %add3A_765, %mul3A_820 : vector<16xf32>
          %get3A_822 = arith.index_cast %add3A_803 : i32 to index
          %get3A_823 = arith.constant 48 : index
          %get3A_824 = tpu.vector_load %arg8[%get3A_822, %get3A_823] {strides = array<i32>} : memref<128x128xf32, #tpu.memory_space<vmem>>, vector<1x16xf32>,
          %get3A_825 = vector.shape_cast %get3A_824 : vector<1x16xf32> to vector<16xf32>
          %mul3A_826 = arith.mulf %gather3A_799, %get3A_825 : vector<16xf32>
          %add3A_827 = arith.addf %add3A_771, %mul3A_826 : vector<16xf32>
          %get3A_828 = arith.index_cast %add3A_803 : i32 to index
          %get3A_829 = arith.constant 64 : index
          %get3A_830 = tpu.vector_load %arg8[%get3A_828, %get3A_829] {strides = array<i32>} : memref<128x128xf32, #tpu.memory_space<vmem>>, vector<1x16xf32>,
          %get3A_831 = vector.shape_cast %get3A_830 : vector<1x16xf32> to vector<16xf32>
          %mul3A_832 = arith.mulf %gather3A_799, %get3A_831 : vector<16xf32>
          %add3A_833 = arith.addf %add3A_777, %mul3A_832 : vector<16xf32>
          %get3A_834 = arith.index_cast %add3A_803 : i32 to index
          %get3A_835 = arith.constant 80 : index
          %get3A_836 = tpu.vector_load %arg8[%get3A_834, %get3A_835] {strides = array<i32>} : memref<128x128xf32, #tpu.memory_space<vmem>>, vector<1x16xf32>,
          %get3A_837 = vector.shape_cast %get3A_836 : vector<1x16xf32> to vector<16xf32>
          %mul3A_838 = arith.mulf %gather3A_799, %get3A_837 : vector<16xf32>
          %add3A_839 = arith.addf %add3A_783, %mul3A_838 : vector<16xf32>
          %get3A_840 = arith.index_cast %add3A_803 : i32 to index
          %get3A_841 = arith.constant 96 : index
          %get3A_842 = tpu.vector_load %arg8[%get3A_840, %get3A_841] {strides = array<i32>} : memref<128x128xf32, #tpu.memory_space<vmem>>, vector<1x16xf32>,
          %get3A_843 = vector.shape_cast %get3A_842 : vector<1x16xf32> to vector<16xf32>
          %mul3A_844 = arith.mulf %gather3A_799, %get3A_843 : vector<16xf32>
          %add3A_845 = arith.addf %add3A_789, %mul3A_844 : vector<16xf32>
          %get3A_846 = arith.index_cast %add3A_803 : i32 to index
          %get3A_847 = arith.constant 112 : index
          %get3A_848 = tpu.vector_load %arg8[%get3A_846, %get3A_847] {strides = array<i32>} : memref<128x128xf32, #tpu.memory_space<vmem>>, vector<1x16xf32>,
          %get3A_849 = vector.shape_cast %get3A_848 : vector<1x16xf32> to vector<16xf32>
          %mul3A_850 = arith.mulf %gather3A_799, %get3A_849 : vector<16xf32>
          %add3A_851 = arith.addf %add3A_795, %mul3A_850 : vector<16xf32>
          %broadcast_in_dim3A_852 = arith.constant 13 : i32
          %broadcast_in_dim3A_853 = vector.broadcast %broadcast_in_dim3A_852 : i32 to vector<16x1xi32>
          %gather3A_854 = vector.shape_cast %broadcast_in_dim3A_853 : vector<16x1xi32> to vector<16xi32>
          %gather3A_855 = tpu.dynamic_gather %get3A_104[%gather3A_854] in [0] : vector<16xf32>, vector<16xi32> -> vector<16xf32>
          %mul3A_856 = arith.constant 32 : i32
          %mul3A_857 = arith.muli %scan3A_91, %mul3A_856 : i32
          %add3A_858 = arith.constant 13 : i32
          %add3A_859 = arith.addi %mul3A_857, %add3A_858 : i32
          %get3A_860 = arith.index_cast %add3A_859 : i32 to index
          %get3A_861 = arith.constant 0 : index
          %get3A_862 = tpu.vector_load %arg8[%get3A_860, %get3A_861] {strides = array<i32>} : memref<128x128xf32, #tpu.memory_space<vmem>>, vector<1x16xf32>,
          %get3A_863 = vector.shape_cast %get3A_862 : vector<1x16xf32> to vector<16xf32>
          %mul3A_864 = arith.mulf %gather3A_855, %get3A_863 : vector<16xf32>
          %add3A_865 = arith.addf %add3A_809, %mul3A_864 : vector<16xf32>
          %get3A_866 = arith.index_cast %add3A_859 : i32 to index
          %get3A_867 = arith.constant 16 : index
          %get3A_868 = tpu.vector_load %arg8[%get3A_866, %get3A_867] {strides = array<i32>} : memref<128x128xf32, #tpu.memory_space<vmem>>, vector<1x16xf32>,
          %get3A_869 = vector.shape_cast %get3A_868 : vector<1x16xf32> to vector<16xf32>
          %mul3A_870 = arith.mulf %gather3A_855, %get3A_869 : vector<16xf32>
          %add3A_871 = arith.addf %add3A_815, %mul3A_870 : vector<16xf32>
          %get3A_872 = arith.index_cast %add3A_859 : i32 to index
          %get3A_873 = arith.constant 32 : index
          %get3A_874 = tpu.vector_load %arg8[%get3A_872, %get3A_873] {strides = array<i32>} : memref<128x128xf32, #tpu.memory_space<vmem>>, vector<1x16xf32>,
          %get3A_875 = vector.shape_cast %get3A_874 : vector<1x16xf32> to vector<16xf32>
          %mul3A_876 = arith.mulf %gather3A_855, %get3A_875 : vector<16xf32>
          %add3A_877 = arith.addf %add3A_821, %mul3A_876 : vector<16xf32>
          %get3A_878 = arith.index_cast %add3A_859 : i32 to index
          %get3A_879 = arith.constant 48 : index
          %get3A_880 = tpu.vector_load %arg8[%get3A_878, %get3A_879] {strides = array<i32>} : memref<128x128xf32, #tpu.memory_space<vmem>>, vector<1x16xf32>,
          %get3A_881 = vector.shape_cast %get3A_880 : vector<1x16xf32> to vector<16xf32>
          %mul3A_882 = arith.mulf %gather3A_855, %get3A_881 : vector<16xf32>
          %add3A_883 = arith.addf %add3A_827, %mul3A_882 : vector<16xf32>
          %get3A_884 = arith.index_cast %add3A_859 : i32 to index
          %get3A_885 = arith.constant 64 : index
          %get3A_886 = tpu.vector_load %arg8[%get3A_884, %get3A_885] {strides = array<i32>} : memref<128x128xf32, #tpu.memory_space<vmem>>, vector<1x16xf32>,
          %get3A_887 = vector.shape_cast %get3A_886 : vector<1x16xf32> to vector<16xf32>
          %mul3A_888 = arith.mulf %gather3A_855, %get3A_887 : vector<16xf32>
          %add3A_889 = arith.addf %add3A_833, %mul3A_888 : vector<16xf32>
          %get3A_890 = arith.index_cast %add3A_859 : i32 to index
          %get3A_891 = arith.constant 80 : index
          %get3A_892 = tpu.vector_load %arg8[%get3A_890, %get3A_891] {strides = array<i32>} : memref<128x128xf32, #tpu.memory_space<vmem>>, vector<1x16xf32>,
          %get3A_893 = vector.shape_cast %get3A_892 : vector<1x16xf32> to vector<16xf32>
          %mul3A_894 = arith.mulf %gather3A_855, %get3A_893 : vector<16xf32>
          %add3A_895 = arith.addf %add3A_839, %mul3A_894 : vector<16xf32>
          %get3A_896 = arith.index_cast %add3A_859 : i32 to index
          %get3A_897 = arith.constant 96 : index
          %get3A_898 = tpu.vector_load %arg8[%get3A_896, %get3A_897] {strides = array<i32>} : memref<128x128xf32, #tpu.memory_space<vmem>>, vector<1x16xf32>,
          %get3A_899 = vector.shape_cast %get3A_898 : vector<1x16xf32> to vector<16xf32>
          %mul3A_900 = arith.mulf %gather3A_855, %get3A_899 : vector<16xf32>
          %add3A_901 = arith.addf %add3A_845, %mul3A_900 : vector<16xf32>
          %get3A_902 = arith.index_cast %add3A_859 : i32 to index
          %get3A_903 = arith.constant 112 : index
          %get3A_904 = tpu.vector_load %arg8[%get3A_902, %get3A_903] {strides = array<i32>} : memref<128x128xf32, #tpu.memory_space<vmem>>, vector<1x16xf32>,
          %get3A_905 = vector.shape_cast %get3A_904 : vector<1x16xf32> to vector<16xf32>
          %mul3A_906 = arith.mulf %gather3A_855, %get3A_905 : vector<16xf32>
          %add3A_907 = arith.addf %add3A_851, %mul3A_906 : vector<16xf32>
          %broadcast_in_dim3A_908 = arith.constant 14 : i32
          %broadcast_in_dim3A_909 = vector.broadcast %broadcast_in_dim3A_908 : i32 to vector<16x1xi32>
          %gather3A_910 = vector.shape_cast %broadcast_in_dim3A_909 : vector<16x1xi32> to vector<16xi32>
          %gather3A_911 = tpu.dynamic_gather %get3A_104[%gather3A_910] in [0] : vector<16xf32>, vector<16xi32> -> vector<16xf32>
          %mul3A_912 = arith.constant 32 : i32
          %mul3A_913 = arith.muli %scan3A_91, %mul3A_912 : i32
          %add3A_914 = arith.constant 14 : i32
          %add3A_915 = arith.addi %mul3A_913, %add3A_914 : i32
          %get3A_916 = arith.index_cast %add3A_915 : i32 to index
          %get3A_917 = arith.constant 0 : index
          %get3A_918 = tpu.vector_load %arg8[%get3A_916, %get3A_917] {strides = array<i32>} : memref<128x128xf32, #tpu.memory_space<vmem>>, vector<1x16xf32>,
          %get3A_919 = vector.shape_cast %get3A_918 : vector<1x16xf32> to vector<16xf32>
          %mul3A_920 = arith.mulf %gather3A_911, %get3A_919 : vector<16xf32>
          %add3A_921 = arith.addf %add3A_865, %mul3A_920 : vector<16xf32>
          %get3A_922 = arith.index_cast %add3A_915 : i32 to index
          %get3A_923 = arith.constant 16 : index
          %get3A_924 = tpu.vector_load %arg8[%get3A_922, %get3A_923] {strides = array<i32>} : memref<128x128xf32, #tpu.memory_space<vmem>>, vector<1x16xf32>,
          %get3A_925 = vector.shape_cast %get3A_924 : vector<1x16xf32> to vector<16xf32>
          %mul3A_926 = arith.mulf %gather3A_911, %get3A_925 : vector<16xf32>
          %add3A_927 = arith.addf %add3A_871, %mul3A_926 : vector<16xf32>
          %get3A_928 = arith.index_cast %add3A_915 : i32 to index
          %get3A_929 = arith.constant 32 : index
          %get3A_930 = tpu.vector_load %arg8[%get3A_928, %get3A_929] {strides = array<i32>} : memref<128x128xf32, #tpu.memory_space<vmem>>, vector<1x16xf32>,
          %get3A_931 = vector.shape_cast %get3A_930 : vector<1x16xf32> to vector<16xf32>
          %mul3A_932 = arith.mulf %gather3A_911, %get3A_931 : vector<16xf32>
          %add3A_933 = arith.addf %add3A_877, %mul3A_932 : vector<16xf32>
          %get3A_934 = arith.index_cast %add3A_915 : i32 to index
          %get3A_935 = arith.constant 48 : index
          %get3A_936 = tpu.vector_load %arg8[%get3A_934, %get3A_935] {strides = array<i32>} : memref<128x128xf32, #tpu.memory_space<vmem>>, vector<1x16xf32>,
          %get3A_937 = vector.shape_cast %get3A_936 : vector<1x16xf32> to vector<16xf32>
          %mul3A_938 = arith.mulf %gather3A_911, %get3A_937 : vector<16xf32>
          %add3A_939 = arith.addf %add3A_883, %mul3A_938 : vector<16xf32>
          %get3A_940 = arith.index_cast %add3A_915 : i32 to index
          %get3A_941 = arith.constant 64 : index
          %get3A_942 = tpu.vector_load %arg8[%get3A_940, %get3A_941] {strides = array<i32>} : memref<128x128xf32, #tpu.memory_space<vmem>>, vector<1x16xf32>,
          %get3A_943 = vector.shape_cast %get3A_942 : vector<1x16xf32> to vector<16xf32>
          %mul3A_944 = arith.mulf %gather3A_911, %get3A_943 : vector<16xf32>
          %add3A_945 = arith.addf %add3A_889, %mul3A_944 : vector<16xf32>
          %get3A_946 = arith.index_cast %add3A_915 : i32 to index
          %get3A_947 = arith.constant 80 : index
          %get3A_948 = tpu.vector_load %arg8[%get3A_946, %get3A_947] {strides = array<i32>} : memref<128x128xf32, #tpu.memory_space<vmem>>, vector<1x16xf32>,
          %get3A_949 = vector.shape_cast %get3A_948 : vector<1x16xf32> to vector<16xf32>
          %mul3A_950 = arith.mulf %gather3A_911, %get3A_949 : vector<16xf32>
          %add3A_951 = arith.addf %add3A_895, %mul3A_950 : vector<16xf32>
          %get3A_952 = arith.index_cast %add3A_915 : i32 to index
          %get3A_953 = arith.constant 96 : index
          %get3A_954 = tpu.vector_load %arg8[%get3A_952, %get3A_953] {strides = array<i32>} : memref<128x128xf32, #tpu.memory_space<vmem>>, vector<1x16xf32>,
          %get3A_955 = vector.shape_cast %get3A_954 : vector<1x16xf32> to vector<16xf32>
          %mul3A_956 = arith.mulf %gather3A_911, %get3A_955 : vector<16xf32>
          %add3A_957 = arith.addf %add3A_901, %mul3A_956 : vector<16xf32>
          %get3A_958 = arith.index_cast %add3A_915 : i32 to index
          %get3A_959 = arith.constant 112 : index
          %get3A_960 = tpu.vector_load %arg8[%get3A_958, %get3A_959] {strides = array<i32>} : memref<128x128xf32, #tpu.memory_space<vmem>>, vector<1x16xf32>,
          %get3A_961 = vector.shape_cast %get3A_960 : vector<1x16xf32> to vector<16xf32>
          %mul3A_962 = arith.mulf %gather3A_911, %get3A_961 : vector<16xf32>
          %add3A_963 = arith.addf %add3A_907, %mul3A_962 : vector<16xf32>
          %broadcast_in_dim3A_964 = arith.constant 15 : i32
          %broadcast_in_dim3A_965 = vector.broadcast %broadcast_in_dim3A_964 : i32 to vector<16x1xi32>
          %gather3A_966 = vector.shape_cast %broadcast_in_dim3A_965 : vector<16x1xi32> to vector<16xi32>
          %gather3A_967 = tpu.dynamic_gather %get3A_104[%gather3A_966] in [0] : vector<16xf32>, vector<16xi32> -> vector<16xf32>
          %mul3A_968 = arith.constant 32 : i32
          %mul3A_969 = arith.muli %scan3A_91, %mul3A_968 : i32
          %add3A_970 = arith.constant 15 : i32
          %add3A_971 = arith.addi %mul3A_969, %add3A_970 : i32
          %get3A_972 = arith.index_cast %add3A_971 : i32 to index
          %get3A_973 = arith.constant 0 : index
          %get3A_974 = tpu.vector_load %arg8[%get3A_972, %get3A_973] {strides = array<i32>} : memref<128x128xf32, #tpu.memory_space<vmem>>, vector<1x16xf32>,
          %get3A_975 = vector.shape_cast %get3A_974 : vector<1x16xf32> to vector<16xf32>
          %mul3A_976 = arith.mulf %gather3A_967, %get3A_975 : vector<16xf32>
          %add3A_977 = arith.addf %add3A_921, %mul3A_976 : vector<16xf32>
          %get3A_978 = arith.index_cast %add3A_971 : i32 to index
          %get3A_979 = arith.constant 16 : index
          %get3A_980 = tpu.vector_load %arg8[%get3A_978, %get3A_979] {strides = array<i32>} : memref<128x128xf32, #tpu.memory_space<vmem>>, vector<1x16xf32>,
          %get3A_981 = vector.shape_cast %get3A_980 : vector<1x16xf32> to vector<16xf32>
          %mul3A_982 = arith.mulf %gather3A_967, %get3A_981 : vector<16xf32>
          %add3A_983 = arith.addf %add3A_927, %mul3A_982 : vector<16xf32>
          %get3A_984 = arith.index_cast %add3A_971 : i32 to index
          %get3A_985 = arith.constant 32 : index
          %get3A_986 = tpu.vector_load %arg8[%get3A_984, %get3A_985] {strides = array<i32>} : memref<128x128xf32, #tpu.memory_space<vmem>>, vector<1x16xf32>,
          %get3A_987 = vector.shape_cast %get3A_986 : vector<1x16xf32> to vector<16xf32>
          %mul3A_988 = arith.mulf %gather3A_967, %get3A_987 : vector<16xf32>
          %add3A_989 = arith.addf %add3A_933, %mul3A_988 : vector<16xf32>
          %get3A_990 = arith.index_cast %add3A_971 : i32 to index
          %get3A_991 = arith.constant 48 : index
          %get3A_992 = tpu.vector_load %arg8[%get3A_990, %get3A_991] {strides = array<i32>} : memref<128x128xf32, #tpu.memory_space<vmem>>, vector<1x16xf32>,
          %get3A_993 = vector.shape_cast %get3A_992 : vector<1x16xf32> to vector<16xf32>
          %mul3A_994 = arith.mulf %gather3A_967, %get3A_993 : vector<16xf32>
          %add3A_995 = arith.addf %add3A_939, %mul3A_994 : vector<16xf32>
          %get3A_996 = arith.index_cast %add3A_971 : i32 to index
          %get3A_997 = arith.constant 64 : index
          %get3A_998 = tpu.vector_load %arg8[%get3A_996, %get3A_997] {strides = array<i32>} : memref<128x128xf32, #tpu.memory_space<vmem>>, vector<1x16xf32>,
          %get3A_999 = vector.shape_cast %get3A_998 : vector<1x16xf32> to vector<16xf32>
          %mul3A_1000 = arith.mulf %gather3A_967, %get3A_999 : vector<16xf32>
          %add3A_1001 = arith.addf %add3A_945, %mul3A_1000 : vector<16xf32>
          %get3A_1002 = arith.index_cast %add3A_971 : i32 to index
          %get3A_1003 = arith.constant 80 : index
          %get3A_1004 = tpu.vector_load %arg8[%get3A_1002, %get3A_1003] {strides = array<i32>} : memref<128x128xf32, #tpu.memory_space<vmem>>, vector<1x16xf32>,
          %get3A_1005 = vector.shape_cast %get3A_1004 : vector<1x16xf32> to vector<16xf32>
          %mul3A_1006 = arith.mulf %gather3A_967, %get3A_1005 : vector<16xf32>
          %add3A_1007 = arith.addf %add3A_951, %mul3A_1006 : vector<16xf32>
          %get3A_1008 = arith.index_cast %add3A_971 : i32 to index
          %get3A_1009 = arith.constant 96 : index
          %get3A_1010 = tpu.vector_load %arg8[%get3A_1008, %get3A_1009] {strides = array<i32>} : memref<128x128xf32, #tpu.memory_space<vmem>>, vector<1x16xf32>,
          %get3A_1011 = vector.shape_cast %get3A_1010 : vector<1x16xf32> to vector<16xf32>
          %mul3A_1012 = arith.mulf %gather3A_967, %get3A_1011 : vector<16xf32>
          %add3A_1013 = arith.addf %add3A_957, %mul3A_1012 : vector<16xf32>
          %get3A_1014 = arith.index_cast %add3A_971 : i32 to index
          %get3A_1015 = arith.constant 112 : index
          %get3A_1016 = tpu.vector_load %arg8[%get3A_1014, %get3A_1015] {strides = array<i32>} : memref<128x128xf32, #tpu.memory_space<vmem>>, vector<1x16xf32>,
          %get3A_1017 = vector.shape_cast %get3A_1016 : vector<1x16xf32> to vector<16xf32>
          %mul3A_1018 = arith.mulf %gather3A_967, %get3A_1017 : vector<16xf32>
          %add3A_1019 = arith.addf %add3A_963, %mul3A_1018 : vector<16xf32>
          %broadcast_in_dim3A_1020 = arith.constant 0 : i32
          %broadcast_in_dim3A_1021 = vector.broadcast %broadcast_in_dim3A_1020 : i32 to vector<16x1xi32>
          %gather3A_1022 = vector.shape_cast %broadcast_in_dim3A_1021 : vector<16x1xi32> to vector<16xi32>
          %gather3A_1023 = tpu.dynamic_gather %get3A_109[%gather3A_1022] in [0] : vector<16xf32>, vector<16xi32> -> vector<16xf32>
          %mul3A_1024 = arith.constant 32 : i32
          %mul3A_1025 = arith.muli %scan3A_91, %mul3A_1024 : i32
          %add3A_1026 = arith.constant 16 : i32
          %add3A_1027 = arith.addi %mul3A_1025, %add3A_1026 : i32
          %get3A_1028 = arith.index_cast %add3A_1027 : i32 to index
          %get3A_1029 = arith.constant 0 : index
          %get3A_1030 = tpu.vector_load %arg8[%get3A_1028, %get3A_1029] {strides = array<i32>} : memref<128x128xf32, #tpu.memory_space<vmem>>, vector<1x16xf32>,
          %get3A_1031 = vector.shape_cast %get3A_1030 : vector<1x16xf32> to vector<16xf32>
          %mul3A_1032 = arith.mulf %gather3A_1023, %get3A_1031 : vector<16xf32>
          %add3A_1033 = arith.addf %add3A_977, %mul3A_1032 : vector<16xf32>
          %get3A_1034 = arith.index_cast %add3A_1027 : i32 to index
          %get3A_1035 = arith.constant 16 : index
          %get3A_1036 = tpu.vector_load %arg8[%get3A_1034, %get3A_1035] {strides = array<i32>} : memref<128x128xf32, #tpu.memory_space<vmem>>, vector<1x16xf32>,
          %get3A_1037 = vector.shape_cast %get3A_1036 : vector<1x16xf32> to vector<16xf32>
          %mul3A_1038 = arith.mulf %gather3A_1023, %get3A_1037 : vector<16xf32>
          %add3A_1039 = arith.addf %add3A_983, %mul3A_1038 : vector<16xf32>
          %get3A_1040 = arith.index_cast %add3A_1027 : i32 to index
          %get3A_1041 = arith.constant 32 : index
          %get3A_1042 = tpu.vector_load %arg8[%get3A_1040, %get3A_1041] {strides = array<i32>} : memref<128x128xf32, #tpu.memory_space<vmem>>, vector<1x16xf32>,
          %get3A_1043 = vector.shape_cast %get3A_1042 : vector<1x16xf32> to vector<16xf32>
          %mul3A_1044 = arith.mulf %gather3A_1023, %get3A_1043 : vector<16xf32>
          %add3A_1045 = arith.addf %add3A_989, %mul3A_1044 : vector<16xf32>
          %get3A_1046 = arith.index_cast %add3A_1027 : i32 to index
          %get3A_1047 = arith.constant 48 : index
          %get3A_1048 = tpu.vector_load %arg8[%get3A_1046, %get3A_1047] {strides = array<i32>} : memref<128x128xf32, #tpu.memory_space<vmem>>, vector<1x16xf32>,
          %get3A_1049 = vector.shape_cast %get3A_1048 : vector<1x16xf32> to vector<16xf32>
          %mul3A_1050 = arith.mulf %gather3A_1023, %get3A_1049 : vector<16xf32>
          %add3A_1051 = arith.addf %add3A_995, %mul3A_1050 : vector<16xf32>
          %get3A_1052 = arith.index_cast %add3A_1027 : i32 to index
          %get3A_1053 = arith.constant 64 : index
          %get3A_1054 = tpu.vector_load %arg8[%get3A_1052, %get3A_1053] {strides = array<i32>} : memref<128x128xf32, #tpu.memory_space<vmem>>, vector<1x16xf32>,
          %get3A_1055 = vector.shape_cast %get3A_1054 : vector<1x16xf32> to vector<16xf32>
          %mul3A_1056 = arith.mulf %gather3A_1023, %get3A_1055 : vector<16xf32>
          %add3A_1057 = arith.addf %add3A_1001, %mul3A_1056 : vector<16xf32>
          %get3A_1058 = arith.index_cast %add3A_1027 : i32 to index
          %get3A_1059 = arith.constant 80 : index
          %get3A_1060 = tpu.vector_load %arg8[%get3A_1058, %get3A_1059] {strides = array<i32>} : memref<128x128xf32, #tpu.memory_space<vmem>>, vector<1x16xf32>,
          %get3A_1061 = vector.shape_cast %get3A_1060 : vector<1x16xf32> to vector<16xf32>
          %mul3A_1062 = arith.mulf %gather3A_1023, %get3A_1061 : vector<16xf32>
          %add3A_1063 = arith.addf %add3A_1007, %mul3A_1062 : vector<16xf32>
          %get3A_1064 = arith.index_cast %add3A_1027 : i32 to index
          %get3A_1065 = arith.constant 96 : index
          %get3A_1066 = tpu.vector_load %arg8[%get3A_1064, %get3A_1065] {strides = array<i32>} : memref<128x128xf32, #tpu.memory_space<vmem>>, vector<1x16xf32>,
          %get3A_1067 = vector.shape_cast %get3A_1066 : vector<1x16xf32> to vector<16xf32>
          %mul3A_1068 = arith.mulf %gather3A_1023, %get3A_1067 : vector<16xf32>
          %add3A_1069 = arith.addf %add3A_1013, %mul3A_1068 : vector<16xf32>
          %get3A_1070 = arith.index_cast %add3A_1027 : i32 to index
          %get3A_1071 = arith.constant 112 : index
          %get3A_1072 = tpu.vector_load %arg8[%get3A_1070, %get3A_1071] {strides = array<i32>} : memref<128x128xf32, #tpu.memory_space<vmem>>, vector<1x16xf32>,
          %get3A_1073 = vector.shape_cast %get3A_1072 : vector<1x16xf32> to vector<16xf32>
          %mul3A_1074 = arith.mulf %gather3A_1023, %get3A_1073 : vector<16xf32>
          %add3A_1075 = arith.addf %add3A_1019, %mul3A_1074 : vector<16xf32>
          %broadcast_in_dim3A_1076 = arith.constant 1 : i32
          %broadcast_in_dim3A_1077 = vector.broadcast %broadcast_in_dim3A_1076 : i32 to vector<16x1xi32>
          %gather3A_1078 = vector.shape_cast %broadcast_in_dim3A_1077 : vector<16x1xi32> to vector<16xi32>
          %gather3A_1079 = tpu.dynamic_gather %get3A_109[%gather3A_1078] in [0] : vector<16xf32>, vector<16xi32> -> vector<16xf32>
          %mul3A_1080 = arith.constant 32 : i32
          %mul3A_1081 = arith.muli %scan3A_91, %mul3A_1080 : i32
          %add3A_1082 = arith.constant 17 : i32
          %add3A_1083 = arith.addi %mul3A_1081, %add3A_1082 : i32
          %get3A_1084 = arith.index_cast %add3A_1083 : i32 to index
          %get3A_1085 = arith.constant 0 : index
          %get3A_1086 = tpu.vector_load %arg8[%get3A_1084, %get3A_1085] {strides = array<i32>} : memref<128x128xf32, #tpu.memory_space<vmem>>, vector<1x16xf32>,
          %get3A_1087 = vector.shape_cast %get3A_1086 : vector<1x16xf32> to vector<16xf32>
          %mul3A_1088 = arith.mulf %gather3A_1079, %get3A_1087 : vector<16xf32>
          %add3A_1089 = arith.addf %add3A_1033, %mul3A_1088 : vector<16xf32>
          %get3A_1090 = arith.index_cast %add3A_1083 : i32 to index
          %get3A_1091 = arith.constant 16 : index
          %get3A_1092 = tpu.vector_load %arg8[%get3A_1090, %get3A_1091] {strides = array<i32>} : memref<128x128xf32, #tpu.memory_space<vmem>>, vector<1x16xf32>,
          %get3A_1093 = vector.shape_cast %get3A_1092 : vector<1x16xf32> to vector<16xf32>
          %mul3A_1094 = arith.mulf %gather3A_1079, %get3A_1093 : vector<16xf32>
          %add3A_1095 = arith.addf %add3A_1039, %mul3A_1094 : vector<16xf32>
          %get3A_1096 = arith.index_cast %add3A_1083 : i32 to index
          %get3A_1097 = arith.constant 32 : index
          %get3A_1098 = tpu.vector_load %arg8[%get3A_1096, %get3A_1097] {strides = array<i32>} : memref<128x128xf32, #tpu.memory_space<vmem>>, vector<1x16xf32>,
          %get3A_1099 = vector.shape_cast %get3A_1098 : vector<1x16xf32> to vector<16xf32>
          %mul3A_1100 = arith.mulf %gather3A_1079, %get3A_1099 : vector<16xf32>
          %add3A_1101 = arith.addf %add3A_1045, %mul3A_1100 : vector<16xf32>
          %get3A_1102 = arith.index_cast %add3A_1083 : i32 to index
          %get3A_1103 = arith.constant 48 : index
          %get3A_1104 = tpu.vector_load %arg8[%get3A_1102, %get3A_1103] {strides = array<i32>} : memref<128x128xf32, #tpu.memory_space<vmem>>, vector<1x16xf32>,
          %get3A_1105 = vector.shape_cast %get3A_1104 : vector<1x16xf32> to vector<16xf32>
          %mul3A_1106 = arith.mulf %gather3A_1079, %get3A_1105 : vector<16xf32>
          %add3A_1107 = arith.addf %add3A_1051, %mul3A_1106 : vector<16xf32>
          %get3A_1108 = arith.index_cast %add3A_1083 : i32 to index
          %get3A_1109 = arith.constant 64 : index
          %get3A_1110 = tpu.vector_load %arg8[%get3A_1108, %get3A_1109] {strides = array<i32>} : memref<128x128xf32, #tpu.memory_space<vmem>>, vector<1x16xf32>,
          %get3A_1111 = vector.shape_cast %get3A_1110 : vector<1x16xf32> to vector<16xf32>
          %mul3A_1112 = arith.mulf %gather3A_1079, %get3A_1111 : vector<16xf32>
          %add3A_1113 = arith.addf %add3A_1057, %mul3A_1112 : vector<16xf32>
          %get3A_1114 = arith.index_cast %add3A_1083 : i32 to index
          %get3A_1115 = arith.constant 80 : index
          %get3A_1116 = tpu.vector_load %arg8[%get3A_1114, %get3A_1115] {strides = array<i32>} : memref<128x128xf32, #tpu.memory_space<vmem>>, vector<1x16xf32>,
          %get3A_1117 = vector.shape_cast %get3A_1116 : vector<1x16xf32> to vector<16xf32>
          %mul3A_1118 = arith.mulf %gather3A_1079, %get3A_1117 : vector<16xf32>
          %add3A_1119 = arith.addf %add3A_1063, %mul3A_1118 : vector<16xf32>
          %get3A_1120 = arith.index_cast %add3A_1083 : i32 to index
          %get3A_1121 = arith.constant 96 : index
          %get3A_1122 = tpu.vector_load %arg8[%get3A_1120, %get3A_1121] {strides = array<i32>} : memref<128x128xf32, #tpu.memory_space<vmem>>, vector<1x16xf32>,
          %get3A_1123 = vector.shape_cast %get3A_1122 : vector<1x16xf32> to vector<16xf32>
          %mul3A_1124 = arith.mulf %gather3A_1079, %get3A_1123 : vector<16xf32>
          %add3A_1125 = arith.addf %add3A_1069, %mul3A_1124 : vector<16xf32>
          %get3A_1126 = arith.index_cast %add3A_1083 : i32 to index
          %get3A_1127 = arith.constant 112 : index
          %get3A_1128 = tpu.vector_load %arg8[%get3A_1126, %get3A_1127] {strides = array<i32>} : memref<128x128xf32, #tpu.memory_space<vmem>>, vector<1x16xf32>,
          %get3A_1129 = vector.shape_cast %get3A_1128 : vector<1x16xf32> to vector<16xf32>
          %mul3A_1130 = arith.mulf %gather3A_1079, %get3A_1129 : vector<16xf32>
          %add3A_1131 = arith.addf %add3A_1075, %mul3A_1130 : vector<16xf32>
          %broadcast_in_dim3A_1132 = arith.constant 2 : i32
          %broadcast_in_dim3A_1133 = vector.broadcast %broadcast_in_dim3A_1132 : i32 to vector<16x1xi32>
          %gather3A_1134 = vector.shape_cast %broadcast_in_dim3A_1133 : vector<16x1xi32> to vector<16xi32>
          %gather3A_1135 = tpu.dynamic_gather %get3A_109[%gather3A_1134] in [0] : vector<16xf32>, vector<16xi32> -> vector<16xf32>
          %mul3A_1136 = arith.constant 32 : i32
          %mul3A_1137 = arith.muli %scan3A_91, %mul3A_1136 : i32
          %add3A_1138 = arith.constant 18 : i32
          %add3A_1139 = arith.addi %mul3A_1137, %add3A_1138 : i32
          %get3A_1140 = arith.index_cast %add3A_1139 : i32 to index
          %get3A_1141 = arith.constant 0 : index
          %get3A_1142 = tpu.vector_load %arg8[%get3A_1140, %get3A_1141] {strides = array<i32>} : memref<128x128xf32, #tpu.memory_space<vmem>>, vector<1x16xf32>,
          %get3A_1143 = vector.shape_cast %get3A_1142 : vector<1x16xf32> to vector<16xf32>
          %mul3A_1144 = arith.mulf %gather3A_1135, %get3A_1143 : vector<16xf32>
          %add3A_1145 = arith.addf %add3A_1089, %mul3A_1144 : vector<16xf32>
          %get3A_1146 = arith.index_cast %add3A_1139 : i32 to index
          %get3A_1147 = arith.constant 16 : index
          %get3A_1148 = tpu.vector_load %arg8[%get3A_1146, %get3A_1147] {strides = array<i32>} : memref<128x128xf32, #tpu.memory_space<vmem>>, vector<1x16xf32>,
          %get3A_1149 = vector.shape_cast %get3A_1148 : vector<1x16xf32> to vector<16xf32>
          %mul3A_1150 = arith.mulf %gather3A_1135, %get3A_1149 : vector<16xf32>
          %add3A_1151 = arith.addf %add3A_1095, %mul3A_1150 : vector<16xf32>
          %get3A_1152 = arith.index_cast %add3A_1139 : i32 to index
          %get3A_1153 = arith.constant 32 : index
          %get3A_1154 = tpu.vector_load %arg8[%get3A_1152, %get3A_1153] {strides = array<i32>} : memref<128x128xf32, #tpu.memory_space<vmem>>, vector<1x16xf32>,
          %get3A_1155 = vector.shape_cast %get3A_1154 : vector<1x16xf32> to vector<16xf32>
          %mul3A_1156 = arith.mulf %gather3A_1135, %get3A_1155 : vector<16xf32>
          %add3A_1157 = arith.addf %add3A_1101, %mul3A_1156 : vector<16xf32>
          %get3A_1158 = arith.index_cast %add3A_1139 : i32 to index
          %get3A_1159 = arith.constant 48 : index
          %get3A_1160 = tpu.vector_load %arg8[%get3A_1158, %get3A_1159] {strides = array<i32>} : memref<128x128xf32, #tpu.memory_space<vmem>>, vector<1x16xf32>,
          %get3A_1161 = vector.shape_cast %get3A_1160 : vector<1x16xf32> to vector<16xf32>
          %mul3A_1162 = arith.mulf %gather3A_1135, %get3A_1161 : vector<16xf32>
          %add3A_1163 = arith.addf %add3A_1107, %mul3A_1162 : vector<16xf32>
          %get3A_1164 = arith.index_cast %add3A_1139 : i32 to index
          %get3A_1165 = arith.constant 64 : index
          %get3A_1166 = tpu.vector_load %arg8[%get3A_1164, %get3A_1165] {strides = array<i32>} : memref<128x128xf32, #tpu.memory_space<vmem>>, vector<1x16xf32>,
          %get3A_1167 = vector.shape_cast %get3A_1166 : vector<1x16xf32> to vector<16xf32>
          %mul3A_1168 = arith.mulf %gather3A_1135, %get3A_1167 : vector<16xf32>
          %add3A_1169 = arith.addf %add3A_1113, %mul3A_1168 : vector<16xf32>
          %get3A_1170 = arith.index_cast %add3A_1139 : i32 to index
          %get3A_1171 = arith.constant 80 : index
          %get3A_1172 = tpu.vector_load %arg8[%get3A_1170, %get3A_1171] {strides = array<i32>} : memref<128x128xf32, #tpu.memory_space<vmem>>, vector<1x16xf32>,
          %get3A_1173 = vector.shape_cast %get3A_1172 : vector<1x16xf32> to vector<16xf32>
          %mul3A_1174 = arith.mulf %gather3A_1135, %get3A_1173 : vector<16xf32>
          %add3A_1175 = arith.addf %add3A_1119, %mul3A_1174 : vector<16xf32>
          %get3A_1176 = arith.index_cast %add3A_1139 : i32 to index
          %get3A_1177 = arith.constant 96 : index
          %get3A_1178 = tpu.vector_load %arg8[%get3A_1176, %get3A_1177] {strides = array<i32>} : memref<128x128xf32, #tpu.memory_space<vmem>>, vector<1x16xf32>,
          %get3A_1179 = vector.shape_cast %get3A_1178 : vector<1x16xf32> to vector<16xf32>
          %mul3A_1180 = arith.mulf %gather3A_1135, %get3A_1179 : vector<16xf32>
          %add3A_1181 = arith.addf %add3A_1125, %mul3A_1180 : vector<16xf32>
          %get3A_1182 = arith.index_cast %add3A_1139 : i32 to index
          %get3A_1183 = arith.constant 112 : index
          %get3A_1184 = tpu.vector_load %arg8[%get3A_1182, %get3A_1183] {strides = array<i32>} : memref<128x128xf32, #tpu.memory_space<vmem>>, vector<1x16xf32>,
          %get3A_1185 = vector.shape_cast %get3A_1184 : vector<1x16xf32> to vector<16xf32>
          %mul3A_1186 = arith.mulf %gather3A_1135, %get3A_1185 : vector<16xf32>
          %add3A_1187 = arith.addf %add3A_1131, %mul3A_1186 : vector<16xf32>
          %broadcast_in_dim3A_1188 = arith.constant 3 : i32
          %broadcast_in_dim3A_1189 = vector.broadcast %broadcast_in_dim3A_1188 : i32 to vector<16x1xi32>
          %gather3A_1190 = vector.shape_cast %broadcast_in_dim3A_1189 : vector<16x1xi32> to vector<16xi32>
          %gather3A_1191 = tpu.dynamic_gather %get3A_109[%gather3A_1190] in [0] : vector<16xf32>, vector<16xi32> -> vector<16xf32>
          %mul3A_1192 = arith.constant 32 : i32
          %mul3A_1193 = arith.muli %scan3A_91, %mul3A_1192 : i32
          %add3A_1194 = arith.constant 19 : i32
          %add3A_1195 = arith.addi %mul3A_1193, %add3A_1194 : i32
          %get3A_1196 = arith.index_cast %add3A_1195 : i32 to index
          %get3A_1197 = arith.constant 0 : index
          %get3A_1198 = tpu.vector_load %arg8[%get3A_1196, %get3A_1197] {strides = array<i32>} : memref<128x128xf32, #tpu.memory_space<vmem>>, vector<1x16xf32>,
          %get3A_1199 = vector.shape_cast %get3A_1198 : vector<1x16xf32> to vector<16xf32>
          %mul3A_1200 = arith.mulf %gather3A_1191, %get3A_1199 : vector<16xf32>
          %add3A_1201 = arith.addf %add3A_1145, %mul3A_1200 : vector<16xf32>
          %get3A_1202 = arith.index_cast %add3A_1195 : i32 to index
          %get3A_1203 = arith.constant 16 : index
          %get3A_1204 = tpu.vector_load %arg8[%get3A_1202, %get3A_1203] {strides = array<i32>} : memref<128x128xf32, #tpu.memory_space<vmem>>, vector<1x16xf32>,
          %get3A_1205 = vector.shape_cast %get3A_1204 : vector<1x16xf32> to vector<16xf32>
          %mul3A_1206 = arith.mulf %gather3A_1191, %get3A_1205 : vector<16xf32>
          %add3A_1207 = arith.addf %add3A_1151, %mul3A_1206 : vector<16xf32>
          %get3A_1208 = arith.index_cast %add3A_1195 : i32 to index
          %get3A_1209 = arith.constant 32 : index
          %get3A_1210 = tpu.vector_load %arg8[%get3A_1208, %get3A_1209] {strides = array<i32>} : memref<128x128xf32, #tpu.memory_space<vmem>>, vector<1x16xf32>,
          %get3A_1211 = vector.shape_cast %get3A_1210 : vector<1x16xf32> to vector<16xf32>
          %mul3A_1212 = arith.mulf %gather3A_1191, %get3A_1211 : vector<16xf32>
          %add3A_1213 = arith.addf %add3A_1157, %mul3A_1212 : vector<16xf32>
          %get3A_1214 = arith.index_cast %add3A_1195 : i32 to index
          %get3A_1215 = arith.constant 48 : index
          %get3A_1216 = tpu.vector_load %arg8[%get3A_1214, %get3A_1215] {strides = array<i32>} : memref<128x128xf32, #tpu.memory_space<vmem>>, vector<1x16xf32>,
          %get3A_1217 = vector.shape_cast %get3A_1216 : vector<1x16xf32> to vector<16xf32>
          %mul3A_1218 = arith.mulf %gather3A_1191, %get3A_1217 : vector<16xf32>
          %add3A_1219 = arith.addf %add3A_1163, %mul3A_1218 : vector<16xf32>
          %get3A_1220 = arith.index_cast %add3A_1195 : i32 to index
          %get3A_1221 = arith.constant 64 : index
          %get3A_1222 = tpu.vector_load %arg8[%get3A_1220, %get3A_1221] {strides = array<i32>} : memref<128x128xf32, #tpu.memory_space<vmem>>, vector<1x16xf32>,
          %get3A_1223 = vector.shape_cast %get3A_1222 : vector<1x16xf32> to vector<16xf32>
          %mul3A_1224 = arith.mulf %gather3A_1191, %get3A_1223 : vector<16xf32>
          %add3A_1225 = arith.addf %add3A_1169, %mul3A_1224 : vector<16xf32>
          %get3A_1226 = arith.index_cast %add3A_1195 : i32 to index
          %get3A_1227 = arith.constant 80 : index
          %get3A_1228 = tpu.vector_load %arg8[%get3A_1226, %get3A_1227] {strides = array<i32>} : memref<128x128xf32, #tpu.memory_space<vmem>>, vector<1x16xf32>,
          %get3A_1229 = vector.shape_cast %get3A_1228 : vector<1x16xf32> to vector<16xf32>
          %mul3A_1230 = arith.mulf %gather3A_1191, %get3A_1229 : vector<16xf32>
          %add3A_1231 = arith.addf %add3A_1175, %mul3A_1230 : vector<16xf32>
          %get3A_1232 = arith.index_cast %add3A_1195 : i32 to index
          %get3A_1233 = arith.constant 96 : index
          %get3A_1234 = tpu.vector_load %arg8[%get3A_1232, %get3A_1233] {strides = array<i32>} : memref<128x128xf32, #tpu.memory_space<vmem>>, vector<1x16xf32>,
          %get3A_1235 = vector.shape_cast %get3A_1234 : vector<1x16xf32> to vector<16xf32>
          %mul3A_1236 = arith.mulf %gather3A_1191, %get3A_1235 : vector<16xf32>
          %add3A_1237 = arith.addf %add3A_1181, %mul3A_1236 : vector<16xf32>
          %get3A_1238 = arith.index_cast %add3A_1195 : i32 to index
          %get3A_1239 = arith.constant 112 : index
          %get3A_1240 = tpu.vector_load %arg8[%get3A_1238, %get3A_1239] {strides = array<i32>} : memref<128x128xf32, #tpu.memory_space<vmem>>, vector<1x16xf32>,
          %get3A_1241 = vector.shape_cast %get3A_1240 : vector<1x16xf32> to vector<16xf32>
          %mul3A_1242 = arith.mulf %gather3A_1191, %get3A_1241 : vector<16xf32>
          %add3A_1243 = arith.addf %add3A_1187, %mul3A_1242 : vector<16xf32>
          %broadcast_in_dim3A_1244 = arith.constant 4 : i32
          %broadcast_in_dim3A_1245 = vector.broadcast %broadcast_in_dim3A_1244 : i32 to vector<16x1xi32>
          %gather3A_1246 = vector.shape_cast %broadcast_in_dim3A_1245 : vector<16x1xi32> to vector<16xi32>
          %gather3A_1247 = tpu.dynamic_gather %get3A_109[%gather3A_1246] in [0] : vector<16xf32>, vector<16xi32> -> vector<16xf32>
          %mul3A_1248 = arith.constant 32 : i32
          %mul3A_1249 = arith.muli %scan3A_91, %mul3A_1248 : i32
          %add3A_1250 = arith.constant 20 : i32
          %add3A_1251 = arith.addi %mul3A_1249, %add3A_1250 : i32
          %get3A_1252 = arith.index_cast %add3A_1251 : i32 to index
          %get3A_1253 = arith.constant 0 : index
          %get3A_1254 = tpu.vector_load %arg8[%get3A_1252, %get3A_1253] {strides = array<i32>} : memref<128x128xf32, #tpu.memory_space<vmem>>, vector<1x16xf32>,
          %get3A_1255 = vector.shape_cast %get3A_1254 : vector<1x16xf32> to vector<16xf32>
          %mul3A_1256 = arith.mulf %gather3A_1247, %get3A_1255 : vector<16xf32>
          %add3A_1257 = arith.addf %add3A_1201, %mul3A_1256 : vector<16xf32>
          %get3A_1258 = arith.index_cast %add3A_1251 : i32 to index
          %get3A_1259 = arith.constant 16 : index
          %get3A_1260 = tpu.vector_load %arg8[%get3A_1258, %get3A_1259] {strides = array<i32>} : memref<128x128xf32, #tpu.memory_space<vmem>>, vector<1x16xf32>,
          %get3A_1261 = vector.shape_cast %get3A_1260 : vector<1x16xf32> to vector<16xf32>
          %mul3A_1262 = arith.mulf %gather3A_1247, %get3A_1261 : vector<16xf32>
          %add3A_1263 = arith.addf %add3A_1207, %mul3A_1262 : vector<16xf32>
          %get3A_1264 = arith.index_cast %add3A_1251 : i32 to index
          %get3A_1265 = arith.constant 32 : index
          %get3A_1266 = tpu.vector_load %arg8[%get3A_1264, %get3A_1265] {strides = array<i32>} : memref<128x128xf32, #tpu.memory_space<vmem>>, vector<1x16xf32>,
          %get3A_1267 = vector.shape_cast %get3A_1266 : vector<1x16xf32> to vector<16xf32>
          %mul3A_1268 = arith.mulf %gather3A_1247, %get3A_1267 : vector<16xf32>
          %add3A_1269 = arith.addf %add3A_1213, %mul3A_1268 : vector<16xf32>
          %get3A_1270 = arith.index_cast %add3A_1251 : i32 to index
          %get3A_1271 = arith.constant 48 : index
          %get3A_1272 = tpu.vector_load %arg8[%get3A_1270, %get3A_1271] {strides = array<i32>} : memref<128x128xf32, #tpu.memory_space<vmem>>, vector<1x16xf32>,
          %get3A_1273 = vector.shape_cast %get3A_1272 : vector<1x16xf32> to vector<16xf32>
          %mul3A_1274 = arith.mulf %gather3A_1247, %get3A_1273 : vector<16xf32>
          %add3A_1275 = arith.addf %add3A_1219, %mul3A_1274 : vector<16xf32>
          %get3A_1276 = arith.index_cast %add3A_1251 : i32 to index
          %get3A_1277 = arith.constant 64 : index
          %get3A_1278 = tpu.vector_load %arg8[%get3A_1276, %get3A_1277] {strides = array<i32>} : memref<128x128xf32, #tpu.memory_space<vmem>>, vector<1x16xf32>,
          %get3A_1279 = vector.shape_cast %get3A_1278 : vector<1x16xf32> to vector<16xf32>
          %mul3A_1280 = arith.mulf %gather3A_1247, %get3A_1279 : vector<16xf32>
          %add3A_1281 = arith.addf %add3A_1225, %mul3A_1280 : vector<16xf32>
          %get3A_1282 = arith.index_cast %add3A_1251 : i32 to index
          %get3A_1283 = arith.constant 80 : index
          %get3A_1284 = tpu.vector_load %arg8[%get3A_1282, %get3A_1283] {strides = array<i32>} : memref<128x128xf32, #tpu.memory_space<vmem>>, vector<1x16xf32>,
          %get3A_1285 = vector.shape_cast %get3A_1284 : vector<1x16xf32> to vector<16xf32>
          %mul3A_1286 = arith.mulf %gather3A_1247, %get3A_1285 : vector<16xf32>
          %add3A_1287 = arith.addf %add3A_1231, %mul3A_1286 : vector<16xf32>
          %get3A_1288 = arith.index_cast %add3A_1251 : i32 to index
          %get3A_1289 = arith.constant 96 : index
          %get3A_1290 = tpu.vector_load %arg8[%get3A_1288, %get3A_1289] {strides = array<i32>} : memref<128x128xf32, #tpu.memory_space<vmem>>, vector<1x16xf32>,
          %get3A_1291 = vector.shape_cast %get3A_1290 : vector<1x16xf32> to vector<16xf32>
          %mul3A_1292 = arith.mulf %gather3A_1247, %get3A_1291 : vector<16xf32>
          %add3A_1293 = arith.addf %add3A_1237, %mul3A_1292 : vector<16xf32>
          %get3A_1294 = arith.index_cast %add3A_1251 : i32 to index
          %get3A_1295 = arith.constant 112 : index
          %get3A_1296 = tpu.vector_load %arg8[%get3A_1294, %get3A_1295] {strides = array<i32>} : memref<128x128xf32, #tpu.memory_space<vmem>>, vector<1x16xf32>,
          %get3A_1297 = vector.shape_cast %get3A_1296 : vector<1x16xf32> to vector<16xf32>
          %mul3A_1298 = arith.mulf %gather3A_1247, %get3A_1297 : vector<16xf32>
          %add3A_1299 = arith.addf %add3A_1243, %mul3A_1298 : vector<16xf32>
          %broadcast_in_dim3A_1300 = arith.constant 5 : i32
          %broadcast_in_dim3A_1301 = vector.broadcast %broadcast_in_dim3A_1300 : i32 to vector<16x1xi32>
          %gather3A_1302 = vector.shape_cast %broadcast_in_dim3A_1301 : vector<16x1xi32> to vector<16xi32>
          %gather3A_1303 = tpu.dynamic_gather %get3A_109[%gather3A_1302] in [0] : vector<16xf32>, vector<16xi32> -> vector<16xf32>
          %mul3A_1304 = arith.constant 32 : i32
          %mul3A_1305 = arith.muli %scan3A_91, %mul3A_1304 : i32
          %add3A_1306 = arith.constant 21 : i32
          %add3A_1307 = arith.addi %mul3A_1305, %add3A_1306 : i32
          %get3A_1308 = arith.index_cast %add3A_1307 : i32 to index
          %get3A_1309 = arith.constant 0 : index
          %get3A_1310 = tpu.vector_load %arg8[%get3A_1308, %get3A_1309] {strides = array<i32>} : memref<128x128xf32, #tpu.memory_space<vmem>>, vector<1x16xf32>,
          %get3A_1311 = vector.shape_cast %get3A_1310 : vector<1x16xf32> to vector<16xf32>
          %mul3A_1312 = arith.mulf %gather3A_1303, %get3A_1311 : vector<16xf32>
          %add3A_1313 = arith.addf %add3A_1257, %mul3A_1312 : vector<16xf32>
          %get3A_1314 = arith.index_cast %add3A_1307 : i32 to index
          %get3A_1315 = arith.constant 16 : index
          %get3A_1316 = tpu.vector_load %arg8[%get3A_1314, %get3A_1315] {strides = array<i32>} : memref<128x128xf32, #tpu.memory_space<vmem>>, vector<1x16xf32>,
          %get3A_1317 = vector.shape_cast %get3A_1316 : vector<1x16xf32> to vector<16xf32>
          %mul3A_1318 = arith.mulf %gather3A_1303, %get3A_1317 : vector<16xf32>
          %add3A_1319 = arith.addf %add3A_1263, %mul3A_1318 : vector<16xf32>
          %get3A_1320 = arith.index_cast %add3A_1307 : i32 to index
          %get3A_1321 = arith.constant 32 : index
          %get3A_1322 = tpu.vector_load %arg8[%get3A_1320, %get3A_1321] {strides = array<i32>} : memref<128x128xf32, #tpu.memory_space<vmem>>, vector<1x16xf32>,
          %get3A_1323 = vector.shape_cast %get3A_1322 : vector<1x16xf32> to vector<16xf32>
          %mul3A_1324 = arith.mulf %gather3A_1303, %get3A_1323 : vector<16xf32>
          %add3A_1325 = arith.addf %add3A_1269, %mul3A_1324 : vector<16xf32>
          %get3A_1326 = arith.index_cast %add3A_1307 : i32 to index
          %get3A_1327 = arith.constant 48 : index
          %get3A_1328 = tpu.vector_load %arg8[%get3A_1326, %get3A_1327] {strides = array<i32>} : memref<128x128xf32, #tpu.memory_space<vmem>>, vector<1x16xf32>,
          %get3A_1329 = vector.shape_cast %get3A_1328 : vector<1x16xf32> to vector<16xf32>
          %mul3A_1330 = arith.mulf %gather3A_1303, %get3A_1329 : vector<16xf32>
          %add3A_1331 = arith.addf %add3A_1275, %mul3A_1330 : vector<16xf32>
          %get3A_1332 = arith.index_cast %add3A_1307 : i32 to index
          %get3A_1333 = arith.constant 64 : index
          %get3A_1334 = tpu.vector_load %arg8[%get3A_1332, %get3A_1333] {strides = array<i32>} : memref<128x128xf32, #tpu.memory_space<vmem>>, vector<1x16xf32>,
          %get3A_1335 = vector.shape_cast %get3A_1334 : vector<1x16xf32> to vector<16xf32>
          %mul3A_1336 = arith.mulf %gather3A_1303, %get3A_1335 : vector<16xf32>
          %add3A_1337 = arith.addf %add3A_1281, %mul3A_1336 : vector<16xf32>
          %get3A_1338 = arith.index_cast %add3A_1307 : i32 to index
          %get3A_1339 = arith.constant 80 : index
          %get3A_1340 = tpu.vector_load %arg8[%get3A_1338, %get3A_1339] {strides = array<i32>} : memref<128x128xf32, #tpu.memory_space<vmem>>, vector<1x16xf32>,
          %get3A_1341 = vector.shape_cast %get3A_1340 : vector<1x16xf32> to vector<16xf32>
          %mul3A_1342 = arith.mulf %gather3A_1303, %get3A_1341 : vector<16xf32>
          %add3A_1343 = arith.addf %add3A_1287, %mul3A_1342 : vector<16xf32>
          %get3A_1344 = arith.index_cast %add3A_1307 : i32 to index
          %get3A_1345 = arith.constant 96 : index
          %get3A_1346 = tpu.vector_load %arg8[%get3A_1344, %get3A_1345] {strides = array<i32>} : memref<128x128xf32, #tpu.memory_space<vmem>>, vector<1x16xf32>,
          %get3A_1347 = vector.shape_cast %get3A_1346 : vector<1x16xf32> to vector<16xf32>
          %mul3A_1348 = arith.mulf %gather3A_1303, %get3A_1347 : vector<16xf32>
          %add3A_1349 = arith.addf %add3A_1293, %mul3A_1348 : vector<16xf32>
          %get3A_1350 = arith.index_cast %add3A_1307 : i32 to index
          %get3A_1351 = arith.constant 112 : index
          %get3A_1352 = tpu.vector_load %arg8[%get3A_1350, %get3A_1351] {strides = array<i32>} : memref<128x128xf32, #tpu.memory_space<vmem>>, vector<1x16xf32>,
          %get3A_1353 = vector.shape_cast %get3A_1352 : vector<1x16xf32> to vector<16xf32>
          %mul3A_1354 = arith.mulf %gather3A_1303, %get3A_1353 : vector<16xf32>
          %add3A_1355 = arith.addf %add3A_1299, %mul3A_1354 : vector<16xf32>
          %broadcast_in_dim3A_1356 = arith.constant 6 : i32
          %broadcast_in_dim3A_1357 = vector.broadcast %broadcast_in_dim3A_1356 : i32 to vector<16x1xi32>
          %gather3A_1358 = vector.shape_cast %broadcast_in_dim3A_1357 : vector<16x1xi32> to vector<16xi32>
          %gather3A_1359 = tpu.dynamic_gather %get3A_109[%gather3A_1358] in [0] : vector<16xf32>, vector<16xi32> -> vector<16xf32>
          %mul3A_1360 = arith.constant 32 : i32
          %mul3A_1361 = arith.muli %scan3A_91, %mul3A_1360 : i32
          %add3A_1362 = arith.constant 22 : i32
          %add3A_1363 = arith.addi %mul3A_1361, %add3A_1362 : i32
          %get3A_1364 = arith.index_cast %add3A_1363 : i32 to index
          %get3A_1365 = arith.constant 0 : index
          %get3A_1366 = tpu.vector_load %arg8[%get3A_1364, %get3A_1365] {strides = array<i32>} : memref<128x128xf32, #tpu.memory_space<vmem>>, vector<1x16xf32>,
          %get3A_1367 = vector.shape_cast %get3A_1366 : vector<1x16xf32> to vector<16xf32>
          %mul3A_1368 = arith.mulf %gather3A_1359, %get3A_1367 : vector<16xf32>
          %add3A_1369 = arith.addf %add3A_1313, %mul3A_1368 : vector<16xf32>
          %get3A_1370 = arith.index_cast %add3A_1363 : i32 to index
          %get3A_1371 = arith.constant 16 : index
          %get3A_1372 = tpu.vector_load %arg8[%get3A_1370, %get3A_1371] {strides = array<i32>} : memref<128x128xf32, #tpu.memory_space<vmem>>, vector<1x16xf32>,
          %get3A_1373 = vector.shape_cast %get3A_1372 : vector<1x16xf32> to vector<16xf32>
          %mul3A_1374 = arith.mulf %gather3A_1359, %get3A_1373 : vector<16xf32>
          %add3A_1375 = arith.addf %add3A_1319, %mul3A_1374 : vector<16xf32>
          %get3A_1376 = arith.index_cast %add3A_1363 : i32 to index
          %get3A_1377 = arith.constant 32 : index
          %get3A_1378 = tpu.vector_load %arg8[%get3A_1376, %get3A_1377] {strides = array<i32>} : memref<128x128xf32, #tpu.memory_space<vmem>>, vector<1x16xf32>,
          %get3A_1379 = vector.shape_cast %get3A_1378 : vector<1x16xf32> to vector<16xf32>
          %mul3A_1380 = arith.mulf %gather3A_1359, %get3A_1379 : vector<16xf32>
          %add3A_1381 = arith.addf %add3A_1325, %mul3A_1380 : vector<16xf32>
          %get3A_1382 = arith.index_cast %add3A_1363 : i32 to index
          %get3A_1383 = arith.constant 48 : index
          %get3A_1384 = tpu.vector_load %arg8[%get3A_1382, %get3A_1383] {strides = array<i32>} : memref<128x128xf32, #tpu.memory_space<vmem>>, vector<1x16xf32>,
          %get3A_1385 = vector.shape_cast %get3A_1384 : vector<1x16xf32> to vector<16xf32>
          %mul3A_1386 = arith.mulf %gather3A_1359, %get3A_1385 : vector<16xf32>
          %add3A_1387 = arith.addf %add3A_1331, %mul3A_1386 : vector<16xf32>
          %get3A_1388 = arith.index_cast %add3A_1363 : i32 to index
          %get3A_1389 = arith.constant 64 : index
          %get3A_1390 = tpu.vector_load %arg8[%get3A_1388, %get3A_1389] {strides = array<i32>} : memref<128x128xf32, #tpu.memory_space<vmem>>, vector<1x16xf32>,
          %get3A_1391 = vector.shape_cast %get3A_1390 : vector<1x16xf32> to vector<16xf32>
          %mul3A_1392 = arith.mulf %gather3A_1359, %get3A_1391 : vector<16xf32>
          %add3A_1393 = arith.addf %add3A_1337, %mul3A_1392 : vector<16xf32>
          %get3A_1394 = arith.index_cast %add3A_1363 : i32 to index
          %get3A_1395 = arith.constant 80 : index
          %get3A_1396 = tpu.vector_load %arg8[%get3A_1394, %get3A_1395] {strides = array<i32>} : memref<128x128xf32, #tpu.memory_space<vmem>>, vector<1x16xf32>,
          %get3A_1397 = vector.shape_cast %get3A_1396 : vector<1x16xf32> to vector<16xf32>
          %mul3A_1398 = arith.mulf %gather3A_1359, %get3A_1397 : vector<16xf32>
          %add3A_1399 = arith.addf %add3A_1343, %mul3A_1398 : vector<16xf32>
          %get3A_1400 = arith.index_cast %add3A_1363 : i32 to index
          %get3A_1401 = arith.constant 96 : index
          %get3A_1402 = tpu.vector_load %arg8[%get3A_1400, %get3A_1401] {strides = array<i32>} : memref<128x128xf32, #tpu.memory_space<vmem>>, vector<1x16xf32>,
          %get3A_1403 = vector.shape_cast %get3A_1402 : vector<1x16xf32> to vector<16xf32>
          %mul3A_1404 = arith.mulf %gather3A_1359, %get3A_1403 : vector<16xf32>
          %add3A_1405 = arith.addf %add3A_1349, %mul3A_1404 : vector<16xf32>
          %get3A_1406 = arith.index_cast %add3A_1363 : i32 to index
          %get3A_1407 = arith.constant 112 : index
          %get3A_1408 = tpu.vector_load %arg8[%get3A_1406, %get3A_1407] {strides = array<i32>} : memref<128x128xf32, #tpu.memory_space<vmem>>, vector<1x16xf32>,
          %get3A_1409 = vector.shape_cast %get3A_1408 : vector<1x16xf32> to vector<16xf32>
          %mul3A_1410 = arith.mulf %gather3A_1359, %get3A_1409 : vector<16xf32>
          %add3A_1411 = arith.addf %add3A_1355, %mul3A_1410 : vector<16xf32>
          %broadcast_in_dim3A_1412 = arith.constant 7 : i32
          %broadcast_in_dim3A_1413 = vector.broadcast %broadcast_in_dim3A_1412 : i32 to vector<16x1xi32>
          %gather3A_1414 = vector.shape_cast %broadcast_in_dim3A_1413 : vector<16x1xi32> to vector<16xi32>
          %gather3A_1415 = tpu.dynamic_gather %get3A_109[%gather3A_1414] in [0] : vector<16xf32>, vector<16xi32> -> vector<16xf32>
          %mul3A_1416 = arith.constant 32 : i32
          %mul3A_1417 = arith.muli %scan3A_91, %mul3A_1416 : i32
          %add3A_1418 = arith.constant 23 : i32
          %add3A_1419 = arith.addi %mul3A_1417, %add3A_1418 : i32
          %get3A_1420 = arith.index_cast %add3A_1419 : i32 to index
          %get3A_1421 = arith.constant 0 : index
          %get3A_1422 = tpu.vector_load %arg8[%get3A_1420, %get3A_1421] {strides = array<i32>} : memref<128x128xf32, #tpu.memory_space<vmem>>, vector<1x16xf32>,
          %get3A_1423 = vector.shape_cast %get3A_1422 : vector<1x16xf32> to vector<16xf32>
          %mul3A_1424 = arith.mulf %gather3A_1415, %get3A_1423 : vector<16xf32>
          %add3A_1425 = arith.addf %add3A_1369, %mul3A_1424 : vector<16xf32>
          %get3A_1426 = arith.index_cast %add3A_1419 : i32 to index
          %get3A_1427 = arith.constant 16 : index
          %get3A_1428 = tpu.vector_load %arg8[%get3A_1426, %get3A_1427] {strides = array<i32>} : memref<128x128xf32, #tpu.memory_space<vmem>>, vector<1x16xf32>,
          %get3A_1429 = vector.shape_cast %get3A_1428 : vector<1x16xf32> to vector<16xf32>
          %mul3A_1430 = arith.mulf %gather3A_1415, %get3A_1429 : vector<16xf32>
          %add3A_1431 = arith.addf %add3A_1375, %mul3A_1430 : vector<16xf32>
          %get3A_1432 = arith.index_cast %add3A_1419 : i32 to index
          %get3A_1433 = arith.constant 32 : index
          %get3A_1434 = tpu.vector_load %arg8[%get3A_1432, %get3A_1433] {strides = array<i32>} : memref<128x128xf32, #tpu.memory_space<vmem>>, vector<1x16xf32>,
          %get3A_1435 = vector.shape_cast %get3A_1434 : vector<1x16xf32> to vector<16xf32>
          %mul3A_1436 = arith.mulf %gather3A_1415, %get3A_1435 : vector<16xf32>
          %add3A_1437 = arith.addf %add3A_1381, %mul3A_1436 : vector<16xf32>
          %get3A_1438 = arith.index_cast %add3A_1419 : i32 to index
          %get3A_1439 = arith.constant 48 : index
          %get3A_1440 = tpu.vector_load %arg8[%get3A_1438, %get3A_1439] {strides = array<i32>} : memref<128x128xf32, #tpu.memory_space<vmem>>, vector<1x16xf32>,
          %get3A_1441 = vector.shape_cast %get3A_1440 : vector<1x16xf32> to vector<16xf32>
          %mul3A_1442 = arith.mulf %gather3A_1415, %get3A_1441 : vector<16xf32>
          %add3A_1443 = arith.addf %add3A_1387, %mul3A_1442 : vector<16xf32>
          %get3A_1444 = arith.index_cast %add3A_1419 : i32 to index
          %get3A_1445 = arith.constant 64 : index
          %get3A_1446 = tpu.vector_load %arg8[%get3A_1444, %get3A_1445] {strides = array<i32>} : memref<128x128xf32, #tpu.memory_space<vmem>>, vector<1x16xf32>,
          %get3A_1447 = vector.shape_cast %get3A_1446 : vector<1x16xf32> to vector<16xf32>
          %mul3A_1448 = arith.mulf %gather3A_1415, %get3A_1447 : vector<16xf32>
          %add3A_1449 = arith.addf %add3A_1393, %mul3A_1448 : vector<16xf32>
          %get3A_1450 = arith.index_cast %add3A_1419 : i32 to index
          %get3A_1451 = arith.constant 80 : index
          %get3A_1452 = tpu.vector_load %arg8[%get3A_1450, %get3A_1451] {strides = array<i32>} : memref<128x128xf32, #tpu.memory_space<vmem>>, vector<1x16xf32>,
          %get3A_1453 = vector.shape_cast %get3A_1452 : vector<1x16xf32> to vector<16xf32>
          %mul3A_1454 = arith.mulf %gather3A_1415, %get3A_1453 : vector<16xf32>
          %add3A_1455 = arith.addf %add3A_1399, %mul3A_1454 : vector<16xf32>
          %get3A_1456 = arith.index_cast %add3A_1419 : i32 to index
          %get3A_1457 = arith.constant 96 : index
          %get3A_1458 = tpu.vector_load %arg8[%get3A_1456, %get3A_1457] {strides = array<i32>} : memref<128x128xf32, #tpu.memory_space<vmem>>, vector<1x16xf32>,
          %get3A_1459 = vector.shape_cast %get3A_1458 : vector<1x16xf32> to vector<16xf32>
          %mul3A_1460 = arith.mulf %gather3A_1415, %get3A_1459 : vector<16xf32>
          %add3A_1461 = arith.addf %add3A_1405, %mul3A_1460 : vector<16xf32>
          %get3A_1462 = arith.index_cast %add3A_1419 : i32 to index
          %get3A_1463 = arith.constant 112 : index
          %get3A_1464 = tpu.vector_load %arg8[%get3A_1462, %get3A_1463] {strides = array<i32>} : memref<128x128xf32, #tpu.memory_space<vmem>>, vector<1x16xf32>,
          %get3A_1465 = vector.shape_cast %get3A_1464 : vector<1x16xf32> to vector<16xf32>
          %mul3A_1466 = arith.mulf %gather3A_1415, %get3A_1465 : vector<16xf32>
          %add3A_1467 = arith.addf %add3A_1411, %mul3A_1466 : vector<16xf32>
          %broadcast_in_dim3A_1468 = arith.constant 8 : i32
          %broadcast_in_dim3A_1469 = vector.broadcast %broadcast_in_dim3A_1468 : i32 to vector<16x1xi32>
          %gather3A_1470 = vector.shape_cast %broadcast_in_dim3A_1469 : vector<16x1xi32> to vector<16xi32>
          %gather3A_1471 = tpu.dynamic_gather %get3A_109[%gather3A_1470] in [0] : vector<16xf32>, vector<16xi32> -> vector<16xf32>
          %mul3A_1472 = arith.constant 32 : i32
          %mul3A_1473 = arith.muli %scan3A_91, %mul3A_1472 : i32
          %add3A_1474 = arith.constant 24 : i32
          %add3A_1475 = arith.addi %mul3A_1473, %add3A_1474 : i32
          %get3A_1476 = arith.index_cast %add3A_1475 : i32 to index
          %get3A_1477 = arith.constant 0 : index
          %get3A_1478 = tpu.vector_load %arg8[%get3A_1476, %get3A_1477] {strides = array<i32>} : memref<128x128xf32, #tpu.memory_space<vmem>>, vector<1x16xf32>,
          %get3A_1479 = vector.shape_cast %get3A_1478 : vector<1x16xf32> to vector<16xf32>
          %mul3A_1480 = arith.mulf %gather3A_1471, %get3A_1479 : vector<16xf32>
          %add3A_1481 = arith.addf %add3A_1425, %mul3A_1480 : vector<16xf32>
          %get3A_1482 = arith.index_cast %add3A_1475 : i32 to index
          %get3A_1483 = arith.constant 16 : index
          %get3A_1484 = tpu.vector_load %arg8[%get3A_1482, %get3A_1483] {strides = array<i32>} : memref<128x128xf32, #tpu.memory_space<vmem>>, vector<1x16xf32>,
          %get3A_1485 = vector.shape_cast %get3A_1484 : vector<1x16xf32> to vector<16xf32>
          %mul3A_1486 = arith.mulf %gather3A_1471, %get3A_1485 : vector<16xf32>
          %add3A_1487 = arith.addf %add3A_1431, %mul3A_1486 : vector<16xf32>
          %get3A_1488 = arith.index_cast %add3A_1475 : i32 to index
          %get3A_1489 = arith.constant 32 : index
          %get3A_1490 = tpu.vector_load %arg8[%get3A_1488, %get3A_1489] {strides = array<i32>} : memref<128x128xf32, #tpu.memory_space<vmem>>, vector<1x16xf32>,
          %get3A_1491 = vector.shape_cast %get3A_1490 : vector<1x16xf32> to vector<16xf32>
          %mul3A_1492 = arith.mulf %gather3A_1471, %get3A_1491 : vector<16xf32>
          %add3A_1493 = arith.addf %add3A_1437, %mul3A_1492 : vector<16xf32>
          %get3A_1494 = arith.index_cast %add3A_1475 : i32 to index
          %get3A_1495 = arith.constant 48 : index
          %get3A_1496 = tpu.vector_load %arg8[%get3A_1494, %get3A_1495] {strides = array<i32>} : memref<128x128xf32, #tpu.memory_space<vmem>>, vector<1x16xf32>,
          %get3A_1497 = vector.shape_cast %get3A_1496 : vector<1x16xf32> to vector<16xf32>
          %mul3A_1498 = arith.mulf %gather3A_1471, %get3A_1497 : vector<16xf32>
          %add3A_1499 = arith.addf %add3A_1443, %mul3A_1498 : vector<16xf32>
          %get3A_1500 = arith.index_cast %add3A_1475 : i32 to index
          %get3A_1501 = arith.constant 64 : index
          %get3A_1502 = tpu.vector_load %arg8[%get3A_1500, %get3A_1501] {strides = array<i32>} : memref<128x128xf32, #tpu.memory_space<vmem>>, vector<1x16xf32>,
          %get3A_1503 = vector.shape_cast %get3A_1502 : vector<1x16xf32> to vector<16xf32>
          %mul3A_1504 = arith.mulf %gather3A_1471, %get3A_1503 : vector<16xf32>
          %add3A_1505 = arith.addf %add3A_1449, %mul3A_1504 : vector<16xf32>
          %get3A_1506 = arith.index_cast %add3A_1475 : i32 to index
          %get3A_1507 = arith.constant 80 : index
          %get3A_1508 = tpu.vector_load %arg8[%get3A_1506, %get3A_1507] {strides = array<i32>} : memref<128x128xf32, #tpu.memory_space<vmem>>, vector<1x16xf32>,
          %get3A_1509 = vector.shape_cast %get3A_1508 : vector<1x16xf32> to vector<16xf32>
          %mul3A_1510 = arith.mulf %gather3A_1471, %get3A_1509 : vector<16xf32>
          %add3A_1511 = arith.addf %add3A_1455, %mul3A_1510 : vector<16xf32>
          %get3A_1512 = arith.index_cast %add3A_1475 : i32 to index
          %get3A_1513 = arith.constant 96 : index
          %get3A_1514 = tpu.vector_load %arg8[%get3A_1512, %get3A_1513] {strides = array<i32>} : memref<128x128xf32, #tpu.memory_space<vmem>>, vector<1x16xf32>,
          %get3A_1515 = vector.shape_cast %get3A_1514 : vector<1x16xf32> to vector<16xf32>
          %mul3A_1516 = arith.mulf %gather3A_1471, %get3A_1515 : vector<16xf32>
          %add3A_1517 = arith.addf %add3A_1461, %mul3A_1516 : vector<16xf32>
          %get3A_1518 = arith.index_cast %add3A_1475 : i32 to index
          %get3A_1519 = arith.constant 112 : index
          %get3A_1520 = tpu.vector_load %arg8[%get3A_1518, %get3A_1519] {strides = array<i32>} : memref<128x128xf32, #tpu.memory_space<vmem>>, vector<1x16xf32>,
          %get3A_1521 = vector.shape_cast %get3A_1520 : vector<1x16xf32> to vector<16xf32>
          %mul3A_1522 = arith.mulf %gather3A_1471, %get3A_1521 : vector<16xf32>
          %add3A_1523 = arith.addf %add3A_1467, %mul3A_1522 : vector<16xf32>
          %broadcast_in_dim3A_1524 = arith.constant 9 : i32
          %broadcast_in_dim3A_1525 = vector.broadcast %broadcast_in_dim3A_1524 : i32 to vector<16x1xi32>
          %gather3A_1526 = vector.shape_cast %broadcast_in_dim3A_1525 : vector<16x1xi32> to vector<16xi32>
          %gather3A_1527 = tpu.dynamic_gather %get3A_109[%gather3A_1526] in [0] : vector<16xf32>, vector<16xi32> -> vector<16xf32>
          %mul3A_1528 = arith.constant 32 : i32
          %mul3A_1529 = arith.muli %scan3A_91, %mul3A_1528 : i32
          %add3A_1530 = arith.constant 25 : i32
          %add3A_1531 = arith.addi %mul3A_1529, %add3A_1530 : i32
          %get3A_1532 = arith.index_cast %add3A_1531 : i32 to index
          %get3A_1533 = arith.constant 0 : index
          %get3A_1534 = tpu.vector_load %arg8[%get3A_1532, %get3A_1533] {strides = array<i32>} : memref<128x128xf32, #tpu.memory_space<vmem>>, vector<1x16xf32>,
          %get3A_1535 = vector.shape_cast %get3A_1534 : vector<1x16xf32> to vector<16xf32>
          %mul3A_1536 = arith.mulf %gather3A_1527, %get3A_1535 : vector<16xf32>
          %add3A_1537 = arith.addf %add3A_1481, %mul3A_1536 : vector<16xf32>
          %get3A_1538 = arith.index_cast %add3A_1531 : i32 to index
          %get3A_1539 = arith.constant 16 : index
          %get3A_1540 = tpu.vector_load %arg8[%get3A_1538, %get3A_1539] {strides = array<i32>} : memref<128x128xf32, #tpu.memory_space<vmem>>, vector<1x16xf32>,
          %get3A_1541 = vector.shape_cast %get3A_1540 : vector<1x16xf32> to vector<16xf32>
          %mul3A_1542 = arith.mulf %gather3A_1527, %get3A_1541 : vector<16xf32>
          %add3A_1543 = arith.addf %add3A_1487, %mul3A_1542 : vector<16xf32>
          %get3A_1544 = arith.index_cast %add3A_1531 : i32 to index
          %get3A_1545 = arith.constant 32 : index
          %get3A_1546 = tpu.vector_load %arg8[%get3A_1544, %get3A_1545] {strides = array<i32>} : memref<128x128xf32, #tpu.memory_space<vmem>>, vector<1x16xf32>,
          %get3A_1547 = vector.shape_cast %get3A_1546 : vector<1x16xf32> to vector<16xf32>
          %mul3A_1548 = arith.mulf %gather3A_1527, %get3A_1547 : vector<16xf32>
          %add3A_1549 = arith.addf %add3A_1493, %mul3A_1548 : vector<16xf32>
          %get3A_1550 = arith.index_cast %add3A_1531 : i32 to index
          %get3A_1551 = arith.constant 48 : index
          %get3A_1552 = tpu.vector_load %arg8[%get3A_1550, %get3A_1551] {strides = array<i32>} : memref<128x128xf32, #tpu.memory_space<vmem>>, vector<1x16xf32>,
          %get3A_1553 = vector.shape_cast %get3A_1552 : vector<1x16xf32> to vector<16xf32>
          %mul3A_1554 = arith.mulf %gather3A_1527, %get3A_1553 : vector<16xf32>
          %add3A_1555 = arith.addf %add3A_1499, %mul3A_1554 : vector<16xf32>
          %get3A_1556 = arith.index_cast %add3A_1531 : i32 to index
          %get3A_1557 = arith.constant 64 : index
          %get3A_1558 = tpu.vector_load %arg8[%get3A_1556, %get3A_1557] {strides = array<i32>} : memref<128x128xf32, #tpu.memory_space<vmem>>, vector<1x16xf32>,
          %get3A_1559 = vector.shape_cast %get3A_1558 : vector<1x16xf32> to vector<16xf32>
          %mul3A_1560 = arith.mulf %gather3A_1527, %get3A_1559 : vector<16xf32>
          %add3A_1561 = arith.addf %add3A_1505, %mul3A_1560 : vector<16xf32>
          %get3A_1562 = arith.index_cast %add3A_1531 : i32 to index
          %get3A_1563 = arith.constant 80 : index
          %get3A_1564 = tpu.vector_load %arg8[%get3A_1562, %get3A_1563] {strides = array<i32>} : memref<128x128xf32, #tpu.memory_space<vmem>>, vector<1x16xf32>,
          %get3A_1565 = vector.shape_cast %get3A_1564 : vector<1x16xf32> to vector<16xf32>
          %mul3A_1566 = arith.mulf %gather3A_1527, %get3A_1565 : vector<16xf32>
          %add3A_1567 = arith.addf %add3A_1511, %mul3A_1566 : vector<16xf32>
          %get3A_1568 = arith.index_cast %add3A_1531 : i32 to index
          %get3A_1569 = arith.constant 96 : index
          %get3A_1570 = tpu.vector_load %arg8[%get3A_1568, %get3A_1569] {strides = array<i32>} : memref<128x128xf32, #tpu.memory_space<vmem>>, vector<1x16xf32>,
          %get3A_1571 = vector.shape_cast %get3A_1570 : vector<1x16xf32> to vector<16xf32>
          %mul3A_1572 = arith.mulf %gather3A_1527, %get3A_1571 : vector<16xf32>
          %add3A_1573 = arith.addf %add3A_1517, %mul3A_1572 : vector<16xf32>
          %get3A_1574 = arith.index_cast %add3A_1531 : i32 to index
          %get3A_1575 = arith.constant 112 : index
          %get3A_1576 = tpu.vector_load %arg8[%get3A_1574, %get3A_1575] {strides = array<i32>} : memref<128x128xf32, #tpu.memory_space<vmem>>, vector<1x16xf32>,
          %get3A_1577 = vector.shape_cast %get3A_1576 : vector<1x16xf32> to vector<16xf32>
          %mul3A_1578 = arith.mulf %gather3A_1527, %get3A_1577 : vector<16xf32>
          %add3A_1579 = arith.addf %add3A_1523, %mul3A_1578 : vector<16xf32>
          %broadcast_in_dim3A_1580 = arith.constant 10 : i32
          %broadcast_in_dim3A_1581 = vector.broadcast %broadcast_in_dim3A_1580 : i32 to vector<16x1xi32>
          %gather3A_1582 = vector.shape_cast %broadcast_in_dim3A_1581 : vector<16x1xi32> to vector<16xi32>
          %gather3A_1583 = tpu.dynamic_gather %get3A_109[%gather3A_1582] in [0] : vector<16xf32>, vector<16xi32> -> vector<16xf32>
          %mul3A_1584 = arith.constant 32 : i32
          %mul3A_1585 = arith.muli %scan3A_91, %mul3A_1584 : i32
          %add3A_1586 = arith.constant 26 : i32
          %add3A_1587 = arith.addi %mul3A_1585, %add3A_1586 : i32
          %get3A_1588 = arith.index_cast %add3A_1587 : i32 to index
          %get3A_1589 = arith.constant 0 : index
          %get3A_1590 = tpu.vector_load %arg8[%get3A_1588, %get3A_1589] {strides = array<i32>} : memref<128x128xf32, #tpu.memory_space<vmem>>, vector<1x16xf32>,
          %get3A_1591 = vector.shape_cast %get3A_1590 : vector<1x16xf32> to vector<16xf32>
          %mul3A_1592 = arith.mulf %gather3A_1583, %get3A_1591 : vector<16xf32>
          %add3A_1593 = arith.addf %add3A_1537, %mul3A_1592 : vector<16xf32>
          %get3A_1594 = arith.index_cast %add3A_1587 : i32 to index
          %get3A_1595 = arith.constant 16 : index
          %get3A_1596 = tpu.vector_load %arg8[%get3A_1594, %get3A_1595] {strides = array<i32>} : memref<128x128xf32, #tpu.memory_space<vmem>>, vector<1x16xf32>,
          %get3A_1597 = vector.shape_cast %get3A_1596 : vector<1x16xf32> to vector<16xf32>
          %mul3A_1598 = arith.mulf %gather3A_1583, %get3A_1597 : vector<16xf32>
          %add3A_1599 = arith.addf %add3A_1543, %mul3A_1598 : vector<16xf32>
          %get3A_1600 = arith.index_cast %add3A_1587 : i32 to index
          %get3A_1601 = arith.constant 32 : index
          %get3A_1602 = tpu.vector_load %arg8[%get3A_1600, %get3A_1601] {strides = array<i32>} : memref<128x128xf32, #tpu.memory_space<vmem>>, vector<1x16xf32>,
          %get3A_1603 = vector.shape_cast %get3A_1602 : vector<1x16xf32> to vector<16xf32>
          %mul3A_1604 = arith.mulf %gather3A_1583, %get3A_1603 : vector<16xf32>
          %add3A_1605 = arith.addf %add3A_1549, %mul3A_1604 : vector<16xf32>
          %get3A_1606 = arith.index_cast %add3A_1587 : i32 to index
          %get3A_1607 = arith.constant 48 : index
          %get3A_1608 = tpu.vector_load %arg8[%get3A_1606, %get3A_1607] {strides = array<i32>} : memref<128x128xf32, #tpu.memory_space<vmem>>, vector<1x16xf32>,
          %get3A_1609 = vector.shape_cast %get3A_1608 : vector<1x16xf32> to vector<16xf32>
          %mul3A_1610 = arith.mulf %gather3A_1583, %get3A_1609 : vector<16xf32>
          %add3A_1611 = arith.addf %add3A_1555, %mul3A_1610 : vector<16xf32>
          %get3A_1612 = arith.index_cast %add3A_1587 : i32 to index
          %get3A_1613 = arith.constant 64 : index
          %get3A_1614 = tpu.vector_load %arg8[%get3A_1612, %get3A_1613] {strides = array<i32>} : memref<128x128xf32, #tpu.memory_space<vmem>>, vector<1x16xf32>,
          %get3A_1615 = vector.shape_cast %get3A_1614 : vector<1x16xf32> to vector<16xf32>
          %mul3A_1616 = arith.mulf %gather3A_1583, %get3A_1615 : vector<16xf32>
          %add3A_1617 = arith.addf %add3A_1561, %mul3A_1616 : vector<16xf32>
          %get3A_1618 = arith.index_cast %add3A_1587 : i32 to index
          %get3A_1619 = arith.constant 80 : index
          %get3A_1620 = tpu.vector_load %arg8[%get3A_1618, %get3A_1619] {strides = array<i32>} : memref<128x128xf32, #tpu.memory_space<vmem>>, vector<1x16xf32>,
          %get3A_1621 = vector.shape_cast %get3A_1620 : vector<1x16xf32> to vector<16xf32>
          %mul3A_1622 = arith.mulf %gather3A_1583, %get3A_1621 : vector<16xf32>
          %add3A_1623 = arith.addf %add3A_1567, %mul3A_1622 : vector<16xf32>
          %get3A_1624 = arith.index_cast %add3A_1587 : i32 to index
          %get3A_1625 = arith.constant 96 : index
          %get3A_1626 = tpu.vector_load %arg8[%get3A_1624, %get3A_1625] {strides = array<i32>} : memref<128x128xf32, #tpu.memory_space<vmem>>, vector<1x16xf32>,
          %get3A_1627 = vector.shape_cast %get3A_1626 : vector<1x16xf32> to vector<16xf32>
          %mul3A_1628 = arith.mulf %gather3A_1583, %get3A_1627 : vector<16xf32>
          %add3A_1629 = arith.addf %add3A_1573, %mul3A_1628 : vector<16xf32>
          %get3A_1630 = arith.index_cast %add3A_1587 : i32 to index
          %get3A_1631 = arith.constant 112 : index
          %get3A_1632 = tpu.vector_load %arg8[%get3A_1630, %get3A_1631] {strides = array<i32>} : memref<128x128xf32, #tpu.memory_space<vmem>>, vector<1x16xf32>,
          %get3A_1633 = vector.shape_cast %get3A_1632 : vector<1x16xf32> to vector<16xf32>
          %mul3A_1634 = arith.mulf %gather3A_1583, %get3A_1633 : vector<16xf32>
          %add3A_1635 = arith.addf %add3A_1579, %mul3A_1634 : vector<16xf32>
          %broadcast_in_dim3A_1636 = arith.constant 11 : i32
          %broadcast_in_dim3A_1637 = vector.broadcast %broadcast_in_dim3A_1636 : i32 to vector<16x1xi32>
          %gather3A_1638 = vector.shape_cast %broadcast_in_dim3A_1637 : vector<16x1xi32> to vector<16xi32>
          %gather3A_1639 = tpu.dynamic_gather %get3A_109[%gather3A_1638] in [0] : vector<16xf32>, vector<16xi32> -> vector<16xf32>
          %mul3A_1640 = arith.constant 32 : i32
          %mul3A_1641 = arith.muli %scan3A_91, %mul3A_1640 : i32
          %add3A_1642 = arith.constant 27 : i32
          %add3A_1643 = arith.addi %mul3A_1641, %add3A_1642 : i32
          %get3A_1644 = arith.index_cast %add3A_1643 : i32 to index
          %get3A_1645 = arith.constant 0 : index
          %get3A_1646 = tpu.vector_load %arg8[%get3A_1644, %get3A_1645] {strides = array<i32>} : memref<128x128xf32, #tpu.memory_space<vmem>>, vector<1x16xf32>,
          %get3A_1647 = vector.shape_cast %get3A_1646 : vector<1x16xf32> to vector<16xf32>
          %mul3A_1648 = arith.mulf %gather3A_1639, %get3A_1647 : vector<16xf32>
          %add3A_1649 = arith.addf %add3A_1593, %mul3A_1648 : vector<16xf32>
          %get3A_1650 = arith.index_cast %add3A_1643 : i32 to index
          %get3A_1651 = arith.constant 16 : index
          %get3A_1652 = tpu.vector_load %arg8[%get3A_1650, %get3A_1651] {strides = array<i32>} : memref<128x128xf32, #tpu.memory_space<vmem>>, vector<1x16xf32>,
          %get3A_1653 = vector.shape_cast %get3A_1652 : vector<1x16xf32> to vector<16xf32>
          %mul3A_1654 = arith.mulf %gather3A_1639, %get3A_1653 : vector<16xf32>
          %add3A_1655 = arith.addf %add3A_1599, %mul3A_1654 : vector<16xf32>
          %get3A_1656 = arith.index_cast %add3A_1643 : i32 to index
          %get3A_1657 = arith.constant 32 : index
          %get3A_1658 = tpu.vector_load %arg8[%get3A_1656, %get3A_1657] {strides = array<i32>} : memref<128x128xf32, #tpu.memory_space<vmem>>, vector<1x16xf32>,
          %get3A_1659 = vector.shape_cast %get3A_1658 : vector<1x16xf32> to vector<16xf32>
          %mul3A_1660 = arith.mulf %gather3A_1639, %get3A_1659 : vector<16xf32>
          %add3A_1661 = arith.addf %add3A_1605, %mul3A_1660 : vector<16xf32>
          %get3A_1662 = arith.index_cast %add3A_1643 : i32 to index
          %get3A_1663 = arith.constant 48 : index
          %get3A_1664 = tpu.vector_load %arg8[%get3A_1662, %get3A_1663] {strides = array<i32>} : memref<128x128xf32, #tpu.memory_space<vmem>>, vector<1x16xf32>,
          %get3A_1665 = vector.shape_cast %get3A_1664 : vector<1x16xf32> to vector<16xf32>
          %mul3A_1666 = arith.mulf %gather3A_1639, %get3A_1665 : vector<16xf32>
          %add3A_1667 = arith.addf %add3A_1611, %mul3A_1666 : vector<16xf32>
          %get3A_1668 = arith.index_cast %add3A_1643 : i32 to index
          %get3A_1669 = arith.constant 64 : index
          %get3A_1670 = tpu.vector_load %arg8[%get3A_1668, %get3A_1669] {strides = array<i32>} : memref<128x128xf32, #tpu.memory_space<vmem>>, vector<1x16xf32>,
          %get3A_1671 = vector.shape_cast %get3A_1670 : vector<1x16xf32> to vector<16xf32>
          %mul3A_1672 = arith.mulf %gather3A_1639, %get3A_1671 : vector<16xf32>
          %add3A_1673 = arith.addf %add3A_1617, %mul3A_1672 : vector<16xf32>
          %get3A_1674 = arith.index_cast %add3A_1643 : i32 to index
          %get3A_1675 = arith.constant 80 : index
          %get3A_1676 = tpu.vector_load %arg8[%get3A_1674, %get3A_1675] {strides = array<i32>} : memref<128x128xf32, #tpu.memory_space<vmem>>, vector<1x16xf32>,
          %get3A_1677 = vector.shape_cast %get3A_1676 : vector<1x16xf32> to vector<16xf32>
          %mul3A_1678 = arith.mulf %gather3A_1639, %get3A_1677 : vector<16xf32>
          %add3A_1679 = arith.addf %add3A_1623, %mul3A_1678 : vector<16xf32>
          %get3A_1680 = arith.index_cast %add3A_1643 : i32 to index
          %get3A_1681 = arith.constant 96 : index
          %get3A_1682 = tpu.vector_load %arg8[%get3A_1680, %get3A_1681] {strides = array<i32>} : memref<128x128xf32, #tpu.memory_space<vmem>>, vector<1x16xf32>,
          %get3A_1683 = vector.shape_cast %get3A_1682 : vector<1x16xf32> to vector<16xf32>
          %mul3A_1684 = arith.mulf %gather3A_1639, %get3A_1683 : vector<16xf32>
          %add3A_1685 = arith.addf %add3A_1629, %mul3A_1684 : vector<16xf32>
          %get3A_1686 = arith.index_cast %add3A_1643 : i32 to index
          %get3A_1687 = arith.constant 112 : index
          %get3A_1688 = tpu.vector_load %arg8[%get3A_1686, %get3A_1687] {strides = array<i32>} : memref<128x128xf32, #tpu.memory_space<vmem>>, vector<1x16xf32>,
          %get3A_1689 = vector.shape_cast %get3A_1688 : vector<1x16xf32> to vector<16xf32>
          %mul3A_1690 = arith.mulf %gather3A_1639, %get3A_1689 : vector<16xf32>
          %add3A_1691 = arith.addf %add3A_1635, %mul3A_1690 : vector<16xf32>
          %broadcast_in_dim3A_1692 = arith.constant 12 : i32
          %broadcast_in_dim3A_1693 = vector.broadcast %broadcast_in_dim3A_1692 : i32 to vector<16x1xi32>
          %gather3A_1694 = vector.shape_cast %broadcast_in_dim3A_1693 : vector<16x1xi32> to vector<16xi32>
          %gather3A_1695 = tpu.dynamic_gather %get3A_109[%gather3A_1694] in [0] : vector<16xf32>, vector<16xi32> -> vector<16xf32>
          %mul3A_1696 = arith.constant 32 : i32
          %mul3A_1697 = arith.muli %scan3A_91, %mul3A_1696 : i32
          %add3A_1698 = arith.constant 28 : i32
          %add3A_1699 = arith.addi %mul3A_1697, %add3A_1698 : i32
          %get3A_1700 = arith.index_cast %add3A_1699 : i32 to index
          %get3A_1701 = arith.constant 0 : index
          %get3A_1702 = tpu.vector_load %arg8[%get3A_1700, %get3A_1701] {strides = array<i32>} : memref<128x128xf32, #tpu.memory_space<vmem>>, vector<1x16xf32>,
          %get3A_1703 = vector.shape_cast %get3A_1702 : vector<1x16xf32> to vector<16xf32>
          %mul3A_1704 = arith.mulf %gather3A_1695, %get3A_1703 : vector<16xf32>
          %add3A_1705 = arith.addf %add3A_1649, %mul3A_1704 : vector<16xf32>
          %get3A_1706 = arith.index_cast %add3A_1699 : i32 to index
          %get3A_1707 = arith.constant 16 : index
          %get3A_1708 = tpu.vector_load %arg8[%get3A_1706, %get3A_1707] {strides = array<i32>} : memref<128x128xf32, #tpu.memory_space<vmem>>, vector<1x16xf32>,
          %get3A_1709 = vector.shape_cast %get3A_1708 : vector<1x16xf32> to vector<16xf32>
          %mul3A_1710 = arith.mulf %gather3A_1695, %get3A_1709 : vector<16xf32>
          %add3A_1711 = arith.addf %add3A_1655, %mul3A_1710 : vector<16xf32>
          %get3A_1712 = arith.index_cast %add3A_1699 : i32 to index
          %get3A_1713 = arith.constant 32 : index
          %get3A_1714 = tpu.vector_load %arg8[%get3A_1712, %get3A_1713] {strides = array<i32>} : memref<128x128xf32, #tpu.memory_space<vmem>>, vector<1x16xf32>,
          %get3A_1715 = vector.shape_cast %get3A_1714 : vector<1x16xf32> to vector<16xf32>
          %mul3A_1716 = arith.mulf %gather3A_1695, %get3A_1715 : vector<16xf32>
          %add3A_1717 = arith.addf %add3A_1661, %mul3A_1716 : vector<16xf32>
          %get3A_1718 = arith.index_cast %add3A_1699 : i32 to index
          %get3A_1719 = arith.constant 48 : index
          %get3A_1720 = tpu.vector_load %arg8[%get3A_1718, %get3A_1719] {strides = array<i32>} : memref<128x128xf32, #tpu.memory_space<vmem>>, vector<1x16xf32>,
          %get3A_1721 = vector.shape_cast %get3A_1720 : vector<1x16xf32> to vector<16xf32>
          %mul3A_1722 = arith.mulf %gather3A_1695, %get3A_1721 : vector<16xf32>
          %add3A_1723 = arith.addf %add3A_1667, %mul3A_1722 : vector<16xf32>
          %get3A_1724 = arith.index_cast %add3A_1699 : i32 to index
          %get3A_1725 = arith.constant 64 : index
          %get3A_1726 = tpu.vector_load %arg8[%get3A_1724, %get3A_1725] {strides = array<i32>} : memref<128x128xf32, #tpu.memory_space<vmem>>, vector<1x16xf32>,
          %get3A_1727 = vector.shape_cast %get3A_1726 : vector<1x16xf32> to vector<16xf32>
          %mul3A_1728 = arith.mulf %gather3A_1695, %get3A_1727 : vector<16xf32>
          %add3A_1729 = arith.addf %add3A_1673, %mul3A_1728 : vector<16xf32>
          %get3A_1730 = arith.index_cast %add3A_1699 : i32 to index
          %get3A_1731 = arith.constant 80 : index
          %get3A_1732 = tpu.vector_load %arg8[%get3A_1730, %get3A_1731] {strides = array<i32>} : memref<128x128xf32, #tpu.memory_space<vmem>>, vector<1x16xf32>,
          %get3A_1733 = vector.shape_cast %get3A_1732 : vector<1x16xf32> to vector<16xf32>
          %mul3A_1734 = arith.mulf %gather3A_1695, %get3A_1733 : vector<16xf32>
          %add3A_1735 = arith.addf %add3A_1679, %mul3A_1734 : vector<16xf32>
          %get3A_1736 = arith.index_cast %add3A_1699 : i32 to index
          %get3A_1737 = arith.constant 96 : index
          %get3A_1738 = tpu.vector_load %arg8[%get3A_1736, %get3A_1737] {strides = array<i32>} : memref<128x128xf32, #tpu.memory_space<vmem>>, vector<1x16xf32>,
          %get3A_1739 = vector.shape_cast %get3A_1738 : vector<1x16xf32> to vector<16xf32>
          %mul3A_1740 = arith.mulf %gather3A_1695, %get3A_1739 : vector<16xf32>
          %add3A_1741 = arith.addf %add3A_1685, %mul3A_1740 : vector<16xf32>
          %get3A_1742 = arith.index_cast %add3A_1699 : i32 to index
          %get3A_1743 = arith.constant 112 : index
          %get3A_1744 = tpu.vector_load %arg8[%get3A_1742, %get3A_1743] {strides = array<i32>} : memref<128x128xf32, #tpu.memory_space<vmem>>, vector<1x16xf32>,
          %get3A_1745 = vector.shape_cast %get3A_1744 : vector<1x16xf32> to vector<16xf32>
          %mul3A_1746 = arith.mulf %gather3A_1695, %get3A_1745 : vector<16xf32>
          %add3A_1747 = arith.addf %add3A_1691, %mul3A_1746 : vector<16xf32>
          %broadcast_in_dim3A_1748 = arith.constant 13 : i32
          %broadcast_in_dim3A_1749 = vector.broadcast %broadcast_in_dim3A_1748 : i32 to vector<16x1xi32>
          %gather3A_1750 = vector.shape_cast %broadcast_in_dim3A_1749 : vector<16x1xi32> to vector<16xi32>
          %gather3A_1751 = tpu.dynamic_gather %get3A_109[%gather3A_1750] in [0] : vector<16xf32>, vector<16xi32> -> vector<16xf32>
          %mul3A_1752 = arith.constant 32 : i32
          %mul3A_1753 = arith.muli %scan3A_91, %mul3A_1752 : i32
          %add3A_1754 = arith.constant 29 : i32
          %add3A_1755 = arith.addi %mul3A_1753, %add3A_1754 : i32
          %get3A_1756 = arith.index_cast %add3A_1755 : i32 to index
          %get3A_1757 = arith.constant 0 : index
          %get3A_1758 = tpu.vector_load %arg8[%get3A_1756, %get3A_1757] {strides = array<i32>} : memref<128x128xf32, #tpu.memory_space<vmem>>, vector<1x16xf32>,
          %get3A_1759 = vector.shape_cast %get3A_1758 : vector<1x16xf32> to vector<16xf32>
          %mul3A_1760 = arith.mulf %gather3A_1751, %get3A_1759 : vector<16xf32>
          %add3A_1761 = arith.addf %add3A_1705, %mul3A_1760 : vector<16xf32>
          %get3A_1762 = arith.index_cast %add3A_1755 : i32 to index
          %get3A_1763 = arith.constant 16 : index
          %get3A_1764 = tpu.vector_load %arg8[%get3A_1762, %get3A_1763] {strides = array<i32>} : memref<128x128xf32, #tpu.memory_space<vmem>>, vector<1x16xf32>,
          %get3A_1765 = vector.shape_cast %get3A_1764 : vector<1x16xf32> to vector<16xf32>
          %mul3A_1766 = arith.mulf %gather3A_1751, %get3A_1765 : vector<16xf32>
          %add3A_1767 = arith.addf %add3A_1711, %mul3A_1766 : vector<16xf32>
          %get3A_1768 = arith.index_cast %add3A_1755 : i32 to index
          %get3A_1769 = arith.constant 32 : index
          %get3A_1770 = tpu.vector_load %arg8[%get3A_1768, %get3A_1769] {strides = array<i32>} : memref<128x128xf32, #tpu.memory_space<vmem>>, vector<1x16xf32>,
          %get3A_1771 = vector.shape_cast %get3A_1770 : vector<1x16xf32> to vector<16xf32>
          %mul3A_1772 = arith.mulf %gather3A_1751, %get3A_1771 : vector<16xf32>
          %add3A_1773 = arith.addf %add3A_1717, %mul3A_1772 : vector<16xf32>
          %get3A_1774 = arith.index_cast %add3A_1755 : i32 to index
          %get3A_1775 = arith.constant 48 : index
          %get3A_1776 = tpu.vector_load %arg8[%get3A_1774, %get3A_1775] {strides = array<i32>} : memref<128x128xf32, #tpu.memory_space<vmem>>, vector<1x16xf32>,
          %get3A_1777 = vector.shape_cast %get3A_1776 : vector<1x16xf32> to vector<16xf32>
          %mul3A_1778 = arith.mulf %gather3A_1751, %get3A_1777 : vector<16xf32>
          %add3A_1779 = arith.addf %add3A_1723, %mul3A_1778 : vector<16xf32>
          %get3A_1780 = arith.index_cast %add3A_1755 : i32 to index
          %get3A_1781 = arith.constant 64 : index
          %get3A_1782 = tpu.vector_load %arg8[%get3A_1780, %get3A_1781] {strides = array<i32>} : memref<128x128xf32, #tpu.memory_space<vmem>>, vector<1x16xf32>,
          %get3A_1783 = vector.shape_cast %get3A_1782 : vector<1x16xf32> to vector<16xf32>
          %mul3A_1784 = arith.mulf %gather3A_1751, %get3A_1783 : vector<16xf32>
          %add3A_1785 = arith.addf %add3A_1729, %mul3A_1784 : vector<16xf32>
          %get3A_1786 = arith.index_cast %add3A_1755 : i32 to index
          %get3A_1787 = arith.constant 80 : index
          %get3A_1788 = tpu.vector_load %arg8[%get3A_1786, %get3A_1787] {strides = array<i32>} : memref<128x128xf32, #tpu.memory_space<vmem>>, vector<1x16xf32>,
          %get3A_1789 = vector.shape_cast %get3A_1788 : vector<1x16xf32> to vector<16xf32>
          %mul3A_1790 = arith.mulf %gather3A_1751, %get3A_1789 : vector<16xf32>
          %add3A_1791 = arith.addf %add3A_1735, %mul3A_1790 : vector<16xf32>
          %get3A_1792 = arith.index_cast %add3A_1755 : i32 to index
          %get3A_1793 = arith.constant 96 : index
          %get3A_1794 = tpu.vector_load %arg8[%get3A_1792, %get3A_1793] {strides = array<i32>} : memref<128x128xf32, #tpu.memory_space<vmem>>, vector<1x16xf32>,
          %get3A_1795 = vector.shape_cast %get3A_1794 : vector<1x16xf32> to vector<16xf32>
          %mul3A_1796 = arith.mulf %gather3A_1751, %get3A_1795 : vector<16xf32>
          %add3A_1797 = arith.addf %add3A_1741, %mul3A_1796 : vector<16xf32>
          %get3A_1798 = arith.index_cast %add3A_1755 : i32 to index
          %get3A_1799 = arith.constant 112 : index
          %get3A_1800 = tpu.vector_load %arg8[%get3A_1798, %get3A_1799] {strides = array<i32>} : memref<128x128xf32, #tpu.memory_space<vmem>>, vector<1x16xf32>,
          %get3A_1801 = vector.shape_cast %get3A_1800 : vector<1x16xf32> to vector<16xf32>
          %mul3A_1802 = arith.mulf %gather3A_1751, %get3A_1801 : vector<16xf32>
          %add3A_1803 = arith.addf %add3A_1747, %mul3A_1802 : vector<16xf32>
          %broadcast_in_dim3A_1804 = arith.constant 14 : i32
          %broadcast_in_dim3A_1805 = vector.broadcast %broadcast_in_dim3A_1804 : i32 to vector<16x1xi32>
          %gather3A_1806 = vector.shape_cast %broadcast_in_dim3A_1805 : vector<16x1xi32> to vector<16xi32>
          %gather3A_1807 = tpu.dynamic_gather %get3A_109[%gather3A_1806] in [0] : vector<16xf32>, vector<16xi32> -> vector<16xf32>
          %mul3A_1808 = arith.constant 32 : i32
          %mul3A_1809 = arith.muli %scan3A_91, %mul3A_1808 : i32
          %add3A_1810 = arith.constant 30 : i32
          %add3A_1811 = arith.addi %mul3A_1809, %add3A_1810 : i32
          %get3A_1812 = arith.index_cast %add3A_1811 : i32 to index
          %get3A_1813 = arith.constant 0 : index
          %get3A_1814 = tpu.vector_load %arg8[%get3A_1812, %get3A_1813] {strides = array<i32>} : memref<128x128xf32, #tpu.memory_space<vmem>>, vector<1x16xf32>,
          %get3A_1815 = vector.shape_cast %get3A_1814 : vector<1x16xf32> to vector<16xf32>
          %mul3A_1816 = arith.mulf %gather3A_1807, %get3A_1815 : vector<16xf32>
          %add3A_1817 = arith.addf %add3A_1761, %mul3A_1816 : vector<16xf32>
          %get3A_1818 = arith.index_cast %add3A_1811 : i32 to index
          %get3A_1819 = arith.constant 16 : index
          %get3A_1820 = tpu.vector_load %arg8[%get3A_1818, %get3A_1819] {strides = array<i32>} : memref<128x128xf32, #tpu.memory_space<vmem>>, vector<1x16xf32>,
          %get3A_1821 = vector.shape_cast %get3A_1820 : vector<1x16xf32> to vector<16xf32>
          %mul3A_1822 = arith.mulf %gather3A_1807, %get3A_1821 : vector<16xf32>
          %add3A_1823 = arith.addf %add3A_1767, %mul3A_1822 : vector<16xf32>
          %get3A_1824 = arith.index_cast %add3A_1811 : i32 to index
          %get3A_1825 = arith.constant 32 : index
          %get3A_1826 = tpu.vector_load %arg8[%get3A_1824, %get3A_1825] {strides = array<i32>} : memref<128x128xf32, #tpu.memory_space<vmem>>, vector<1x16xf32>,
          %get3A_1827 = vector.shape_cast %get3A_1826 : vector<1x16xf32> to vector<16xf32>
          %mul3A_1828 = arith.mulf %gather3A_1807, %get3A_1827 : vector<16xf32>
          %add3A_1829 = arith.addf %add3A_1773, %mul3A_1828 : vector<16xf32>
          %get3A_1830 = arith.index_cast %add3A_1811 : i32 to index
          %get3A_1831 = arith.constant 48 : index
          %get3A_1832 = tpu.vector_load %arg8[%get3A_1830, %get3A_1831] {strides = array<i32>} : memref<128x128xf32, #tpu.memory_space<vmem>>, vector<1x16xf32>,
          %get3A_1833 = vector.shape_cast %get3A_1832 : vector<1x16xf32> to vector<16xf32>
          %mul3A_1834 = arith.mulf %gather3A_1807, %get3A_1833 : vector<16xf32>
          %add3A_1835 = arith.addf %add3A_1779, %mul3A_1834 : vector<16xf32>
          %get3A_1836 = arith.index_cast %add3A_1811 : i32 to index
          %get3A_1837 = arith.constant 64 : index
          %get3A_1838 = tpu.vector_load %arg8[%get3A_1836, %get3A_1837] {strides = array<i32>} : memref<128x128xf32, #tpu.memory_space<vmem>>, vector<1x16xf32>,
          %get3A_1839 = vector.shape_cast %get3A_1838 : vector<1x16xf32> to vector<16xf32>
          %mul3A_1840 = arith.mulf %gather3A_1807, %get3A_1839 : vector<16xf32>
          %add3A_1841 = arith.addf %add3A_1785, %mul3A_1840 : vector<16xf32>
          %get3A_1842 = arith.index_cast %add3A_1811 : i32 to index
          %get3A_1843 = arith.constant 80 : index
          %get3A_1844 = tpu.vector_load %arg8[%get3A_1842, %get3A_1843] {strides = array<i32>} : memref<128x128xf32, #tpu.memory_space<vmem>>, vector<1x16xf32>,
          %get3A_1845 = vector.shape_cast %get3A_1844 : vector<1x16xf32> to vector<16xf32>
          %mul3A_1846 = arith.mulf %gather3A_1807, %get3A_1845 : vector<16xf32>
          %add3A_1847 = arith.addf %add3A_1791, %mul3A_1846 : vector<16xf32>
          %get3A_1848 = arith.index_cast %add3A_1811 : i32 to index
          %get3A_1849 = arith.constant 96 : index
          %get3A_1850 = tpu.vector_load %arg8[%get3A_1848, %get3A_1849] {strides = array<i32>} : memref<128x128xf32, #tpu.memory_space<vmem>>, vector<1x16xf32>,
          %get3A_1851 = vector.shape_cast %get3A_1850 : vector<1x16xf32> to vector<16xf32>
          %mul3A_1852 = arith.mulf %gather3A_1807, %get3A_1851 : vector<16xf32>
          %add3A_1853 = arith.addf %add3A_1797, %mul3A_1852 : vector<16xf32>
          %get3A_1854 = arith.index_cast %add3A_1811 : i32 to index
          %get3A_1855 = arith.constant 112 : index
          %get3A_1856 = tpu.vector_load %arg8[%get3A_1854, %get3A_1855] {strides = array<i32>} : memref<128x128xf32, #tpu.memory_space<vmem>>, vector<1x16xf32>,
          %get3A_1857 = vector.shape_cast %get3A_1856 : vector<1x16xf32> to vector<16xf32>
          %mul3A_1858 = arith.mulf %gather3A_1807, %get3A_1857 : vector<16xf32>
          %add3A_1859 = arith.addf %add3A_1803, %mul3A_1858 : vector<16xf32>
          %broadcast_in_dim3A_1860 = arith.constant 15 : i32
          %broadcast_in_dim3A_1861 = vector.broadcast %broadcast_in_dim3A_1860 : i32 to vector<16x1xi32>
          %gather3A_1862 = vector.shape_cast %broadcast_in_dim3A_1861 : vector<16x1xi32> to vector<16xi32>
          %gather3A_1863 = tpu.dynamic_gather %get3A_109[%gather3A_1862] in [0] : vector<16xf32>, vector<16xi32> -> vector<16xf32>
          %mul3A_1864 = arith.constant 32 : i32
          %mul3A_1865 = arith.muli %scan3A_91, %mul3A_1864 : i32
          %add3A_1866 = arith.constant 31 : i32
          %add3A_1867 = arith.addi %mul3A_1865, %add3A_1866 : i32
          %get3A_1868 = arith.index_cast %add3A_1867 : i32 to index
          %get3A_1869 = arith.constant 0 : index
          %get3A_1870 = tpu.vector_load %arg8[%get3A_1868, %get3A_1869] {strides = array<i32>} : memref<128x128xf32, #tpu.memory_space<vmem>>, vector<1x16xf32>,
          %get3A_1871 = vector.shape_cast %get3A_1870 : vector<1x16xf32> to vector<16xf32>
          %mul3A_1872 = arith.mulf %gather3A_1863, %get3A_1871 : vector<16xf32>
          %add3A_1873 = arith.addf %add3A_1817, %mul3A_1872 : vector<16xf32>
          %get3A_1874 = arith.index_cast %add3A_1867 : i32 to index
          %get3A_1875 = arith.constant 16 : index
          %get3A_1876 = tpu.vector_load %arg8[%get3A_1874, %get3A_1875] {strides = array<i32>} : memref<128x128xf32, #tpu.memory_space<vmem>>, vector<1x16xf32>,
          %get3A_1877 = vector.shape_cast %get3A_1876 : vector<1x16xf32> to vector<16xf32>
          %mul3A_1878 = arith.mulf %gather3A_1863, %get3A_1877 : vector<16xf32>
          %add3A_1879 = arith.addf %add3A_1823, %mul3A_1878 : vector<16xf32>
          %get3A_1880 = arith.index_cast %add3A_1867 : i32 to index
          %get3A_1881 = arith.constant 32 : index
          %get3A_1882 = tpu.vector_load %arg8[%get3A_1880, %get3A_1881] {strides = array<i32>} : memref<128x128xf32, #tpu.memory_space<vmem>>, vector<1x16xf32>,
          %get3A_1883 = vector.shape_cast %get3A_1882 : vector<1x16xf32> to vector<16xf32>
          %mul3A_1884 = arith.mulf %gather3A_1863, %get3A_1883 : vector<16xf32>
          %add3A_1885 = arith.addf %add3A_1829, %mul3A_1884 : vector<16xf32>
          %get3A_1886 = arith.index_cast %add3A_1867 : i32 to index
          %get3A_1887 = arith.constant 48 : index
          %get3A_1888 = tpu.vector_load %arg8[%get3A_1886, %get3A_1887] {strides = array<i32>} : memref<128x128xf32, #tpu.memory_space<vmem>>, vector<1x16xf32>,
          %get3A_1889 = vector.shape_cast %get3A_1888 : vector<1x16xf32> to vector<16xf32>
          %mul3A_1890 = arith.mulf %gather3A_1863, %get3A_1889 : vector<16xf32>
          %add3A_1891 = arith.addf %add3A_1835, %mul3A_1890 : vector<16xf32>
          %get3A_1892 = arith.index_cast %add3A_1867 : i32 to index
          %get3A_1893 = arith.constant 64 : index
          %get3A_1894 = tpu.vector_load %arg8[%get3A_1892, %get3A_1893] {strides = array<i32>} : memref<128x128xf32, #tpu.memory_space<vmem>>, vector<1x16xf32>,
          %get3A_1895 = vector.shape_cast %get3A_1894 : vector<1x16xf32> to vector<16xf32>
          %mul3A_1896 = arith.mulf %gather3A_1863, %get3A_1895 : vector<16xf32>
          %add3A_1897 = arith.addf %add3A_1841, %mul3A_1896 : vector<16xf32>
          %get3A_1898 = arith.index_cast %add3A_1867 : i32 to index
          %get3A_1899 = arith.constant 80 : index
          %get3A_1900 = tpu.vector_load %arg8[%get3A_1898, %get3A_1899] {strides = array<i32>} : memref<128x128xf32, #tpu.memory_space<vmem>>, vector<1x16xf32>,
          %get3A_1901 = vector.shape_cast %get3A_1900 : vector<1x16xf32> to vector<16xf32>
          %mul3A_1902 = arith.mulf %gather3A_1863, %get3A_1901 : vector<16xf32>
          %add3A_1903 = arith.addf %add3A_1847, %mul3A_1902 : vector<16xf32>
          %get3A_1904 = arith.index_cast %add3A_1867 : i32 to index
          %get3A_1905 = arith.constant 96 : index
          %get3A_1906 = tpu.vector_load %arg8[%get3A_1904, %get3A_1905] {strides = array<i32>} : memref<128x128xf32, #tpu.memory_space<vmem>>, vector<1x16xf32>,
          %get3A_1907 = vector.shape_cast %get3A_1906 : vector<1x16xf32> to vector<16xf32>
          %mul3A_1908 = arith.mulf %gather3A_1863, %get3A_1907 : vector<16xf32>
          %add3A_1909 = arith.addf %add3A_1853, %mul3A_1908 : vector<16xf32>
          %get3A_1910 = arith.index_cast %add3A_1867 : i32 to index
          %get3A_1911 = arith.constant 112 : index
          %get3A_1912 = tpu.vector_load %arg8[%get3A_1910, %get3A_1911] {strides = array<i32>} : memref<128x128xf32, #tpu.memory_space<vmem>>, vector<1x16xf32>,
          %get3A_1913 = vector.shape_cast %get3A_1912 : vector<1x16xf32> to vector<16xf32>
          %mul3A_1914 = arith.mulf %gather3A_1863, %get3A_1913 : vector<16xf32>
          %add3A_1915 = arith.addf %add3A_1859, %mul3A_1914 : vector<16xf32>
          %mul3A_1916 = arith.constant 2 : i32
          %mul3A_1917 = arith.muli %mul3A_1916, %scan3A_41 : i32
          %add3A_1918 = arith.constant 0 : i32
          %add3A_1919 = arith.addi %mul3A_1917, %add3A_1918 : i32
          %mul3A_1920 = arith.constant 4 : i32
          %mul3A_1921 = arith.muli %add3A_1919, %mul3A_1920 : i32
          %add3A_1922 = arith.addi %mul3A_1921, %scan3A_91 : i32
          %swap3A = arith.index_cast %add3A_1922 : i32 to index
          %swap3A_1923 = arith.constant 0 : index
          %swap3A_1924 = tpu.vector_load %arg10[%swap3A, %swap3A_1923] {strides = array<i32>} : memref<32x128xf32, #tpu.memory_space<vmem>>, vector<1x16xf32>,
          %swap3A_1925 = vector.shape_cast %swap3A_1924 : vector<1x16xf32> to vector<16xf32>
          %swap3A_1926 = vector.shape_cast %add3A_1873 : vector<16xf32> to vector<1x16xf32>
          tpu.vector_store %arg10[%swap3A, %swap3A_1923], %swap3A_1926 {strides = array<i32>} : memref<32x128xf32, #tpu.memory_space<vmem>>, vector<1x16xf32>,
          %mul3A_1927 = arith.constant 2 : i32
          %mul3A_1928 = arith.muli %mul3A_1927, %scan3A_41 : i32
          %add3A_1929 = arith.constant 0 : i32
          %add3A_1930 = arith.addi %mul3A_1928, %add3A_1929 : i32
          %mul3A_1931 = arith.constant 4 : i32
          %mul3A_1932 = arith.muli %add3A_1930, %mul3A_1931 : i32
          %add3A_1933 = arith.addi %mul3A_1932, %scan3A_91 : i32
          %swap3A_1934 = arith.index_cast %add3A_1933 : i32 to index
          %swap3A_1935 = arith.constant 16 : index
          %swap3A_1936 = tpu.vector_load %arg10[%swap3A_1934, %swap3A_1935] {strides = array<i32>} : memref<32x128xf32, #tpu.memory_space<vmem>>, vector<1x16xf32>,
          %swap3A_1937 = vector.shape_cast %swap3A_1936 : vector<1x16xf32> to vector<16xf32>
          %swap3A_1938 = vector.shape_cast %add3A_1879 : vector<16xf32> to vector<1x16xf32>
          tpu.vector_store %arg10[%swap3A_1934, %swap3A_1935], %swap3A_1938 {strides = array<i32>} : memref<32x128xf32, #tpu.memory_space<vmem>>, vector<1x16xf32>,
          %mul3A_1939 = arith.constant 2 : i32
          %mul3A_1940 = arith.muli %mul3A_1939, %scan3A_41 : i32
          %add3A_1941 = arith.constant 0 : i32
          %add3A_1942 = arith.addi %mul3A_1940, %add3A_1941 : i32
          %mul3A_1943 = arith.constant 4 : i32
          %mul3A_1944 = arith.muli %add3A_1942, %mul3A_1943 : i32
          %add3A_1945 = arith.addi %mul3A_1944, %scan3A_91 : i32
          %swap3A_1946 = arith.index_cast %add3A_1945 : i32 to index
          %swap3A_1947 = arith.constant 32 : index
          %swap3A_1948 = tpu.vector_load %arg10[%swap3A_1946, %swap3A_1947] {strides = array<i32>} : memref<32x128xf32, #tpu.memory_space<vmem>>, vector<1x16xf32>,
          %swap3A_1949 = vector.shape_cast %swap3A_1948 : vector<1x16xf32> to vector<16xf32>
          %swap3A_1950 = vector.shape_cast %add3A_1885 : vector<16xf32> to vector<1x16xf32>
          tpu.vector_store %arg10[%swap3A_1946, %swap3A_1947], %swap3A_1950 {strides = array<i32>} : memref<32x128xf32, #tpu.memory_space<vmem>>, vector<1x16xf32>,
          %mul3A_1951 = arith.constant 2 : i32
          %mul3A_1952 = arith.muli %mul3A_1951, %scan3A_41 : i32
          %add3A_1953 = arith.constant 0 : i32
          %add3A_1954 = arith.addi %mul3A_1952, %add3A_1953 : i32
          %mul3A_1955 = arith.constant 4 : i32
          %mul3A_1956 = arith.muli %add3A_1954, %mul3A_1955 : i32
          %add3A_1957 = arith.addi %mul3A_1956, %scan3A_91 : i32
          %swap3A_1958 = arith.index_cast %add3A_1957 : i32 to index
          %swap3A_1959 = arith.constant 48 : index
          %swap3A_1960 = tpu.vector_load %arg10[%swap3A_1958, %swap3A_1959] {strides = array<i32>} : memref<32x128xf32, #tpu.memory_space<vmem>>, vector<1x16xf32>,
          %swap3A_1961 = vector.shape_cast %swap3A_1960 : vector<1x16xf32> to vector<16xf32>
          %swap3A_1962 = vector.shape_cast %add3A_1891 : vector<16xf32> to vector<1x16xf32>
          tpu.vector_store %arg10[%swap3A_1958, %swap3A_1959], %swap3A_1962 {strides = array<i32>} : memref<32x128xf32, #tpu.memory_space<vmem>>, vector<1x16xf32>,
          %mul3A_1963 = arith.constant 2 : i32
          %mul3A_1964 = arith.muli %mul3A_1963, %scan3A_41 : i32
          %add3A_1965 = arith.constant 0 : i32
          %add3A_1966 = arith.addi %mul3A_1964, %add3A_1965 : i32
          %mul3A_1967 = arith.constant 4 : i32
          %mul3A_1968 = arith.muli %add3A_1966, %mul3A_1967 : i32
          %add3A_1969 = arith.addi %mul3A_1968, %scan3A_91 : i32
          %swap3A_1970 = arith.index_cast %add3A_1969 : i32 to index
          %swap3A_1971 = arith.constant 64 : index
          %swap3A_1972 = tpu.vector_load %arg10[%swap3A_1970, %swap3A_1971] {strides = array<i32>} : memref<32x128xf32, #tpu.memory_space<vmem>>, vector<1x16xf32>,
          %swap3A_1973 = vector.shape_cast %swap3A_1972 : vector<1x16xf32> to vector<16xf32>
          %swap3A_1974 = vector.shape_cast %add3A_1897 : vector<16xf32> to vector<1x16xf32>
          tpu.vector_store %arg10[%swap3A_1970, %swap3A_1971], %swap3A_1974 {strides = array<i32>} : memref<32x128xf32, #tpu.memory_space<vmem>>, vector<1x16xf32>,
          %mul3A_1975 = arith.constant 2 : i32
          %mul3A_1976 = arith.muli %mul3A_1975, %scan3A_41 : i32
          %add3A_1977 = arith.constant 0 : i32
          %add3A_1978 = arith.addi %mul3A_1976, %add3A_1977 : i32
          %mul3A_1979 = arith.constant 4 : i32
          %mul3A_1980 = arith.muli %add3A_1978, %mul3A_1979 : i32
          %add3A_1981 = arith.addi %mul3A_1980, %scan3A_91 : i32
          %swap3A_1982 = arith.index_cast %add3A_1981 : i32 to index
          %swap3A_1983 = arith.constant 80 : index
          %swap3A_1984 = tpu.vector_load %arg10[%swap3A_1982, %swap3A_1983] {strides = array<i32>} : memref<32x128xf32, #tpu.memory_space<vmem>>, vector<1x16xf32>,
          %swap3A_1985 = vector.shape_cast %swap3A_1984 : vector<1x16xf32> to vector<16xf32>
          %swap3A_1986 = vector.shape_cast %add3A_1903 : vector<16xf32> to vector<1x16xf32>
          tpu.vector_store %arg10[%swap3A_1982, %swap3A_1983], %swap3A_1986 {strides = array<i32>} : memref<32x128xf32, #tpu.memory_space<vmem>>, vector<1x16xf32>,
          %mul3A_1987 = arith.constant 2 : i32
          %mul3A_1988 = arith.muli %mul3A_1987, %scan3A_41 : i32
          %add3A_1989 = arith.constant 0 : i32
          %add3A_1990 = arith.addi %mul3A_1988, %add3A_1989 : i32
          %mul3A_1991 = arith.constant 4 : i32
          %mul3A_1992 = arith.muli %add3A_1990, %mul3A_1991 : i32
          %add3A_1993 = arith.addi %mul3A_1992, %scan3A_91 : i32
          %swap3A_1994 = arith.index_cast %add3A_1993 : i32 to index
          %swap3A_1995 = arith.constant 96 : index
          %swap3A_1996 = tpu.vector_load %arg10[%swap3A_1994, %swap3A_1995] {strides = array<i32>} : memref<32x128xf32, #tpu.memory_space<vmem>>, vector<1x16xf32>,
          %swap3A_1997 = vector.shape_cast %swap3A_1996 : vector<1x16xf32> to vector<16xf32>
          %swap3A_1998 = vector.shape_cast %add3A_1909 : vector<16xf32> to vector<1x16xf32>
          tpu.vector_store %arg10[%swap3A_1994, %swap3A_1995], %swap3A_1998 {strides = array<i32>} : memref<32x128xf32, #tpu.memory_space<vmem>>, vector<1x16xf32>,
          %mul3A_1999 = arith.constant 2 : i32
          %mul3A_2000 = arith.muli %mul3A_1999, %scan3A_41 : i32
          %add3A_2001 = arith.constant 0 : i32
          %add3A_2002 = arith.addi %mul3A_2000, %add3A_2001 : i32
          %mul3A_2003 = arith.constant 4 : i32
          %mul3A_2004 = arith.muli %add3A_2002, %mul3A_2003 : i32
          %add3A_2005 = arith.addi %mul3A_2004, %scan3A_91 : i32
          %swap3A_2006 = arith.index_cast %add3A_2005 : i32 to index
          %swap3A_2007 = arith.constant 112 : index
          %swap3A_2008 = tpu.vector_load %arg10[%swap3A_2006, %swap3A_2007] {strides = array<i32>} : memref<32x128xf32, #tpu.memory_space<vmem>>, vector<1x16xf32>,
          %swap3A_2009 = vector.shape_cast %swap3A_2008 : vector<1x16xf32> to vector<16xf32>
          %swap3A_2010 = vector.shape_cast %add3A_1915 : vector<16xf32> to vector<1x16xf32>
          tpu.vector_store %arg10[%swap3A_2006, %swap3A_2007], %swap3A_2010 {strides = array<i32>} : memref<32x128xf32, #tpu.memory_space<vmem>>, vector<1x16xf32>,
        }
        %scan3A_68 = arith.constant 4 : i32
        %add3A_69 = arith.constant 1 : i32
        %add3A_70 = arith.addi %add3A_46, %add3A_69 : i32
        %dma_wait3A_71 = arith.constant 0 : i32
        %dma_wait3A_72 = tpu.memref_slice %arg6[%add3A_70, %dma_wait3A_71] : memref<81x128xi32, #tpu.memory_space<vmem>> -> memref<1x128xi32, #tpu.memory_space<vmem>>
        %dma_wait3A_73 = tpu.memref_squeeze %dma_wait3A_72 : memref<1x128xi32, #tpu.memory_space<vmem>> -> memref<128xi32, #tpu.memory_space<vmem>>
        %dma_wait3A_74 = arith.constant 0 : i32
        %dma_wait3A_75 = arith.constant 0 : i32
        %dma_wait3A_76 = tpu.memref_slice %arg11[%dma_wait3A_74, %dma_wait3A_75] : memref<10000x128xf32, #tpu.memory_space<vmem_shared>> -> memref<10000x128xf32, #tpu.memory_space<vmem_shared>>
        tpu.wait_indirect_dma semaphore(%arg13 : memref<!tpu.dma_semaphore, #tpu.memory_space<semaphore_mem>>) src(%dma_wait3A_76 : memref<10000x128xf32, #tpu.memory_space<vmem_shared>>) dst(%arg9 : memref<128x128xf32, #tpu.memory_space<vmem>>)
        %add3A_77 = arith.constant 1 : i32
        %add3A_78 = arith.addi %add3A_70, %add3A_77 : i32
        %dma_start3A_79 = arith.constant 0 : i32
        %dma_start3A_80 = tpu.memref_slice %arg6[%add3A_78, %dma_start3A_79] : memref<81x128xi32, #tpu.memory_space<vmem>> -> memref<1x128xi32, #tpu.memory_space<vmem>>
        %dma_start3A_81 = tpu.memref_squeeze %dma_start3A_80 : memref<1x128xi32, #tpu.memory_space<vmem>> -> memref<128xi32, #tpu.memory_space<vmem>>
        %dma_start3A_82 = arith.constant 0 : i32
        %dma_start3A_83 = arith.constant 0 : i32
        %dma_start3A_84 = tpu.memref_slice %arg11[%dma_start3A_82, %dma_start3A_83] : memref<10000x128xf32, #tpu.memory_space<vmem_shared>> -> memref<10000x128xf32, #tpu.memory_space<vmem_shared>>
        tpu.enqueue_indirect_dma source(%dma_start3A_84 : memref<10000x128xf32, #tpu.memory_space<vmem_shared>>) target(%arg8 : memref<128x128xf32, #tpu.memory_space<vmem>>) offsets(%dma_start3A_81 : memref<128xi32, #tpu.memory_space<vmem>>) semaphore(%arg12 : memref<!tpu.dma_semaphore, #tpu.memory_space<semaphore_mem>>)
        %scan3A_85 = arith.constant 0 : i32
        %scan3A_86 = arith.constant 0 : i32
        %scan3A_87 = arith.constant 4 : i32
        %scan3A_88 = arith.addi %scan3A_86, %scan3A_87 : i32
        %scan3A_89 = arith.constant 1 : i32
        scf.for %scan3A_91 = %scan3A_86 to %scan3A_88 step %scan3A_89  : i32 {
          %mul3A_92 = arith.constant 2 : i32
          %mul3A_93 = arith.muli %mul3A_92, %scan3A_41 : i32
          %add3A_94 = arith.constant 1 : i32
          %add3A_95 = arith.addi %mul3A_93, %add3A_94 : i32
          %mul3A_96 = arith.constant 4 : i32
          %mul3A_97 = arith.muli %add3A_95, %mul3A_96 : i32
          %mul3A_98 = arith.constant 32 : i32
          %mul3A_99 = arith.muli %mul3A_97, %mul3A_98 : i32
          %mul3A_100 = arith.constant 32 : i32
          %mul3A_101 = arith.muli %scan3A_91, %mul3A_100 : i32
          %add3A_102 = arith.addi %mul3A_99, %mul3A_101 : i32
          %get3A = arith.index_cast %add3A_102 : i32 to index
          %get3A_103 = tpu.vector_load %arg7[%get3A] {strides = array<i32>} : memref<1024xf32, #tpu.memory_space<vmem>>, vector<16xf32>,
          %get3A_104 = vector.shape_cast %get3A_103 : vector<16xf32> to vector<16xf32>
          %add3A_105 = arith.constant 16 : i32
          %add3A_106 = arith.addi %add3A_102, %add3A_105 : i32
          %get3A_107 = arith.index_cast %add3A_106 : i32 to index
          %get3A_108 = tpu.vector_load %arg7[%get3A_107] {strides = array<i32>} : memref<1024xf32, #tpu.memory_space<vmem>>, vector<16xf32>,
          %get3A_109 = vector.shape_cast %get3A_108 : vector<16xf32> to vector<16xf32>
          %broadcast_in_dim3A = arith.constant 0.000000e+00 : f32
          %broadcast_in_dim3A_110 = vector.broadcast %broadcast_in_dim3A : f32 to vector<16xf32>
          %broadcast_in_dim3A_111 = arith.constant 0.000000e+00 : f32
          %broadcast_in_dim3A_112 = vector.broadcast %broadcast_in_dim3A_111 : f32 to vector<16xf32>
          %broadcast_in_dim3A_113 = arith.constant 0.000000e+00 : f32
          %broadcast_in_dim3A_114 = vector.broadcast %broadcast_in_dim3A_113 : f32 to vector<16xf32>
          %broadcast_in_dim3A_115 = arith.constant 0.000000e+00 : f32
          %broadcast_in_dim3A_116 = vector.broadcast %broadcast_in_dim3A_115 : f32 to vector<16xf32>
          %broadcast_in_dim3A_117 = arith.constant 0.000000e+00 : f32
          %broadcast_in_dim3A_118 = vector.broadcast %broadcast_in_dim3A_117 : f32 to vector<16xf32>
          %broadcast_in_dim3A_119 = arith.constant 0.000000e+00 : f32
          %broadcast_in_dim3A_120 = vector.broadcast %broadcast_in_dim3A_119 : f32 to vector<16xf32>
          %broadcast_in_dim3A_121 = arith.constant 0.000000e+00 : f32
          %broadcast_in_dim3A_122 = vector.broadcast %broadcast_in_dim3A_121 : f32 to vector<16xf32>
          %broadcast_in_dim3A_123 = arith.constant 0.000000e+00 : f32
          %broadcast_in_dim3A_124 = vector.broadcast %broadcast_in_dim3A_123 : f32 to vector<16xf32>
          %broadcast_in_dim3A_125 = arith.constant 0 : i32
          %broadcast_in_dim3A_126 = vector.broadcast %broadcast_in_dim3A_125 : i32 to vector<16x1xi32>
          %gather3A = vector.shape_cast %broadcast_in_dim3A_126 : vector<16x1xi32> to vector<16xi32>
          %gather3A_127 = tpu.dynamic_gather %get3A_104[%gather3A] in [0] : vector<16xf32>, vector<16xi32> -> vector<16xf32>
          %mul3A_128 = arith.constant 32 : i32
          %mul3A_129 = arith.muli %scan3A_91, %mul3A_128 : i32
          %add3A_130 = arith.constant 0 : i32
          %add3A_131 = arith.addi %mul3A_129, %add3A_130 : i32
          %get3A_132 = arith.index_cast %add3A_131 : i32 to index
          %get3A_133 = arith.constant 0 : index
          %get3A_134 = tpu.vector_load %arg9[%get3A_132, %get3A_133] {strides = array<i32>} : memref<128x128xf32, #tpu.memory_space<vmem>>, vector<1x16xf32>,
          %get3A_135 = vector.shape_cast %get3A_134 : vector<1x16xf32> to vector<16xf32>
          %mul3A_136 = arith.mulf %gather3A_127, %get3A_135 : vector<16xf32>
          %add3A_137 = arith.addf %broadcast_in_dim3A_110, %mul3A_136 : vector<16xf32>
          %get3A_138 = arith.index_cast %add3A_131 : i32 to index
          %get3A_139 = arith.constant 16 : index
          %get3A_140 = tpu.vector_load %arg9[%get3A_138, %get3A_139] {strides = array<i32>} : memref<128x128xf32, #tpu.memory_space<vmem>>, vector<1x16xf32>,
          %get3A_141 = vector.shape_cast %get3A_140 : vector<1x16xf32> to vector<16xf32>
          %mul3A_142 = arith.mulf %gather3A_127, %get3A_141 : vector<16xf32>
          %add3A_143 = arith.addf %broadcast_in_dim3A_112, %mul3A_142 : vector<16xf32>
          %get3A_144 = arith.index_cast %add3A_131 : i32 to index
          %get3A_145 = arith.constant 32 : index
          %get3A_146 = tpu.vector_load %arg9[%get3A_144, %get3A_145] {strides = array<i32>} : memref<128x128xf32, #tpu.memory_space<vmem>>, vector<1x16xf32>,
          %get3A_147 = vector.shape_cast %get3A_146 : vector<1x16xf32> to vector<16xf32>
          %mul3A_148 = arith.mulf %gather3A_127, %get3A_147 : vector<16xf32>
          %add3A_149 = arith.addf %broadcast_in_dim3A_114, %mul3A_148 : vector<16xf32>
          %get3A_150 = arith.index_cast %add3A_131 : i32 to index
          %get3A_151 = arith.constant 48 : index
          %get3A_152 = tpu.vector_load %arg9[%get3A_150, %get3A_151] {strides = array<i32>} : memref<128x128xf32, #tpu.memory_space<vmem>>, vector<1x16xf32>,
          %get3A_153 = vector.shape_cast %get3A_152 : vector<1x16xf32> to vector<16xf32>
          %mul3A_154 = arith.mulf %gather3A_127, %get3A_153 : vector<16xf32>
          %add3A_155 = arith.addf %broadcast_in_dim3A_116, %mul3A_154 : vector<16xf32>
          %get3A_156 = arith.index_cast %add3A_131 : i32 to index
          %get3A_157 = arith.constant 64 : index
          %get3A_158 = tpu.vector_load %arg9[%get3A_156, %get3A_157] {strides = array<i32>} : memref<128x128xf32, #tpu.memory_space<vmem>>, vector<1x16xf32>,
          %get3A_159 = vector.shape_cast %get3A_158 : vector<1x16xf32> to vector<16xf32>
          %mul3A_160 = arith.mulf %gather3A_127, %get3A_159 : vector<16xf32>
          %add3A_161 = arith.addf %broadcast_in_dim3A_118, %mul3A_160 : vector<16xf32>
          %get3A_162 = arith.index_cast %add3A_131 : i32 to index
          %get3A_163 = arith.constant 80 : index
          %get3A_164 = tpu.vector_load %arg9[%get3A_162, %get3A_163] {strides = array<i32>} : memref<128x128xf32, #tpu.memory_space<vmem>>, vector<1x16xf32>,
          %get3A_165 = vector.shape_cast %get3A_164 : vector<1x16xf32> to vector<16xf32>
          %mul3A_166 = arith.mulf %gather3A_127, %get3A_165 : vector<16xf32>
          %add3A_167 = arith.addf %broadcast_in_dim3A_120, %mul3A_166 : vector<16xf32>
          %get3A_168 = arith.index_cast %add3A_131 : i32 to index
          %get3A_169 = arith.constant 96 : index
          %get3A_170 = tpu.vector_load %arg9[%get3A_168, %get3A_169] {strides = array<i32>} : memref<128x128xf32, #tpu.memory_space<vmem>>, vector<1x16xf32>,
          %get3A_171 = vector.shape_cast %get3A_170 : vector<1x16xf32> to vector<16xf32>
          %mul3A_172 = arith.mulf %gather3A_127, %get3A_171 : vector<16xf32>
          %add3A_173 = arith.addf %broadcast_in_dim3A_122, %mul3A_172 : vector<16xf32>
          %get3A_174 = arith.index_cast %add3A_131 : i32 to index
          %get3A_175 = arith.constant 112 : index
          %get3A_176 = tpu.vector_load %arg9[%get3A_174, %get3A_175] {strides = array<i32>} : memref<128x128xf32, #tpu.memory_space<vmem>>, vector<1x16xf32>,
          %get3A_177 = vector.shape_cast %get3A_176 : vector<1x16xf32> to vector<16xf32>
          %mul3A_178 = arith.mulf %gather3A_127, %get3A_177 : vector<16xf32>
          %add3A_179 = arith.addf %broadcast_in_dim3A_124, %mul3A_178 : vector<16xf32>
          %broadcast_in_dim3A_180 = arith.constant 1 : i32
          %broadcast_in_dim3A_181 = vector.broadcast %broadcast_in_dim3A_180 : i32 to vector<16x1xi32>
          %gather3A_182 = vector.shape_cast %broadcast_in_dim3A_181 : vector<16x1xi32> to vector<16xi32>
          %gather3A_183 = tpu.dynamic_gather %get3A_104[%gather3A_182] in [0] : vector<16xf32>, vector<16xi32> -> vector<16xf32>
          %mul3A_184 = arith.constant 32 : i32
          %mul3A_185 = arith.muli %scan3A_91, %mul3A_184 : i32
          %add3A_186 = arith.constant 1 : i32
          %add3A_187 = arith.addi %mul3A_185, %add3A_186 : i32
          %get3A_188 = arith.index_cast %add3A_187 : i32 to index
          %get3A_189 = arith.constant 0 : index
          %get3A_190 = tpu.vector_load %arg9[%get3A_188, %get3A_189] {strides = array<i32>} : memref<128x128xf32, #tpu.memory_space<vmem>>, vector<1x16xf32>,
          %get3A_191 = vector.shape_cast %get3A_190 : vector<1x16xf32> to vector<16xf32>
          %mul3A_192 = arith.mulf %gather3A_183, %get3A_191 : vector<16xf32>
          %add3A_193 = arith.addf %add3A_137, %mul3A_192 : vector<16xf32>
          %get3A_194 = arith.index_cast %add3A_187 : i32 to index
          %get3A_195 = arith.constant 16 : index
          %get3A_196 = tpu.vector_load %arg9[%get3A_194, %get3A_195] {strides = array<i32>} : memref<128x128xf32, #tpu.memory_space<vmem>>, vector<1x16xf32>,
          %get3A_197 = vector.shape_cast %get3A_196 : vector<1x16xf32> to vector<16xf32>
          %mul3A_198 = arith.mulf %gather3A_183, %get3A_197 : vector<16xf32>
          %add3A_199 = arith.addf %add3A_143, %mul3A_198 : vector<16xf32>
          %get3A_200 = arith.index_cast %add3A_187 : i32 to index
          %get3A_201 = arith.constant 32 : index
          %get3A_202 = tpu.vector_load %arg9[%get3A_200, %get3A_201] {strides = array<i32>} : memref<128x128xf32, #tpu.memory_space<vmem>>, vector<1x16xf32>,
          %get3A_203 = vector.shape_cast %get3A_202 : vector<1x16xf32> to vector<16xf32>
          %mul3A_204 = arith.mulf %gather3A_183, %get3A_203 : vector<16xf32>
          %add3A_205 = arith.addf %add3A_149, %mul3A_204 : vector<16xf32>
          %get3A_206 = arith.index_cast %add3A_187 : i32 to index
          %get3A_207 = arith.constant 48 : index
          %get3A_208 = tpu.vector_load %arg9[%get3A_206, %get3A_207] {strides = array<i32>} : memref<128x128xf32, #tpu.memory_space<vmem>>, vector<1x16xf32>,
          %get3A_209 = vector.shape_cast %get3A_208 : vector<1x16xf32> to vector<16xf32>
          %mul3A_210 = arith.mulf %gather3A_183, %get3A_209 : vector<16xf32>
          %add3A_211 = arith.addf %add3A_155, %mul3A_210 : vector<16xf32>
          %get3A_212 = arith.index_cast %add3A_187 : i32 to index
          %get3A_213 = arith.constant 64 : index
          %get3A_214 = tpu.vector_load %arg9[%get3A_212, %get3A_213] {strides = array<i32>} : memref<128x128xf32, #tpu.memory_space<vmem>>, vector<1x16xf32>,
          %get3A_215 = vector.shape_cast %get3A_214 : vector<1x16xf32> to vector<16xf32>
          %mul3A_216 = arith.mulf %gather3A_183, %get3A_215 : vector<16xf32>
          %add3A_217 = arith.addf %add3A_161, %mul3A_216 : vector<16xf32>
          %get3A_218 = arith.index_cast %add3A_187 : i32 to index
          %get3A_219 = arith.constant 80 : index
          %get3A_220 = tpu.vector_load %arg9[%get3A_218, %get3A_219] {strides = array<i32>} : memref<128x128xf32, #tpu.memory_space<vmem>>, vector<1x16xf32>,
          %get3A_221 = vector.shape_cast %get3A_220 : vector<1x16xf32> to vector<16xf32>
          %mul3A_222 = arith.mulf %gather3A_183, %get3A_221 : vector<16xf32>
          %add3A_223 = arith.addf %add3A_167, %mul3A_222 : vector<16xf32>
          %get3A_224 = arith.index_cast %add3A_187 : i32 to index
          %get3A_225 = arith.constant 96 : index
          %get3A_226 = tpu.vector_load %arg9[%get3A_224, %get3A_225] {strides = array<i32>} : memref<128x128xf32, #tpu.memory_space<vmem>>, vector<1x16xf32>,
          %get3A_227 = vector.shape_cast %get3A_226 : vector<1x16xf32> to vector<16xf32>
          %mul3A_228 = arith.mulf %gather3A_183, %get3A_227 : vector<16xf32>
          %add3A_229 = arith.addf %add3A_173, %mul3A_228 : vector<16xf32>
          %get3A_230 = arith.index_cast %add3A_187 : i32 to index
          %get3A_231 = arith.constant 112 : index
          %get3A_232 = tpu.vector_load %arg9[%get3A_230, %get3A_231] {strides = array<i32>} : memref<128x128xf32, #tpu.memory_space<vmem>>, vector<1x16xf32>,
          %get3A_233 = vector.shape_cast %get3A_232 : vector<1x16xf32> to vector<16xf32>
          %mul3A_234 = arith.mulf %gather3A_183, %get3A_233 : vector<16xf32>
          %add3A_235 = arith.addf %add3A_179, %mul3A_234 : vector<16xf32>
          %broadcast_in_dim3A_236 = arith.constant 2 : i32
          %broadcast_in_dim3A_237 = vector.broadcast %broadcast_in_dim3A_236 : i32 to vector<16x1xi32>
          %gather3A_238 = vector.shape_cast %broadcast_in_dim3A_237 : vector<16x1xi32> to vector<16xi32>
          %gather3A_239 = tpu.dynamic_gather %get3A_104[%gather3A_238] in [0] : vector<16xf32>, vector<16xi32> -> vector<16xf32>
          %mul3A_240 = arith.constant 32 : i32
          %mul3A_241 = arith.muli %scan3A_91, %mul3A_240 : i32
          %add3A_242 = arith.constant 2 : i32
          %add3A_243 = arith.addi %mul3A_241, %add3A_242 : i32
          %get3A_244 = arith.index_cast %add3A_243 : i32 to index
          %get3A_245 = arith.constant 0 : index
          %get3A_246 = tpu.vector_load %arg9[%get3A_244, %get3A_245] {strides = array<i32>} : memref<128x128xf32, #tpu.memory_space<vmem>>, vector<1x16xf32>,
          %get3A_247 = vector.shape_cast %get3A_246 : vector<1x16xf32> to vector<16xf32>
          %mul3A_248 = arith.mulf %gather3A_239, %get3A_247 : vector<16xf32>
          %add3A_249 = arith.addf %add3A_193, %mul3A_248 : vector<16xf32>
          %get3A_250 = arith.index_cast %add3A_243 : i32 to index
          %get3A_251 = arith.constant 16 : index
          %get3A_252 = tpu.vector_load %arg9[%get3A_250, %get3A_251] {strides = array<i32>} : memref<128x128xf32, #tpu.memory_space<vmem>>, vector<1x16xf32>,
          %get3A_253 = vector.shape_cast %get3A_252 : vector<1x16xf32> to vector<16xf32>
          %mul3A_254 = arith.mulf %gather3A_239, %get3A_253 : vector<16xf32>
          %add3A_255 = arith.addf %add3A_199, %mul3A_254 : vector<16xf32>
          %get3A_256 = arith.index_cast %add3A_243 : i32 to index
          %get3A_257 = arith.constant 32 : index
          %get3A_258 = tpu.vector_load %arg9[%get3A_256, %get3A_257] {strides = array<i32>} : memref<128x128xf32, #tpu.memory_space<vmem>>, vector<1x16xf32>,
          %get3A_259 = vector.shape_cast %get3A_258 : vector<1x16xf32> to vector<16xf32>
          %mul3A_260 = arith.mulf %gather3A_239, %get3A_259 : vector<16xf32>
          %add3A_261 = arith.addf %add3A_205, %mul3A_260 : vector<16xf32>
          %get3A_262 = arith.index_cast %add3A_243 : i32 to index
          %get3A_263 = arith.constant 48 : index
          %get3A_264 = tpu.vector_load %arg9[%get3A_262, %get3A_263] {strides = array<i32>} : memref<128x128xf32, #tpu.memory_space<vmem>>, vector<1x16xf32>,
          %get3A_265 = vector.shape_cast %get3A_264 : vector<1x16xf32> to vector<16xf32>
          %mul3A_266 = arith.mulf %gather3A_239, %get3A_265 : vector<16xf32>
          %add3A_267 = arith.addf %add3A_211, %mul3A_266 : vector<16xf32>
          %get3A_268 = arith.index_cast %add3A_243 : i32 to index
          %get3A_269 = arith.constant 64 : index
          %get3A_270 = tpu.vector_load %arg9[%get3A_268, %get3A_269] {strides = array<i32>} : memref<128x128xf32, #tpu.memory_space<vmem>>, vector<1x16xf32>,
          %get3A_271 = vector.shape_cast %get3A_270 : vector<1x16xf32> to vector<16xf32>
          %mul3A_272 = arith.mulf %gather3A_239, %get3A_271 : vector<16xf32>
          %add3A_273 = arith.addf %add3A_217, %mul3A_272 : vector<16xf32>
          %get3A_274 = arith.index_cast %add3A_243 : i32 to index
          %get3A_275 = arith.constant 80 : index
          %get3A_276 = tpu.vector_load %arg9[%get3A_274, %get3A_275] {strides = array<i32>} : memref<128x128xf32, #tpu.memory_space<vmem>>, vector<1x16xf32>,
          %get3A_277 = vector.shape_cast %get3A_276 : vector<1x16xf32> to vector<16xf32>
          %mul3A_278 = arith.mulf %gather3A_239, %get3A_277 : vector<16xf32>
          %add3A_279 = arith.addf %add3A_223, %mul3A_278 : vector<16xf32>
          %get3A_280 = arith.index_cast %add3A_243 : i32 to index
          %get3A_281 = arith.constant 96 : index
          %get3A_282 = tpu.vector_load %arg9[%get3A_280, %get3A_281] {strides = array<i32>} : memref<128x128xf32, #tpu.memory_space<vmem>>, vector<1x16xf32>,
          %get3A_283 = vector.shape_cast %get3A_282 : vector<1x16xf32> to vector<16xf32>
          %mul3A_284 = arith.mulf %gather3A_239, %get3A_283 : vector<16xf32>
          %add3A_285 = arith.addf %add3A_229, %mul3A_284 : vector<16xf32>
          %get3A_286 = arith.index_cast %add3A_243 : i32 to index
          %get3A_287 = arith.constant 112 : index
          %get3A_288 = tpu.vector_load %arg9[%get3A_286, %get3A_287] {strides = array<i32>} : memref<128x128xf32, #tpu.memory_space<vmem>>, vector<1x16xf32>,
          %get3A_289 = vector.shape_cast %get3A_288 : vector<1x16xf32> to vector<16xf32>
          %mul3A_290 = arith.mulf %gather3A_239, %get3A_289 : vector<16xf32>
          %add3A_291 = arith.addf %add3A_235, %mul3A_290 : vector<16xf32>
          %broadcast_in_dim3A_292 = arith.constant 3 : i32
          %broadcast_in_dim3A_293 = vector.broadcast %broadcast_in_dim3A_292 : i32 to vector<16x1xi32>
          %gather3A_294 = vector.shape_cast %broadcast_in_dim3A_293 : vector<16x1xi32> to vector<16xi32>
          %gather3A_295 = tpu.dynamic_gather %get3A_104[%gather3A_294] in [0] : vector<16xf32>, vector<16xi32> -> vector<16xf32>
          %mul3A_296 = arith.constant 32 : i32
          %mul3A_297 = arith.muli %scan3A_91, %mul3A_296 : i32
          %add3A_298 = arith.constant 3 : i32
          %add3A_299 = arith.addi %mul3A_297, %add3A_298 : i32
          %get3A_300 = arith.index_cast %add3A_299 : i32 to index
          %get3A_301 = arith.constant 0 : index
          %get3A_302 = tpu.vector_load %arg9[%get3A_300, %get3A_301] {strides = array<i32>} : memref<128x128xf32, #tpu.memory_space<vmem>>, vector<1x16xf32>,
          %get3A_303 = vector.shape_cast %get3A_302 : vector<1x16xf32> to vector<16xf32>
          %mul3A_304 = arith.mulf %gather3A_295, %get3A_303 : vector<16xf32>
          %add3A_305 = arith.addf %add3A_249, %mul3A_304 : vector<16xf32>
          %get3A_306 = arith.index_cast %add3A_299 : i32 to index
          %get3A_307 = arith.constant 16 : index
          %get3A_308 = tpu.vector_load %arg9[%get3A_306, %get3A_307] {strides = array<i32>} : memref<128x128xf32, #tpu.memory_space<vmem>>, vector<1x16xf32>,
          %get3A_309 = vector.shape_cast %get3A_308 : vector<1x16xf32> to vector<16xf32>
          %mul3A_310 = arith.mulf %gather3A_295, %get3A_309 : vector<16xf32>
          %add3A_311 = arith.addf %add3A_255, %mul3A_310 : vector<16xf32>
          %get3A_312 = arith.index_cast %add3A_299 : i32 to index
          %get3A_313 = arith.constant 32 : index
          %get3A_314 = tpu.vector_load %arg9[%get3A_312, %get3A_313] {strides = array<i32>} : memref<128x128xf32, #tpu.memory_space<vmem>>, vector<1x16xf32>,
          %get3A_315 = vector.shape_cast %get3A_314 : vector<1x16xf32> to vector<16xf32>
          %mul3A_316 = arith.mulf %gather3A_295, %get3A_315 : vector<16xf32>
          %add3A_317 = arith.addf %add3A_261, %mul3A_316 : vector<16xf32>
          %get3A_318 = arith.index_cast %add3A_299 : i32 to index
          %get3A_319 = arith.constant 48 : index
          %get3A_320 = tpu.vector_load %arg9[%get3A_318, %get3A_319] {strides = array<i32>} : memref<128x128xf32, #tpu.memory_space<vmem>>, vector<1x16xf32>,
          %get3A_321 = vector.shape_cast %get3A_320 : vector<1x16xf32> to vector<16xf32>
          %mul3A_322 = arith.mulf %gather3A_295, %get3A_321 : vector<16xf32>
          %add3A_323 = arith.addf %add3A_267, %mul3A_322 : vector<16xf32>
          %get3A_324 = arith.index_cast %add3A_299 : i32 to index
          %get3A_325 = arith.constant 64 : index
          %get3A_326 = tpu.vector_load %arg9[%get3A_324, %get3A_325] {strides = array<i32>} : memref<128x128xf32, #tpu.memory_space<vmem>>, vector<1x16xf32>,
          %get3A_327 = vector.shape_cast %get3A_326 : vector<1x16xf32> to vector<16xf32>
          %mul3A_328 = arith.mulf %gather3A_295, %get3A_327 : vector<16xf32>
          %add3A_329 = arith.addf %add3A_273, %mul3A_328 : vector<16xf32>
          %get3A_330 = arith.index_cast %add3A_299 : i32 to index
          %get3A_331 = arith.constant 80 : index
          %get3A_332 = tpu.vector_load %arg9[%get3A_330, %get3A_331] {strides = array<i32>} : memref<128x128xf32, #tpu.memory_space<vmem>>, vector<1x16xf32>,
          %get3A_333 = vector.shape_cast %get3A_332 : vector<1x16xf32> to vector<16xf32>
          %mul3A_334 = arith.mulf %gather3A_295, %get3A_333 : vector<16xf32>
          %add3A_335 = arith.addf %add3A_279, %mul3A_334 : vector<16xf32>
          %get3A_336 = arith.index_cast %add3A_299 : i32 to index
          %get3A_337 = arith.constant 96 : index
          %get3A_338 = tpu.vector_load %arg9[%get3A_336, %get3A_337] {strides = array<i32>} : memref<128x128xf32, #tpu.memory_space<vmem>>, vector<1x16xf32>,
          %get3A_339 = vector.shape_cast %get3A_338 : vector<1x16xf32> to vector<16xf32>
          %mul3A_340 = arith.mulf %gather3A_295, %get3A_339 : vector<16xf32>
          %add3A_341 = arith.addf %add3A_285, %mul3A_340 : vector<16xf32>
          %get3A_342 = arith.index_cast %add3A_299 : i32 to index
          %get3A_343 = arith.constant 112 : index
          %get3A_344 = tpu.vector_load %arg9[%get3A_342, %get3A_343] {strides = array<i32>} : memref<128x128xf32, #tpu.memory_space<vmem>>, vector<1x16xf32>,
          %get3A_345 = vector.shape_cast %get3A_344 : vector<1x16xf32> to vector<16xf32>
          %mul3A_346 = arith.mulf %gather3A_295, %get3A_345 : vector<16xf32>
          %add3A_347 = arith.addf %add3A_291, %mul3A_346 : vector<16xf32>
          %broadcast_in_dim3A_348 = arith.constant 4 : i32
          %broadcast_in_dim3A_349 = vector.broadcast %broadcast_in_dim3A_348 : i32 to vector<16x1xi32>
          %gather3A_350 = vector.shape_cast %broadcast_in_dim3A_349 : vector<16x1xi32> to vector<16xi32>
          %gather3A_351 = tpu.dynamic_gather %get3A_104[%gather3A_350] in [0] : vector<16xf32>, vector<16xi32> -> vector<16xf32>
          %mul3A_352 = arith.constant 32 : i32
          %mul3A_353 = arith.muli %scan3A_91, %mul3A_352 : i32
          %add3A_354 = arith.constant 4 : i32
          %add3A_355 = arith.addi %mul3A_353, %add3A_354 : i32
          %get3A_356 = arith.index_cast %add3A_355 : i32 to index
          %get3A_357 = arith.constant 0 : index
          %get3A_358 = tpu.vector_load %arg9[%get3A_356, %get3A_357] {strides = array<i32>} : memref<128x128xf32, #tpu.memory_space<vmem>>, vector<1x16xf32>,
          %get3A_359 = vector.shape_cast %get3A_358 : vector<1x16xf32> to vector<16xf32>
          %mul3A_360 = arith.mulf %gather3A_351, %get3A_359 : vector<16xf32>
          %add3A_361 = arith.addf %add3A_305, %mul3A_360 : vector<16xf32>
          %get3A_362 = arith.index_cast %add3A_355 : i32 to index
          %get3A_363 = arith.constant 16 : index
          %get3A_364 = tpu.vector_load %arg9[%get3A_362, %get3A_363] {strides = array<i32>} : memref<128x128xf32, #tpu.memory_space<vmem>>, vector<1x16xf32>,
          %get3A_365 = vector.shape_cast %get3A_364 : vector<1x16xf32> to vector<16xf32>
          %mul3A_366 = arith.mulf %gather3A_351, %get3A_365 : vector<16xf32>
          %add3A_367 = arith.addf %add3A_311, %mul3A_366 : vector<16xf32>
          %get3A_368 = arith.index_cast %add3A_355 : i32 to index
          %get3A_369 = arith.constant 32 : index
          %get3A_370 = tpu.vector_load %arg9[%get3A_368, %get3A_369] {strides = array<i32>} : memref<128x128xf32, #tpu.memory_space<vmem>>, vector<1x16xf32>,
          %get3A_371 = vector.shape_cast %get3A_370 : vector<1x16xf32> to vector<16xf32>
          %mul3A_372 = arith.mulf %gather3A_351, %get3A_371 : vector<16xf32>
          %add3A_373 = arith.addf %add3A_317, %mul3A_372 : vector<16xf32>
          %get3A_374 = arith.index_cast %add3A_355 : i32 to index
          %get3A_375 = arith.constant 48 : index
          %get3A_376 = tpu.vector_load %arg9[%get3A_374, %get3A_375] {strides = array<i32>} : memref<128x128xf32, #tpu.memory_space<vmem>>, vector<1x16xf32>,
          %get3A_377 = vector.shape_cast %get3A_376 : vector<1x16xf32> to vector<16xf32>
          %mul3A_378 = arith.mulf %gather3A_351, %get3A_377 : vector<16xf32>
          %add3A_379 = arith.addf %add3A_323, %mul3A_378 : vector<16xf32>
          %get3A_380 = arith.index_cast %add3A_355 : i32 to index
          %get3A_381 = arith.constant 64 : index
          %get3A_382 = tpu.vector_load %arg9[%get3A_380, %get3A_381] {strides = array<i32>} : memref<128x128xf32, #tpu.memory_space<vmem>>, vector<1x16xf32>,
          %get3A_383 = vector.shape_cast %get3A_382 : vector<1x16xf32> to vector<16xf32>
          %mul3A_384 = arith.mulf %gather3A_351, %get3A_383 : vector<16xf32>
          %add3A_385 = arith.addf %add3A_329, %mul3A_384 : vector<16xf32>
          %get3A_386 = arith.index_cast %add3A_355 : i32 to index
          %get3A_387 = arith.constant 80 : index
          %get3A_388 = tpu.vector_load %arg9[%get3A_386, %get3A_387] {strides = array<i32>} : memref<128x128xf32, #tpu.memory_space<vmem>>, vector<1x16xf32>,
          %get3A_389 = vector.shape_cast %get3A_388 : vector<1x16xf32> to vector<16xf32>
          %mul3A_390 = arith.mulf %gather3A_351, %get3A_389 : vector<16xf32>
          %add3A_391 = arith.addf %add3A_335, %mul3A_390 : vector<16xf32>
          %get3A_392 = arith.index_cast %add3A_355 : i32 to index
          %get3A_393 = arith.constant 96 : index
          %get3A_394 = tpu.vector_load %arg9[%get3A_392, %get3A_393] {strides = array<i32>} : memref<128x128xf32, #tpu.memory_space<vmem>>, vector<1x16xf32>,
          %get3A_395 = vector.shape_cast %get3A_394 : vector<1x16xf32> to vector<16xf32>
          %mul3A_396 = arith.mulf %gather3A_351, %get3A_395 : vector<16xf32>
          %add3A_397 = arith.addf %add3A_341, %mul3A_396 : vector<16xf32>
          %get3A_398 = arith.index_cast %add3A_355 : i32 to index
          %get3A_399 = arith.constant 112 : index
          %get3A_400 = tpu.vector_load %arg9[%get3A_398, %get3A_399] {strides = array<i32>} : memref<128x128xf32, #tpu.memory_space<vmem>>, vector<1x16xf32>,
          %get3A_401 = vector.shape_cast %get3A_400 : vector<1x16xf32> to vector<16xf32>
          %mul3A_402 = arith.mulf %gather3A_351, %get3A_401 : vector<16xf32>
          %add3A_403 = arith.addf %add3A_347, %mul3A_402 : vector<16xf32>
          %broadcast_in_dim3A_404 = arith.constant 5 : i32
          %broadcast_in_dim3A_405 = vector.broadcast %broadcast_in_dim3A_404 : i32 to vector<16x1xi32>
          %gather3A_406 = vector.shape_cast %broadcast_in_dim3A_405 : vector<16x1xi32> to vector<16xi32>
          %gather3A_407 = tpu.dynamic_gather %get3A_104[%gather3A_406] in [0] : vector<16xf32>, vector<16xi32> -> vector<16xf32>
          %mul3A_408 = arith.constant 32 : i32
          %mul3A_409 = arith.muli %scan3A_91, %mul3A_408 : i32
          %add3A_410 = arith.constant 5 : i32
          %add3A_411 = arith.addi %mul3A_409, %add3A_410 : i32
          %get3A_412 = arith.index_cast %add3A_411 : i32 to index
          %get3A_413 = arith.constant 0 : index
          %get3A_414 = tpu.vector_load %arg9[%get3A_412, %get3A_413] {strides = array<i32>} : memref<128x128xf32, #tpu.memory_space<vmem>>, vector<1x16xf32>,
          %get3A_415 = vector.shape_cast %get3A_414 : vector<1x16xf32> to vector<16xf32>
          %mul3A_416 = arith.mulf %gather3A_407, %get3A_415 : vector<16xf32>
          %add3A_417 = arith.addf %add3A_361, %mul3A_416 : vector<16xf32>
          %get3A_418 = arith.index_cast %add3A_411 : i32 to index
          %get3A_419 = arith.constant 16 : index
          %get3A_420 = tpu.vector_load %arg9[%get3A_418, %get3A_419] {strides = array<i32>} : memref<128x128xf32, #tpu.memory_space<vmem>>, vector<1x16xf32>,
          %get3A_421 = vector.shape_cast %get3A_420 : vector<1x16xf32> to vector<16xf32>
          %mul3A_422 = arith.mulf %gather3A_407, %get3A_421 : vector<16xf32>
          %add3A_423 = arith.addf %add3A_367, %mul3A_422 : vector<16xf32>
          %get3A_424 = arith.index_cast %add3A_411 : i32 to index
          %get3A_425 = arith.constant 32 : index
          %get3A_426 = tpu.vector_load %arg9[%get3A_424, %get3A_425] {strides = array<i32>} : memref<128x128xf32, #tpu.memory_space<vmem>>, vector<1x16xf32>,
          %get3A_427 = vector.shape_cast %get3A_426 : vector<1x16xf32> to vector<16xf32>
          %mul3A_428 = arith.mulf %gather3A_407, %get3A_427 : vector<16xf32>
          %add3A_429 = arith.addf %add3A_373, %mul3A_428 : vector<16xf32>
          %get3A_430 = arith.index_cast %add3A_411 : i32 to index
          %get3A_431 = arith.constant 48 : index
          %get3A_432 = tpu.vector_load %arg9[%get3A_430, %get3A_431] {strides = array<i32>} : memref<128x128xf32, #tpu.memory_space<vmem>>, vector<1x16xf32>,
          %get3A_433 = vector.shape_cast %get3A_432 : vector<1x16xf32> to vector<16xf32>
          %mul3A_434 = arith.mulf %gather3A_407, %get3A_433 : vector<16xf32>
          %add3A_435 = arith.addf %add3A_379, %mul3A_434 : vector<16xf32>
          %get3A_436 = arith.index_cast %add3A_411 : i32 to index
          %get3A_437 = arith.constant 64 : index
          %get3A_438 = tpu.vector_load %arg9[%get3A_436, %get3A_437] {strides = array<i32>} : memref<128x128xf32, #tpu.memory_space<vmem>>, vector<1x16xf32>,
          %get3A_439 = vector.shape_cast %get3A_438 : vector<1x16xf32> to vector<16xf32>
          %mul3A_440 = arith.mulf %gather3A_407, %get3A_439 : vector<16xf32>
          %add3A_441 = arith.addf %add3A_385, %mul3A_440 : vector<16xf32>
          %get3A_442 = arith.index_cast %add3A_411 : i32 to index
          %get3A_443 = arith.constant 80 : index
          %get3A_444 = tpu.vector_load %arg9[%get3A_442, %get3A_443] {strides = array<i32>} : memref<128x128xf32, #tpu.memory_space<vmem>>, vector<1x16xf32>,
          %get3A_445 = vector.shape_cast %get3A_444 : vector<1x16xf32> to vector<16xf32>
          %mul3A_446 = arith.mulf %gather3A_407, %get3A_445 : vector<16xf32>
          %add3A_447 = arith.addf %add3A_391, %mul3A_446 : vector<16xf32>
          %get3A_448 = arith.index_cast %add3A_411 : i32 to index
          %get3A_449 = arith.constant 96 : index
          %get3A_450 = tpu.vector_load %arg9[%get3A_448, %get3A_449] {strides = array<i32>} : memref<128x128xf32, #tpu.memory_space<vmem>>, vector<1x16xf32>,
          %get3A_451 = vector.shape_cast %get3A_450 : vector<1x16xf32> to vector<16xf32>
          %mul3A_452 = arith.mulf %gather3A_407, %get3A_451 : vector<16xf32>
          %add3A_453 = arith.addf %add3A_397, %mul3A_452 : vector<16xf32>
          %get3A_454 = arith.index_cast %add3A_411 : i32 to index
          %get3A_455 = arith.constant 112 : index
          %get3A_456 = tpu.vector_load %arg9[%get3A_454, %get3A_455] {strides = array<i32>} : memref<128x128xf32, #tpu.memory_space<vmem>>, vector<1x16xf32>,
          %get3A_457 = vector.shape_cast %get3A_456 : vector<1x16xf32> to vector<16xf32>
          %mul3A_458 = arith.mulf %gather3A_407, %get3A_457 : vector<16xf32>
          %add3A_459 = arith.addf %add3A_403, %mul3A_458 : vector<16xf32>
          %broadcast_in_dim3A_460 = arith.constant 6 : i32
          %broadcast_in_dim3A_461 = vector.broadcast %broadcast_in_dim3A_460 : i32 to vector<16x1xi32>
          %gather3A_462 = vector.shape_cast %broadcast_in_dim3A_461 : vector<16x1xi32> to vector<16xi32>
          %gather3A_463 = tpu.dynamic_gather %get3A_104[%gather3A_462] in [0] : vector<16xf32>, vector<16xi32> -> vector<16xf32>
          %mul3A_464 = arith.constant 32 : i32
          %mul3A_465 = arith.muli %scan3A_91, %mul3A_464 : i32
          %add3A_466 = arith.constant 6 : i32
          %add3A_467 = arith.addi %mul3A_465, %add3A_466 : i32
          %get3A_468 = arith.index_cast %add3A_467 : i32 to index
          %get3A_469 = arith.constant 0 : index
          %get3A_470 = tpu.vector_load %arg9[%get3A_468, %get3A_469] {strides = array<i32>} : memref<128x128xf32, #tpu.memory_space<vmem>>, vector<1x16xf32>,
          %get3A_471 = vector.shape_cast %get3A_470 : vector<1x16xf32> to vector<16xf32>
          %mul3A_472 = arith.mulf %gather3A_463, %get3A_471 : vector<16xf32>
          %add3A_473 = arith.addf %add3A_417, %mul3A_472 : vector<16xf32>
          %get3A_474 = arith.index_cast %add3A_467 : i32 to index
          %get3A_475 = arith.constant 16 : index
          %get3A_476 = tpu.vector_load %arg9[%get3A_474, %get3A_475] {strides = array<i32>} : memref<128x128xf32, #tpu.memory_space<vmem>>, vector<1x16xf32>,
          %get3A_477 = vector.shape_cast %get3A_476 : vector<1x16xf32> to vector<16xf32>
          %mul3A_478 = arith.mulf %gather3A_463, %get3A_477 : vector<16xf32>
          %add3A_479 = arith.addf %add3A_423, %mul3A_478 : vector<16xf32>
          %get3A_480 = arith.index_cast %add3A_467 : i32 to index
          %get3A_481 = arith.constant 32 : index
          %get3A_482 = tpu.vector_load %arg9[%get3A_480, %get3A_481] {strides = array<i32>} : memref<128x128xf32, #tpu.memory_space<vmem>>, vector<1x16xf32>,
          %get3A_483 = vector.shape_cast %get3A_482 : vector<1x16xf32> to vector<16xf32>
          %mul3A_484 = arith.mulf %gather3A_463, %get3A_483 : vector<16xf32>
          %add3A_485 = arith.addf %add3A_429, %mul3A_484 : vector<16xf32>
          %get3A_486 = arith.index_cast %add3A_467 : i32 to index
          %get3A_487 = arith.constant 48 : index
          %get3A_488 = tpu.vector_load %arg9[%get3A_486, %get3A_487] {strides = array<i32>} : memref<128x128xf32, #tpu.memory_space<vmem>>, vector<1x16xf32>,
          %get3A_489 = vector.shape_cast %get3A_488 : vector<1x16xf32> to vector<16xf32>
          %mul3A_490 = arith.mulf %gather3A_463, %get3A_489 : vector<16xf32>
          %add3A_491 = arith.addf %add3A_435, %mul3A_490 : vector<16xf32>
          %get3A_492 = arith.index_cast %add3A_467 : i32 to index
          %get3A_493 = arith.constant 64 : index
          %get3A_494 = tpu.vector_load %arg9[%get3A_492, %get3A_493] {strides = array<i32>} : memref<128x128xf32, #tpu.memory_space<vmem>>, vector<1x16xf32>,
          %get3A_495 = vector.shape_cast %get3A_494 : vector<1x16xf32> to vector<16xf32>
          %mul3A_496 = arith.mulf %gather3A_463, %get3A_495 : vector<16xf32>
          %add3A_497 = arith.addf %add3A_441, %mul3A_496 : vector<16xf32>
          %get3A_498 = arith.index_cast %add3A_467 : i32 to index
          %get3A_499 = arith.constant 80 : index
          %get3A_500 = tpu.vector_load %arg9[%get3A_498, %get3A_499] {strides = array<i32>} : memref<128x128xf32, #tpu.memory_space<vmem>>, vector<1x16xf32>,
          %get3A_501 = vector.shape_cast %get3A_500 : vector<1x16xf32> to vector<16xf32>
          %mul3A_502 = arith.mulf %gather3A_463, %get3A_501 : vector<16xf32>
          %add3A_503 = arith.addf %add3A_447, %mul3A_502 : vector<16xf32>
          %get3A_504 = arith.index_cast %add3A_467 : i32 to index
          %get3A_505 = arith.constant 96 : index
          %get3A_506 = tpu.vector_load %arg9[%get3A_504, %get3A_505] {strides = array<i32>} : memref<128x128xf32, #tpu.memory_space<vmem>>, vector<1x16xf32>,
          %get3A_507 = vector.shape_cast %get3A_506 : vector<1x16xf32> to vector<16xf32>
          %mul3A_508 = arith.mulf %gather3A_463, %get3A_507 : vector<16xf32>
          %add3A_509 = arith.addf %add3A_453, %mul3A_508 : vector<16xf32>
          %get3A_510 = arith.index_cast %add3A_467 : i32 to index
          %get3A_511 = arith.constant 112 : index
          %get3A_512 = tpu.vector_load %arg9[%get3A_510, %get3A_511] {strides = array<i32>} : memref<128x128xf32, #tpu.memory_space<vmem>>, vector<1x16xf32>,
          %get3A_513 = vector.shape_cast %get3A_512 : vector<1x16xf32> to vector<16xf32>
          %mul3A_514 = arith.mulf %gather3A_463, %get3A_513 : vector<16xf32>
          %add3A_515 = arith.addf %add3A_459, %mul3A_514 : vector<16xf32>
          %broadcast_in_dim3A_516 = arith.constant 7 : i32
          %broadcast_in_dim3A_517 = vector.broadcast %broadcast_in_dim3A_516 : i32 to vector<16x1xi32>
          %gather3A_518 = vector.shape_cast %broadcast_in_dim3A_517 : vector<16x1xi32> to vector<16xi32>
          %gather3A_519 = tpu.dynamic_gather %get3A_104[%gather3A_518] in [0] : vector<16xf32>, vector<16xi32> -> vector<16xf32>
          %mul3A_520 = arith.constant 32 : i32
          %mul3A_521 = arith.muli %scan3A_91, %mul3A_520 : i32
          %add3A_522 = arith.constant 7 : i32
          %add3A_523 = arith.addi %mul3A_521, %add3A_522 : i32
          %get3A_524 = arith.index_cast %add3A_523 : i32 to index
          %get3A_525 = arith.constant 0 : index
          %get3A_526 = tpu.vector_load %arg9[%get3A_524, %get3A_525] {strides = array<i32>} : memref<128x128xf32, #tpu.memory_space<vmem>>, vector<1x16xf32>,
          %get3A_527 = vector.shape_cast %get3A_526 : vector<1x16xf32> to vector<16xf32>
          %mul3A_528 = arith.mulf %gather3A_519, %get3A_527 : vector<16xf32>
          %add3A_529 = arith.addf %add3A_473, %mul3A_528 : vector<16xf32>
          %get3A_530 = arith.index_cast %add3A_523 : i32 to index
          %get3A_531 = arith.constant 16 : index
          %get3A_532 = tpu.vector_load %arg9[%get3A_530, %get3A_531] {strides = array<i32>} : memref<128x128xf32, #tpu.memory_space<vmem>>, vector<1x16xf32>,
          %get3A_533 = vector.shape_cast %get3A_532 : vector<1x16xf32> to vector<16xf32>
          %mul3A_534 = arith.mulf %gather3A_519, %get3A_533 : vector<16xf32>
          %add3A_535 = arith.addf %add3A_479, %mul3A_534 : vector<16xf32>
          %get3A_536 = arith.index_cast %add3A_523 : i32 to index
          %get3A_537 = arith.constant 32 : index
          %get3A_538 = tpu.vector_load %arg9[%get3A_536, %get3A_537] {strides = array<i32>} : memref<128x128xf32, #tpu.memory_space<vmem>>, vector<1x16xf32>,
          %get3A_539 = vector.shape_cast %get3A_538 : vector<1x16xf32> to vector<16xf32>
          %mul3A_540 = arith.mulf %gather3A_519, %get3A_539 : vector<16xf32>
          %add3A_541 = arith.addf %add3A_485, %mul3A_540 : vector<16xf32>
          %get3A_542 = arith.index_cast %add3A_523 : i32 to index
          %get3A_543 = arith.constant 48 : index
          %get3A_544 = tpu.vector_load %arg9[%get3A_542, %get3A_543] {strides = array<i32>} : memref<128x128xf32, #tpu.memory_space<vmem>>, vector<1x16xf32>,
          %get3A_545 = vector.shape_cast %get3A_544 : vector<1x16xf32> to vector<16xf32>
          %mul3A_546 = arith.mulf %gather3A_519, %get3A_545 : vector<16xf32>
          %add3A_547 = arith.addf %add3A_491, %mul3A_546 : vector<16xf32>
          %get3A_548 = arith.index_cast %add3A_523 : i32 to index
          %get3A_549 = arith.constant 64 : index
          %get3A_550 = tpu.vector_load %arg9[%get3A_548, %get3A_549] {strides = array<i32>} : memref<128x128xf32, #tpu.memory_space<vmem>>, vector<1x16xf32>,
          %get3A_551 = vector.shape_cast %get3A_550 : vector<1x16xf32> to vector<16xf32>
          %mul3A_552 = arith.mulf %gather3A_519, %get3A_551 : vector<16xf32>
          %add3A_553 = arith.addf %add3A_497, %mul3A_552 : vector<16xf32>
          %get3A_554 = arith.index_cast %add3A_523 : i32 to index
          %get3A_555 = arith.constant 80 : index
          %get3A_556 = tpu.vector_load %arg9[%get3A_554, %get3A_555] {strides = array<i32>} : memref<128x128xf32, #tpu.memory_space<vmem>>, vector<1x16xf32>,
          %get3A_557 = vector.shape_cast %get3A_556 : vector<1x16xf32> to vector<16xf32>
          %mul3A_558 = arith.mulf %gather3A_519, %get3A_557 : vector<16xf32>
          %add3A_559 = arith.addf %add3A_503, %mul3A_558 : vector<16xf32>
          %get3A_560 = arith.index_cast %add3A_523 : i32 to index
          %get3A_561 = arith.constant 96 : index
          %get3A_562 = tpu.vector_load %arg9[%get3A_560, %get3A_561] {strides = array<i32>} : memref<128x128xf32, #tpu.memory_space<vmem>>, vector<1x16xf32>,
          %get3A_563 = vector.shape_cast %get3A_562 : vector<1x16xf32> to vector<16xf32>
          %mul3A_564 = arith.mulf %gather3A_519, %get3A_563 : vector<16xf32>
          %add3A_565 = arith.addf %add3A_509, %mul3A_564 : vector<16xf32>
          %get3A_566 = arith.index_cast %add3A_523 : i32 to index
          %get3A_567 = arith.constant 112 : index
          %get3A_568 = tpu.vector_load %arg9[%get3A_566, %get3A_567] {strides = array<i32>} : memref<128x128xf32, #tpu.memory_space<vmem>>, vector<1x16xf32>,
          %get3A_569 = vector.shape_cast %get3A_568 : vector<1x16xf32> to vector<16xf32>
          %mul3A_570 = arith.mulf %gather3A_519, %get3A_569 : vector<16xf32>
          %add3A_571 = arith.addf %add3A_515, %mul3A_570 : vector<16xf32>
          %broadcast_in_dim3A_572 = arith.constant 8 : i32
          %broadcast_in_dim3A_573 = vector.broadcast %broadcast_in_dim3A_572 : i32 to vector<16x1xi32>
          %gather3A_574 = vector.shape_cast %broadcast_in_dim3A_573 : vector<16x1xi32> to vector<16xi32>
          %gather3A_575 = tpu.dynamic_gather %get3A_104[%gather3A_574] in [0] : vector<16xf32>, vector<16xi32> -> vector<16xf32>
          %mul3A_576 = arith.constant 32 : i32
          %mul3A_577 = arith.muli %scan3A_91, %mul3A_576 : i32
          %add3A_578 = arith.constant 8 : i32
          %add3A_579 = arith.addi %mul3A_577, %add3A_578 : i32
          %get3A_580 = arith.index_cast %add3A_579 : i32 to index
          %get3A_581 = arith.constant 0 : index
          %get3A_582 = tpu.vector_load %arg9[%get3A_580, %get3A_581] {strides = array<i32>} : memref<128x128xf32, #tpu.memory_space<vmem>>, vector<1x16xf32>,
          %get3A_583 = vector.shape_cast %get3A_582 : vector<1x16xf32> to vector<16xf32>
          %mul3A_584 = arith.mulf %gather3A_575, %get3A_583 : vector<16xf32>
          %add3A_585 = arith.addf %add3A_529, %mul3A_584 : vector<16xf32>
          %get3A_586 = arith.index_cast %add3A_579 : i32 to index
          %get3A_587 = arith.constant 16 : index
          %get3A_588 = tpu.vector_load %arg9[%get3A_586, %get3A_587] {strides = array<i32>} : memref<128x128xf32, #tpu.memory_space<vmem>>, vector<1x16xf32>,
          %get3A_589 = vector.shape_cast %get3A_588 : vector<1x16xf32> to vector<16xf32>
          %mul3A_590 = arith.mulf %gather3A_575, %get3A_589 : vector<16xf32>
          %add3A_591 = arith.addf %add3A_535, %mul3A_590 : vector<16xf32>
          %get3A_592 = arith.index_cast %add3A_579 : i32 to index
          %get3A_593 = arith.constant 32 : index
          %get3A_594 = tpu.vector_load %arg9[%get3A_592, %get3A_593] {strides = array<i32>} : memref<128x128xf32, #tpu.memory_space<vmem>>, vector<1x16xf32>,
          %get3A_595 = vector.shape_cast %get3A_594 : vector<1x16xf32> to vector<16xf32>
          %mul3A_596 = arith.mulf %gather3A_575, %get3A_595 : vector<16xf32>
          %add3A_597 = arith.addf %add3A_541, %mul3A_596 : vector<16xf32>
          %get3A_598 = arith.index_cast %add3A_579 : i32 to index
          %get3A_599 = arith.constant 48 : index
          %get3A_600 = tpu.vector_load %arg9[%get3A_598, %get3A_599] {strides = array<i32>} : memref<128x128xf32, #tpu.memory_space<vmem>>, vector<1x16xf32>,
          %get3A_601 = vector.shape_cast %get3A_600 : vector<1x16xf32> to vector<16xf32>
          %mul3A_602 = arith.mulf %gather3A_575, %get3A_601 : vector<16xf32>
          %add3A_603 = arith.addf %add3A_547, %mul3A_602 : vector<16xf32>
          %get3A_604 = arith.index_cast %add3A_579 : i32 to index
          %get3A_605 = arith.constant 64 : index
          %get3A_606 = tpu.vector_load %arg9[%get3A_604, %get3A_605] {strides = array<i32>} : memref<128x128xf32, #tpu.memory_space<vmem>>, vector<1x16xf32>,
          %get3A_607 = vector.shape_cast %get3A_606 : vector<1x16xf32> to vector<16xf32>
          %mul3A_608 = arith.mulf %gather3A_575, %get3A_607 : vector<16xf32>
          %add3A_609 = arith.addf %add3A_553, %mul3A_608 : vector<16xf32>
          %get3A_610 = arith.index_cast %add3A_579 : i32 to index
          %get3A_611 = arith.constant 80 : index
          %get3A_612 = tpu.vector_load %arg9[%get3A_610, %get3A_611] {strides = array<i32>} : memref<128x128xf32, #tpu.memory_space<vmem>>, vector<1x16xf32>,
          %get3A_613 = vector.shape_cast %get3A_612 : vector<1x16xf32> to vector<16xf32>
          %mul3A_614 = arith.mulf %gather3A_575, %get3A_613 : vector<16xf32>
          %add3A_615 = arith.addf %add3A_559, %mul3A_614 : vector<16xf32>
          %get3A_616 = arith.index_cast %add3A_579 : i32 to index
          %get3A_617 = arith.constant 96 : index
          %get3A_618 = tpu.vector_load %arg9[%get3A_616, %get3A_617] {strides = array<i32>} : memref<128x128xf32, #tpu.memory_space<vmem>>, vector<1x16xf32>,
          %get3A_619 = vector.shape_cast %get3A_618 : vector<1x16xf32> to vector<16xf32>
          %mul3A_620 = arith.mulf %gather3A_575, %get3A_619 : vector<16xf32>
          %add3A_621 = arith.addf %add3A_565, %mul3A_620 : vector<16xf32>
          %get3A_622 = arith.index_cast %add3A_579 : i32 to index
          %get3A_623 = arith.constant 112 : index
          %get3A_624 = tpu.vector_load %arg9[%get3A_622, %get3A_623] {strides = array<i32>} : memref<128x128xf32, #tpu.memory_space<vmem>>, vector<1x16xf32>,
          %get3A_625 = vector.shape_cast %get3A_624 : vector<1x16xf32> to vector<16xf32>
          %mul3A_626 = arith.mulf %gather3A_575, %get3A_625 : vector<16xf32>
          %add3A_627 = arith.addf %add3A_571, %mul3A_626 : vector<16xf32>
          %broadcast_in_dim3A_628 = arith.constant 9 : i32
          %broadcast_in_dim3A_629 = vector.broadcast %broadcast_in_dim3A_628 : i32 to vector<16x1xi32>
          %gather3A_630 = vector.shape_cast %broadcast_in_dim3A_629 : vector<16x1xi32> to vector<16xi32>
          %gather3A_631 = tpu.dynamic_gather %get3A_104[%gather3A_630] in [0] : vector<16xf32>, vector<16xi32> -> vector<16xf32>
          %mul3A_632 = arith.constant 32 : i32
          %mul3A_633 = arith.muli %scan3A_91, %mul3A_632 : i32
          %add3A_634 = arith.constant 9 : i32
          %add3A_635 = arith.addi %mul3A_633, %add3A_634 : i32
          %get3A_636 = arith.index_cast %add3A_635 : i32 to index
          %get3A_637 = arith.constant 0 : index
          %get3A_638 = tpu.vector_load %arg9[%get3A_636, %get3A_637] {strides = array<i32>} : memref<128x128xf32, #tpu.memory_space<vmem>>, vector<1x16xf32>,
          %get3A_639 = vector.shape_cast %get3A_638 : vector<1x16xf32> to vector<16xf32>
          %mul3A_640 = arith.mulf %gather3A_631, %get3A_639 : vector<16xf32>
          %add3A_641 = arith.addf %add3A_585, %mul3A_640 : vector<16xf32>
          %get3A_642 = arith.index_cast %add3A_635 : i32 to index
          %get3A_643 = arith.constant 16 : index
          %get3A_644 = tpu.vector_load %arg9[%get3A_642, %get3A_643] {strides = array<i32>} : memref<128x128xf32, #tpu.memory_space<vmem>>, vector<1x16xf32>,
          %get3A_645 = vector.shape_cast %get3A_644 : vector<1x16xf32> to vector<16xf32>
          %mul3A_646 = arith.mulf %gather3A_631, %get3A_645 : vector<16xf32>
          %add3A_647 = arith.addf %add3A_591, %mul3A_646 : vector<16xf32>
          %get3A_648 = arith.index_cast %add3A_635 : i32 to index
          %get3A_649 = arith.constant 32 : index
          %get3A_650 = tpu.vector_load %arg9[%get3A_648, %get3A_649] {strides = array<i32>} : memref<128x128xf32, #tpu.memory_space<vmem>>, vector<1x16xf32>,
          %get3A_651 = vector.shape_cast %get3A_650 : vector<1x16xf32> to vector<16xf32>
          %mul3A_652 = arith.mulf %gather3A_631, %get3A_651 : vector<16xf32>
          %add3A_653 = arith.addf %add3A_597, %mul3A_652 : vector<16xf32>
          %get3A_654 = arith.index_cast %add3A_635 : i32 to index
          %get3A_655 = arith.constant 48 : index
          %get3A_656 = tpu.vector_load %arg9[%get3A_654, %get3A_655] {strides = array<i32>} : memref<128x128xf32, #tpu.memory_space<vmem>>, vector<1x16xf32>,
          %get3A_657 = vector.shape_cast %get3A_656 : vector<1x16xf32> to vector<16xf32>
          %mul3A_658 = arith.mulf %gather3A_631, %get3A_657 : vector<16xf32>
          %add3A_659 = arith.addf %add3A_603, %mul3A_658 : vector<16xf32>
          %get3A_660 = arith.index_cast %add3A_635 : i32 to index
          %get3A_661 = arith.constant 64 : index
          %get3A_662 = tpu.vector_load %arg9[%get3A_660, %get3A_661] {strides = array<i32>} : memref<128x128xf32, #tpu.memory_space<vmem>>, vector<1x16xf32>,
          %get3A_663 = vector.shape_cast %get3A_662 : vector<1x16xf32> to vector<16xf32>
          %mul3A_664 = arith.mulf %gather3A_631, %get3A_663 : vector<16xf32>
          %add3A_665 = arith.addf %add3A_609, %mul3A_664 : vector<16xf32>
          %get3A_666 = arith.index_cast %add3A_635 : i32 to index
          %get3A_667 = arith.constant 80 : index
          %get3A_668 = tpu.vector_load %arg9[%get3A_666, %get3A_667] {strides = array<i32>} : memref<128x128xf32, #tpu.memory_space<vmem>>, vector<1x16xf32>,
          %get3A_669 = vector.shape_cast %get3A_668 : vector<1x16xf32> to vector<16xf32>
          %mul3A_670 = arith.mulf %gather3A_631, %get3A_669 : vector<16xf32>
          %add3A_671 = arith.addf %add3A_615, %mul3A_670 : vector<16xf32>
          %get3A_672 = arith.index_cast %add3A_635 : i32 to index
          %get3A_673 = arith.constant 96 : index
          %get3A_674 = tpu.vector_load %arg9[%get3A_672, %get3A_673] {strides = array<i32>} : memref<128x128xf32, #tpu.memory_space<vmem>>, vector<1x16xf32>,
          %get3A_675 = vector.shape_cast %get3A_674 : vector<1x16xf32> to vector<16xf32>
          %mul3A_676 = arith.mulf %gather3A_631, %get3A_675 : vector<16xf32>
          %add3A_677 = arith.addf %add3A_621, %mul3A_676 : vector<16xf32>
          %get3A_678 = arith.index_cast %add3A_635 : i32 to index
          %get3A_679 = arith.constant 112 : index
          %get3A_680 = tpu.vector_load %arg9[%get3A_678, %get3A_679] {strides = array<i32>} : memref<128x128xf32, #tpu.memory_space<vmem>>, vector<1x16xf32>,
          %get3A_681 = vector.shape_cast %get3A_680 : vector<1x16xf32> to vector<16xf32>
          %mul3A_682 = arith.mulf %gather3A_631, %get3A_681 : vector<16xf32>
          %add3A_683 = arith.addf %add3A_627, %mul3A_682 : vector<16xf32>
          %broadcast_in_dim3A_684 = arith.constant 10 : i32
          %broadcast_in_dim3A_685 = vector.broadcast %broadcast_in_dim3A_684 : i32 to vector<16x1xi32>
          %gather3A_686 = vector.shape_cast %broadcast_in_dim3A_685 : vector<16x1xi32> to vector<16xi32>
          %gather3A_687 = tpu.dynamic_gather %get3A_104[%gather3A_686] in [0] : vector<16xf32>, vector<16xi32> -> vector<16xf32>
          %mul3A_688 = arith.constant 32 : i32
          %mul3A_689 = arith.muli %scan3A_91, %mul3A_688 : i32
          %add3A_690 = arith.constant 10 : i32
          %add3A_691 = arith.addi %mul3A_689, %add3A_690 : i32
          %get3A_692 = arith.index_cast %add3A_691 : i32 to index
          %get3A_693 = arith.constant 0 : index
          %get3A_694 = tpu.vector_load %arg9[%get3A_692, %get3A_693] {strides = array<i32>} : memref<128x128xf32, #tpu.memory_space<vmem>>, vector<1x16xf32>,
          %get3A_695 = vector.shape_cast %get3A_694 : vector<1x16xf32> to vector<16xf32>
          %mul3A_696 = arith.mulf %gather3A_687, %get3A_695 : vector<16xf32>
          %add3A_697 = arith.addf %add3A_641, %mul3A_696 : vector<16xf32>
          %get3A_698 = arith.index_cast %add3A_691 : i32 to index
          %get3A_699 = arith.constant 16 : index
          %get3A_700 = tpu.vector_load %arg9[%get3A_698, %get3A_699] {strides = array<i32>} : memref<128x128xf32, #tpu.memory_space<vmem>>, vector<1x16xf32>,
          %get3A_701 = vector.shape_cast %get3A_700 : vector<1x16xf32> to vector<16xf32>
          %mul3A_702 = arith.mulf %gather3A_687, %get3A_701 : vector<16xf32>
          %add3A_703 = arith.addf %add3A_647, %mul3A_702 : vector<16xf32>
          %get3A_704 = arith.index_cast %add3A_691 : i32 to index
          %get3A_705 = arith.constant 32 : index
          %get3A_706 = tpu.vector_load %arg9[%get3A_704, %get3A_705] {strides = array<i32>} : memref<128x128xf32, #tpu.memory_space<vmem>>, vector<1x16xf32>,
          %get3A_707 = vector.shape_cast %get3A_706 : vector<1x16xf32> to vector<16xf32>
          %mul3A_708 = arith.mulf %gather3A_687, %get3A_707 : vector<16xf32>
          %add3A_709 = arith.addf %add3A_653, %mul3A_708 : vector<16xf32>
          %get3A_710 = arith.index_cast %add3A_691 : i32 to index
          %get3A_711 = arith.constant 48 : index
          %get3A_712 = tpu.vector_load %arg9[%get3A_710, %get3A_711] {strides = array<i32>} : memref<128x128xf32, #tpu.memory_space<vmem>>, vector<1x16xf32>,
          %get3A_713 = vector.shape_cast %get3A_712 : vector<1x16xf32> to vector<16xf32>
          %mul3A_714 = arith.mulf %gather3A_687, %get3A_713 : vector<16xf32>
          %add3A_715 = arith.addf %add3A_659, %mul3A_714 : vector<16xf32>
          %get3A_716 = arith.index_cast %add3A_691 : i32 to index
          %get3A_717 = arith.constant 64 : index
          %get3A_718 = tpu.vector_load %arg9[%get3A_716, %get3A_717] {strides = array<i32>} : memref<128x128xf32, #tpu.memory_space<vmem>>, vector<1x16xf32>,
          %get3A_719 = vector.shape_cast %get3A_718 : vector<1x16xf32> to vector<16xf32>
          %mul3A_720 = arith.mulf %gather3A_687, %get3A_719 : vector<16xf32>
          %add3A_721 = arith.addf %add3A_665, %mul3A_720 : vector<16xf32>
          %get3A_722 = arith.index_cast %add3A_691 : i32 to index
          %get3A_723 = arith.constant 80 : index
          %get3A_724 = tpu.vector_load %arg9[%get3A_722, %get3A_723] {strides = array<i32>} : memref<128x128xf32, #tpu.memory_space<vmem>>, vector<1x16xf32>,
          %get3A_725 = vector.shape_cast %get3A_724 : vector<1x16xf32> to vector<16xf32>
          %mul3A_726 = arith.mulf %gather3A_687, %get3A_725 : vector<16xf32>
          %add3A_727 = arith.addf %add3A_671, %mul3A_726 : vector<16xf32>
          %get3A_728 = arith.index_cast %add3A_691 : i32 to index
          %get3A_729 = arith.constant 96 : index
          %get3A_730 = tpu.vector_load %arg9[%get3A_728, %get3A_729] {strides = array<i32>} : memref<128x128xf32, #tpu.memory_space<vmem>>, vector<1x16xf32>,
          %get3A_731 = vector.shape_cast %get3A_730 : vector<1x16xf32> to vector<16xf32>
          %mul3A_732 = arith.mulf %gather3A_687, %get3A_731 : vector<16xf32>
          %add3A_733 = arith.addf %add3A_677, %mul3A_732 : vector<16xf32>
          %get3A_734 = arith.index_cast %add3A_691 : i32 to index
          %get3A_735 = arith.constant 112 : index
          %get3A_736 = tpu.vector_load %arg9[%get3A_734, %get3A_735] {strides = array<i32>} : memref<128x128xf32, #tpu.memory_space<vmem>>, vector<1x16xf32>,
          %get3A_737 = vector.shape_cast %get3A_736 : vector<1x16xf32> to vector<16xf32>
          %mul3A_738 = arith.mulf %gather3A_687, %get3A_737 : vector<16xf32>
          %add3A_739 = arith.addf %add3A_683, %mul3A_738 : vector<16xf32>
          %broadcast_in_dim3A_740 = arith.constant 11 : i32
          %broadcast_in_dim3A_741 = vector.broadcast %broadcast_in_dim3A_740 : i32 to vector<16x1xi32>
          %gather3A_742 = vector.shape_cast %broadcast_in_dim3A_741 : vector<16x1xi32> to vector<16xi32>
          %gather3A_743 = tpu.dynamic_gather %get3A_104[%gather3A_742] in [0] : vector<16xf32>, vector<16xi32> -> vector<16xf32>
          %mul3A_744 = arith.constant 32 : i32
          %mul3A_745 = arith.muli %scan3A_91, %mul3A_744 : i32
          %add3A_746 = arith.constant 11 : i32
          %add3A_747 = arith.addi %mul3A_745, %add3A_746 : i32
          %get3A_748 = arith.index_cast %add3A_747 : i32 to index
          %get3A_749 = arith.constant 0 : index
          %get3A_750 = tpu.vector_load %arg9[%get3A_748, %get3A_749] {strides = array<i32>} : memref<128x128xf32, #tpu.memory_space<vmem>>, vector<1x16xf32>,
          %get3A_751 = vector.shape_cast %get3A_750 : vector<1x16xf32> to vector<16xf32>
          %mul3A_752 = arith.mulf %gather3A_743, %get3A_751 : vector<16xf32>
          %add3A_753 = arith.addf %add3A_697, %mul3A_752 : vector<16xf32>
          %get3A_754 = arith.index_cast %add3A_747 : i32 to index
          %get3A_755 = arith.constant 16 : index
          %get3A_756 = tpu.vector_load %arg9[%get3A_754, %get3A_755] {strides = array<i32>} : memref<128x128xf32, #tpu.memory_space<vmem>>, vector<1x16xf32>,
          %get3A_757 = vector.shape_cast %get3A_756 : vector<1x16xf32> to vector<16xf32>
          %mul3A_758 = arith.mulf %gather3A_743, %get3A_757 : vector<16xf32>
          %add3A_759 = arith.addf %add3A_703, %mul3A_758 : vector<16xf32>
          %get3A_760 = arith.index_cast %add3A_747 : i32 to index
          %get3A_761 = arith.constant 32 : index
          %get3A_762 = tpu.vector_load %arg9[%get3A_760, %get3A_761] {strides = array<i32>} : memref<128x128xf32, #tpu.memory_space<vmem>>, vector<1x16xf32>,
          %get3A_763 = vector.shape_cast %get3A_762 : vector<1x16xf32> to vector<16xf32>
          %mul3A_764 = arith.mulf %gather3A_743, %get3A_763 : vector<16xf32>
          %add3A_765 = arith.addf %add3A_709, %mul3A_764 : vector<16xf32>
          %get3A_766 = arith.index_cast %add3A_747 : i32 to index
          %get3A_767 = arith.constant 48 : index
          %get3A_768 = tpu.vector_load %arg9[%get3A_766, %get3A_767] {strides = array<i32>} : memref<128x128xf32, #tpu.memory_space<vmem>>, vector<1x16xf32>,
          %get3A_769 = vector.shape_cast %get3A_768 : vector<1x16xf32> to vector<16xf32>
          %mul3A_770 = arith.mulf %gather3A_743, %get3A_769 : vector<16xf32>
          %add3A_771 = arith.addf %add3A_715, %mul3A_770 : vector<16xf32>
          %get3A_772 = arith.index_cast %add3A_747 : i32 to index
          %get3A_773 = arith.constant 64 : index
          %get3A_774 = tpu.vector_load %arg9[%get3A_772, %get3A_773] {strides = array<i32>} : memref<128x128xf32, #tpu.memory_space<vmem>>, vector<1x16xf32>,
          %get3A_775 = vector.shape_cast %get3A_774 : vector<1x16xf32> to vector<16xf32>
          %mul3A_776 = arith.mulf %gather3A_743, %get3A_775 : vector<16xf32>
          %add3A_777 = arith.addf %add3A_721, %mul3A_776 : vector<16xf32>
          %get3A_778 = arith.index_cast %add3A_747 : i32 to index
          %get3A_779 = arith.constant 80 : index
          %get3A_780 = tpu.vector_load %arg9[%get3A_778, %get3A_779] {strides = array<i32>} : memref<128x128xf32, #tpu.memory_space<vmem>>, vector<1x16xf32>,
          %get3A_781 = vector.shape_cast %get3A_780 : vector<1x16xf32> to vector<16xf32>
          %mul3A_782 = arith.mulf %gather3A_743, %get3A_781 : vector<16xf32>
          %add3A_783 = arith.addf %add3A_727, %mul3A_782 : vector<16xf32>
          %get3A_784 = arith.index_cast %add3A_747 : i32 to index
          %get3A_785 = arith.constant 96 : index
          %get3A_786 = tpu.vector_load %arg9[%get3A_784, %get3A_785] {strides = array<i32>} : memref<128x128xf32, #tpu.memory_space<vmem>>, vector<1x16xf32>,
          %get3A_787 = vector.shape_cast %get3A_786 : vector<1x16xf32> to vector<16xf32>
          %mul3A_788 = arith.mulf %gather3A_743, %get3A_787 : vector<16xf32>
          %add3A_789 = arith.addf %add3A_733, %mul3A_788 : vector<16xf32>
          %get3A_790 = arith.index_cast %add3A_747 : i32 to index
          %get3A_791 = arith.constant 112 : index
          %get3A_792 = tpu.vector_load %arg9[%get3A_790, %get3A_791] {strides = array<i32>} : memref<128x128xf32, #tpu.memory_space<vmem>>, vector<1x16xf32>,
          %get3A_793 = vector.shape_cast %get3A_792 : vector<1x16xf32> to vector<16xf32>
          %mul3A_794 = arith.mulf %gather3A_743, %get3A_793 : vector<16xf32>
          %add3A_795 = arith.addf %add3A_739, %mul3A_794 : vector<16xf32>
          %broadcast_in_dim3A_796 = arith.constant 12 : i32
          %broadcast_in_dim3A_797 = vector.broadcast %broadcast_in_dim3A_796 : i32 to vector<16x1xi32>
          %gather3A_798 = vector.shape_cast %broadcast_in_dim3A_797 : vector<16x1xi32> to vector<16xi32>
          %gather3A_799 = tpu.dynamic_gather %get3A_104[%gather3A_798] in [0] : vector<16xf32>, vector<16xi32> -> vector<16xf32>
          %mul3A_800 = arith.constant 32 : i32
          %mul3A_801 = arith.muli %scan3A_91, %mul3A_800 : i32
          %add3A_802 = arith.constant 12 : i32
          %add3A_803 = arith.addi %mul3A_801, %add3A_802 : i32
          %get3A_804 = arith.index_cast %add3A_803 : i32 to index
          %get3A_805 = arith.constant 0 : index
          %get3A_806 = tpu.vector_load %arg9[%get3A_804, %get3A_805] {strides = array<i32>} : memref<128x128xf32, #tpu.memory_space<vmem>>, vector<1x16xf32>,
          %get3A_807 = vector.shape_cast %get3A_806 : vector<1x16xf32> to vector<16xf32>
          %mul3A_808 = arith.mulf %gather3A_799, %get3A_807 : vector<16xf32>
          %add3A_809 = arith.addf %add3A_753, %mul3A_808 : vector<16xf32>
          %get3A_810 = arith.index_cast %add3A_803 : i32 to index
          %get3A_811 = arith.constant 16 : index
          %get3A_812 = tpu.vector_load %arg9[%get3A_810, %get3A_811] {strides = array<i32>} : memref<128x128xf32, #tpu.memory_space<vmem>>, vector<1x16xf32>,
          %get3A_813 = vector.shape_cast %get3A_812 : vector<1x16xf32> to vector<16xf32>
          %mul3A_814 = arith.mulf %gather3A_799, %get3A_813 : vector<16xf32>
          %add3A_815 = arith.addf %add3A_759, %mul3A_814 : vector<16xf32>
          %get3A_816 = arith.index_cast %add3A_803 : i32 to index
          %get3A_817 = arith.constant 32 : index
          %get3A_818 = tpu.vector_load %arg9[%get3A_816, %get3A_817] {strides = array<i32>} : memref<128x128xf32, #tpu.memory_space<vmem>>, vector<1x16xf32>,
          %get3A_819 = vector.shape_cast %get3A_818 : vector<1x16xf32> to vector<16xf32>
          %mul3A_820 = arith.mulf %gather3A_799, %get3A_819 : vector<16xf32>
          %add3A_821 = arith.addf %add3A_765, %mul3A_820 : vector<16xf32>
          %get3A_822 = arith.index_cast %add3A_803 : i32 to index
          %get3A_823 = arith.constant 48 : index
          %get3A_824 = tpu.vector_load %arg9[%get3A_822, %get3A_823] {strides = array<i32>} : memref<128x128xf32, #tpu.memory_space<vmem>>, vector<1x16xf32>,
          %get3A_825 = vector.shape_cast %get3A_824 : vector<1x16xf32> to vector<16xf32>
          %mul3A_826 = arith.mulf %gather3A_799, %get3A_825 : vector<16xf32>
          %add3A_827 = arith.addf %add3A_771, %mul3A_826 : vector<16xf32>
          %get3A_828 = arith.index_cast %add3A_803 : i32 to index
          %get3A_829 = arith.constant 64 : index
          %get3A_830 = tpu.vector_load %arg9[%get3A_828, %get3A_829] {strides = array<i32>} : memref<128x128xf32, #tpu.memory_space<vmem>>, vector<1x16xf32>,
          %get3A_831 = vector.shape_cast %get3A_830 : vector<1x16xf32> to vector<16xf32>
          %mul3A_832 = arith.mulf %gather3A_799, %get3A_831 : vector<16xf32>
          %add3A_833 = arith.addf %add3A_777, %mul3A_832 : vector<16xf32>
          %get3A_834 = arith.index_cast %add3A_803 : i32 to index
          %get3A_835 = arith.constant 80 : index
          %get3A_836 = tpu.vector_load %arg9[%get3A_834, %get3A_835] {strides = array<i32>} : memref<128x128xf32, #tpu.memory_space<vmem>>, vector<1x16xf32>,
          %get3A_837 = vector.shape_cast %get3A_836 : vector<1x16xf32> to vector<16xf32>
          %mul3A_838 = arith.mulf %gather3A_799, %get3A_837 : vector<16xf32>
          %add3A_839 = arith.addf %add3A_783, %mul3A_838 : vector<16xf32>
          %get3A_840 = arith.index_cast %add3A_803 : i32 to index
          %get3A_841 = arith.constant 96 : index
          %get3A_842 = tpu.vector_load %arg9[%get3A_840, %get3A_841] {strides = array<i32>} : memref<128x128xf32, #tpu.memory_space<vmem>>, vector<1x16xf32>,
          %get3A_843 = vector.shape_cast %get3A_842 : vector<1x16xf32> to vector<16xf32>
          %mul3A_844 = arith.mulf %gather3A_799, %get3A_843 : vector<16xf32>
          %add3A_845 = arith.addf %add3A_789, %mul3A_844 : vector<16xf32>
          %get3A_846 = arith.index_cast %add3A_803 : i32 to index
          %get3A_847 = arith.constant 112 : index
          %get3A_848 = tpu.vector_load %arg9[%get3A_846, %get3A_847] {strides = array<i32>} : memref<128x128xf32, #tpu.memory_space<vmem>>, vector<1x16xf32>,
          %get3A_849 = vector.shape_cast %get3A_848 : vector<1x16xf32> to vector<16xf32>
          %mul3A_850 = arith.mulf %gather3A_799, %get3A_849 : vector<16xf32>
          %add3A_851 = arith.addf %add3A_795, %mul3A_850 : vector<16xf32>
          %broadcast_in_dim3A_852 = arith.constant 13 : i32
          %broadcast_in_dim3A_853 = vector.broadcast %broadcast_in_dim3A_852 : i32 to vector<16x1xi32>
          %gather3A_854 = vector.shape_cast %broadcast_in_dim3A_853 : vector<16x1xi32> to vector<16xi32>
          %gather3A_855 = tpu.dynamic_gather %get3A_104[%gather3A_854] in [0] : vector<16xf32>, vector<16xi32> -> vector<16xf32>
          %mul3A_856 = arith.constant 32 : i32
          %mul3A_857 = arith.muli %scan3A_91, %mul3A_856 : i32
          %add3A_858 = arith.constant 13 : i32
          %add3A_859 = arith.addi %mul3A_857, %add3A_858 : i32
          %get3A_860 = arith.index_cast %add3A_859 : i32 to index
          %get3A_861 = arith.constant 0 : index
          %get3A_862 = tpu.vector_load %arg9[%get3A_860, %get3A_861] {strides = array<i32>} : memref<128x128xf32, #tpu.memory_space<vmem>>, vector<1x16xf32>,
          %get3A_863 = vector.shape_cast %get3A_862 : vector<1x16xf32> to vector<16xf32>
          %mul3A_864 = arith.mulf %gather3A_855, %get3A_863 : vector<16xf32>
          %add3A_865 = arith.addf %add3A_809, %mul3A_864 : vector<16xf32>
          %get3A_866 = arith.index_cast %add3A_859 : i32 to index
          %get3A_867 = arith.constant 16 : index
          %get3A_868 = tpu.vector_load %arg9[%get3A_866, %get3A_867] {strides = array<i32>} : memref<128x128xf32, #tpu.memory_space<vmem>>, vector<1x16xf32>,
          %get3A_869 = vector.shape_cast %get3A_868 : vector<1x16xf32> to vector<16xf32>
          %mul3A_870 = arith.mulf %gather3A_855, %get3A_869 : vector<16xf32>
          %add3A_871 = arith.addf %add3A_815, %mul3A_870 : vector<16xf32>
          %get3A_872 = arith.index_cast %add3A_859 : i32 to index
          %get3A_873 = arith.constant 32 : index
          %get3A_874 = tpu.vector_load %arg9[%get3A_872, %get3A_873] {strides = array<i32>} : memref<128x128xf32, #tpu.memory_space<vmem>>, vector<1x16xf32>,
          %get3A_875 = vector.shape_cast %get3A_874 : vector<1x16xf32> to vector<16xf32>
          %mul3A_876 = arith.mulf %gather3A_855, %get3A_875 : vector<16xf32>
          %add3A_877 = arith.addf %add3A_821, %mul3A_876 : vector<16xf32>
          %get3A_878 = arith.index_cast %add3A_859 : i32 to index
          %get3A_879 = arith.constant 48 : index
          %get3A_880 = tpu.vector_load %arg9[%get3A_878, %get3A_879] {strides = array<i32>} : memref<128x128xf32, #tpu.memory_space<vmem>>, vector<1x16xf32>,
          %get3A_881 = vector.shape_cast %get3A_880 : vector<1x16xf32> to vector<16xf32>
          %mul3A_882 = arith.mulf %gather3A_855, %get3A_881 : vector<16xf32>
          %add3A_883 = arith.addf %add3A_827, %mul3A_882 : vector<16xf32>
          %get3A_884 = arith.index_cast %add3A_859 : i32 to index
          %get3A_885 = arith.constant 64 : index
          %get3A_886 = tpu.vector_load %arg9[%get3A_884, %get3A_885] {strides = array<i32>} : memref<128x128xf32, #tpu.memory_space<vmem>>, vector<1x16xf32>,
          %get3A_887 = vector.shape_cast %get3A_886 : vector<1x16xf32> to vector<16xf32>
          %mul3A_888 = arith.mulf %gather3A_855, %get3A_887 : vector<16xf32>
          %add3A_889 = arith.addf %add3A_833, %mul3A_888 : vector<16xf32>
          %get3A_890 = arith.index_cast %add3A_859 : i32 to index
          %get3A_891 = arith.constant 80 : index
          %get3A_892 = tpu.vector_load %arg9[%get3A_890, %get3A_891] {strides = array<i32>} : memref<128x128xf32, #tpu.memory_space<vmem>>, vector<1x16xf32>,
          %get3A_893 = vector.shape_cast %get3A_892 : vector<1x16xf32> to vector<16xf32>
          %mul3A_894 = arith.mulf %gather3A_855, %get3A_893 : vector<16xf32>
          %add3A_895 = arith.addf %add3A_839, %mul3A_894 : vector<16xf32>
          %get3A_896 = arith.index_cast %add3A_859 : i32 to index
          %get3A_897 = arith.constant 96 : index
          %get3A_898 = tpu.vector_load %arg9[%get3A_896, %get3A_897] {strides = array<i32>} : memref<128x128xf32, #tpu.memory_space<vmem>>, vector<1x16xf32>,
          %get3A_899 = vector.shape_cast %get3A_898 : vector<1x16xf32> to vector<16xf32>
          %mul3A_900 = arith.mulf %gather3A_855, %get3A_899 : vector<16xf32>
          %add3A_901 = arith.addf %add3A_845, %mul3A_900 : vector<16xf32>
          %get3A_902 = arith.index_cast %add3A_859 : i32 to index
          %get3A_903 = arith.constant 112 : index
          %get3A_904 = tpu.vector_load %arg9[%get3A_902, %get3A_903] {strides = array<i32>} : memref<128x128xf32, #tpu.memory_space<vmem>>, vector<1x16xf32>,
          %get3A_905 = vector.shape_cast %get3A_904 : vector<1x16xf32> to vector<16xf32>
          %mul3A_906 = arith.mulf %gather3A_855, %get3A_905 : vector<16xf32>
          %add3A_907 = arith.addf %add3A_851, %mul3A_906 : vector<16xf32>
          %broadcast_in_dim3A_908 = arith.constant 14 : i32
          %broadcast_in_dim3A_909 = vector.broadcast %broadcast_in_dim3A_908 : i32 to vector<16x1xi32>
          %gather3A_910 = vector.shape_cast %broadcast_in_dim3A_909 : vector<16x1xi32> to vector<16xi32>
          %gather3A_911 = tpu.dynamic_gather %get3A_104[%gather3A_910] in [0] : vector<16xf32>, vector<16xi32> -> vector<16xf32>
          %mul3A_912 = arith.constant 32 : i32
          %mul3A_913 = arith.muli %scan3A_91, %mul3A_912 : i32
          %add3A_914 = arith.constant 14 : i32
          %add3A_915 = arith.addi %mul3A_913, %add3A_914 : i32
          %get3A_916 = arith.index_cast %add3A_915 : i32 to index
          %get3A_917 = arith.constant 0 : index
          %get3A_918 = tpu.vector_load %arg9[%get3A_916, %get3A_917] {strides = array<i32>} : memref<128x128xf32, #tpu.memory_space<vmem>>, vector<1x16xf32>,
          %get3A_919 = vector.shape_cast %get3A_918 : vector<1x16xf32> to vector<16xf32>
          %mul3A_920 = arith.mulf %gather3A_911, %get3A_919 : vector<16xf32>
          %add3A_921 = arith.addf %add3A_865, %mul3A_920 : vector<16xf32>
          %get3A_922 = arith.index_cast %add3A_915 : i32 to index
          %get3A_923 = arith.constant 16 : index
          %get3A_924 = tpu.vector_load %arg9[%get3A_922, %get3A_923] {strides = array<i32>} : memref<128x128xf32, #tpu.memory_space<vmem>>, vector<1x16xf32>,
          %get3A_925 = vector.shape_cast %get3A_924 : vector<1x16xf32> to vector<16xf32>
          %mul3A_926 = arith.mulf %gather3A_911, %get3A_925 : vector<16xf32>
          %add3A_927 = arith.addf %add3A_871, %mul3A_926 : vector<16xf32>
          %get3A_928 = arith.index_cast %add3A_915 : i32 to index
          %get3A_929 = arith.constant 32 : index
          %get3A_930 = tpu.vector_load %arg9[%get3A_928, %get3A_929] {strides = array<i32>} : memref<128x128xf32, #tpu.memory_space<vmem>>, vector<1x16xf32>,
          %get3A_931 = vector.shape_cast %get3A_930 : vector<1x16xf32> to vector<16xf32>
          %mul3A_932 = arith.mulf %gather3A_911, %get3A_931 : vector<16xf32>
          %add3A_933 = arith.addf %add3A_877, %mul3A_932 : vector<16xf32>
          %get3A_934 = arith.index_cast %add3A_915 : i32 to index
          %get3A_935 = arith.constant 48 : index
          %get3A_936 = tpu.vector_load %arg9[%get3A_934, %get3A_935] {strides = array<i32>} : memref<128x128xf32, #tpu.memory_space<vmem>>, vector<1x16xf32>,
          %get3A_937 = vector.shape_cast %get3A_936 : vector<1x16xf32> to vector<16xf32>
          %mul3A_938 = arith.mulf %gather3A_911, %get3A_937 : vector<16xf32>
          %add3A_939 = arith.addf %add3A_883, %mul3A_938 : vector<16xf32>
          %get3A_940 = arith.index_cast %add3A_915 : i32 to index
          %get3A_941 = arith.constant 64 : index
          %get3A_942 = tpu.vector_load %arg9[%get3A_940, %get3A_941] {strides = array<i32>} : memref<128x128xf32, #tpu.memory_space<vmem>>, vector<1x16xf32>,
          %get3A_943 = vector.shape_cast %get3A_942 : vector<1x16xf32> to vector<16xf32>
          %mul3A_944 = arith.mulf %gather3A_911, %get3A_943 : vector<16xf32>
          %add3A_945 = arith.addf %add3A_889, %mul3A_944 : vector<16xf32>
          %get3A_946 = arith.index_cast %add3A_915 : i32 to index
          %get3A_947 = arith.constant 80 : index
          %get3A_948 = tpu.vector_load %arg9[%get3A_946, %get3A_947] {strides = array<i32>} : memref<128x128xf32, #tpu.memory_space<vmem>>, vector<1x16xf32>,
          %get3A_949 = vector.shape_cast %get3A_948 : vector<1x16xf32> to vector<16xf32>
          %mul3A_950 = arith.mulf %gather3A_911, %get3A_949 : vector<16xf32>
          %add3A_951 = arith.addf %add3A_895, %mul3A_950 : vector<16xf32>
          %get3A_952 = arith.index_cast %add3A_915 : i32 to index
          %get3A_953 = arith.constant 96 : index
          %get3A_954 = tpu.vector_load %arg9[%get3A_952, %get3A_953] {strides = array<i32>} : memref<128x128xf32, #tpu.memory_space<vmem>>, vector<1x16xf32>,
          %get3A_955 = vector.shape_cast %get3A_954 : vector<1x16xf32> to vector<16xf32>
          %mul3A_956 = arith.mulf %gather3A_911, %get3A_955 : vector<16xf32>
          %add3A_957 = arith.addf %add3A_901, %mul3A_956 : vector<16xf32>
          %get3A_958 = arith.index_cast %add3A_915 : i32 to index
          %get3A_959 = arith.constant 112 : index
          %get3A_960 = tpu.vector_load %arg9[%get3A_958, %get3A_959] {strides = array<i32>} : memref<128x128xf32, #tpu.memory_space<vmem>>, vector<1x16xf32>,
          %get3A_961 = vector.shape_cast %get3A_960 : vector<1x16xf32> to vector<16xf32>
          %mul3A_962 = arith.mulf %gather3A_911, %get3A_961 : vector<16xf32>
          %add3A_963 = arith.addf %add3A_907, %mul3A_962 : vector<16xf32>
          %broadcast_in_dim3A_964 = arith.constant 15 : i32
          %broadcast_in_dim3A_965 = vector.broadcast %broadcast_in_dim3A_964 : i32 to vector<16x1xi32>
          %gather3A_966 = vector.shape_cast %broadcast_in_dim3A_965 : vector<16x1xi32> to vector<16xi32>
          %gather3A_967 = tpu.dynamic_gather %get3A_104[%gather3A_966] in [0] : vector<16xf32>, vector<16xi32> -> vector<16xf32>
          %mul3A_968 = arith.constant 32 : i32
          %mul3A_969 = arith.muli %scan3A_91, %mul3A_968 : i32
          %add3A_970 = arith.constant 15 : i32
          %add3A_971 = arith.addi %mul3A_969, %add3A_970 : i32
          %get3A_972 = arith.index_cast %add3A_971 : i32 to index
          %get3A_973 = arith.constant 0 : index
          %get3A_974 = tpu.vector_load %arg9[%get3A_972, %get3A_973] {strides = array<i32>} : memref<128x128xf32, #tpu.memory_space<vmem>>, vector<1x16xf32>,
          %get3A_975 = vector.shape_cast %get3A_974 : vector<1x16xf32> to vector<16xf32>
          %mul3A_976 = arith.mulf %gather3A_967, %get3A_975 : vector<16xf32>
          %add3A_977 = arith.addf %add3A_921, %mul3A_976 : vector<16xf32>
          %get3A_978 = arith.index_cast %add3A_971 : i32 to index
          %get3A_979 = arith.constant 16 : index
          %get3A_980 = tpu.vector_load %arg9[%get3A_978, %get3A_979] {strides = array<i32>} : memref<128x128xf32, #tpu.memory_space<vmem>>, vector<1x16xf32>,
          %get3A_981 = vector.shape_cast %get3A_980 : vector<1x16xf32> to vector<16xf32>
          %mul3A_982 = arith.mulf %gather3A_967, %get3A_981 : vector<16xf32>
          %add3A_983 = arith.addf %add3A_927, %mul3A_982 : vector<16xf32>
          %get3A_984 = arith.index_cast %add3A_971 : i32 to index
          %get3A_985 = arith.constant 32 : index
          %get3A_986 = tpu.vector_load %arg9[%get3A_984, %get3A_985] {strides = array<i32>} : memref<128x128xf32, #tpu.memory_space<vmem>>, vector<1x16xf32>,
          %get3A_987 = vector.shape_cast %get3A_986 : vector<1x16xf32> to vector<16xf32>
          %mul3A_988 = arith.mulf %gather3A_967, %get3A_987 : vector<16xf32>
          %add3A_989 = arith.addf %add3A_933, %mul3A_988 : vector<16xf32>
          %get3A_990 = arith.index_cast %add3A_971 : i32 to index
          %get3A_991 = arith.constant 48 : index
          %get3A_992 = tpu.vector_load %arg9[%get3A_990, %get3A_991] {strides = array<i32>} : memref<128x128xf32, #tpu.memory_space<vmem>>, vector<1x16xf32>,
          %get3A_993 = vector.shape_cast %get3A_992 : vector<1x16xf32> to vector<16xf32>
          %mul3A_994 = arith.mulf %gather3A_967, %get3A_993 : vector<16xf32>
          %add3A_995 = arith.addf %add3A_939, %mul3A_994 : vector<16xf32>
          %get3A_996 = arith.index_cast %add3A_971 : i32 to index
          %get3A_997 = arith.constant 64 : index
          %get3A_998 = tpu.vector_load %arg9[%get3A_996, %get3A_997] {strides = array<i32>} : memref<128x128xf32, #tpu.memory_space<vmem>>, vector<1x16xf32>,
          %get3A_999 = vector.shape_cast %get3A_998 : vector<1x16xf32> to vector<16xf32>
          %mul3A_1000 = arith.mulf %gather3A_967, %get3A_999 : vector<16xf32>
          %add3A_1001 = arith.addf %add3A_945, %mul3A_1000 : vector<16xf32>
          %get3A_1002 = arith.index_cast %add3A_971 : i32 to index
          %get3A_1003 = arith.constant 80 : index
          %get3A_1004 = tpu.vector_load %arg9[%get3A_1002, %get3A_1003] {strides = array<i32>} : memref<128x128xf32, #tpu.memory_space<vmem>>, vector<1x16xf32>,
          %get3A_1005 = vector.shape_cast %get3A_1004 : vector<1x16xf32> to vector<16xf32>
          %mul3A_1006 = arith.mulf %gather3A_967, %get3A_1005 : vector<16xf32>
          %add3A_1007 = arith.addf %add3A_951, %mul3A_1006 : vector<16xf32>
          %get3A_1008 = arith.index_cast %add3A_971 : i32 to index
          %get3A_1009 = arith.constant 96 : index
          %get3A_1010 = tpu.vector_load %arg9[%get3A_1008, %get3A_1009] {strides = array<i32>} : memref<128x128xf32, #tpu.memory_space<vmem>>, vector<1x16xf32>,
          %get3A_1011 = vector.shape_cast %get3A_1010 : vector<1x16xf32> to vector<16xf32>
          %mul3A_1012 = arith.mulf %gather3A_967, %get3A_1011 : vector<16xf32>
          %add3A_1013 = arith.addf %add3A_957, %mul3A_1012 : vector<16xf32>
          %get3A_1014 = arith.index_cast %add3A_971 : i32 to index
          %get3A_1015 = arith.constant 112 : index
          %get3A_1016 = tpu.vector_load %arg9[%get3A_1014, %get3A_1015] {strides = array<i32>} : memref<128x128xf32, #tpu.memory_space<vmem>>, vector<1x16xf32>,
          %get3A_1017 = vector.shape_cast %get3A_1016 : vector<1x16xf32> to vector<16xf32>
          %mul3A_1018 = arith.mulf %gather3A_967, %get3A_1017 : vector<16xf32>
          %add3A_1019 = arith.addf %add3A_963, %mul3A_1018 : vector<16xf32>
          %broadcast_in_dim3A_1020 = arith.constant 0 : i32
          %broadcast_in_dim3A_1021 = vector.broadcast %broadcast_in_dim3A_1020 : i32 to vector<16x1xi32>
          %gather3A_1022 = vector.shape_cast %broadcast_in_dim3A_1021 : vector<16x1xi32> to vector<16xi32>
          %gather3A_1023 = tpu.dynamic_gather %get3A_109[%gather3A_1022] in [0] : vector<16xf32>, vector<16xi32> -> vector<16xf32>
          %mul3A_1024 = arith.constant 32 : i32
          %mul3A_1025 = arith.muli %scan3A_91, %mul3A_1024 : i32
          %add3A_1026 = arith.constant 16 : i32
          %add3A_1027 = arith.addi %mul3A_1025, %add3A_1026 : i32
          %get3A_1028 = arith.index_cast %add3A_1027 : i32 to index
          %get3A_1029 = arith.constant 0 : index
          %get3A_1030 = tpu.vector_load %arg9[%get3A_1028, %get3A_1029] {strides = array<i32>} : memref<128x128xf32, #tpu.memory_space<vmem>>, vector<1x16xf32>,
          %get3A_1031 = vector.shape_cast %get3A_1030 : vector<1x16xf32> to vector<16xf32>
          %mul3A_1032 = arith.mulf %gather3A_1023, %get3A_1031 : vector<16xf32>
          %add3A_1033 = arith.addf %add3A_977, %mul3A_1032 : vector<16xf32>
          %get3A_1034 = arith.index_cast %add3A_1027 : i32 to index
          %get3A_1035 = arith.constant 16 : index
          %get3A_1036 = tpu.vector_load %arg9[%get3A_1034, %get3A_1035] {strides = array<i32>} : memref<128x128xf32, #tpu.memory_space<vmem>>, vector<1x16xf32>,
          %get3A_1037 = vector.shape_cast %get3A_1036 : vector<1x16xf32> to vector<16xf32>
          %mul3A_1038 = arith.mulf %gather3A_1023, %get3A_1037 : vector<16xf32>
          %add3A_1039 = arith.addf %add3A_983, %mul3A_1038 : vector<16xf32>
          %get3A_1040 = arith.index_cast %add3A_1027 : i32 to index
          %get3A_1041 = arith.constant 32 : index
          %get3A_1042 = tpu.vector_load %arg9[%get3A_1040, %get3A_1041] {strides = array<i32>} : memref<128x128xf32, #tpu.memory_space<vmem>>, vector<1x16xf32>,
          %get3A_1043 = vector.shape_cast %get3A_1042 : vector<1x16xf32> to vector<16xf32>
          %mul3A_1044 = arith.mulf %gather3A_1023, %get3A_1043 : vector<16xf32>
          %add3A_1045 = arith.addf %add3A_989, %mul3A_1044 : vector<16xf32>
          %get3A_1046 = arith.index_cast %add3A_1027 : i32 to index
          %get3A_1047 = arith.constant 48 : index
          %get3A_1048 = tpu.vector_load %arg9[%get3A_1046, %get3A_1047] {strides = array<i32>} : memref<128x128xf32, #tpu.memory_space<vmem>>, vector<1x16xf32>,
          %get3A_1049 = vector.shape_cast %get3A_1048 : vector<1x16xf32> to vector<16xf32>
          %mul3A_1050 = arith.mulf %gather3A_1023, %get3A_1049 : vector<16xf32>
          %add3A_1051 = arith.addf %add3A_995, %mul3A_1050 : vector<16xf32>
          %get3A_1052 = arith.index_cast %add3A_1027 : i32 to index
          %get3A_1053 = arith.constant 64 : index
          %get3A_1054 = tpu.vector_load %arg9[%get3A_1052, %get3A_1053] {strides = array<i32>} : memref<128x128xf32, #tpu.memory_space<vmem>>, vector<1x16xf32>,
          %get3A_1055 = vector.shape_cast %get3A_1054 : vector<1x16xf32> to vector<16xf32>
          %mul3A_1056 = arith.mulf %gather3A_1023, %get3A_1055 : vector<16xf32>
          %add3A_1057 = arith.addf %add3A_1001, %mul3A_1056 : vector<16xf32>
          %get3A_1058 = arith.index_cast %add3A_1027 : i32 to index
          %get3A_1059 = arith.constant 80 : index
          %get3A_1060 = tpu.vector_load %arg9[%get3A_1058, %get3A_1059] {strides = array<i32>} : memref<128x128xf32, #tpu.memory_space<vmem>>, vector<1x16xf32>,
          %get3A_1061 = vector.shape_cast %get3A_1060 : vector<1x16xf32> to vector<16xf32>
          %mul3A_1062 = arith.mulf %gather3A_1023, %get3A_1061 : vector<16xf32>
          %add3A_1063 = arith.addf %add3A_1007, %mul3A_1062 : vector<16xf32>
          %get3A_1064 = arith.index_cast %add3A_1027 : i32 to index
          %get3A_1065 = arith.constant 96 : index
          %get3A_1066 = tpu.vector_load %arg9[%get3A_1064, %get3A_1065] {strides = array<i32>} : memref<128x128xf32, #tpu.memory_space<vmem>>, vector<1x16xf32>,
          %get3A_1067 = vector.shape_cast %get3A_1066 : vector<1x16xf32> to vector<16xf32>
          %mul3A_1068 = arith.mulf %gather3A_1023, %get3A_1067 : vector<16xf32>
          %add3A_1069 = arith.addf %add3A_1013, %mul3A_1068 : vector<16xf32>
          %get3A_1070 = arith.index_cast %add3A_1027 : i32 to index
          %get3A_1071 = arith.constant 112 : index
          %get3A_1072 = tpu.vector_load %arg9[%get3A_1070, %get3A_1071] {strides = array<i32>} : memref<128x128xf32, #tpu.memory_space<vmem>>, vector<1x16xf32>,
          %get3A_1073 = vector.shape_cast %get3A_1072 : vector<1x16xf32> to vector<16xf32>
          %mul3A_1074 = arith.mulf %gather3A_1023, %get3A_1073 : vector<16xf32>
          %add3A_1075 = arith.addf %add3A_1019, %mul3A_1074 : vector<16xf32>
          %broadcast_in_dim3A_1076 = arith.constant 1 : i32
          %broadcast_in_dim3A_1077 = vector.broadcast %broadcast_in_dim3A_1076 : i32 to vector<16x1xi32>
          %gather3A_1078 = vector.shape_cast %broadcast_in_dim3A_1077 : vector<16x1xi32> to vector<16xi32>
          %gather3A_1079 = tpu.dynamic_gather %get3A_109[%gather3A_1078] in [0] : vector<16xf32>, vector<16xi32> -> vector<16xf32>
          %mul3A_1080 = arith.constant 32 : i32
          %mul3A_1081 = arith.muli %scan3A_91, %mul3A_1080 : i32
          %add3A_1082 = arith.constant 17 : i32
          %add3A_1083 = arith.addi %mul3A_1081, %add3A_1082 : i32
          %get3A_1084 = arith.index_cast %add3A_1083 : i32 to index
          %get3A_1085 = arith.constant 0 : index
          %get3A_1086 = tpu.vector_load %arg9[%get3A_1084, %get3A_1085] {strides = array<i32>} : memref<128x128xf32, #tpu.memory_space<vmem>>, vector<1x16xf32>,
          %get3A_1087 = vector.shape_cast %get3A_1086 : vector<1x16xf32> to vector<16xf32>
          %mul3A_1088 = arith.mulf %gather3A_1079, %get3A_1087 : vector<16xf32>
          %add3A_1089 = arith.addf %add3A_1033, %mul3A_1088 : vector<16xf32>
          %get3A_1090 = arith.index_cast %add3A_1083 : i32 to index
          %get3A_1091 = arith.constant 16 : index
          %get3A_1092 = tpu.vector_load %arg9[%get3A_1090, %get3A_1091] {strides = array<i32>} : memref<128x128xf32, #tpu.memory_space<vmem>>, vector<1x16xf32>,
          %get3A_1093 = vector.shape_cast %get3A_1092 : vector<1x16xf32> to vector<16xf32>
          %mul3A_1094 = arith.mulf %gather3A_1079, %get3A_1093 : vector<16xf32>
          %add3A_1095 = arith.addf %add3A_1039, %mul3A_1094 : vector<16xf32>
          %get3A_1096 = arith.index_cast %add3A_1083 : i32 to index
          %get3A_1097 = arith.constant 32 : index
          %get3A_1098 = tpu.vector_load %arg9[%get3A_1096, %get3A_1097] {strides = array<i32>} : memref<128x128xf32, #tpu.memory_space<vmem>>, vector<1x16xf32>,
          %get3A_1099 = vector.shape_cast %get3A_1098 : vector<1x16xf32> to vector<16xf32>
          %mul3A_1100 = arith.mulf %gather3A_1079, %get3A_1099 : vector<16xf32>
          %add3A_1101 = arith.addf %add3A_1045, %mul3A_1100 : vector<16xf32>
          %get3A_1102 = arith.index_cast %add3A_1083 : i32 to index
          %get3A_1103 = arith.constant 48 : index
          %get3A_1104 = tpu.vector_load %arg9[%get3A_1102, %get3A_1103] {strides = array<i32>} : memref<128x128xf32, #tpu.memory_space<vmem>>, vector<1x16xf32>,
          %get3A_1105 = vector.shape_cast %get3A_1104 : vector<1x16xf32> to vector<16xf32>
          %mul3A_1106 = arith.mulf %gather3A_1079, %get3A_1105 : vector<16xf32>
          %add3A_1107 = arith.addf %add3A_1051, %mul3A_1106 : vector<16xf32>
          %get3A_1108 = arith.index_cast %add3A_1083 : i32 to index
          %get3A_1109 = arith.constant 64 : index
          %get3A_1110 = tpu.vector_load %arg9[%get3A_1108, %get3A_1109] {strides = array<i32>} : memref<128x128xf32, #tpu.memory_space<vmem>>, vector<1x16xf32>,
          %get3A_1111 = vector.shape_cast %get3A_1110 : vector<1x16xf32> to vector<16xf32>
          %mul3A_1112 = arith.mulf %gather3A_1079, %get3A_1111 : vector<16xf32>
          %add3A_1113 = arith.addf %add3A_1057, %mul3A_1112 : vector<16xf32>
          %get3A_1114 = arith.index_cast %add3A_1083 : i32 to index
          %get3A_1115 = arith.constant 80 : index
          %get3A_1116 = tpu.vector_load %arg9[%get3A_1114, %get3A_1115] {strides = array<i32>} : memref<128x128xf32, #tpu.memory_space<vmem>>, vector<1x16xf32>,
          %get3A_1117 = vector.shape_cast %get3A_1116 : vector<1x16xf32> to vector<16xf32>
          %mul3A_1118 = arith.mulf %gather3A_1079, %get3A_1117 : vector<16xf32>
          %add3A_1119 = arith.addf %add3A_1063, %mul3A_1118 : vector<16xf32>
          %get3A_1120 = arith.index_cast %add3A_1083 : i32 to index
          %get3A_1121 = arith.constant 96 : index
          %get3A_1122 = tpu.vector_load %arg9[%get3A_1120, %get3A_1121] {strides = array<i32>} : memref<128x128xf32, #tpu.memory_space<vmem>>, vector<1x16xf32>,
          %get3A_1123 = vector.shape_cast %get3A_1122 : vector<1x16xf32> to vector<16xf32>
          %mul3A_1124 = arith.mulf %gather3A_1079, %get3A_1123 : vector<16xf32>
          %add3A_1125 = arith.addf %add3A_1069, %mul3A_1124 : vector<16xf32>
          %get3A_1126 = arith.index_cast %add3A_1083 : i32 to index
          %get3A_1127 = arith.constant 112 : index
          %get3A_1128 = tpu.vector_load %arg9[%get3A_1126, %get3A_1127] {strides = array<i32>} : memref<128x128xf32, #tpu.memory_space<vmem>>, vector<1x16xf32>,
          %get3A_1129 = vector.shape_cast %get3A_1128 : vector<1x16xf32> to vector<16xf32>
          %mul3A_1130 = arith.mulf %gather3A_1079, %get3A_1129 : vector<16xf32>
          %add3A_1131 = arith.addf %add3A_1075, %mul3A_1130 : vector<16xf32>
          %broadcast_in_dim3A_1132 = arith.constant 2 : i32
          %broadcast_in_dim3A_1133 = vector.broadcast %broadcast_in_dim3A_1132 : i32 to vector<16x1xi32>
          %gather3A_1134 = vector.shape_cast %broadcast_in_dim3A_1133 : vector<16x1xi32> to vector<16xi32>
          %gather3A_1135 = tpu.dynamic_gather %get3A_109[%gather3A_1134] in [0] : vector<16xf32>, vector<16xi32> -> vector<16xf32>
          %mul3A_1136 = arith.constant 32 : i32
          %mul3A_1137 = arith.muli %scan3A_91, %mul3A_1136 : i32
          %add3A_1138 = arith.constant 18 : i32
          %add3A_1139 = arith.addi %mul3A_1137, %add3A_1138 : i32
          %get3A_1140 = arith.index_cast %add3A_1139 : i32 to index
          %get3A_1141 = arith.constant 0 : index
          %get3A_1142 = tpu.vector_load %arg9[%get3A_1140, %get3A_1141] {strides = array<i32>} : memref<128x128xf32, #tpu.memory_space<vmem>>, vector<1x16xf32>,
          %get3A_1143 = vector.shape_cast %get3A_1142 : vector<1x16xf32> to vector<16xf32>
          %mul3A_1144 = arith.mulf %gather3A_1135, %get3A_1143 : vector<16xf32>
          %add3A_1145 = arith.addf %add3A_1089, %mul3A_1144 : vector<16xf32>
          %get3A_1146 = arith.index_cast %add3A_1139 : i32 to index
          %get3A_1147 = arith.constant 16 : index
          %get3A_1148 = tpu.vector_load %arg9[%get3A_1146, %get3A_1147] {strides = array<i32>} : memref<128x128xf32, #tpu.memory_space<vmem>>, vector<1x16xf32>,
          %get3A_1149 = vector.shape_cast %get3A_1148 : vector<1x16xf32> to vector<16xf32>
          %mul3A_1150 = arith.mulf %gather3A_1135, %get3A_1149 : vector<16xf32>
          %add3A_1151 = arith.addf %add3A_1095, %mul3A_1150 : vector<16xf32>
          %get3A_1152 = arith.index_cast %add3A_1139 : i32 to index
          %get3A_1153 = arith.constant 32 : index
          %get3A_1154 = tpu.vector_load %arg9[%get3A_1152, %get3A_1153] {strides = array<i32>} : memref<128x128xf32, #tpu.memory_space<vmem>>, vector<1x16xf32>,
          %get3A_1155 = vector.shape_cast %get3A_1154 : vector<1x16xf32> to vector<16xf32>
          %mul3A_1156 = arith.mulf %gather3A_1135, %get3A_1155 : vector<16xf32>
          %add3A_1157 = arith.addf %add3A_1101, %mul3A_1156 : vector<16xf32>
          %get3A_1158 = arith.index_cast %add3A_1139 : i32 to index
          %get3A_1159 = arith.constant 48 : index
          %get3A_1160 = tpu.vector_load %arg9[%get3A_1158, %get3A_1159] {strides = array<i32>} : memref<128x128xf32, #tpu.memory_space<vmem>>, vector<1x16xf32>,
          %get3A_1161 = vector.shape_cast %get3A_1160 : vector<1x16xf32> to vector<16xf32>
          %mul3A_1162 = arith.mulf %gather3A_1135, %get3A_1161 : vector<16xf32>
          %add3A_1163 = arith.addf %add3A_1107, %mul3A_1162 : vector<16xf32>
          %get3A_1164 = arith.index_cast %add3A_1139 : i32 to index
          %get3A_1165 = arith.constant 64 : index
          %get3A_1166 = tpu.vector_load %arg9[%get3A_1164, %get3A_1165] {strides = array<i32>} : memref<128x128xf32, #tpu.memory_space<vmem>>, vector<1x16xf32>,
          %get3A_1167 = vector.shape_cast %get3A_1166 : vector<1x16xf32> to vector<16xf32>
          %mul3A_1168 = arith.mulf %gather3A_1135, %get3A_1167 : vector<16xf32>
          %add3A_1169 = arith.addf %add3A_1113, %mul3A_1168 : vector<16xf32>
          %get3A_1170 = arith.index_cast %add3A_1139 : i32 to index
          %get3A_1171 = arith.constant 80 : index
          %get3A_1172 = tpu.vector_load %arg9[%get3A_1170, %get3A_1171] {strides = array<i32>} : memref<128x128xf32, #tpu.memory_space<vmem>>, vector<1x16xf32>,
          %get3A_1173 = vector.shape_cast %get3A_1172 : vector<1x16xf32> to vector<16xf32>
          %mul3A_1174 = arith.mulf %gather3A_1135, %get3A_1173 : vector<16xf32>
          %add3A_1175 = arith.addf %add3A_1119, %mul3A_1174 : vector<16xf32>
          %get3A_1176 = arith.index_cast %add3A_1139 : i32 to index
          %get3A_1177 = arith.constant 96 : index
          %get3A_1178 = tpu.vector_load %arg9[%get3A_1176, %get3A_1177] {strides = array<i32>} : memref<128x128xf32, #tpu.memory_space<vmem>>, vector<1x16xf32>,
          %get3A_1179 = vector.shape_cast %get3A_1178 : vector<1x16xf32> to vector<16xf32>
          %mul3A_1180 = arith.mulf %gather3A_1135, %get3A_1179 : vector<16xf32>
          %add3A_1181 = arith.addf %add3A_1125, %mul3A_1180 : vector<16xf32>
          %get3A_1182 = arith.index_cast %add3A_1139 : i32 to index
          %get3A_1183 = arith.constant 112 : index
          %get3A_1184 = tpu.vector_load %arg9[%get3A_1182, %get3A_1183] {strides = array<i32>} : memref<128x128xf32, #tpu.memory_space<vmem>>, vector<1x16xf32>,
          %get3A_1185 = vector.shape_cast %get3A_1184 : vector<1x16xf32> to vector<16xf32>
          %mul3A_1186 = arith.mulf %gather3A_1135, %get3A_1185 : vector<16xf32>
          %add3A_1187 = arith.addf %add3A_1131, %mul3A_1186 : vector<16xf32>
          %broadcast_in_dim3A_1188 = arith.constant 3 : i32
          %broadcast_in_dim3A_1189 = vector.broadcast %broadcast_in_dim3A_1188 : i32 to vector<16x1xi32>
          %gather3A_1190 = vector.shape_cast %broadcast_in_dim3A_1189 : vector<16x1xi32> to vector<16xi32>
          %gather3A_1191 = tpu.dynamic_gather %get3A_109[%gather3A_1190] in [0] : vector<16xf32>, vector<16xi32> -> vector<16xf32>
          %mul3A_1192 = arith.constant 32 : i32
          %mul3A_1193 = arith.muli %scan3A_91, %mul3A_1192 : i32
          %add3A_1194 = arith.constant 19 : i32
          %add3A_1195 = arith.addi %mul3A_1193, %add3A_1194 : i32
          %get3A_1196 = arith.index_cast %add3A_1195 : i32 to index
          %get3A_1197 = arith.constant 0 : index
          %get3A_1198 = tpu.vector_load %arg9[%get3A_1196, %get3A_1197] {strides = array<i32>} : memref<128x128xf32, #tpu.memory_space<vmem>>, vector<1x16xf32>,
          %get3A_1199 = vector.shape_cast %get3A_1198 : vector<1x16xf32> to vector<16xf32>
          %mul3A_1200 = arith.mulf %gather3A_1191, %get3A_1199 : vector<16xf32>
          %add3A_1201 = arith.addf %add3A_1145, %mul3A_1200 : vector<16xf32>
          %get3A_1202 = arith.index_cast %add3A_1195 : i32 to index
          %get3A_1203 = arith.constant 16 : index
          %get3A_1204 = tpu.vector_load %arg9[%get3A_1202, %get3A_1203] {strides = array<i32>} : memref<128x128xf32, #tpu.memory_space<vmem>>, vector<1x16xf32>,
          %get3A_1205 = vector.shape_cast %get3A_1204 : vector<1x16xf32> to vector<16xf32>
          %mul3A_1206 = arith.mulf %gather3A_1191, %get3A_1205 : vector<16xf32>
          %add3A_1207 = arith.addf %add3A_1151, %mul3A_1206 : vector<16xf32>
          %get3A_1208 = arith.index_cast %add3A_1195 : i32 to index
          %get3A_1209 = arith.constant 32 : index
          %get3A_1210 = tpu.vector_load %arg9[%get3A_1208, %get3A_1209] {strides = array<i32>} : memref<128x128xf32, #tpu.memory_space<vmem>>, vector<1x16xf32>,
          %get3A_1211 = vector.shape_cast %get3A_1210 : vector<1x16xf32> to vector<16xf32>
          %mul3A_1212 = arith.mulf %gather3A_1191, %get3A_1211 : vector<16xf32>
          %add3A_1213 = arith.addf %add3A_1157, %mul3A_1212 : vector<16xf32>
          %get3A_1214 = arith.index_cast %add3A_1195 : i32 to index
          %get3A_1215 = arith.constant 48 : index
          %get3A_1216 = tpu.vector_load %arg9[%get3A_1214, %get3A_1215] {strides = array<i32>} : memref<128x128xf32, #tpu.memory_space<vmem>>, vector<1x16xf32>,
          %get3A_1217 = vector.shape_cast %get3A_1216 : vector<1x16xf32> to vector<16xf32>
          %mul3A_1218 = arith.mulf %gather3A_1191, %get3A_1217 : vector<16xf32>
          %add3A_1219 = arith.addf %add3A_1163, %mul3A_1218 : vector<16xf32>
          %get3A_1220 = arith.index_cast %add3A_1195 : i32 to index
          %get3A_1221 = arith.constant 64 : index
          %get3A_1222 = tpu.vector_load %arg9[%get3A_1220, %get3A_1221] {strides = array<i32>} : memref<128x128xf32, #tpu.memory_space<vmem>>, vector<1x16xf32>,
          %get3A_1223 = vector.shape_cast %get3A_1222 : vector<1x16xf32> to vector<16xf32>
          %mul3A_1224 = arith.mulf %gather3A_1191, %get3A_1223 : vector<16xf32>
          %add3A_1225 = arith.addf %add3A_1169, %mul3A_1224 : vector<16xf32>
          %get3A_1226 = arith.index_cast %add3A_1195 : i32 to index
          %get3A_1227 = arith.constant 80 : index
          %get3A_1228 = tpu.vector_load %arg9[%get3A_1226, %get3A_1227] {strides = array<i32>} : memref<128x128xf32, #tpu.memory_space<vmem>>, vector<1x16xf32>,
          %get3A_1229 = vector.shape_cast %get3A_1228 : vector<1x16xf32> to vector<16xf32>
          %mul3A_1230 = arith.mulf %gather3A_1191, %get3A_1229 : vector<16xf32>
          %add3A_1231 = arith.addf %add3A_1175, %mul3A_1230 : vector<16xf32>
          %get3A_1232 = arith.index_cast %add3A_1195 : i32 to index
          %get3A_1233 = arith.constant 96 : index
          %get3A_1234 = tpu.vector_load %arg9[%get3A_1232, %get3A_1233] {strides = array<i32>} : memref<128x128xf32, #tpu.memory_space<vmem>>, vector<1x16xf32>,
          %get3A_1235 = vector.shape_cast %get3A_1234 : vector<1x16xf32> to vector<16xf32>
          %mul3A_1236 = arith.mulf %gather3A_1191, %get3A_1235 : vector<16xf32>
          %add3A_1237 = arith.addf %add3A_1181, %mul3A_1236 : vector<16xf32>
          %get3A_1238 = arith.index_cast %add3A_1195 : i32 to index
          %get3A_1239 = arith.constant 112 : index
          %get3A_1240 = tpu.vector_load %arg9[%get3A_1238, %get3A_1239] {strides = array<i32>} : memref<128x128xf32, #tpu.memory_space<vmem>>, vector<1x16xf32>,
          %get3A_1241 = vector.shape_cast %get3A_1240 : vector<1x16xf32> to vector<16xf32>
          %mul3A_1242 = arith.mulf %gather3A_1191, %get3A_1241 : vector<16xf32>
          %add3A_1243 = arith.addf %add3A_1187, %mul3A_1242 : vector<16xf32>
          %broadcast_in_dim3A_1244 = arith.constant 4 : i32
          %broadcast_in_dim3A_1245 = vector.broadcast %broadcast_in_dim3A_1244 : i32 to vector<16x1xi32>
          %gather3A_1246 = vector.shape_cast %broadcast_in_dim3A_1245 : vector<16x1xi32> to vector<16xi32>
          %gather3A_1247 = tpu.dynamic_gather %get3A_109[%gather3A_1246] in [0] : vector<16xf32>, vector<16xi32> -> vector<16xf32>
          %mul3A_1248 = arith.constant 32 : i32
          %mul3A_1249 = arith.muli %scan3A_91, %mul3A_1248 : i32
          %add3A_1250 = arith.constant 20 : i32
          %add3A_1251 = arith.addi %mul3A_1249, %add3A_1250 : i32
          %get3A_1252 = arith.index_cast %add3A_1251 : i32 to index
          %get3A_1253 = arith.constant 0 : index
          %get3A_1254 = tpu.vector_load %arg9[%get3A_1252, %get3A_1253] {strides = array<i32>} : memref<128x128xf32, #tpu.memory_space<vmem>>, vector<1x16xf32>,
          %get3A_1255 = vector.shape_cast %get3A_1254 : vector<1x16xf32> to vector<16xf32>
          %mul3A_1256 = arith.mulf %gather3A_1247, %get3A_1255 : vector<16xf32>
          %add3A_1257 = arith.addf %add3A_1201, %mul3A_1256 : vector<16xf32>
          %get3A_1258 = arith.index_cast %add3A_1251 : i32 to index
          %get3A_1259 = arith.constant 16 : index
          %get3A_1260 = tpu.vector_load %arg9[%get3A_1258, %get3A_1259] {strides = array<i32>} : memref<128x128xf32, #tpu.memory_space<vmem>>, vector<1x16xf32>,
          %get3A_1261 = vector.shape_cast %get3A_1260 : vector<1x16xf32> to vector<16xf32>
          %mul3A_1262 = arith.mulf %gather3A_1247, %get3A_1261 : vector<16xf32>
          %add3A_1263 = arith.addf %add3A_1207, %mul3A_1262 : vector<16xf32>
          %get3A_1264 = arith.index_cast %add3A_1251 : i32 to index
          %get3A_1265 = arith.constant 32 : index
          %get3A_1266 = tpu.vector_load %arg9[%get3A_1264, %get3A_1265] {strides = array<i32>} : memref<128x128xf32, #tpu.memory_space<vmem>>, vector<1x16xf32>,
          %get3A_1267 = vector.shape_cast %get3A_1266 : vector<1x16xf32> to vector<16xf32>
          %mul3A_1268 = arith.mulf %gather3A_1247, %get3A_1267 : vector<16xf32>
          %add3A_1269 = arith.addf %add3A_1213, %mul3A_1268 : vector<16xf32>
          %get3A_1270 = arith.index_cast %add3A_1251 : i32 to index
          %get3A_1271 = arith.constant 48 : index
          %get3A_1272 = tpu.vector_load %arg9[%get3A_1270, %get3A_1271] {strides = array<i32>} : memref<128x128xf32, #tpu.memory_space<vmem>>, vector<1x16xf32>,
          %get3A_1273 = vector.shape_cast %get3A_1272 : vector<1x16xf32> to vector<16xf32>
          %mul3A_1274 = arith.mulf %gather3A_1247, %get3A_1273 : vector<16xf32>
          %add3A_1275 = arith.addf %add3A_1219, %mul3A_1274 : vector<16xf32>
          %get3A_1276 = arith.index_cast %add3A_1251 : i32 to index
          %get3A_1277 = arith.constant 64 : index
          %get3A_1278 = tpu.vector_load %arg9[%get3A_1276, %get3A_1277] {strides = array<i32>} : memref<128x128xf32, #tpu.memory_space<vmem>>, vector<1x16xf32>,
          %get3A_1279 = vector.shape_cast %get3A_1278 : vector<1x16xf32> to vector<16xf32>
          %mul3A_1280 = arith.mulf %gather3A_1247, %get3A_1279 : vector<16xf32>
          %add3A_1281 = arith.addf %add3A_1225, %mul3A_1280 : vector<16xf32>
          %get3A_1282 = arith.index_cast %add3A_1251 : i32 to index
          %get3A_1283 = arith.constant 80 : index
          %get3A_1284 = tpu.vector_load %arg9[%get3A_1282, %get3A_1283] {strides = array<i32>} : memref<128x128xf32, #tpu.memory_space<vmem>>, vector<1x16xf32>,
          %get3A_1285 = vector.shape_cast %get3A_1284 : vector<1x16xf32> to vector<16xf32>
          %mul3A_1286 = arith.mulf %gather3A_1247, %get3A_1285 : vector<16xf32>
          %add3A_1287 = arith.addf %add3A_1231, %mul3A_1286 : vector<16xf32>
          %get3A_1288 = arith.index_cast %add3A_1251 : i32 to index
          %get3A_1289 = arith.constant 96 : index
          %get3A_1290 = tpu.vector_load %arg9[%get3A_1288, %get3A_1289] {strides = array<i32>} : memref<128x128xf32, #tpu.memory_space<vmem>>, vector<1x16xf32>,
          %get3A_1291 = vector.shape_cast %get3A_1290 : vector<1x16xf32> to vector<16xf32>
          %mul3A_1292 = arith.mulf %gather3A_1247, %get3A_1291 : vector<16xf32>
          %add3A_1293 = arith.addf %add3A_1237, %mul3A_1292 : vector<16xf32>
          %get3A_1294 = arith.index_cast %add3A_1251 : i32 to index
          %get3A_1295 = arith.constant 112 : index
          %get3A_1296 = tpu.vector_load %arg9[%get3A_1294, %get3A_1295] {strides = array<i32>} : memref<128x128xf32, #tpu.memory_space<vmem>>, vector<1x16xf32>,
          %get3A_1297 = vector.shape_cast %get3A_1296 : vector<1x16xf32> to vector<16xf32>
          %mul3A_1298 = arith.mulf %gather3A_1247, %get3A_1297 : vector<16xf32>
          %add3A_1299 = arith.addf %add3A_1243, %mul3A_1298 : vector<16xf32>
          %broadcast_in_dim3A_1300 = arith.constant 5 : i32
          %broadcast_in_dim3A_1301 = vector.broadcast %broadcast_in_dim3A_1300 : i32 to vector<16x1xi32>
          %gather3A_1302 = vector.shape_cast %broadcast_in_dim3A_1301 : vector<16x1xi32> to vector<16xi32>
          %gather3A_1303 = tpu.dynamic_gather %get3A_109[%gather3A_1302] in [0] : vector<16xf32>, vector<16xi32> -> vector<16xf32>
          %mul3A_1304 = arith.constant 32 : i32
          %mul3A_1305 = arith.muli %scan3A_91, %mul3A_1304 : i32
          %add3A_1306 = arith.constant 21 : i32
          %add3A_1307 = arith.addi %mul3A_1305, %add3A_1306 : i32
          %get3A_1308 = arith.index_cast %add3A_1307 : i32 to index
          %get3A_1309 = arith.constant 0 : index
          %get3A_1310 = tpu.vector_load %arg9[%get3A_1308, %get3A_1309] {strides = array<i32>} : memref<128x128xf32, #tpu.memory_space<vmem>>, vector<1x16xf32>,
          %get3A_1311 = vector.shape_cast %get3A_1310 : vector<1x16xf32> to vector<16xf32>
          %mul3A_1312 = arith.mulf %gather3A_1303, %get3A_1311 : vector<16xf32>
          %add3A_1313 = arith.addf %add3A_1257, %mul3A_1312 : vector<16xf32>
          %get3A_1314 = arith.index_cast %add3A_1307 : i32 to index
          %get3A_1315 = arith.constant 16 : index
          %get3A_1316 = tpu.vector_load %arg9[%get3A_1314, %get3A_1315] {strides = array<i32>} : memref<128x128xf32, #tpu.memory_space<vmem>>, vector<1x16xf32>,
          %get3A_1317 = vector.shape_cast %get3A_1316 : vector<1x16xf32> to vector<16xf32>
          %mul3A_1318 = arith.mulf %gather3A_1303, %get3A_1317 : vector<16xf32>
          %add3A_1319 = arith.addf %add3A_1263, %mul3A_1318 : vector<16xf32>
          %get3A_1320 = arith.index_cast %add3A_1307 : i32 to index
          %get3A_1321 = arith.constant 32 : index
          %get3A_1322 = tpu.vector_load %arg9[%get3A_1320, %get3A_1321] {strides = array<i32>} : memref<128x128xf32, #tpu.memory_space<vmem>>, vector<1x16xf32>,
          %get3A_1323 = vector.shape_cast %get3A_1322 : vector<1x16xf32> to vector<16xf32>
          %mul3A_1324 = arith.mulf %gather3A_1303, %get3A_1323 : vector<16xf32>
          %add3A_1325 = arith.addf %add3A_1269, %mul3A_1324 : vector<16xf32>
          %get3A_1326 = arith.index_cast %add3A_1307 : i32 to index
          %get3A_1327 = arith.constant 48 : index
          %get3A_1328 = tpu.vector_load %arg9[%get3A_1326, %get3A_1327] {strides = array<i32>} : memref<128x128xf32, #tpu.memory_space<vmem>>, vector<1x16xf32>,
          %get3A_1329 = vector.shape_cast %get3A_1328 : vector<1x16xf32> to vector<16xf32>
          %mul3A_1330 = arith.mulf %gather3A_1303, %get3A_1329 : vector<16xf32>
          %add3A_1331 = arith.addf %add3A_1275, %mul3A_1330 : vector<16xf32>
          %get3A_1332 = arith.index_cast %add3A_1307 : i32 to index
          %get3A_1333 = arith.constant 64 : index
          %get3A_1334 = tpu.vector_load %arg9[%get3A_1332, %get3A_1333] {strides = array<i32>} : memref<128x128xf32, #tpu.memory_space<vmem>>, vector<1x16xf32>,
          %get3A_1335 = vector.shape_cast %get3A_1334 : vector<1x16xf32> to vector<16xf32>
          %mul3A_1336 = arith.mulf %gather3A_1303, %get3A_1335 : vector<16xf32>
          %add3A_1337 = arith.addf %add3A_1281, %mul3A_1336 : vector<16xf32>
          %get3A_1338 = arith.index_cast %add3A_1307 : i32 to index
          %get3A_1339 = arith.constant 80 : index
          %get3A_1340 = tpu.vector_load %arg9[%get3A_1338, %get3A_1339] {strides = array<i32>} : memref<128x128xf32, #tpu.memory_space<vmem>>, vector<1x16xf32>,
          %get3A_1341 = vector.shape_cast %get3A_1340 : vector<1x16xf32> to vector<16xf32>
          %mul3A_1342 = arith.mulf %gather3A_1303, %get3A_1341 : vector<16xf32>
          %add3A_1343 = arith.addf %add3A_1287, %mul3A_1342 : vector<16xf32>
          %get3A_1344 = arith.index_cast %add3A_1307 : i32 to index
          %get3A_1345 = arith.constant 96 : index
          %get3A_1346 = tpu.vector_load %arg9[%get3A_1344, %get3A_1345] {strides = array<i32>} : memref<128x128xf32, #tpu.memory_space<vmem>>, vector<1x16xf32>,
          %get3A_1347 = vector.shape_cast %get3A_1346 : vector<1x16xf32> to vector<16xf32>
          %mul3A_1348 = arith.mulf %gather3A_1303, %get3A_1347 : vector<16xf32>
          %add3A_1349 = arith.addf %add3A_1293, %mul3A_1348 : vector<16xf32>
          %get3A_1350 = arith.index_cast %add3A_1307 : i32 to index
          %get3A_1351 = arith.constant 112 : index
          %get3A_1352 = tpu.vector_load %arg9[%get3A_1350, %get3A_1351] {strides = array<i32>} : memref<128x128xf32, #tpu.memory_space<vmem>>, vector<1x16xf32>,
          %get3A_1353 = vector.shape_cast %get3A_1352 : vector<1x16xf32> to vector<16xf32>
          %mul3A_1354 = arith.mulf %gather3A_1303, %get3A_1353 : vector<16xf32>
          %add3A_1355 = arith.addf %add3A_1299, %mul3A_1354 : vector<16xf32>
          %broadcast_in_dim3A_1356 = arith.constant 6 : i32
          %broadcast_in_dim3A_1357 = vector.broadcast %broadcast_in_dim3A_1356 : i32 to vector<16x1xi32>
          %gather3A_1358 = vector.shape_cast %broadcast_in_dim3A_1357 : vector<16x1xi32> to vector<16xi32>
          %gather3A_1359 = tpu.dynamic_gather %get3A_109[%gather3A_1358] in [0] : vector<16xf32>, vector<16xi32> -> vector<16xf32>
          %mul3A_1360 = arith.constant 32 : i32
          %mul3A_1361 = arith.muli %scan3A_91, %mul3A_1360 : i32
          %add3A_1362 = arith.constant 22 : i32
          %add3A_1363 = arith.addi %mul3A_1361, %add3A_1362 : i32
          %get3A_1364 = arith.index_cast %add3A_1363 : i32 to index
          %get3A_1365 = arith.constant 0 : index
          %get3A_1366 = tpu.vector_load %arg9[%get3A_1364, %get3A_1365] {strides = array<i32>} : memref<128x128xf32, #tpu.memory_space<vmem>>, vector<1x16xf32>,
          %get3A_1367 = vector.shape_cast %get3A_1366 : vector<1x16xf32> to vector<16xf32>
          %mul3A_1368 = arith.mulf %gather3A_1359, %get3A_1367 : vector<16xf32>
          %add3A_1369 = arith.addf %add3A_1313, %mul3A_1368 : vector<16xf32>
          %get3A_1370 = arith.index_cast %add3A_1363 : i32 to index
          %get3A_1371 = arith.constant 16 : index
          %get3A_1372 = tpu.vector_load %arg9[%get3A_1370, %get3A_1371] {strides = array<i32>} : memref<128x128xf32, #tpu.memory_space<vmem>>, vector<1x16xf32>,
          %get3A_1373 = vector.shape_cast %get3A_1372 : vector<1x16xf32> to vector<16xf32>
          %mul3A_1374 = arith.mulf %gather3A_1359, %get3A_1373 : vector<16xf32>
          %add3A_1375 = arith.addf %add3A_1319, %mul3A_1374 : vector<16xf32>
          %get3A_1376 = arith.index_cast %add3A_1363 : i32 to index
          %get3A_1377 = arith.constant 32 : index
          %get3A_1378 = tpu.vector_load %arg9[%get3A_1376, %get3A_1377] {strides = array<i32>} : memref<128x128xf32, #tpu.memory_space<vmem>>, vector<1x16xf32>,
          %get3A_1379 = vector.shape_cast %get3A_1378 : vector<1x16xf32> to vector<16xf32>
          %mul3A_1380 = arith.mulf %gather3A_1359, %get3A_1379 : vector<16xf32>
          %add3A_1381 = arith.addf %add3A_1325, %mul3A_1380 : vector<16xf32>
          %get3A_1382 = arith.index_cast %add3A_1363 : i32 to index
          %get3A_1383 = arith.constant 48 : index
          %get3A_1384 = tpu.vector_load %arg9[%get3A_1382, %get3A_1383] {strides = array<i32>} : memref<128x128xf32, #tpu.memory_space<vmem>>, vector<1x16xf32>,
          %get3A_1385 = vector.shape_cast %get3A_1384 : vector<1x16xf32> to vector<16xf32>
          %mul3A_1386 = arith.mulf %gather3A_1359, %get3A_1385 : vector<16xf32>
          %add3A_1387 = arith.addf %add3A_1331, %mul3A_1386 : vector<16xf32>
          %get3A_1388 = arith.index_cast %add3A_1363 : i32 to index
          %get3A_1389 = arith.constant 64 : index
          %get3A_1390 = tpu.vector_load %arg9[%get3A_1388, %get3A_1389] {strides = array<i32>} : memref<128x128xf32, #tpu.memory_space<vmem>>, vector<1x16xf32>,
          %get3A_1391 = vector.shape_cast %get3A_1390 : vector<1x16xf32> to vector<16xf32>
          %mul3A_1392 = arith.mulf %gather3A_1359, %get3A_1391 : vector<16xf32>
          %add3A_1393 = arith.addf %add3A_1337, %mul3A_1392 : vector<16xf32>
          %get3A_1394 = arith.index_cast %add3A_1363 : i32 to index
          %get3A_1395 = arith.constant 80 : index
          %get3A_1396 = tpu.vector_load %arg9[%get3A_1394, %get3A_1395] {strides = array<i32>} : memref<128x128xf32, #tpu.memory_space<vmem>>, vector<1x16xf32>,
          %get3A_1397 = vector.shape_cast %get3A_1396 : vector<1x16xf32> to vector<16xf32>
          %mul3A_1398 = arith.mulf %gather3A_1359, %get3A_1397 : vector<16xf32>
          %add3A_1399 = arith.addf %add3A_1343, %mul3A_1398 : vector<16xf32>
          %get3A_1400 = arith.index_cast %add3A_1363 : i32 to index
          %get3A_1401 = arith.constant 96 : index
          %get3A_1402 = tpu.vector_load %arg9[%get3A_1400, %get3A_1401] {strides = array<i32>} : memref<128x128xf32, #tpu.memory_space<vmem>>, vector<1x16xf32>,
          %get3A_1403 = vector.shape_cast %get3A_1402 : vector<1x16xf32> to vector<16xf32>
          %mul3A_1404 = arith.mulf %gather3A_1359, %get3A_1403 : vector<16xf32>
          %add3A_1405 = arith.addf %add3A_1349, %mul3A_1404 : vector<16xf32>
          %get3A_1406 = arith.index_cast %add3A_1363 : i32 to index
          %get3A_1407 = arith.constant 112 : index
          %get3A_1408 = tpu.vector_load %arg9[%get3A_1406, %get3A_1407] {strides = array<i32>} : memref<128x128xf32, #tpu.memory_space<vmem>>, vector<1x16xf32>,
          %get3A_1409 = vector.shape_cast %get3A_1408 : vector<1x16xf32> to vector<16xf32>
          %mul3A_1410 = arith.mulf %gather3A_1359, %get3A_1409 : vector<16xf32>
          %add3A_1411 = arith.addf %add3A_1355, %mul3A_1410 : vector<16xf32>
          %broadcast_in_dim3A_1412 = arith.constant 7 : i32
          %broadcast_in_dim3A_1413 = vector.broadcast %broadcast_in_dim3A_1412 : i32 to vector<16x1xi32>
          %gather3A_1414 = vector.shape_cast %broadcast_in_dim3A_1413 : vector<16x1xi32> to vector<16xi32>
          %gather3A_1415 = tpu.dynamic_gather %get3A_109[%gather3A_1414] in [0] : vector<16xf32>, vector<16xi32> -> vector<16xf32>
          %mul3A_1416 = arith.constant 32 : i32
          %mul3A_1417 = arith.muli %scan3A_91, %mul3A_1416 : i32
          %add3A_1418 = arith.constant 23 : i32
          %add3A_1419 = arith.addi %mul3A_1417, %add3A_1418 : i32
          %get3A_1420 = arith.index_cast %add3A_1419 : i32 to index
          %get3A_1421 = arith.constant 0 : index
          %get3A_1422 = tpu.vector_load %arg9[%get3A_1420, %get3A_1421] {strides = array<i32>} : memref<128x128xf32, #tpu.memory_space<vmem>>, vector<1x16xf32>,
          %get3A_1423 = vector.shape_cast %get3A_1422 : vector<1x16xf32> to vector<16xf32>
          %mul3A_1424 = arith.mulf %gather3A_1415, %get3A_1423 : vector<16xf32>
          %add3A_1425 = arith.addf %add3A_1369, %mul3A_1424 : vector<16xf32>
          %get3A_1426 = arith.index_cast %add3A_1419 : i32 to index
          %get3A_1427 = arith.constant 16 : index
          %get3A_1428 = tpu.vector_load %arg9[%get3A_1426, %get3A_1427] {strides = array<i32>} : memref<128x128xf32, #tpu.memory_space<vmem>>, vector<1x16xf32>,
          %get3A_1429 = vector.shape_cast %get3A_1428 : vector<1x16xf32> to vector<16xf32>
          %mul3A_1430 = arith.mulf %gather3A_1415, %get3A_1429 : vector<16xf32>
          %add3A_1431 = arith.addf %add3A_1375, %mul3A_1430 : vector<16xf32>
          %get3A_1432 = arith.index_cast %add3A_1419 : i32 to index
          %get3A_1433 = arith.constant 32 : index
          %get3A_1434 = tpu.vector_load %arg9[%get3A_1432, %get3A_1433] {strides = array<i32>} : memref<128x128xf32, #tpu.memory_space<vmem>>, vector<1x16xf32>,
          %get3A_1435 = vector.shape_cast %get3A_1434 : vector<1x16xf32> to vector<16xf32>
          %mul3A_1436 = arith.mulf %gather3A_1415, %get3A_1435 : vector<16xf32>
          %add3A_1437 = arith.addf %add3A_1381, %mul3A_1436 : vector<16xf32>
          %get3A_1438 = arith.index_cast %add3A_1419 : i32 to index
          %get3A_1439 = arith.constant 48 : index
          %get3A_1440 = tpu.vector_load %arg9[%get3A_1438, %get3A_1439] {strides = array<i32>} : memref<128x128xf32, #tpu.memory_space<vmem>>, vector<1x16xf32>,
          %get3A_1441 = vector.shape_cast %get3A_1440 : vector<1x16xf32> to vector<16xf32>
          %mul3A_1442 = arith.mulf %gather3A_1415, %get3A_1441 : vector<16xf32>
          %add3A_1443 = arith.addf %add3A_1387, %mul3A_1442 : vector<16xf32>
          %get3A_1444 = arith.index_cast %add3A_1419 : i32 to index
          %get3A_1445 = arith.constant 64 : index
          %get3A_1446 = tpu.vector_load %arg9[%get3A_1444, %get3A_1445] {strides = array<i32>} : memref<128x128xf32, #tpu.memory_space<vmem>>, vector<1x16xf32>,
          %get3A_1447 = vector.shape_cast %get3A_1446 : vector<1x16xf32> to vector<16xf32>
          %mul3A_1448 = arith.mulf %gather3A_1415, %get3A_1447 : vector<16xf32>
          %add3A_1449 = arith.addf %add3A_1393, %mul3A_1448 : vector<16xf32>
          %get3A_1450 = arith.index_cast %add3A_1419 : i32 to index
          %get3A_1451 = arith.constant 80 : index
          %get3A_1452 = tpu.vector_load %arg9[%get3A_1450, %get3A_1451] {strides = array<i32>} : memref<128x128xf32, #tpu.memory_space<vmem>>, vector<1x16xf32>,
          %get3A_1453 = vector.shape_cast %get3A_1452 : vector<1x16xf32> to vector<16xf32>
          %mul3A_1454 = arith.mulf %gather3A_1415, %get3A_1453 : vector<16xf32>
          %add3A_1455 = arith.addf %add3A_1399, %mul3A_1454 : vector<16xf32>
          %get3A_1456 = arith.index_cast %add3A_1419 : i32 to index
          %get3A_1457 = arith.constant 96 : index
          %get3A_1458 = tpu.vector_load %arg9[%get3A_1456, %get3A_1457] {strides = array<i32>} : memref<128x128xf32, #tpu.memory_space<vmem>>, vector<1x16xf32>,
          %get3A_1459 = vector.shape_cast %get3A_1458 : vector<1x16xf32> to vector<16xf32>
          %mul3A_1460 = arith.mulf %gather3A_1415, %get3A_1459 : vector<16xf32>
          %add3A_1461 = arith.addf %add3A_1405, %mul3A_1460 : vector<16xf32>
          %get3A_1462 = arith.index_cast %add3A_1419 : i32 to index
          %get3A_1463 = arith.constant 112 : index
          %get3A_1464 = tpu.vector_load %arg9[%get3A_1462, %get3A_1463] {strides = array<i32>} : memref<128x128xf32, #tpu.memory_space<vmem>>, vector<1x16xf32>,
          %get3A_1465 = vector.shape_cast %get3A_1464 : vector<1x16xf32> to vector<16xf32>
          %mul3A_1466 = arith.mulf %gather3A_1415, %get3A_1465 : vector<16xf32>
          %add3A_1467 = arith.addf %add3A_1411, %mul3A_1466 : vector<16xf32>
          %broadcast_in_dim3A_1468 = arith.constant 8 : i32
          %broadcast_in_dim3A_1469 = vector.broadcast %broadcast_in_dim3A_1468 : i32 to vector<16x1xi32>
          %gather3A_1470 = vector.shape_cast %broadcast_in_dim3A_1469 : vector<16x1xi32> to vector<16xi32>
          %gather3A_1471 = tpu.dynamic_gather %get3A_109[%gather3A_1470] in [0] : vector<16xf32>, vector<16xi32> -> vector<16xf32>
          %mul3A_1472 = arith.constant 32 : i32
          %mul3A_1473 = arith.muli %scan3A_91, %mul3A_1472 : i32
          %add3A_1474 = arith.constant 24 : i32
          %add3A_1475 = arith.addi %mul3A_1473, %add3A_1474 : i32
          %get3A_1476 = arith.index_cast %add3A_1475 : i32 to index
          %get3A_1477 = arith.constant 0 : index
          %get3A_1478 = tpu.vector_load %arg9[%get3A_1476, %get3A_1477] {strides = array<i32>} : memref<128x128xf32, #tpu.memory_space<vmem>>, vector<1x16xf32>,
          %get3A_1479 = vector.shape_cast %get3A_1478 : vector<1x16xf32> to vector<16xf32>
          %mul3A_1480 = arith.mulf %gather3A_1471, %get3A_1479 : vector<16xf32>
          %add3A_1481 = arith.addf %add3A_1425, %mul3A_1480 : vector<16xf32>
          %get3A_1482 = arith.index_cast %add3A_1475 : i32 to index
          %get3A_1483 = arith.constant 16 : index
          %get3A_1484 = tpu.vector_load %arg9[%get3A_1482, %get3A_1483] {strides = array<i32>} : memref<128x128xf32, #tpu.memory_space<vmem>>, vector<1x16xf32>,
          %get3A_1485 = vector.shape_cast %get3A_1484 : vector<1x16xf32> to vector<16xf32>
          %mul3A_1486 = arith.mulf %gather3A_1471, %get3A_1485 : vector<16xf32>
          %add3A_1487 = arith.addf %add3A_1431, %mul3A_1486 : vector<16xf32>
          %get3A_1488 = arith.index_cast %add3A_1475 : i32 to index
          %get3A_1489 = arith.constant 32 : index
          %get3A_1490 = tpu.vector_load %arg9[%get3A_1488, %get3A_1489] {strides = array<i32>} : memref<128x128xf32, #tpu.memory_space<vmem>>, vector<1x16xf32>,
          %get3A_1491 = vector.shape_cast %get3A_1490 : vector<1x16xf32> to vector<16xf32>
          %mul3A_1492 = arith.mulf %gather3A_1471, %get3A_1491 : vector<16xf32>
          %add3A_1493 = arith.addf %add3A_1437, %mul3A_1492 : vector<16xf32>
          %get3A_1494 = arith.index_cast %add3A_1475 : i32 to index
          %get3A_1495 = arith.constant 48 : index
          %get3A_1496 = tpu.vector_load %arg9[%get3A_1494, %get3A_1495] {strides = array<i32>} : memref<128x128xf32, #tpu.memory_space<vmem>>, vector<1x16xf32>,
          %get3A_1497 = vector.shape_cast %get3A_1496 : vector<1x16xf32> to vector<16xf32>
          %mul3A_1498 = arith.mulf %gather3A_1471, %get3A_1497 : vector<16xf32>
          %add3A_1499 = arith.addf %add3A_1443, %mul3A_1498 : vector<16xf32>
          %get3A_1500 = arith.index_cast %add3A_1475 : i32 to index
          %get3A_1501 = arith.constant 64 : index
          %get3A_1502 = tpu.vector_load %arg9[%get3A_1500, %get3A_1501] {strides = array<i32>} : memref<128x128xf32, #tpu.memory_space<vmem>>, vector<1x16xf32>,
          %get3A_1503 = vector.shape_cast %get3A_1502 : vector<1x16xf32> to vector<16xf32>
          %mul3A_1504 = arith.mulf %gather3A_1471, %get3A_1503 : vector<16xf32>
          %add3A_1505 = arith.addf %add3A_1449, %mul3A_1504 : vector<16xf32>
          %get3A_1506 = arith.index_cast %add3A_1475 : i32 to index
          %get3A_1507 = arith.constant 80 : index
          %get3A_1508 = tpu.vector_load %arg9[%get3A_1506, %get3A_1507] {strides = array<i32>} : memref<128x128xf32, #tpu.memory_space<vmem>>, vector<1x16xf32>,
          %get3A_1509 = vector.shape_cast %get3A_1508 : vector<1x16xf32> to vector<16xf32>
          %mul3A_1510 = arith.mulf %gather3A_1471, %get3A_1509 : vector<16xf32>
          %add3A_1511 = arith.addf %add3A_1455, %mul3A_1510 : vector<16xf32>
          %get3A_1512 = arith.index_cast %add3A_1475 : i32 to index
          %get3A_1513 = arith.constant 96 : index
          %get3A_1514 = tpu.vector_load %arg9[%get3A_1512, %get3A_1513] {strides = array<i32>} : memref<128x128xf32, #tpu.memory_space<vmem>>, vector<1x16xf32>,
          %get3A_1515 = vector.shape_cast %get3A_1514 : vector<1x16xf32> to vector<16xf32>
          %mul3A_1516 = arith.mulf %gather3A_1471, %get3A_1515 : vector<16xf32>
          %add3A_1517 = arith.addf %add3A_1461, %mul3A_1516 : vector<16xf32>
          %get3A_1518 = arith.index_cast %add3A_1475 : i32 to index
          %get3A_1519 = arith.constant 112 : index
          %get3A_1520 = tpu.vector_load %arg9[%get3A_1518, %get3A_1519] {strides = array<i32>} : memref<128x128xf32, #tpu.memory_space<vmem>>, vector<1x16xf32>,
          %get3A_1521 = vector.shape_cast %get3A_1520 : vector<1x16xf32> to vector<16xf32>
          %mul3A_1522 = arith.mulf %gather3A_1471, %get3A_1521 : vector<16xf32>
          %add3A_1523 = arith.addf %add3A_1467, %mul3A_1522 : vector<16xf32>
          %broadcast_in_dim3A_1524 = arith.constant 9 : i32
          %broadcast_in_dim3A_1525 = vector.broadcast %broadcast_in_dim3A_1524 : i32 to vector<16x1xi32>
          %gather3A_1526 = vector.shape_cast %broadcast_in_dim3A_1525 : vector<16x1xi32> to vector<16xi32>
          %gather3A_1527 = tpu.dynamic_gather %get3A_109[%gather3A_1526] in [0] : vector<16xf32>, vector<16xi32> -> vector<16xf32>
          %mul3A_1528 = arith.constant 32 : i32
          %mul3A_1529 = arith.muli %scan3A_91, %mul3A_1528 : i32
          %add3A_1530 = arith.constant 25 : i32
          %add3A_1531 = arith.addi %mul3A_1529, %add3A_1530 : i32
          %get3A_1532 = arith.index_cast %add3A_1531 : i32 to index
          %get3A_1533 = arith.constant 0 : index
          %get3A_1534 = tpu.vector_load %arg9[%get3A_1532, %get3A_1533] {strides = array<i32>} : memref<128x128xf32, #tpu.memory_space<vmem>>, vector<1x16xf32>,
          %get3A_1535 = vector.shape_cast %get3A_1534 : vector<1x16xf32> to vector<16xf32>
          %mul3A_1536 = arith.mulf %gather3A_1527, %get3A_1535 : vector<16xf32>
          %add3A_1537 = arith.addf %add3A_1481, %mul3A_1536 : vector<16xf32>
          %get3A_1538 = arith.index_cast %add3A_1531 : i32 to index
          %get3A_1539 = arith.constant 16 : index
          %get3A_1540 = tpu.vector_load %arg9[%get3A_1538, %get3A_1539] {strides = array<i32>} : memref<128x128xf32, #tpu.memory_space<vmem>>, vector<1x16xf32>,
          %get3A_1541 = vector.shape_cast %get3A_1540 : vector<1x16xf32> to vector<16xf32>
          %mul3A_1542 = arith.mulf %gather3A_1527, %get3A_1541 : vector<16xf32>
          %add3A_1543 = arith.addf %add3A_1487, %mul3A_1542 : vector<16xf32>
          %get3A_1544 = arith.index_cast %add3A_1531 : i32 to index
          %get3A_1545 = arith.constant 32 : index
          %get3A_1546 = tpu.vector_load %arg9[%get3A_1544, %get3A_1545] {strides = array<i32>} : memref<128x128xf32, #tpu.memory_space<vmem>>, vector<1x16xf32>,
          %get3A_1547 = vector.shape_cast %get3A_1546 : vector<1x16xf32> to vector<16xf32>
          %mul3A_1548 = arith.mulf %gather3A_1527, %get3A_1547 : vector<16xf32>
          %add3A_1549 = arith.addf %add3A_1493, %mul3A_1548 : vector<16xf32>
          %get3A_1550 = arith.index_cast %add3A_1531 : i32 to index
          %get3A_1551 = arith.constant 48 : index
          %get3A_1552 = tpu.vector_load %arg9[%get3A_1550, %get3A_1551] {strides = array<i32>} : memref<128x128xf32, #tpu.memory_space<vmem>>, vector<1x16xf32>,
          %get3A_1553 = vector.shape_cast %get3A_1552 : vector<1x16xf32> to vector<16xf32>
          %mul3A_1554 = arith.mulf %gather3A_1527, %get3A_1553 : vector<16xf32>
          %add3A_1555 = arith.addf %add3A_1499, %mul3A_1554 : vector<16xf32>
          %get3A_1556 = arith.index_cast %add3A_1531 : i32 to index
          %get3A_1557 = arith.constant 64 : index
          %get3A_1558 = tpu.vector_load %arg9[%get3A_1556, %get3A_1557] {strides = array<i32>} : memref<128x128xf32, #tpu.memory_space<vmem>>, vector<1x16xf32>,
          %get3A_1559 = vector.shape_cast %get3A_1558 : vector<1x16xf32> to vector<16xf32>
          %mul3A_1560 = arith.mulf %gather3A_1527, %get3A_1559 : vector<16xf32>
          %add3A_1561 = arith.addf %add3A_1505, %mul3A_1560 : vector<16xf32>
          %get3A_1562 = arith.index_cast %add3A_1531 : i32 to index
          %get3A_1563 = arith.constant 80 : index
          %get3A_1564 = tpu.vector_load %arg9[%get3A_1562, %get3A_1563] {strides = array<i32>} : memref<128x128xf32, #tpu.memory_space<vmem>>, vector<1x16xf32>,
          %get3A_1565 = vector.shape_cast %get3A_1564 : vector<1x16xf32> to vector<16xf32>
          %mul3A_1566 = arith.mulf %gather3A_1527, %get3A_1565 : vector<16xf32>
          %add3A_1567 = arith.addf %add3A_1511, %mul3A_1566 : vector<16xf32>
          %get3A_1568 = arith.index_cast %add3A_1531 : i32 to index
          %get3A_1569 = arith.constant 96 : index
          %get3A_1570 = tpu.vector_load %arg9[%get3A_1568, %get3A_1569] {strides = array<i32>} : memref<128x128xf32, #tpu.memory_space<vmem>>, vector<1x16xf32>,
          %get3A_1571 = vector.shape_cast %get3A_1570 : vector<1x16xf32> to vector<16xf32>
          %mul3A_1572 = arith.mulf %gather3A_1527, %get3A_1571 : vector<16xf32>
          %add3A_1573 = arith.addf %add3A_1517, %mul3A_1572 : vector<16xf32>
          %get3A_1574 = arith.index_cast %add3A_1531 : i32 to index
          %get3A_1575 = arith.constant 112 : index
          %get3A_1576 = tpu.vector_load %arg9[%get3A_1574, %get3A_1575] {strides = array<i32>} : memref<128x128xf32, #tpu.memory_space<vmem>>, vector<1x16xf32>,
          %get3A_1577 = vector.shape_cast %get3A_1576 : vector<1x16xf32> to vector<16xf32>
          %mul3A_1578 = arith.mulf %gather3A_1527, %get3A_1577 : vector<16xf32>
          %add3A_1579 = arith.addf %add3A_1523, %mul3A_1578 : vector<16xf32>
          %broadcast_in_dim3A_1580 = arith.constant 10 : i32
          %broadcast_in_dim3A_1581 = vector.broadcast %broadcast_in_dim3A_1580 : i32 to vector<16x1xi32>
          %gather3A_1582 = vector.shape_cast %broadcast_in_dim3A_1581 : vector<16x1xi32> to vector<16xi32>
          %gather3A_1583 = tpu.dynamic_gather %get3A_109[%gather3A_1582] in [0] : vector<16xf32>, vector<16xi32> -> vector<16xf32>
          %mul3A_1584 = arith.constant 32 : i32
          %mul3A_1585 = arith.muli %scan3A_91, %mul3A_1584 : i32
          %add3A_1586 = arith.constant 26 : i32
          %add3A_1587 = arith.addi %mul3A_1585, %add3A_1586 : i32
          %get3A_1588 = arith.index_cast %add3A_1587 : i32 to index
          %get3A_1589 = arith.constant 0 : index
          %get3A_1590 = tpu.vector_load %arg9[%get3A_1588, %get3A_1589] {strides = array<i32>} : memref<128x128xf32, #tpu.memory_space<vmem>>, vector<1x16xf32>,
          %get3A_1591 = vector.shape_cast %get3A_1590 : vector<1x16xf32> to vector<16xf32>
          %mul3A_1592 = arith.mulf %gather3A_1583, %get3A_1591 : vector<16xf32>
          %add3A_1593 = arith.addf %add3A_1537, %mul3A_1592 : vector<16xf32>
          %get3A_1594 = arith.index_cast %add3A_1587 : i32 to index
          %get3A_1595 = arith.constant 16 : index
          %get3A_1596 = tpu.vector_load %arg9[%get3A_1594, %get3A_1595] {strides = array<i32>} : memref<128x128xf32, #tpu.memory_space<vmem>>, vector<1x16xf32>,
          %get3A_1597 = vector.shape_cast %get3A_1596 : vector<1x16xf32> to vector<16xf32>
          %mul3A_1598 = arith.mulf %gather3A_1583, %get3A_1597 : vector<16xf32>
          %add3A_1599 = arith.addf %add3A_1543, %mul3A_1598 : vector<16xf32>
          %get3A_1600 = arith.index_cast %add3A_1587 : i32 to index
          %get3A_1601 = arith.constant 32 : index
          %get3A_1602 = tpu.vector_load %arg9[%get3A_1600, %get3A_1601] {strides = array<i32>} : memref<128x128xf32, #tpu.memory_space<vmem>>, vector<1x16xf32>,
          %get3A_1603 = vector.shape_cast %get3A_1602 : vector<1x16xf32> to vector<16xf32>
          %mul3A_1604 = arith.mulf %gather3A_1583, %get3A_1603 : vector<16xf32>
          %add3A_1605 = arith.addf %add3A_1549, %mul3A_1604 : vector<16xf32>
          %get3A_1606 = arith.index_cast %add3A_1587 : i32 to index
          %get3A_1607 = arith.constant 48 : index
          %get3A_1608 = tpu.vector_load %arg9[%get3A_1606, %get3A_1607] {strides = array<i32>} : memref<128x128xf32, #tpu.memory_space<vmem>>, vector<1x16xf32>,
          %get3A_1609 = vector.shape_cast %get3A_1608 : vector<1x16xf32> to vector<16xf32>
          %mul3A_1610 = arith.mulf %gather3A_1583, %get3A_1609 : vector<16xf32>
          %add3A_1611 = arith.addf %add3A_1555, %mul3A_1610 : vector<16xf32>
          %get3A_1612 = arith.index_cast %add3A_1587 : i32 to index
          %get3A_1613 = arith.constant 64 : index
          %get3A_1614 = tpu.vector_load %arg9[%get3A_1612, %get3A_1613] {strides = array<i32>} : memref<128x128xf32, #tpu.memory_space<vmem>>, vector<1x16xf32>,
          %get3A_1615 = vector.shape_cast %get3A_1614 : vector<1x16xf32> to vector<16xf32>
          %mul3A_1616 = arith.mulf %gather3A_1583, %get3A_1615 : vector<16xf32>
          %add3A_1617 = arith.addf %add3A_1561, %mul3A_1616 : vector<16xf32>
          %get3A_1618 = arith.index_cast %add3A_1587 : i32 to index
          %get3A_1619 = arith.constant 80 : index
          %get3A_1620 = tpu.vector_load %arg9[%get3A_1618, %get3A_1619] {strides = array<i32>} : memref<128x128xf32, #tpu.memory_space<vmem>>, vector<1x16xf32>,
          %get3A_1621 = vector.shape_cast %get3A_1620 : vector<1x16xf32> to vector<16xf32>
          %mul3A_1622 = arith.mulf %gather3A_1583, %get3A_1621 : vector<16xf32>
          %add3A_1623 = arith.addf %add3A_1567, %mul3A_1622 : vector<16xf32>
          %get3A_1624 = arith.index_cast %add3A_1587 : i32 to index
          %get3A_1625 = arith.constant 96 : index
          %get3A_1626 = tpu.vector_load %arg9[%get3A_1624, %get3A_1625] {strides = array<i32>} : memref<128x128xf32, #tpu.memory_space<vmem>>, vector<1x16xf32>,
          %get3A_1627 = vector.shape_cast %get3A_1626 : vector<1x16xf32> to vector<16xf32>
          %mul3A_1628 = arith.mulf %gather3A_1583, %get3A_1627 : vector<16xf32>
          %add3A_1629 = arith.addf %add3A_1573, %mul3A_1628 : vector<16xf32>
          %get3A_1630 = arith.index_cast %add3A_1587 : i32 to index
          %get3A_1631 = arith.constant 112 : index
          %get3A_1632 = tpu.vector_load %arg9[%get3A_1630, %get3A_1631] {strides = array<i32>} : memref<128x128xf32, #tpu.memory_space<vmem>>, vector<1x16xf32>,
          %get3A_1633 = vector.shape_cast %get3A_1632 : vector<1x16xf32> to vector<16xf32>
          %mul3A_1634 = arith.mulf %gather3A_1583, %get3A_1633 : vector<16xf32>
          %add3A_1635 = arith.addf %add3A_1579, %mul3A_1634 : vector<16xf32>
          %broadcast_in_dim3A_1636 = arith.constant 11 : i32
          %broadcast_in_dim3A_1637 = vector.broadcast %broadcast_in_dim3A_1636 : i32 to vector<16x1xi32>
          %gather3A_1638 = vector.shape_cast %broadcast_in_dim3A_1637 : vector<16x1xi32> to vector<16xi32>
          %gather3A_1639 = tpu.dynamic_gather %get3A_109[%gather3A_1638] in [0] : vector<16xf32>, vector<16xi32> -> vector<16xf32>
          %mul3A_1640 = arith.constant 32 : i32
          %mul3A_1641 = arith.muli %scan3A_91, %mul3A_1640 : i32
          %add3A_1642 = arith.constant 27 : i32
          %add3A_1643 = arith.addi %mul3A_1641, %add3A_1642 : i32
          %get3A_1644 = arith.index_cast %add3A_1643 : i32 to index
          %get3A_1645 = arith.constant 0 : index
          %get3A_1646 = tpu.vector_load %arg9[%get3A_1644, %get3A_1645] {strides = array<i32>} : memref<128x128xf32, #tpu.memory_space<vmem>>, vector<1x16xf32>,
          %get3A_1647 = vector.shape_cast %get3A_1646 : vector<1x16xf32> to vector<16xf32>
          %mul3A_1648 = arith.mulf %gather3A_1639, %get3A_1647 : vector<16xf32>
          %add3A_1649 = arith.addf %add3A_1593, %mul3A_1648 : vector<16xf32>
          %get3A_1650 = arith.index_cast %add3A_1643 : i32 to index
          %get3A_1651 = arith.constant 16 : index
          %get3A_1652 = tpu.vector_load %arg9[%get3A_1650, %get3A_1651] {strides = array<i32>} : memref<128x128xf32, #tpu.memory_space<vmem>>, vector<1x16xf32>,
          %get3A_1653 = vector.shape_cast %get3A_1652 : vector<1x16xf32> to vector<16xf32>
          %mul3A_1654 = arith.mulf %gather3A_1639, %get3A_1653 : vector<16xf32>
          %add3A_1655 = arith.addf %add3A_1599, %mul3A_1654 : vector<16xf32>
          %get3A_1656 = arith.index_cast %add3A_1643 : i32 to index
          %get3A_1657 = arith.constant 32 : index
          %get3A_1658 = tpu.vector_load %arg9[%get3A_1656, %get3A_1657] {strides = array<i32>} : memref<128x128xf32, #tpu.memory_space<vmem>>, vector<1x16xf32>,
          %get3A_1659 = vector.shape_cast %get3A_1658 : vector<1x16xf32> to vector<16xf32>
          %mul3A_1660 = arith.mulf %gather3A_1639, %get3A_1659 : vector<16xf32>
          %add3A_1661 = arith.addf %add3A_1605, %mul3A_1660 : vector<16xf32>
          %get3A_1662 = arith.index_cast %add3A_1643 : i32 to index
          %get3A_1663 = arith.constant 48 : index
          %get3A_1664 = tpu.vector_load %arg9[%get3A_1662, %get3A_1663] {strides = array<i32>} : memref<128x128xf32, #tpu.memory_space<vmem>>, vector<1x16xf32>,
          %get3A_1665 = vector.shape_cast %get3A_1664 : vector<1x16xf32> to vector<16xf32>
          %mul3A_1666 = arith.mulf %gather3A_1639, %get3A_1665 : vector<16xf32>
          %add3A_1667 = arith.addf %add3A_1611, %mul3A_1666 : vector<16xf32>
          %get3A_1668 = arith.index_cast %add3A_1643 : i32 to index
          %get3A_1669 = arith.constant 64 : index
          %get3A_1670 = tpu.vector_load %arg9[%get3A_1668, %get3A_1669] {strides = array<i32>} : memref<128x128xf32, #tpu.memory_space<vmem>>, vector<1x16xf32>,
          %get3A_1671 = vector.shape_cast %get3A_1670 : vector<1x16xf32> to vector<16xf32>
          %mul3A_1672 = arith.mulf %gather3A_1639, %get3A_1671 : vector<16xf32>
          %add3A_1673 = arith.addf %add3A_1617, %mul3A_1672 : vector<16xf32>
          %get3A_1674 = arith.index_cast %add3A_1643 : i32 to index
          %get3A_1675 = arith.constant 80 : index
          %get3A_1676 = tpu.vector_load %arg9[%get3A_1674, %get3A_1675] {strides = array<i32>} : memref<128x128xf32, #tpu.memory_space<vmem>>, vector<1x16xf32>,
          %get3A_1677 = vector.shape_cast %get3A_1676 : vector<1x16xf32> to vector<16xf32>
          %mul3A_1678 = arith.mulf %gather3A_1639, %get3A_1677 : vector<16xf32>
          %add3A_1679 = arith.addf %add3A_1623, %mul3A_1678 : vector<16xf32>
          %get3A_1680 = arith.index_cast %add3A_1643 : i32 to index
          %get3A_1681 = arith.constant 96 : index
          %get3A_1682 = tpu.vector_load %arg9[%get3A_1680, %get3A_1681] {strides = array<i32>} : memref<128x128xf32, #tpu.memory_space<vmem>>, vector<1x16xf32>,
          %get3A_1683 = vector.shape_cast %get3A_1682 : vector<1x16xf32> to vector<16xf32>
          %mul3A_1684 = arith.mulf %gather3A_1639, %get3A_1683 : vector<16xf32>
          %add3A_1685 = arith.addf %add3A_1629, %mul3A_1684 : vector<16xf32>
          %get3A_1686 = arith.index_cast %add3A_1643 : i32 to index
          %get3A_1687 = arith.constant 112 : index
          %get3A_1688 = tpu.vector_load %arg9[%get3A_1686, %get3A_1687] {strides = array<i32>} : memref<128x128xf32, #tpu.memory_space<vmem>>, vector<1x16xf32>,
          %get3A_1689 = vector.shape_cast %get3A_1688 : vector<1x16xf32> to vector<16xf32>
          %mul3A_1690 = arith.mulf %gather3A_1639, %get3A_1689 : vector<16xf32>
          %add3A_1691 = arith.addf %add3A_1635, %mul3A_1690 : vector<16xf32>
          %broadcast_in_dim3A_1692 = arith.constant 12 : i32
          %broadcast_in_dim3A_1693 = vector.broadcast %broadcast_in_dim3A_1692 : i32 to vector<16x1xi32>
          %gather3A_1694 = vector.shape_cast %broadcast_in_dim3A_1693 : vector<16x1xi32> to vector<16xi32>
          %gather3A_1695 = tpu.dynamic_gather %get3A_109[%gather3A_1694] in [0] : vector<16xf32>, vector<16xi32> -> vector<16xf32>
          %mul3A_1696 = arith.constant 32 : i32
          %mul3A_1697 = arith.muli %scan3A_91, %mul3A_1696 : i32
          %add3A_1698 = arith.constant 28 : i32
          %add3A_1699 = arith.addi %mul3A_1697, %add3A_1698 : i32
          %get3A_1700 = arith.index_cast %add3A_1699 : i32 to index
          %get3A_1701 = arith.constant 0 : index
          %get3A_1702 = tpu.vector_load %arg9[%get3A_1700, %get3A_1701] {strides = array<i32>} : memref<128x128xf32, #tpu.memory_space<vmem>>, vector<1x16xf32>,
          %get3A_1703 = vector.shape_cast %get3A_1702 : vector<1x16xf32> to vector<16xf32>
          %mul3A_1704 = arith.mulf %gather3A_1695, %get3A_1703 : vector<16xf32>
          %add3A_1705 = arith.addf %add3A_1649, %mul3A_1704 : vector<16xf32>
          %get3A_1706 = arith.index_cast %add3A_1699 : i32 to index
          %get3A_1707 = arith.constant 16 : index
          %get3A_1708 = tpu.vector_load %arg9[%get3A_1706, %get3A_1707] {strides = array<i32>} : memref<128x128xf32, #tpu.memory_space<vmem>>, vector<1x16xf32>,
          %get3A_1709 = vector.shape_cast %get3A_1708 : vector<1x16xf32> to vector<16xf32>
          %mul3A_1710 = arith.mulf %gather3A_1695, %get3A_1709 : vector<16xf32>
          %add3A_1711 = arith.addf %add3A_1655, %mul3A_1710 : vector<16xf32>
          %get3A_1712 = arith.index_cast %add3A_1699 : i32 to index
          %get3A_1713 = arith.constant 32 : index
          %get3A_1714 = tpu.vector_load %arg9[%get3A_1712, %get3A_1713] {strides = array<i32>} : memref<128x128xf32, #tpu.memory_space<vmem>>, vector<1x16xf32>,
          %get3A_1715 = vector.shape_cast %get3A_1714 : vector<1x16xf32> to vector<16xf32>
          %mul3A_1716 = arith.mulf %gather3A_1695, %get3A_1715 : vector<16xf32>
          %add3A_1717 = arith.addf %add3A_1661, %mul3A_1716 : vector<16xf32>
          %get3A_1718 = arith.index_cast %add3A_1699 : i32 to index
          %get3A_1719 = arith.constant 48 : index
          %get3A_1720 = tpu.vector_load %arg9[%get3A_1718, %get3A_1719] {strides = array<i32>} : memref<128x128xf32, #tpu.memory_space<vmem>>, vector<1x16xf32>,
          %get3A_1721 = vector.shape_cast %get3A_1720 : vector<1x16xf32> to vector<16xf32>
          %mul3A_1722 = arith.mulf %gather3A_1695, %get3A_1721 : vector<16xf32>
          %add3A_1723 = arith.addf %add3A_1667, %mul3A_1722 : vector<16xf32>
          %get3A_1724 = arith.index_cast %add3A_1699 : i32 to index
          %get3A_1725 = arith.constant 64 : index
          %get3A_1726 = tpu.vector_load %arg9[%get3A_1724, %get3A_1725] {strides = array<i32>} : memref<128x128xf32, #tpu.memory_space<vmem>>, vector<1x16xf32>,
          %get3A_1727 = vector.shape_cast %get3A_1726 : vector<1x16xf32> to vector<16xf32>
          %mul3A_1728 = arith.mulf %gather3A_1695, %get3A_1727 : vector<16xf32>
          %add3A_1729 = arith.addf %add3A_1673, %mul3A_1728 : vector<16xf32>
          %get3A_1730 = arith.index_cast %add3A_1699 : i32 to index
          %get3A_1731 = arith.constant 80 : index
          %get3A_1732 = tpu.vector_load %arg9[%get3A_1730, %get3A_1731] {strides = array<i32>} : memref<128x128xf32, #tpu.memory_space<vmem>>, vector<1x16xf32>,
          %get3A_1733 = vector.shape_cast %get3A_1732 : vector<1x16xf32> to vector<16xf32>
          %mul3A_1734 = arith.mulf %gather3A_1695, %get3A_1733 : vector<16xf32>
          %add3A_1735 = arith.addf %add3A_1679, %mul3A_1734 : vector<16xf32>
          %get3A_1736 = arith.index_cast %add3A_1699 : i32 to index
          %get3A_1737 = arith.constant 96 : index
          %get3A_1738 = tpu.vector_load %arg9[%get3A_1736, %get3A_1737] {strides = array<i32>} : memref<128x128xf32, #tpu.memory_space<vmem>>, vector<1x16xf32>,
          %get3A_1739 = vector.shape_cast %get3A_1738 : vector<1x16xf32> to vector<16xf32>
          %mul3A_1740 = arith.mulf %gather3A_1695, %get3A_1739 : vector<16xf32>
          %add3A_1741 = arith.addf %add3A_1685, %mul3A_1740 : vector<16xf32>
          %get3A_1742 = arith.index_cast %add3A_1699 : i32 to index
          %get3A_1743 = arith.constant 112 : index
          %get3A_1744 = tpu.vector_load %arg9[%get3A_1742, %get3A_1743] {strides = array<i32>} : memref<128x128xf32, #tpu.memory_space<vmem>>, vector<1x16xf32>,
          %get3A_1745 = vector.shape_cast %get3A_1744 : vector<1x16xf32> to vector<16xf32>
          %mul3A_1746 = arith.mulf %gather3A_1695, %get3A_1745 : vector<16xf32>
          %add3A_1747 = arith.addf %add3A_1691, %mul3A_1746 : vector<16xf32>
          %broadcast_in_dim3A_1748 = arith.constant 13 : i32
          %broadcast_in_dim3A_1749 = vector.broadcast %broadcast_in_dim3A_1748 : i32 to vector<16x1xi32>
          %gather3A_1750 = vector.shape_cast %broadcast_in_dim3A_1749 : vector<16x1xi32> to vector<16xi32>
          %gather3A_1751 = tpu.dynamic_gather %get3A_109[%gather3A_1750] in [0] : vector<16xf32>, vector<16xi32> -> vector<16xf32>
          %mul3A_1752 = arith.constant 32 : i32
          %mul3A_1753 = arith.muli %scan3A_91, %mul3A_1752 : i32
          %add3A_1754 = arith.constant 29 : i32
          %add3A_1755 = arith.addi %mul3A_1753, %add3A_1754 : i32
          %get3A_1756 = arith.index_cast %add3A_1755 : i32 to index
          %get3A_1757 = arith.constant 0 : index
          %get3A_1758 = tpu.vector_load %arg9[%get3A_1756, %get3A_1757] {strides = array<i32>} : memref<128x128xf32, #tpu.memory_space<vmem>>, vector<1x16xf32>,
          %get3A_1759 = vector.shape_cast %get3A_1758 : vector<1x16xf32> to vector<16xf32>
          %mul3A_1760 = arith.mulf %gather3A_1751, %get3A_1759 : vector<16xf32>
          %add3A_1761 = arith.addf %add3A_1705, %mul3A_1760 : vector<16xf32>
          %get3A_1762 = arith.index_cast %add3A_1755 : i32 to index
          %get3A_1763 = arith.constant 16 : index
          %get3A_1764 = tpu.vector_load %arg9[%get3A_1762, %get3A_1763] {strides = array<i32>} : memref<128x128xf32, #tpu.memory_space<vmem>>, vector<1x16xf32>,
          %get3A_1765 = vector.shape_cast %get3A_1764 : vector<1x16xf32> to vector<16xf32>
          %mul3A_1766 = arith.mulf %gather3A_1751, %get3A_1765 : vector<16xf32>
          %add3A_1767 = arith.addf %add3A_1711, %mul3A_1766 : vector<16xf32>
          %get3A_1768 = arith.index_cast %add3A_1755 : i32 to index
          %get3A_1769 = arith.constant 32 : index
          %get3A_1770 = tpu.vector_load %arg9[%get3A_1768, %get3A_1769] {strides = array<i32>} : memref<128x128xf32, #tpu.memory_space<vmem>>, vector<1x16xf32>,
          %get3A_1771 = vector.shape_cast %get3A_1770 : vector<1x16xf32> to vector<16xf32>
          %mul3A_1772 = arith.mulf %gather3A_1751, %get3A_1771 : vector<16xf32>
          %add3A_1773 = arith.addf %add3A_1717, %mul3A_1772 : vector<16xf32>
          %get3A_1774 = arith.index_cast %add3A_1755 : i32 to index
          %get3A_1775 = arith.constant 48 : index
          %get3A_1776 = tpu.vector_load %arg9[%get3A_1774, %get3A_1775] {strides = array<i32>} : memref<128x128xf32, #tpu.memory_space<vmem>>, vector<1x16xf32>,
          %get3A_1777 = vector.shape_cast %get3A_1776 : vector<1x16xf32> to vector<16xf32>
          %mul3A_1778 = arith.mulf %gather3A_1751, %get3A_1777 : vector<16xf32>
          %add3A_1779 = arith.addf %add3A_1723, %mul3A_1778 : vector<16xf32>
          %get3A_1780 = arith.index_cast %add3A_1755 : i32 to index
          %get3A_1781 = arith.constant 64 : index
          %get3A_1782 = tpu.vector_load %arg9[%get3A_1780, %get3A_1781] {strides = array<i32>} : memref<128x128xf32, #tpu.memory_space<vmem>>, vector<1x16xf32>,
          %get3A_1783 = vector.shape_cast %get3A_1782 : vector<1x16xf32> to vector<16xf32>
          %mul3A_1784 = arith.mulf %gather3A_1751, %get3A_1783 : vector<16xf32>
          %add3A_1785 = arith.addf %add3A_1729, %mul3A_1784 : vector<16xf32>
          %get3A_1786 = arith.index_cast %add3A_1755 : i32 to index
          %get3A_1787 = arith.constant 80 : index
          %get3A_1788 = tpu.vector_load %arg9[%get3A_1786, %get3A_1787] {strides = array<i32>} : memref<128x128xf32, #tpu.memory_space<vmem>>, vector<1x16xf32>,
          %get3A_1789 = vector.shape_cast %get3A_1788 : vector<1x16xf32> to vector<16xf32>
          %mul3A_1790 = arith.mulf %gather3A_1751, %get3A_1789 : vector<16xf32>
          %add3A_1791 = arith.addf %add3A_1735, %mul3A_1790 : vector<16xf32>
          %get3A_1792 = arith.index_cast %add3A_1755 : i32 to index
          %get3A_1793 = arith.constant 96 : index
          %get3A_1794 = tpu.vector_load %arg9[%get3A_1792, %get3A_1793] {strides = array<i32>} : memref<128x128xf32, #tpu.memory_space<vmem>>, vector<1x16xf32>,
          %get3A_1795 = vector.shape_cast %get3A_1794 : vector<1x16xf32> to vector<16xf32>
          %mul3A_1796 = arith.mulf %gather3A_1751, %get3A_1795 : vector<16xf32>
          %add3A_1797 = arith.addf %add3A_1741, %mul3A_1796 : vector<16xf32>
          %get3A_1798 = arith.index_cast %add3A_1755 : i32 to index
          %get3A_1799 = arith.constant 112 : index
          %get3A_1800 = tpu.vector_load %arg9[%get3A_1798, %get3A_1799] {strides = array<i32>} : memref<128x128xf32, #tpu.memory_space<vmem>>, vector<1x16xf32>,
          %get3A_1801 = vector.shape_cast %get3A_1800 : vector<1x16xf32> to vector<16xf32>
          %mul3A_1802 = arith.mulf %gather3A_1751, %get3A_1801 : vector<16xf32>
          %add3A_1803 = arith.addf %add3A_1747, %mul3A_1802 : vector<16xf32>
          %broadcast_in_dim3A_1804 = arith.constant 14 : i32
          %broadcast_in_dim3A_1805 = vector.broadcast %broadcast_in_dim3A_1804 : i32 to vector<16x1xi32>
          %gather3A_1806 = vector.shape_cast %broadcast_in_dim3A_1805 : vector<16x1xi32> to vector<16xi32>
          %gather3A_1807 = tpu.dynamic_gather %get3A_109[%gather3A_1806] in [0] : vector<16xf32>, vector<16xi32> -> vector<16xf32>
          %mul3A_1808 = arith.constant 32 : i32
          %mul3A_1809 = arith.muli %scan3A_91, %mul3A_1808 : i32
          %add3A_1810 = arith.constant 30 : i32
          %add3A_1811 = arith.addi %mul3A_1809, %add3A_1810 : i32
          %get3A_1812 = arith.index_cast %add3A_1811 : i32 to index
          %get3A_1813 = arith.constant 0 : index
          %get3A_1814 = tpu.vector_load %arg9[%get3A_1812, %get3A_1813] {strides = array<i32>} : memref<128x128xf32, #tpu.memory_space<vmem>>, vector<1x16xf32>,
          %get3A_1815 = vector.shape_cast %get3A_1814 : vector<1x16xf32> to vector<16xf32>
          %mul3A_1816 = arith.mulf %gather3A_1807, %get3A_1815 : vector<16xf32>
          %add3A_1817 = arith.addf %add3A_1761, %mul3A_1816 : vector<16xf32>
          %get3A_1818 = arith.index_cast %add3A_1811 : i32 to index
          %get3A_1819 = arith.constant 16 : index
          %get3A_1820 = tpu.vector_load %arg9[%get3A_1818, %get3A_1819] {strides = array<i32>} : memref<128x128xf32, #tpu.memory_space<vmem>>, vector<1x16xf32>,
          %get3A_1821 = vector.shape_cast %get3A_1820 : vector<1x16xf32> to vector<16xf32>
          %mul3A_1822 = arith.mulf %gather3A_1807, %get3A_1821 : vector<16xf32>
          %add3A_1823 = arith.addf %add3A_1767, %mul3A_1822 : vector<16xf32>
          %get3A_1824 = arith.index_cast %add3A_1811 : i32 to index
          %get3A_1825 = arith.constant 32 : index
          %get3A_1826 = tpu.vector_load %arg9[%get3A_1824, %get3A_1825] {strides = array<i32>} : memref<128x128xf32, #tpu.memory_space<vmem>>, vector<1x16xf32>,
          %get3A_1827 = vector.shape_cast %get3A_1826 : vector<1x16xf32> to vector<16xf32>
          %mul3A_1828 = arith.mulf %gather3A_1807, %get3A_1827 : vector<16xf32>
          %add3A_1829 = arith.addf %add3A_1773, %mul3A_1828 : vector<16xf32>
          %get3A_1830 = arith.index_cast %add3A_1811 : i32 to index
          %get3A_1831 = arith.constant 48 : index
          %get3A_1832 = tpu.vector_load %arg9[%get3A_1830, %get3A_1831] {strides = array<i32>} : memref<128x128xf32, #tpu.memory_space<vmem>>, vector<1x16xf32>,
          %get3A_1833 = vector.shape_cast %get3A_1832 : vector<1x16xf32> to vector<16xf32>
          %mul3A_1834 = arith.mulf %gather3A_1807, %get3A_1833 : vector<16xf32>
          %add3A_1835 = arith.addf %add3A_1779, %mul3A_1834 : vector<16xf32>
          %get3A_1836 = arith.index_cast %add3A_1811 : i32 to index
          %get3A_1837 = arith.constant 64 : index
          %get3A_1838 = tpu.vector_load %arg9[%get3A_1836, %get3A_1837] {strides = array<i32>} : memref<128x128xf32, #tpu.memory_space<vmem>>, vector<1x16xf32>,
          %get3A_1839 = vector.shape_cast %get3A_1838 : vector<1x16xf32> to vector<16xf32>
          %mul3A_1840 = arith.mulf %gather3A_1807, %get3A_1839 : vector<16xf32>
          %add3A_1841 = arith.addf %add3A_1785, %mul3A_1840 : vector<16xf32>
          %get3A_1842 = arith.index_cast %add3A_1811 : i32 to index
          %get3A_1843 = arith.constant 80 : index
          %get3A_1844 = tpu.vector_load %arg9[%get3A_1842, %get3A_1843] {strides = array<i32>} : memref<128x128xf32, #tpu.memory_space<vmem>>, vector<1x16xf32>,
          %get3A_1845 = vector.shape_cast %get3A_1844 : vector<1x16xf32> to vector<16xf32>
          %mul3A_1846 = arith.mulf %gather3A_1807, %get3A_1845 : vector<16xf32>
          %add3A_1847 = arith.addf %add3A_1791, %mul3A_1846 : vector<16xf32>
          %get3A_1848 = arith.index_cast %add3A_1811 : i32 to index
          %get3A_1849 = arith.constant 96 : index
          %get3A_1850 = tpu.vector_load %arg9[%get3A_1848, %get3A_1849] {strides = array<i32>} : memref<128x128xf32, #tpu.memory_space<vmem>>, vector<1x16xf32>,
          %get3A_1851 = vector.shape_cast %get3A_1850 : vector<1x16xf32> to vector<16xf32>
          %mul3A_1852 = arith.mulf %gather3A_1807, %get3A_1851 : vector<16xf32>
          %add3A_1853 = arith.addf %add3A_1797, %mul3A_1852 : vector<16xf32>
          %get3A_1854 = arith.index_cast %add3A_1811 : i32 to index
          %get3A_1855 = arith.constant 112 : index
          %get3A_1856 = tpu.vector_load %arg9[%get3A_1854, %get3A_1855] {strides = array<i32>} : memref<128x128xf32, #tpu.memory_space<vmem>>, vector<1x16xf32>,
          %get3A_1857 = vector.shape_cast %get3A_1856 : vector<1x16xf32> to vector<16xf32>
          %mul3A_1858 = arith.mulf %gather3A_1807, %get3A_1857 : vector<16xf32>
          %add3A_1859 = arith.addf %add3A_1803, %mul3A_1858 : vector<16xf32>
          %broadcast_in_dim3A_1860 = arith.constant 15 : i32
          %broadcast_in_dim3A_1861 = vector.broadcast %broadcast_in_dim3A_1860 : i32 to vector<16x1xi32>
          %gather3A_1862 = vector.shape_cast %broadcast_in_dim3A_1861 : vector<16x1xi32> to vector<16xi32>
          %gather3A_1863 = tpu.dynamic_gather %get3A_109[%gather3A_1862] in [0] : vector<16xf32>, vector<16xi32> -> vector<16xf32>
          %mul3A_1864 = arith.constant 32 : i32
          %mul3A_1865 = arith.muli %scan3A_91, %mul3A_1864 : i32
          %add3A_1866 = arith.constant 31 : i32
          %add3A_1867 = arith.addi %mul3A_1865, %add3A_1866 : i32
          %get3A_1868 = arith.index_cast %add3A_1867 : i32 to index
          %get3A_1869 = arith.constant 0 : index
          %get3A_1870 = tpu.vector_load %arg9[%get3A_1868, %get3A_1869] {strides = array<i32>} : memref<128x128xf32, #tpu.memory_space<vmem>>, vector<1x16xf32>,
          %get3A_1871 = vector.shape_cast %get3A_1870 : vector<1x16xf32> to vector<16xf32>
          %mul3A_1872 = arith.mulf %gather3A_1863, %get3A_1871 : vector<16xf32>
          %add3A_1873 = arith.addf %add3A_1817, %mul3A_1872 : vector<16xf32>
          %get3A_1874 = arith.index_cast %add3A_1867 : i32 to index
          %get3A_1875 = arith.constant 16 : index
          %get3A_1876 = tpu.vector_load %arg9[%get3A_1874, %get3A_1875] {strides = array<i32>} : memref<128x128xf32, #tpu.memory_space<vmem>>, vector<1x16xf32>,
          %get3A_1877 = vector.shape_cast %get3A_1876 : vector<1x16xf32> to vector<16xf32>
          %mul3A_1878 = arith.mulf %gather3A_1863, %get3A_1877 : vector<16xf32>
          %add3A_1879 = arith.addf %add3A_1823, %mul3A_1878 : vector<16xf32>
          %get3A_1880 = arith.index_cast %add3A_1867 : i32 to index
          %get3A_1881 = arith.constant 32 : index
          %get3A_1882 = tpu.vector_load %arg9[%get3A_1880, %get3A_1881] {strides = array<i32>} : memref<128x128xf32, #tpu.memory_space<vmem>>, vector<1x16xf32>,
          %get3A_1883 = vector.shape_cast %get3A_1882 : vector<1x16xf32> to vector<16xf32>
          %mul3A_1884 = arith.mulf %gather3A_1863, %get3A_1883 : vector<16xf32>
          %add3A_1885 = arith.addf %add3A_1829, %mul3A_1884 : vector<16xf32>
          %get3A_1886 = arith.index_cast %add3A_1867 : i32 to index
          %get3A_1887 = arith.constant 48 : index
          %get3A_1888 = tpu.vector_load %arg9[%get3A_1886, %get3A_1887] {strides = array<i32>} : memref<128x128xf32, #tpu.memory_space<vmem>>, vector<1x16xf32>,
          %get3A_1889 = vector.shape_cast %get3A_1888 : vector<1x16xf32> to vector<16xf32>
          %mul3A_1890 = arith.mulf %gather3A_1863, %get3A_1889 : vector<16xf32>
          %add3A_1891 = arith.addf %add3A_1835, %mul3A_1890 : vector<16xf32>
          %get3A_1892 = arith.index_cast %add3A_1867 : i32 to index
          %get3A_1893 = arith.constant 64 : index
          %get3A_1894 = tpu.vector_load %arg9[%get3A_1892, %get3A_1893] {strides = array<i32>} : memref<128x128xf32, #tpu.memory_space<vmem>>, vector<1x16xf32>,
          %get3A_1895 = vector.shape_cast %get3A_1894 : vector<1x16xf32> to vector<16xf32>
          %mul3A_1896 = arith.mulf %gather3A_1863, %get3A_1895 : vector<16xf32>
          %add3A_1897 = arith.addf %add3A_1841, %mul3A_1896 : vector<16xf32>
          %get3A_1898 = arith.index_cast %add3A_1867 : i32 to index
          %get3A_1899 = arith.constant 80 : index
          %get3A_1900 = tpu.vector_load %arg9[%get3A_1898, %get3A_1899] {strides = array<i32>} : memref<128x128xf32, #tpu.memory_space<vmem>>, vector<1x16xf32>,
          %get3A_1901 = vector.shape_cast %get3A_1900 : vector<1x16xf32> to vector<16xf32>
          %mul3A_1902 = arith.mulf %gather3A_1863, %get3A_1901 : vector<16xf32>
          %add3A_1903 = arith.addf %add3A_1847, %mul3A_1902 : vector<16xf32>
          %get3A_1904 = arith.index_cast %add3A_1867 : i32 to index
          %get3A_1905 = arith.constant 96 : index
          %get3A_1906 = tpu.vector_load %arg9[%get3A_1904, %get3A_1905] {strides = array<i32>} : memref<128x128xf32, #tpu.memory_space<vmem>>, vector<1x16xf32>,
          %get3A_1907 = vector.shape_cast %get3A_1906 : vector<1x16xf32> to vector<16xf32>
          %mul3A_1908 = arith.mulf %gather3A_1863, %get3A_1907 : vector<16xf32>
          %add3A_1909 = arith.addf %add3A_1853, %mul3A_1908 : vector<16xf32>
          %get3A_1910 = arith.index_cast %add3A_1867 : i32 to index
          %get3A_1911 = arith.constant 112 : index
          %get3A_1912 = tpu.vector_load %arg9[%get3A_1910, %get3A_1911] {strides = array<i32>} : memref<128x128xf32, #tpu.memory_space<vmem>>, vector<1x16xf32>,
          %get3A_1913 = vector.shape_cast %get3A_1912 : vector<1x16xf32> to vector<16xf32>
          %mul3A_1914 = arith.mulf %gather3A_1863, %get3A_1913 : vector<16xf32>
          %add3A_1915 = arith.addf %add3A_1859, %mul3A_1914 : vector<16xf32>
          %mul3A_1916 = arith.constant 2 : i32
          %mul3A_1917 = arith.muli %mul3A_1916, %scan3A_41 : i32
          %add3A_1918 = arith.constant 1 : i32
          %add3A_1919 = arith.addi %mul3A_1917, %add3A_1918 : i32
          %mul3A_1920 = arith.constant 4 : i32
          %mul3A_1921 = arith.muli %add3A_1919, %mul3A_1920 : i32
          %add3A_1922 = arith.addi %mul3A_1921, %scan3A_91 : i32
          %swap3A = arith.index_cast %add3A_1922 : i32 to index
          %swap3A_1923 = arith.constant 0 : index
          %swap3A_1924 = tpu.vector_load %arg10[%swap3A, %swap3A_1923] {strides = array<i32>} : memref<32x128xf32, #tpu.memory_space<vmem>>, vector<1x16xf32>,
          %swap3A_1925 = vector.shape_cast %swap3A_1924 : vector<1x16xf32> to vector<16xf32>
          %swap3A_1926 = vector.shape_cast %add3A_1873 : vector<16xf32> to vector<1x16xf32>
          tpu.vector_store %arg10[%swap3A, %swap3A_1923], %swap3A_1926 {strides = array<i32>} : memref<32x128xf32, #tpu.memory_space<vmem>>, vector<1x16xf32>,
          %mul3A_1927 = arith.constant 2 : i32
          %mul3A_1928 = arith.muli %mul3A_1927, %scan3A_41 : i32
          %add3A_1929 = arith.constant 1 : i32
          %add3A_1930 = arith.addi %mul3A_1928, %add3A_1929 : i32
          %mul3A_1931 = arith.constant 4 : i32
          %mul3A_1932 = arith.muli %add3A_1930, %mul3A_1931 : i32
          %add3A_1933 = arith.addi %mul3A_1932, %scan3A_91 : i32
          %swap3A_1934 = arith.index_cast %add3A_1933 : i32 to index
          %swap3A_1935 = arith.constant 16 : index
          %swap3A_1936 = tpu.vector_load %arg10[%swap3A_1934, %swap3A_1935] {strides = array<i32>} : memref<32x128xf32, #tpu.memory_space<vmem>>, vector<1x16xf32>,
          %swap3A_1937 = vector.shape_cast %swap3A_1936 : vector<1x16xf32> to vector<16xf32>
          %swap3A_1938 = vector.shape_cast %add3A_1879 : vector<16xf32> to vector<1x16xf32>
          tpu.vector_store %arg10[%swap3A_1934, %swap3A_1935], %swap3A_1938 {strides = array<i32>} : memref<32x128xf32, #tpu.memory_space<vmem>>, vector<1x16xf32>,
          %mul3A_1939 = arith.constant 2 : i32
          %mul3A_1940 = arith.muli %mul3A_1939, %scan3A_41 : i32
          %add3A_1941 = arith.constant 1 : i32
          %add3A_1942 = arith.addi %mul3A_1940, %add3A_1941 : i32
          %mul3A_1943 = arith.constant 4 : i32
          %mul3A_1944 = arith.muli %add3A_1942, %mul3A_1943 : i32
          %add3A_1945 = arith.addi %mul3A_1944, %scan3A_91 : i32
          %swap3A_1946 = arith.index_cast %add3A_1945 : i32 to index
          %swap3A_1947 = arith.constant 32 : index
          %swap3A_1948 = tpu.vector_load %arg10[%swap3A_1946, %swap3A_1947] {strides = array<i32>} : memref<32x128xf32, #tpu.memory_space<vmem>>, vector<1x16xf32>,
          %swap3A_1949 = vector.shape_cast %swap3A_1948 : vector<1x16xf32> to vector<16xf32>
          %swap3A_1950 = vector.shape_cast %add3A_1885 : vector<16xf32> to vector<1x16xf32>
          tpu.vector_store %arg10[%swap3A_1946, %swap3A_1947], %swap3A_1950 {strides = array<i32>} : memref<32x128xf32, #tpu.memory_space<vmem>>, vector<1x16xf32>,
          %mul3A_1951 = arith.constant 2 : i32
          %mul3A_1952 = arith.muli %mul3A_1951, %scan3A_41 : i32
          %add3A_1953 = arith.constant 1 : i32
          %add3A_1954 = arith.addi %mul3A_1952, %add3A_1953 : i32
          %mul3A_1955 = arith.constant 4 : i32
          %mul3A_1956 = arith.muli %add3A_1954, %mul3A_1955 : i32
          %add3A_1957 = arith.addi %mul3A_1956, %scan3A_91 : i32
          %swap3A_1958 = arith.index_cast %add3A_1957 : i32 to index
          %swap3A_1959 = arith.constant 48 : index
          %swap3A_1960 = tpu.vector_load %arg10[%swap3A_1958, %swap3A_1959] {strides = array<i32>} : memref<32x128xf32, #tpu.memory_space<vmem>>, vector<1x16xf32>,
          %swap3A_1961 = vector.shape_cast %swap3A_1960 : vector<1x16xf32> to vector<16xf32>
          %swap3A_1962 = vector.shape_cast %add3A_1891 : vector<16xf32> to vector<1x16xf32>
          tpu.vector_store %arg10[%swap3A_1958, %swap3A_1959], %swap3A_1962 {strides = array<i32>} : memref<32x128xf32, #tpu.memory_space<vmem>>, vector<1x16xf32>,
          %mul3A_1963 = arith.constant 2 : i32
          %mul3A_1964 = arith.muli %mul3A_1963, %scan3A_41 : i32
          %add3A_1965 = arith.constant 1 : i32
          %add3A_1966 = arith.addi %mul3A_1964, %add3A_1965 : i32
          %mul3A_1967 = arith.constant 4 : i32
          %mul3A_1968 = arith.muli %add3A_1966, %mul3A_1967 : i32
          %add3A_1969 = arith.addi %mul3A_1968, %scan3A_91 : i32
          %swap3A_1970 = arith.index_cast %add3A_1969 : i32 to index
          %swap3A_1971 = arith.constant 64 : index
          %swap3A_1972 = tpu.vector_load %arg10[%swap3A_1970, %swap3A_1971] {strides = array<i32>} : memref<32x128xf32, #tpu.memory_space<vmem>>, vector<1x16xf32>,
          %swap3A_1973 = vector.shape_cast %swap3A_1972 : vector<1x16xf32> to vector<16xf32>
          %swap3A_1974 = vector.shape_cast %add3A_1897 : vector<16xf32> to vector<1x16xf32>
          tpu.vector_store %arg10[%swap3A_1970, %swap3A_1971], %swap3A_1974 {strides = array<i32>} : memref<32x128xf32, #tpu.memory_space<vmem>>, vector<1x16xf32>,
          %mul3A_1975 = arith.constant 2 : i32
          %mul3A_1976 = arith.muli %mul3A_1975, %scan3A_41 : i32
          %add3A_1977 = arith.constant 1 : i32
          %add3A_1978 = arith.addi %mul3A_1976, %add3A_1977 : i32
          %mul3A_1979 = arith.constant 4 : i32
          %mul3A_1980 = arith.muli %add3A_1978, %mul3A_1979 : i32
          %add3A_1981 = arith.addi %mul3A_1980, %scan3A_91 : i32
          %swap3A_1982 = arith.index_cast %add3A_1981 : i32 to index
          %swap3A_1983 = arith.constant 80 : index
          %swap3A_1984 = tpu.vector_load %arg10[%swap3A_1982, %swap3A_1983] {strides = array<i32>} : memref<32x128xf32, #tpu.memory_space<vmem>>, vector<1x16xf32>,
          %swap3A_1985 = vector.shape_cast %swap3A_1984 : vector<1x16xf32> to vector<16xf32>
          %swap3A_1986 = vector.shape_cast %add3A_1903 : vector<16xf32> to vector<1x16xf32>
          tpu.vector_store %arg10[%swap3A_1982, %swap3A_1983], %swap3A_1986 {strides = array<i32>} : memref<32x128xf32, #tpu.memory_space<vmem>>, vector<1x16xf32>,
          %mul3A_1987 = arith.constant 2 : i32
          %mul3A_1988 = arith.muli %mul3A_1987, %scan3A_41 : i32
          %add3A_1989 = arith.constant 1 : i32
          %add3A_1990 = arith.addi %mul3A_1988, %add3A_1989 : i32
          %mul3A_1991 = arith.constant 4 : i32
          %mul3A_1992 = arith.muli %add3A_1990, %mul3A_1991 : i32
          %add3A_1993 = arith.addi %mul3A_1992, %scan3A_91 : i32
          %swap3A_1994 = arith.index_cast %add3A_1993 : i32 to index
          %swap3A_1995 = arith.constant 96 : index
          %swap3A_1996 = tpu.vector_load %arg10[%swap3A_1994, %swap3A_1995] {strides = array<i32>} : memref<32x128xf32, #tpu.memory_space<vmem>>, vector<1x16xf32>,
          %swap3A_1997 = vector.shape_cast %swap3A_1996 : vector<1x16xf32> to vector<16xf32>
          %swap3A_1998 = vector.shape_cast %add3A_1909 : vector<16xf32> to vector<1x16xf32>
          tpu.vector_store %arg10[%swap3A_1994, %swap3A_1995], %swap3A_1998 {strides = array<i32>} : memref<32x128xf32, #tpu.memory_space<vmem>>, vector<1x16xf32>,
          %mul3A_1999 = arith.constant 2 : i32
          %mul3A_2000 = arith.muli %mul3A_1999, %scan3A_41 : i32
          %add3A_2001 = arith.constant 1 : i32
          %add3A_2002 = arith.addi %mul3A_2000, %add3A_2001 : i32
          %mul3A_2003 = arith.constant 4 : i32
          %mul3A_2004 = arith.muli %add3A_2002, %mul3A_2003 : i32
          %add3A_2005 = arith.addi %mul3A_2004, %scan3A_91 : i32
          %swap3A_2006 = arith.index_cast %add3A_2005 : i32 to index
          %swap3A_2007 = arith.constant 112 : index
          %swap3A_2008 = tpu.vector_load %arg10[%swap3A_2006, %swap3A_2007] {strides = array<i32>} : memref<32x128xf32, #tpu.memory_space<vmem>>, vector<1x16xf32>,
          %swap3A_2009 = vector.shape_cast %swap3A_2008 : vector<1x16xf32> to vector<16xf32>
          %swap3A_2010 = vector.shape_cast %add3A_1915 : vector<16xf32> to vector<1x16xf32>
          tpu.vector_store %arg10[%swap3A_2006, %swap3A_2007], %swap3A_2010 {strides = array<i32>} : memref<32x128xf32, #tpu.memory_space<vmem>>, vector<1x16xf32>,
        }
        %scan3A_90 = arith.constant 4 : i32
      }
      %scan3A_33 = arith.constant 4 : i32
      %mul3A_34 = arith.constant 320 : i32
      %mul3A_35 = arith.muli %add3A, %mul3A_34 : i32
      %mul3A_36 = arith.constant 8 : i32
      %mul3A_37 = arith.muli %scan3A_24, %mul3A_36 : i32
      %mul3A_38 = arith.constant 4 : i32
      %mul3A_39 = arith.muli %mul3A_37, %mul3A_38 : i32
      %add3A_40 = arith.addi %mul3A_35, %mul3A_39 : i32
      "tpu.region"() ({
        %run_scoped3A = tpu.sem_alloc : memref<!tpu.dma_semaphore, #tpu.memory_space<semaphore_mem>>
        %dma_start3A_41 = arith.constant 0 : i32
        %dma_start3A_42 = tpu.memref_slice %arg5[%add3A_40, %dma_start3A_41] : memref<10240x128xf32, #tpu.memory_space<hbm>> -> memref<32x128xf32, #tpu.memory_space<hbm>>
        %dma_start3A_43 = arith.constant 0 : i32
        %dma_start3A_44 = tpu.memref_slice %arg5[%add3A_40, %dma_start3A_43] : memref<10240x128xf32, #tpu.memory_space<hbm>> -> memref<32x128xf32, #tpu.memory_space<hbm>>
        tpu.enqueue_dma source(%arg10 : memref<32x128xf32, #tpu.memory_space<vmem>>) target(%dma_start3A_44 : memref<32x128xf32, #tpu.memory_space<hbm>>) target_semaphore(%run_scoped3A : memref<!tpu.dma_semaphore, #tpu.memory_space<semaphore_mem>>)
        %dma_wait3A_45 = arith.constant 0 : i32
        %dma_wait3A_46 = tpu.memref_slice %arg5[%add3A_40, %dma_wait3A_45] : memref<10240x128xf32, #tpu.memory_space<hbm>> -> memref<32x128xf32, #tpu.memory_space<hbm>>
        %dma_wait3A_47 = arith.constant 0 : i32
        %dma_wait3A_48 = tpu.memref_slice %arg5[%add3A_40, %dma_wait3A_47] : memref<10240x128xf32, #tpu.memory_space<hbm>> -> memref<32x128xf32, #tpu.memory_space<hbm>>
        tpu.wait_dma2 semaphore(%run_scoped3A : memref<!tpu.dma_semaphore, #tpu.memory_space<semaphore_mem>>) src(%arg10 : memref<32x128xf32, #tpu.memory_space<vmem>>) dst(%dma_wait3A_48 : memref<32x128xf32, #tpu.memory_space<hbm>>)
        tpu.yield
      }) : () -> ()
    }
    %scan3A_17 = arith.constant 10 : i32
    %dma_wait3A = arith.constant 80 : i32
    %dma_wait3A_18 = arith.constant 0 : i32
    %dma_wait3A_19 = tpu.memref_slice %arg6[%dma_wait3A, %dma_wait3A_18] : memref<81x128xi32, #tpu.memory_space<vmem>> -> memref<1x128xi32, #tpu.memory_space<vmem>>
    %dma_wait3A_20 = tpu.memref_squeeze %dma_wait3A_19 : memref<1x128xi32, #tpu.memory_space<vmem>> -> memref<128xi32, #tpu.memory_space<vmem>>
    %dma_wait3A_21 = arith.constant 0 : i32
    %dma_wait3A_22 = arith.constant 0 : i32
    %dma_wait3A_23 = tpu.memref_slice %arg11[%dma_wait3A_21, %dma_wait3A_22] : memref<10000x128xf32, #tpu.memory_space<vmem_shared>> -> memref<10000x128xf32, #tpu.memory_space<vmem_shared>>
    tpu.wait_indirect_dma semaphore(%arg12 : memref<!tpu.dma_semaphore, #tpu.memory_space<semaphore_mem>>) src(%dma_wait3A_23 : memref<10000x128xf32, #tpu.memory_space<vmem_shared>>) dst(%arg8 : memref<128x128xf32, #tpu.memory_space<vmem>>)
    return
  }
}

module attributes {stable_mosaic.version = 14 : i64} {
  func.func @_tc1_body(%arg0: i32, %arg1: memref<512x128xf32, #tpu.memory_space<vmem>>, %arg2: memref<128x128xf32, #tpu.memory_space<vmem>>, %arg3: memref<512x128xf32, #tpu.memory_space<vmem>>) attributes {dimension_semantics = [#tpu.dimension_semantics<arbitrary>], iteration_bounds = array<i64: 20>, scalar_prefetch = 0 : i64, scratch_operands = 0 : i64, tpu.core_type = #tpu.core_type<tc>, window_params = [{transform_indices = @transform_0, window_bounds = array<i64: 512, 128>}, {pipeline_mode = #tpu.pipeline_mode<synchronous>, transform_indices = @transform_1, window_bounds = array<i64: 128, 128>}, {transform_indices = @transform_2, window_bounds = array<i64: 512, 128>}]} {
    %get3A = arith.constant 0 : index
    %get3A_0 = arith.constant 0 : index
    %get3A_1 = vector.load %arg1[%get3A, %get3A_0] : memref<512x128xf32, #tpu.memory_space<vmem>>, vector<512x128xf32>
    %get3A_2 = arith.constant 0 : index
    %get3A_3 = arith.constant 0 : index
    %get3A_4 = vector.load %arg2[%get3A_2, %get3A_3] : memref<128x128xf32, #tpu.memory_space<vmem>>, vector<128x128xf32>
    %dot_general3A = arith.constant dense<0.000000e+00> : vector<512x128xf32>
    %dot_general3A_5 = tpu.matmul %get3A_1, %get3A_4, %dot_general3A {dimension_numbers = #tpu.dot_dimension_numbers<[1], [0], [0], [1], [0, 0, 1, 1], [], []>, transpose_lhs_hint = false} : vector<512x128xf32>, vector<128x128xf32>, vector<512x128xf32> -> vector<512x128xf32>
    %swap3A = arith.constant 0 : index
    %swap3A_6 = arith.constant 0 : index
    %swap3A_7 = vector.load %arg3[%swap3A, %swap3A_6] : memref<512x128xf32, #tpu.memory_space<vmem>>, vector<512x128xf32>
    tpu.vector_store %arg3[%swap3A, %swap3A_6], %dot_general3A_5 {strides = array<i32>} : memref<512x128xf32, #tpu.memory_space<vmem>>, vector<512x128xf32>,
    return
  }
  func.func @transform_0(%arg0: i32) -> (i32, i32) {
    %c0_i32 = arith.constant 0 : i32
    %c0_i32_0 = arith.constant 0 : i32
    return %arg0, %c0_i32 : i32, i32
  }
  func.func @transform_1(%arg0: i32) -> (i32, i32) {
    %c0_i32 = arith.constant 0 : i32
    %c0_i32_0 = arith.constant 0 : i32
    %c0_i32_1 = arith.constant 0 : i32
    return %c0_i32, %c0_i32_0 : i32, i32
  }
  func.func @transform_2(%arg0: i32) -> (i32, i32) {
    %c0_i32 = arith.constant 0 : i32
    %c0_i32_0 = arith.constant 0 : i32
    return %arg0, %c0_i32 : i32, i32
  }
}

module attributes {stable_mosaic.version = 14 : i64} {
  func.func @_tc2_body(%arg0: i32, %arg1: memref<512x128xf32, #tpu.memory_space<vmem>>, %arg2: memref<512x128xf32, #tpu.memory_space<vmem>>, %arg3: memref<128x128xf32, #tpu.memory_space<vmem>>, %arg4: memref<1x128xf32, #tpu.memory_space<vmem>>, %arg5: memref<1x128xf32, #tpu.memory_space<vmem>>, %arg6: memref<512x128xf32, #tpu.memory_space<vmem>>) attributes {dimension_semantics = [#tpu.dimension_semantics<arbitrary>], iteration_bounds = array<i64: 20>, scalar_prefetch = 0 : i64, scratch_operands = 0 : i64, tpu.core_type = #tpu.core_type<tc>, window_params = [{transform_indices = @transform_0, window_bounds = array<i64: 512, 128>}, {transform_indices = @transform_1, window_bounds = array<i64: 512, 128>}, {pipeline_mode = #tpu.pipeline_mode<synchronous>, transform_indices = @transform_2, window_bounds = array<i64: 128, 128>}, {pipeline_mode = #tpu.pipeline_mode<synchronous>, transform_indices = @transform_3, window_bounds = array<i64: 1, 128>}, {pipeline_mode = #tpu.pipeline_mode<synchronous>, transform_indices = @transform_4, window_bounds = array<i64: 1, 128>}, {transform_indices = @transform_5, window_bounds = array<i64: 512, 128>}]} {
    %get3A = arith.constant 0 : index
    %get3A_0 = arith.constant 0 : index
    %get3A_1 = vector.load %arg1[%get3A, %get3A_0] : memref<512x128xf32, #tpu.memory_space<vmem>>, vector<512x128xf32>
    %get3A_2 = arith.constant 0 : index
    %get3A_3 = arith.constant 0 : index
    %get3A_4 = vector.load %arg2[%get3A_2, %get3A_3] : memref<512x128xf32, #tpu.memory_space<vmem>>, vector<512x128xf32>
    %get3A_5 = arith.constant 0 : index
    %get3A_6 = arith.constant 0 : index
    %get3A_7 = vector.load %arg3[%get3A_5, %get3A_6] : memref<128x128xf32, #tpu.memory_space<vmem>>, vector<128x128xf32>
    %dot_general3A = arith.constant dense<0.000000e+00> : vector<512x128xf32>
    %dot_general3A_8 = tpu.matmul %get3A_4, %get3A_7, %dot_general3A {dimension_numbers = #tpu.dot_dimension_numbers<[1], [0], [0], [1], [0, 0, 1, 1], [], []>, transpose_lhs_hint = false} : vector<512x128xf32>, vector<128x128xf32>, vector<512x128xf32> -> vector<512x128xf32>
    %add3A = arith.addf %get3A_1, %dot_general3A_8 : vector<512x128xf32>
    %mul3A = arith.constant 5.000000e-01 : f32
    %mul3A_9 = vector.broadcast %mul3A : f32 to vector<512x128xf32>
    %mul3A_10 = arith.mulf %mul3A_9, %add3A : vector<512x128xf32>
    %mul3A_11 = arith.constant 0.707106769 : f32
    %mul3A_12 = vector.broadcast %mul3A_11 : f32 to vector<512x128xf32>
    %mul3A_13 = arith.mulf %add3A, %mul3A_12 : vector<512x128xf32>
    %erf3A = math.erf %mul3A_13 : vector<512x128xf32>
    %add3A_14 = arith.constant 1.000000e+00 : f32
    %add3A_15 = vector.broadcast %add3A_14 : f32 to vector<512x128xf32>
    %add3A_16 = arith.addf %add3A_15, %erf3A : vector<512x128xf32>
    %mul3A_17 = arith.mulf %mul3A_10, %add3A_16 : vector<512x128xf32>
    %reduce_sum3A = arith.constant dense<0.000000e+00> : vector<512xf32>
    %reduce_sum3A_18 = vector.multi_reduction <add>, %mul3A_17, %reduce_sum3A [1] : vector<512x128xf32> to vector<512xf32>
    %broadcast_in_dim3A = vector.shape_cast %reduce_sum3A_18 : vector<512xf32> to vector<512x1xf32>
    %div3A = arith.constant 1.280000e+02 : f32
    %div3A_19 = vector.broadcast %div3A : f32 to vector<512x1xf32>
    %div3A_20 = arith.divf %broadcast_in_dim3A, %div3A_19 : vector<512x1xf32>
    %sub3A = vector.broadcast %div3A_20 : vector<512x1xf32> to vector<512x128xf32>
    %sub3A_21 = arith.subf %mul3A_17, %sub3A : vector<512x128xf32>
    %integer_pow3A = arith.mulf %sub3A_21, %sub3A_21 : vector<512x128xf32>
    %reduce_sum3A_22 = arith.constant dense<0.000000e+00> : vector<512xf32>
    %reduce_sum3A_23 = vector.multi_reduction <add>, %integer_pow3A, %reduce_sum3A_22 [1] : vector<512x128xf32> to vector<512xf32>
    %broadcast_in_dim3A_24 = vector.shape_cast %reduce_sum3A_23 : vector<512xf32> to vector<512x1xf32>
    %div3A_25 = arith.constant 1.280000e+02 : f32
    %div3A_26 = vector.broadcast %div3A_25 : f32 to vector<512x1xf32>
    %div3A_27 = arith.divf %broadcast_in_dim3A_24, %div3A_26 : vector<512x1xf32>
    %sub3A_28 = vector.broadcast %div3A_20 : vector<512x1xf32> to vector<512x128xf32>
    %sub3A_29 = arith.subf %mul3A_17, %sub3A_28 : vector<512x128xf32>
    %add3A_30 = arith.constant 9.99999974E-6 : f32
    %add3A_31 = vector.broadcast %add3A_30 : f32 to vector<512x1xf32>
    %add3A_32 = arith.addf %div3A_27, %add3A_31 : vector<512x1xf32>
    %rsqrt3A = math.rsqrt %add3A_32 : vector<512x1xf32>
    %mul3A_33 = vector.broadcast %rsqrt3A : vector<512x1xf32> to vector<512x128xf32>
    %mul3A_34 = arith.mulf %sub3A_29, %mul3A_33 : vector<512x128xf32>
    %get3A_35 = arith.constant 0 : index
    %get3A_36 = arith.constant 0 : index
    %get3A_37 = vector.load %arg4[%get3A_35, %get3A_36] : memref<1x128xf32, #tpu.memory_space<vmem>>, vector<1x128xf32>
    %mul3A_38 = vector.broadcast %get3A_37 : vector<1x128xf32> to vector<512x128xf32>
    %mul3A_39 = arith.mulf %mul3A_34, %mul3A_38 : vector<512x128xf32>
    %get3A_40 = arith.constant 0 : index
    %get3A_41 = arith.constant 0 : index
    %get3A_42 = vector.load %arg5[%get3A_40, %get3A_41] : memref<1x128xf32, #tpu.memory_space<vmem>>, vector<1x128xf32>
    %add3A_43 = vector.broadcast %get3A_42 : vector<1x128xf32> to vector<512x128xf32>
    %add3A_44 = arith.addf %mul3A_39, %add3A_43 : vector<512x128xf32>
    %swap3A = arith.constant 0 : index
    %swap3A_45 = arith.constant 0 : index
    %swap3A_46 = vector.load %arg6[%swap3A, %swap3A_45] : memref<512x128xf32, #tpu.memory_space<vmem>>, vector<512x128xf32>
    tpu.vector_store %arg6[%swap3A, %swap3A_45], %add3A_44 {strides = array<i32>} : memref<512x128xf32, #tpu.memory_space<vmem>>, vector<512x128xf32>,
    return
  }
  func.func @transform_0(%arg0: i32) -> (i32, i32) {
    %c0_i32 = arith.constant 0 : i32
    %c0_i32_0 = arith.constant 0 : i32
    return %arg0, %c0_i32 : i32, i32
  }
  func.func @transform_1(%arg0: i32) -> (i32, i32) {
    %c0_i32 = arith.constant 0 : i32
    %c0_i32_0 = arith.constant 0 : i32
    return %arg0, %c0_i32 : i32, i32
  }
  func.func @transform_2(%arg0: i32) -> (i32, i32) {
    %c0_i32 = arith.constant 0 : i32
    %c0_i32_0 = arith.constant 0 : i32
    %c0_i32_1 = arith.constant 0 : i32
    return %c0_i32, %c0_i32_0 : i32, i32
  }
  func.func @transform_3(%arg0: i32) -> (i32, i32) {
    %c0_i32 = arith.constant 0 : i32
    %c0_i32_0 = arith.constant 0 : i32
    %c0_i32_1 = arith.constant 0 : i32
    return %c0_i32, %c0_i32_0 : i32, i32
  }
  func.func @transform_4(%arg0: i32) -> (i32, i32) {
    %c0_i32 = arith.constant 0 : i32
    %c0_i32_0 = arith.constant 0 : i32
    %c0_i32_1 = arith.constant 0 : i32
    return %c0_i32, %c0_i32_0 : i32, i32
  }
  func.func @transform_5(%arg0: i32) -> (i32, i32) {
    %c0_i32 = arith.constant 0 : i32
    %c0_i32_0 = arith.constant 0 : i32
    return %arg0, %c0_i32 : i32, i32
  }
}

</mosaic_0001>

<sc_bundles>
// kernel: kernel.5.cloned.1.call-start
scs
__scs_entry_jumppad:
0x0: {  	(pc) =	sbr.rel $0x88, $3  }
0x1: {  	(tag) =	ssettag $0x0;
	lr =	simm.s32 $0x1  }
0x2: {  	[smem:$0x3F9A] =	sst lr;
	_ =	strace $0xD0000000  }
0x3: {  	_ = 	snop  }
0x4: {  	_ = 	snop  }
0x5: {  	_ = 	snop  }
0x6: {  	_ = 	snop  }
0x7: {  	_ = 	snop  }
__scs_overlays_trampoline_lowered:
0x8: {  	[smem:$0x3FA9] =	sst s0  }
0x9: {  	[smem:$0x3FAA] =	sst s1  }
0xa: {  	[smem:$0x3FAB] =	sst s2  }
0xb: {  	[smem:$0x3FAC] =	sst s3  }
0xc: {  	[smem:$0x3FAD] =	sst s4  }
0xd: {  	[smem:$0x3FAE] =	sst s5  }
0xe: {  	[smem:$0x3FAF] =	sst s6  }
0xf: {  	[smem:$0x3FB0] =	sst s7  }
0x10: {  	[smem:$0x3FB1] =	sst s8  }
0x11: {  	[smem:$0x3FB2] =	sst s9;
	s0 =	simm.s32 @!p0 $0x0  }
0x12: {  	s1 =	sld [smem:$0x3F98];
	s0 =	simm.s32 @p0 $0x1  }
0x13: {  	[smem:$0x3FB3] =	sst s0;
	s0 =	simm.s32 @!p1 $0x0  }
0x14: {  	s2 =	sld [smem:$0x3F97];
	s0 =	simm.s32 @p1 $0x1  }
0x15: {  	[smem:$0x3FB4] =	sst s0;
	s0 =	simm.s32 @!p2 $0x0  }
0x16: {  	s3 =	sld [smem:$0x3FDB];
	s0 =	simm.s32 @p2 $0x1  }
0x17: {  	s4 =	simm.s32 $0x1BF5;
	[smem:$0x3FB6] =	sst s0  }
0x18: {  	s0 =	sld [smem:$0x3F99];
	_ =	swait.ge [sflag:s4], $0x0  }
0x19: {  	s7 =	sld [smem:$0x3F9A]  }
0x1a: {  	s8 =	sadd.s32 $0xFFFFE003, lr  }
0x1b: {  	s9 =	sadd.s32 $0xFFFFFEF7, lr;
	s5 =	simm.s32 $0xFFFFFFFF;
	p2 =	slt.u32 s8, $0xFFFFF086  }
0x1c: {  	p1 =	slt.u32 s9, $0xF7A;
	s5 =	simm.s32 @!p2 $0x0  }
0x1d: {  	s5 =	simm.s32 @p1 $0x1;
	p0 =	seq.s32 s7, s2  }
0x1e: {  	s7 =	smul.u32 @!p0 $0xF7A, s2;
	p2 =	seq.s32 @!p0 s5, $0x0  }
0x1f: {  	s9 =	smul.u32 $0xF7A, s1;
	s8 =	simm.s32 @!p0 $0x1BF5;
	p2 =	por !p2, p0  }
0x20: {  	[sflag:s8] =	ssyncset.s32 @!p0 $0xFFFFF086;
	s6 =	sadd.s32 @!p0 s3, s7;
	s7 =	simm.s32 @!p0 $0x108  }
0x21: {  	s3 =	sadd.s32 s3, s9;
	s6 =	sadd.s32 @!p0 $0x88, s6;
	s7 =	simm.s32 @p2 $0x1082  }
0x22: {  	[simem:s7], [sflag:s8] =	dma.local @!p0 [hbm:s6], $0xF7A  }
0x23: {  	s9 =	sor.u32 $0xD0000000, s2;
	s6 =	simm.s32 $0x108;
	_ =	swait.ge @!p0 [sflag:s8], $0x0  }
0x24: {  	s3 =	sadd.s32 $0x88, s3;
	s6 =	simm.s32 @!p1 $0x1082;
	[sflag:s4] =	ssyncset.s32 $0xFFFFF086  }
0x25: {  	[simem:s6], [sflag:s4] =	dma.local [hbm:s3], $0xF7A  }
0x26: {  	[smem:$0x3F9A] =	sst s1;
	(tag) =	ssettag s2;
	_ =	strace s9  }
0x27: {  	s1 =	sld [smem:$0x3FAA]  }
0x28: {  	s2 =	sld [smem:$0x3FAB]  }
0x29: {  	s4 =	sld [smem:$0x3FAD]  }
0x2a: {  	p0 =	seq.s32 s5, $0x0;
	s5 =	sld [smem:$0x3FAE]  }
0x2b: {  	s6 =	sld [smem:$0x3FAF]  }
0x2c: {  	s7 =	sld [smem:$0x3FB0]  }
0x2d: {  	s3 =	simm.s32 $0x108;
	s8 =	sld [smem:$0x3FB1]  }
0x2e: {  	s3 =	simm.s32 @!p0 $0x1082;
	s9 =	sld [smem:$0x3FB2]  }
0x2f: {  	lr =	sadd.s32 s0, s3;
	s0 =	sld [smem:$0x3FA9]  }
0x30: {  	s3 =	sld [smem:$0x3FAC]  }
0x31: {  	[smem:$0x3FB5] =	sst s10  }
0x32: {  	s10 =	sld [smem:$0x3FB3];
	_ =	sdelay $0x3  }
0x33: {  	p0 =	seq.s32 s10, $0x1;
	s10 =	sld [smem:$0x3FB5];
	_ =	sdelay $0x3  }
0x34: {  	[smem:$0x3FB5] =	sst s10  }
0x35: {  	s10 =	sld [smem:$0x3FB4];
	_ =	sdelay $0x3  }
0x36: {  	p1 =	seq.s32 s10, $0x1;
	s10 =	sld [smem:$0x3FB5];
	_ =	sdelay $0x3  }
0x37: {  	[smem:$0x3FB5] =	sst s10  }
0x38: {  	s10 =	sld [smem:$0x3FB6]  }
0x39: {  	_ = 	snop;
	(pc) =	sbr.ind lr, $3  }
0x3a: {  	_ = 	snop  }
0x3b: {  	_ = 	snop  }
0x3c: {  	p2 =	seq.s32 s10, $0x1;
	s10 =	sld [smem:$0x3FB5]  }
0x3d: {  	_ =	shalt  }
0x3e: {  	_ =	shalt  }
0x3f: {  	_ =	shalt  }
0x40: {  	_ =	shalt  }
0x41: {  	_ =	shalt  }
0x42: {  	_ =	shalt  }
0x43: {  	_ =	shalt  }
0x44: {  	_ =	shalt  }
0x45: {  	_ =	shalt  }
0x46: {  	_ =	shalt  }
0x47: {  	_ =	shalt  }
0x48: {  	_ =	shalt  }
0x49: {  	_ =	shalt  }
0x4a: {  	_ =	shalt  }
0x4b: {  	_ =	shalt  }
0x4c: {  	_ =	shalt  }
0x4d: {  	_ =	shalt  }
0x4e: {  	_ =	shalt  }
0x4f: {  	_ =	shalt  }
0x50: {  	_ =	shalt  }
0x51: {  	_ =	shalt  }
0x52: {  	_ =	shalt  }
0x53: {  	_ =	shalt  }
0x54: {  	_ =	shalt  }
0x55: {  	_ =	shalt  }
0x56: {  	_ =	shalt  }
0x57: {  	_ =	shalt  }
0x58: {  	_ =	shalt  }
0x59: {  	_ =	shalt  }
0x5a: {  	_ =	shalt  }
0x5b: {  	_ =	shalt  }
0x5c: {  	_ =	shalt  }
0x5d: {  	_ =	shalt  }
0x5e: {  	_ =	shalt  }
0x5f: {  	_ =	shalt  }
0x60: {  	_ =	shalt  }
0x61: {  	_ =	shalt  }
0x62: {  	_ =	shalt  }
0x63: {  	_ =	shalt  }
0x64: {  	_ =	shalt  }
0x65: {  	_ =	shalt  }
0x66: {  	_ =	shalt  }
0x67: {  	_ =	shalt  }
0x68: {  	_ =	shalt  }
0x69: {  	_ =	shalt  }
0x6a: {  	_ =	shalt  }
0x6b: {  	_ =	shalt  }
0x6c: {  	_ =	shalt  }
0x6d: {  	_ =	shalt  }
0x6e: {  	_ =	shalt  }
0x6f: {  	_ =	shalt  }
0x70: {  	_ =	shalt  }
0x71: {  	_ =	shalt  }
0x72: {  	_ =	shalt  }
0x73: {  	_ =	shalt  }
0x74: {  	_ =	shalt  }
0x75: {  	_ =	shalt  }
0x76: {  	_ =	shalt  }
0x77: {  	_ =	shalt  }
0x78: {  	_ =	shalt  }
0x79: {  	_ =	shalt  }
0x7a: {  	_ =	shalt  }
0x7b: {  	_ =	shalt  }
0x7c: {  	_ =	shalt  }
0x7d: {  	_ =	shalt  }
0x7e: {  	_ =	shalt  }
0x7f: {  	_ =	shalt  }
0x80: {  	_ =	shalt  }
0x81: {  	_ =	shalt  }
0x82: {  	_ =	shalt  }
0x83: {  	_ =	shalt  }
0x84: {  	_ =	shalt  }
0x85: {  	_ =	shalt  }
0x86: {  	_ =	shalt  }
0x87: {  	_ =	shalt  }
.Lfunc_end0:
.L_simem_size_0:
called_computation_lowered:
.L_overlay_start_0:
0x88: {  	s2 =	sld [smem:$0x3FD9]  }
0x89: {  	s3 =	sld [smem:$0x3FFE];
	_ =	sdelay $0x1  }
0x8a: {  	s1 =	srdreg.scid  }
0x8b: {  	s0 =	sand.u32 $0x1, s1  }
0x8c: {  	s17 =	sshll.u32 s0, $0xA;
	s2 =	sadd.s32 s3, s2  }
0x8d: {  	s2 =	sadd.s32 s2, s17  }
0x8e: {  	[smem:$0x3FC1] =	sst s2  }
0x8f: {  	_ = 	snop  }
0x90: {  	s2 =	sld [smem:$0x3FC9]  }
0x91: {  	s18 =	sld [smem:$0x3FD0];
	(tm) =	ssettm $0x1  }
0x92: {  	s4 =	sld [smem:$0x3FFB];
	_ =	sdelay $0x3  }
0x93: {  	_ =	strace s4  }
0x94: {  	s4 =	sld [smem:$0x3FFC];
	_ =	sdelay $0x3  }
0x95: {  	_ =	strace s4  }
0x96: {  	s4 =	sld [smem:$0x3FFD];
	_ =	sdelay $0x3  }
0x97: {  	_ =	strace s4  }
0x98: {  	_ =	strace $0x8FFFFFFF  }
0x99: {  	s19 =	sld [smem:$0x3FDB];
	_ =	sdelay $0x1  }
0x9a: {  	s5 =	simm.s32 $_scs_section_size  }
0x9b: {  	s6 =	simm.s32 $_size__tile_overlayer_lowered;
	s7 =	simm.s32 $_tile_overlayer_lowered  }
0x9c: {  	s22 =	simm.s32 $0x1BFF;
	s21 =	sshll.u32 s7, $0x1;
	s4 =	sadd.s32 s5, s19  }
0x9d: {  	s8 =	simm.s32 $0x0;
	s20 =	sshll.u32 s6, $0x1;
	s6 =	sadd.s32 s21, s4  }
0x9e: {  	[timem:s8], [sflag:s22] =	dma.local [hbm:s6], s20  }
0x9f: {  	_ =	swait.ge [sflag:s22], s20  }
0xa0: {  	s5 =	ssub.s32 $0x0, s20;
	[sflag:s22] =	ssyncset.done $0x0  }
0xa1: {  	[sflag:s22] =	ssyncadd.s32 s5;
	_ =	sdelay $0x1  }
0xa2: {  	s23 =	simm.s32 $0x1B8B  }
0xa3: {  	_ =	swait.ge [sflag:s23], $0x1  }
0xa4: {  	[sflag:s23] =	ssyncset.done $0x0  }
0xa5: {  	s25 =	simm.s32 $0x1B8E;
	s24 =	sld [smem:$0x3FFE];
	[sflag:s23] =	ssyncadd.s32 $0xFFFFFFFF  }
0xa6: {  	s26 =	simm.s32 $execute0_lowered;
	[smem:$0x3FD2] =	sst s25  }
0xa7: {  	s6 =	sshll.u32 s26, $0x1;
	_ =	strace $0x80000046;
	[dreg:$0x1] =	wrdreg $0xFFFFFFFF  }
0xa8: {  	s28 =	simm.s32 $_size_execute0_lowered;
	s4 =	sadd.s32 s4, s6;
	[dreg:$0x0] =	wrdreg $0x0  }
0xa9: {  	s6 =	sshll.u32 s28, $0x1;
	[dreg:$0x2] =	wrdreg s4  }
0xaa: {  	[dreg:$0x3] =	wrdreg s6  }
0xab: {  	[dreg:$0x4] =	wrdreg $0xC0  }
0xac: {  	_ =	task [dreg:s8], $0x5FFFF  }
0xad: {  	[dreg:$0x1] =	wrdreg $0xFFFFFFFF  }
0xae: {  	[dreg:$0x0] =	wrdreg $0x60  }
0xaf: {  	[dreg:$0x2] =	wrdreg s2  }
0xb0: {  	[dreg:$0x3] =	wrdreg s18  }
0xb1: {  	[dreg:$0x4] =	wrdreg s24  }
0xb2: {  	[dreg:$0x5] =	wrdreg $0xC0000  }
0xb3: {  	[dreg:$0x6] =	wrdreg $0x9  }
0xb4: {  	_ =	task.clear_ibuf [dreg:s8], $0x7FFFF;
	_ =	strace $0x90000046  }
0xb5: {  	s29 =	simm.s32 $0x9;
	_ =	strace $0x80000048  }
0xb6: {  	_ =	swait.ge [sflag:s29], $0x1  }
0xb7: {  	[sflag:s29] =	ssyncadd.s32 $0xFFFFFFFF  }
0xb8: {  	_ =	strace $0x90000048  }
0xb9: {  	_ =	sfence  }
0xba: {  	s30 =	sld [smem:$0x0];
	_ =	sdelay $0x2  }
0xbb: {  	s31 =	sshll.u32 s1, $0xD;
	s1 =	sshrl.u32 s1, $0x2  }
0xbc: {  	s3 =	sand.u32 $0x4000, s31;
	s1 =	sadd.s32 s1, s30  }
0xbd: {  	s0 =	sor.u32 s3, s0;
	s1 =	sshll.u32 s1, $0x11  }
0xbe: {  	s0 =	sor.u32 s1, s0  }
0xbf: {  	s0 =	sadd.s32 $0x8F2B, s0  }
0xc0: {  	[sflag:s0] =	ssyncadd.remote.s32 $0x1  }
0xc1: {  	_ =	sfence.sel $0xFFFF  }
0xc2: {  	[dreg:$0x0] =	wrdreg $0xFFFFFFFF;
	(pc) =	sbr.abs _section_cstart, $3  }
0xc3: {  	[dreg:$0x1] =	wrdreg $0xFFFFFFFF  }
0xc4: {  	_ =	task.clear_ibuf [dreg:s8], $0x2FFFF;
	_ =	strace $0x9FFFFFFF  }
0xc5: {  	(tm) =	ssettm $0x7FFFFFFF  }
tec
execute0_lowered:
.L_overlay_start_1:
0x0: {  	(tag) =	ssettag $0x1  }
0x1: {  	s0 =	rddreg [dreg:$0x0]  }
0x2: {  	s5 =	rddreg [dreg:$0x1]  }
0x3: {  	s4 =	rddreg [dreg:$0x2]  }
0x4: {  	s1 =	rddreg [dreg:$0x3]  }
0x5: {  	s2 =	simm.s32 $0x0;
	s3 =	srdreg.scid;
	s12 =	stileid.u32  }
0x6: {  	s15 =	simm.s32 $0x80;
	s16 =	simm.s32 $0x3000;
	s17 =	simm.s32 $0x400  }
0x7: {  	s18 =	simm.s32 $0x2C00;
	s19 =	simm.s32 $0x1;
	s20 =	simm.s32 $0x7000  }
0x8: {  	s21 =	simm.s32 $0x2;
	s22 =	simm.s32 $0xB000;
	s23 =	simm.s32 $0x0  }
0x9: {  	[smem:$0x7FF] =	sst s2;
	s6 =	sand.u32 $0x1, s3;
	s3 =	sadd.s32 $0x1800, s4  }
0xa: {  	s9 =	smul.u32 $0x4E000, s12;
	s4 =	sadd.s32 $0xB800, s4;
	s26 =	sshll.u32 s12, $0x1  }
0xb: {  	s29 =	smul.u32 $0x2700, s12;
	s30 =	sshll.u32 s12, $0x6;
	s14 =	sadd.s32 $0x138000, s1  }
0xc: {  	p0 =	sne.s32 s12, $0x0;
	_ =	strace $0x80000047;
	s7 =	ssub.s32 $0x2, s6  }
0xd: {  	s10 =	sor.u32 s6, s26;
	s6 =	sor.u32 $0x1C03, s30;
	s14 =	sshrl.u32 @!p0 s14, $0x3  }
0xe: {  	s8 =	sshrl.u32 s7, $0x1;
	s28 =	sshrl.u32 s9, $0x2;
	s31 =	smul.u32 $0x580, s10  }
0xf: {  	s9 =	smul.u32 $0xA, s10;
	s11 =	ssub.s32 s7, s8;
	s7 =	sadd.s32 s0, s29  }
0x10: {  	s10 =	smul.u32 $0xA000, s10;
	s0 =	sadd.s32 $0x27000, s0;
	[dreg:$0x5] =	wrdreg s7  }
0x11: {  	s13 =	sadd.s32 s28, s1;
	[dreg:$0x6] =	wrdreg s0;
	s8 =	sadd.s32 s5, s31  }
0x12: {  	s11 =	smax.u32 s11, $0x1;
	s12 =	sshrl.u32 s13, $0x3;
	s13 =	simm.s32 $0x3  }
.LBB2_1:
0x13: {  	s0 =	rddreg [dreg:$0x5]  }
0x14: {  	[spmem:s12], [sflag:s6] =	dma.local [hbm:s0], $0x2700  }
0x15: {  	_ =	swait.ge [sflag:s13], $0x2700  }
0x16: {  	[sflag:s13] =	ssyncset.done $0x0  }
0x17: {  	s0 =	rddreg [dreg:$0x6];
	[sflag:s13] =	ssyncadd.s32 $0xFFFFD900  }
0x18: {  	[spmem:s14], [sflag:s6] =	dma.local @!p0 [hbm:s0], $0x100  }
0x19: {  	s0 =	simm.s32 @!p0 $0x3  }
0x1a: {  	_ =	swait.ge @!p0 [sflag:s0], $0x100  }
0x1b: {  	[sflag:s0] =	ssyncset.done @!p0 $0x0  }
0x1c: {  	[sflag:s0] =	ssyncadd.s32 @!p0 $0xFFFFFF00  }
0x1d: {  	[tilespmem:s2], [sflag:$0x3] =	stream.linear.gather [hbm4b:s8+s2], $0x2880, $0x38;
	[tilespmem:$0x1F880] =	vst v63  }
0x1e: {  	_ =	swait.ge [sflag:s13], $0x2880  }
0x1f: {  	[sflag:s13] =	ssyncset.done $0x0  }
0x20: {  	[sflag:s13] =	ssyncadd.s32 $0xFFFFD780  }
0x21: {  	s24 =	simm.s32 $0x0;
	[bflag:$0x0] =	sbarrier.arrive $0xFFFF  }
0x22: {  	[tilespmem:s16], [sflag:$0x1] =	stream.indirect.gather [spmem:s1], $0x80, s2, s15, $0xb8;
	[tilespmem:$0x1F880] =	vst v63  }
.LBB2_2:
0x23: {  	s0 =	sadd.s32 s9, s24  }
0x24: {  	s5 =	sshll.u32 s0, $0x4  }
0x25: {  	s0 =	sshll.u32 s0, $0x7;
	s5 =	sand.u32 $0x70, s5  }
0x26: {  	s0 =	sand.u32 $0xFFFFC00, s0;
	s5 =	sadd.s32 s3, s5  }
0x27: {  	s0 =	sadd.s32 s0, s5  }
0x28: {  	[tilespmem:s18], [sflag:$0x3] =	stream.strided.gather [hbm4b:s0+s15], $0x400, s17, s15, $0x38;
	[tilespmem:$0x1F880] =	vst v63  }
0x29: {  	_ =	swait.ge [sflag:s13], $0x400  }
0x2a: {  	s25 =	sshll.u32 s24, $0xC;
	[sflag:s13] =	ssyncset.done $0x0  }
0x2b: {  	s28 =	simm.s32 $0x0;
	s26 =	sshrl.u32 s25, $0x2;
	[sflag:s13] =	ssyncadd.s32 $0xFFFFFC00  }
.LBB2_3:
0x2c: {  	s29 =	sshll.u32 s28, $0xA  }
0x2d: {  	_ =	swait.ge [sflag:s19], $0x4000;
	s0 =	sshra.s32 s29, $0x2  }
0x2e: {  	[sflag:s19] =	ssyncset.done $0x0;
	s7 =	sand.u32 $0x3FFFFC00, s29;
	s30 =	sadd.s32 s0, s26  }
0x2f: {  	[sflag:s19] =	ssyncadd.s32 $0xFFFFC000;
	s0 =	sadd.s32 $0x2C00, s0;
	s5 =	sadd.s32 $0x80, s30  }
0x30: {  	[tilespmem:s20], [sflag:$0x2] =	stream.indirect.gather [spmem:s1], $0x80, s5, s15, $0xb8;
	[tilespmem:$0x1F880] =	vst v63  }
0x31: {  	v0 =	vmov s0;
	s5 =	sadd.s32 $0xB000, s7  }
0x32: {  	[tilespmem:$0x1FFE0] =	vst v0;
	v63 =	vmov s5  }
0x33: {  	s31 =	simm.s32 $0x0;
	[tilespmem:$0x1FFF0] =	vst v63  }
.LBB2_4:
0x34: {  	s7 =	sshll.u32 s31, $0xC  }
0x35: {  	s7 =	sand.u32 $0x3FFFF000, s7  }
0x36: {  	v49 =	vld [tilespmem:s7+$0x33A0];
	_ =	sdelay $0x4  }
0x37: {  	[tilespmem:$0x1FDD0] =	vst v49;
	v49 =	vld [tilespmem:s7+$0x33B0];
	_ =	sdelay $0x4  }
0x38: {  	[tilespmem:$0x1FDE0] =	vst v49;
	v49 =	vld [tilespmem:s7+$0x33C0];
	_ =	sdelay $0x4  }
0x39: {  	[tilespmem:$0x1FDF0] =	vst v49;
	v49 =	vld [tilespmem:s7+$0x33D0];
	_ =	sdelay $0x4  }
0x3a: {  	[tilespmem:$0x1FE00] =	vst v49;
	v49 =	vld [tilespmem:s7+$0x33E0];
	_ =	sdelay $0x4  }
0x3b: {  	[tilespmem:$0x1FE10] =	vst v49;
	v49 =	vld [tilespmem:s7+$0x33F0];
	_ =	sdelay $0x4  }
0x3c: {  	[tilespmem:$0x1FE20] =	vst v49;
	v49 =	vld [tilespmem:s7+$0x3400];
	_ =	sdelay $0x4  }
0x3d: {  	[tilespmem:$0x1FE30] =	vst v49;
	v49 =	vld [tilespmem:s7+$0x3410];
	_ =	sdelay $0x4  }
0x3e: {  	[tilespmem:$0x1FE40] =	vst v49;
	v49 =	vld [tilespmem:s7+$0x3420];
	_ =	sdelay $0x4  }
0x3f: {  	[tilespmem:$0x1FE50] =	vst v49;
	v49 =	vld [tilespmem:s7+$0x3430];
	_ =	sdelay $0x4  }
0x40: {  	[tilespmem:$0x1FE60] =	vst v49;
	v49 =	vld [tilespmem:s7+$0x3440];
	_ =	sdelay $0x4  }
0x41: {  	[tilespmem:$0x1FE70] =	vst v49;
	v49 =	vld [tilespmem:s7+$0x3450];
	_ =	sdelay $0x3  }
0x42: {  	v0 =	vld [tilespmem:$0x1FFE0]  }
0x43: {  	[tilespmem:$0x1FE80] =	vst v49;
	v49 =	vld [tilespmem:s7+$0x3460]  }
0x44: {  	v27 =	vld [tilespmem:s7+$0x3000]  }
0x45: {  	v28 =	vld [tilespmem:s7+$0x3010]  }
0x46: {  	v29 =	vld [tilespmem:s7+$0x3020]  }
0x47: {  	v38 =	vld [tilespmem:s7+$0x3030]  }
0x48: {  	[tilespmem:$0x1FE90] =	vst v49;
	v49 =	vld [tilespmem:s7+$0x3470]  }
0x49: {  	v39 =	vld [tilespmem:s7+$0x3040]  }
0x4a: {  	v40 =	vld [tilespmem:s7+$0x3050]  }
0x4b: {  	v41 =	vld [tilespmem:s7+$0x3060]  }
0x4c: {  	v42 =	vld [tilespmem:s7+$0x3070]  }
0x4d: {  	[tilespmem:$0x1FEA0] =	vst v49;
	v49 =	vld [tilespmem:s7+$0x3480]  }
0x4e: {  	v43 =	vld [tilespmem:s7+$0x3080]  }
0x4f: {  	v44 =	vld [tilespmem:s7+$0x3090]  }
0x50: {  	v45 =	vld [tilespmem:s7+$0x30A0]  }
0x51: {  	v46 =	vld [tilespmem:s7+$0x30B0]  }
0x52: {  	[tilespmem:$0x1FEB0] =	vst v49;
	v49 =	vld [tilespmem:s7+$0x3490]  }
0x53: {  	v51 =	vld [tilespmem:s7+$0x30C0]  }
0x54: {  	v50 =	vld [tilespmem:s7+$0x30D0]  }
0x55: {  	v52 =	vld [tilespmem:s7+$0x30E0]  }
0x56: {  	s0 =	sshll.u32 s31, $0x7;
	v58 =	vld [tilespmem:s7+$0x30F0]  }
0x57: {  	s5 =	sshra.s32 s0, $0x2;
	[tilespmem:$0x1FEC0] =	vst v49;
	v49 =	vld [tilespmem:s7+$0x34A0]  }
0x58: {  	v19 =	vld.idx.msk [tilespmem:v0+s5+$0x0 ss:$0x1], $0xffff  }
0x59: {  	v59 =	vld [tilespmem:s7+$0x3100]  }
0x5a: {  	v60 =	vld [tilespmem:s7+$0x3110]  }
0x5b: {  	v61 =	vld [tilespmem:s7+$0x3120]  }
0x5c: {  	v18 =	vld.idx.msk [tilespmem:v0+s5+$0x10 ss:$0x1], $0xffff;
	[tilespmem:$0x1FED0] =	vst v49;
	v49 =	vimm.s32 $0x0  }
0x5d: {  	v0 =	vperm.xlane v19, v49;
	v49 =	vld [tilespmem:s7+$0x34C0]  }
0x5e: {  	v2 =	vld [tilespmem:s7+$0x3130]  }
0x5f: {  	v3 =	vld [tilespmem:s7+$0x3140]  }
0x60: {  	v4 =	vld [tilespmem:s7+$0x3150]  }
0x61: {  	v5 =	vld [tilespmem:s7+$0x3160]  }
0x62: {  	[tilespmem:$0x1FEF0] =	vst v49;
	v49 =	vld [tilespmem:s7+$0x34D0]  }
0x63: {  	v1 =	vld [tilespmem:s7+$0x34B0]  }
0x64: {  	v6 =	vld [tilespmem:s7+$0x3170]  }
0x65: {  	v7 =	vld [tilespmem:s7+$0x3180]  }
0x66: {  	v8 =	vld [tilespmem:s7+$0x3190]  }
0x67: {  	v9 =	vld [tilespmem:s7+$0x31A0];
	[tilespmem:$0x1FF00] =	vst v49;
	v49 =	vimm.s32 $0x1  }
0x68: {  	[tilespmem:$0x1FEE0] =	vst v1;
	v1 =	vperm.xlane v19, v49;
	v49 =	vld [tilespmem:s7+$0x34E0]  }
0x69: {  	v10 =	vld [tilespmem:s7+$0x31B0]  }
0x6a: {  	v53 =	vld [tilespmem:s7+$0x31C0]  }
0x6b: {  	v54 =	vld [tilespmem:s7+$0x31D0]  }
0x6c: {  	v55 =	vld [tilespmem:s7+$0x31E0]  }
0x6d: {  	[tilespmem:$0x1FF10] =	vst v49;
	v49 =	vld [tilespmem:s7+$0x34F0]  }
0x6e: {  	v48 =	vld [tilespmem:s7+$0x31F0]  }
0x6f: {  	v56 =	vld [tilespmem:s7+$0x3200]  }
0x70: {  	v34 =	vld [tilespmem:s7+$0x3210]  }
0x71: {  	v57 =	vld [tilespmem:s7+$0x3220]  }
0x72: {  	[tilespmem:$0x1FF20] =	vst v49;
	v49 =	vld [tilespmem:s7+$0x3500]  }
0x73: {  	v62 =	vld [tilespmem:s7+$0x3230]  }
0x74: {  	v63 =	vld [tilespmem:s7+$0x3240]  }
0x75: {  	v12 =	vld [tilespmem:s7+$0x3250];
	v28 =	vmul.f32 v28, v0  }
0x76: {  	v33 =	vld [tilespmem:s7+$0x3260]  }
0x77: {  	v28 =	vadd.f32 $0.0e+00, v28;
	v44 =	vmul.f32 v44, v1;
	[tilespmem:$0x1FF30] =	vst v49;
	v49 =	vld [tilespmem:s7+$0x3510]  }
0x78: {  	v13 =	vld [tilespmem:s7+$0x3270]  }
0x79: {  	v29 =	vmul.f32 v29, v0;
	v44 =	vadd.f32 v44, v28;
	v28 =	vmul.f32 v38, v0;
	v38 =	vld [tilespmem:s7+$0x3520]  }
0x7a: {  	v24 =	vld [tilespmem:s7+$0x3280]  }
0x7b: {  	v14 =	vld [tilespmem:s7+$0x3290];
	v27 =	vmul.f32 v27, v0;
	v29 =	vadd.f32 $0.0e+00, v29;
	v45 =	vmul.f32 v45, v1  }
0x7c: {  	v15 =	vld [tilespmem:s7+$0x32A0];
	v41 =	vmul.f32 v41, v0;
	[tilespmem:$0x1FF40] =	vst v49;
	v49 =	vmul.f32 v39, v0  }
0x7d: {  	v39 =	vmul.f32 v40, v0;
	v0 =	vmul.f32 v42, v0;
	v42 =	vadd.f32 v45, v29;
	v45 =	vld [tilespmem:s7+$0x3570]  }
0x7e: {  	[tilespmem:$0x1FF50] =	vst v38;
	v38 =	vadd.f32 $0.0e+00, v49;
	v49 =	vld [tilespmem:s7+$0x3550]  }
0x7f: {  	v11 =	vimm.s32 $0x2;
	v16 =	vld [tilespmem:s7+$0x32B0];
	v27 =	vadd.f32 $0.0e+00, v27;
	v43 =	vmul.f32 v43, v1  }
0x80: {  	v23 =	vld [tilespmem:s7+$0x32C0];
	v41 =	vadd.f32 $0.0e+00, v41;
	v51 =	vmul.f32 v51, v1;
	v52 =	vmul.f32 v52, v1  }
0x81: {  	v17 =	vld [tilespmem:s7+$0x32D0];
	v46 =	vmul.f32 v46, v1;
	v43 =	vadd.f32 v43, v27;
	v40 =	vadd.f32 $0.0e+00, v28  }
0x82: {  	v20 =	vld [tilespmem:s7+$0x32E0];
	v52 =	vadd.f32 v52, v41;
	v51 =	vadd.f32 v51, v38;
	v38 =	vperm.xlane v19, v11;
	[tilespmem:$0x1FF70] =	vst v45  }
0x83: {  	v46 =	vadd.f32 v46, v40;
	v45 =	vmul.f32 v50, v1;
	v1 =	vmul.f32 v58, v1;
	[tilespmem:$0x1FF60] =	vst v49;
	v49 =	vld [tilespmem:s7+$0x3580]  }
0x84: {  	v21 =	vld [tilespmem:s7+$0x32F0];
	v40 =	vadd.f32 $0.0e+00, v39;
	v50 =	vmul.f32 v59, v38;
	v2 =	vmul.f32 v2, v38  }
0x85: {  	v22 =	vld [tilespmem:s7+$0x3300];
	v0 =	vadd.f32 $0.0e+00, v0;
	v3 =	vmul.f32 v3, v38;
	v4 =	vmul.f32 v4, v38  }
0x86: {  	v25 =	vld [tilespmem:s7+$0x3310];
	v5 =	vmul.f32 v5, v38;
	v59 =	vadd.f32 v45, v40;
	v40 =	vmul.f32 v60, v38  }
0x87: {  	v26 =	vld [tilespmem:s7+$0x3320];
	v0 =	vadd.f32 v1, v0;
	v45 =	vimm.s32 $0x3;
	v2 =	vadd.f32 v2, v46  }
0x88: {  	v30 =	vld [tilespmem:s7+$0x3330];
	[tilespmem:$0x1FF80] =	vst v49;
	v49 =	vadd.f32 v50, v43;
	v50 =	vmul.f32 v61, v38;
	v61 =	vperm.xlane v19, v45  }
0x89: {  	v31 =	vld [tilespmem:s7+$0x3340];
	v6 =	vmul.f32 v6, v38;
	v3 =	vadd.f32 v3, v51;
	v5 =	vadd.f32 v5, v52  }
0x8a: {  	v32 =	vld [tilespmem:s7+$0x3350];
	v60 =	vadd.f32 v40, v44;
	v4 =	vadd.f32 v4, v59;
	v7 =	vmul.f32 v7, v61  }
0x8b: {  	v35 =	vld [tilespmem:s7+$0x3360];
	v0 =	vadd.f32 v6, v0;
	v8 =	vmul.f32 v8, v61;
	v9 =	vmul.f32 v9, v61  }
0x8c: {  	v36 =	vld [tilespmem:s7+$0x3370];
	v58 =	vadd.f32 v50, v42;
	v53 =	vmul.f32 v53, v61;
	v54 =	vmul.f32 v54, v61  }
0x8d: {  	v41 =	vld [tilespmem:s7+$0x35A0];
	v59 =	vmul.f32 v55, v61;
	v1 =	vadd.f32 v7, v49;
	v49 =	vmul.f32 v10, v61  }
0x8e: {  	v50 =	vld [tilespmem:s7+$0x3610];
	v51 =	vadd.f32 v8, v60;
	v52 =	vadd.f32 v9, v58;
	v58 =	vimm.s32 $0x4  }
0x8f: {  	v37 =	vld [tilespmem:s7+$0x3380];
	v3 =	vadd.f32 v53, v3;
	v60 =	vmul.f32 v48, v61;
	v10 =	vperm.xlane v19, v58  }
0x90: {  	v47 =	vld [tilespmem:s7+$0x3390];
	v4 =	vadd.f32 v54, v4;
	v5 =	vadd.f32 v59, v5;
	v59 =	vimm.s32 $0x6  }
0x91: {  	v39 =	vld [tilespmem:s7+$0x3590];
	v2 =	vadd.f32 v49, v2;
	v61 =	vmul.f32 v56, v10;
	v34 =	vmul.f32 v34, v10  }
0x92: {  	v27 =	vld [tilespmem:s7+$0x3530];
	[tilespmem:$0x1FFA0] =	vst v41;
	v0 =	vadd.f32 v60, v0;
	v38 =	vmul.f32 v57, v10;
	v48 =	vmul.f32 v62, v10  }
0x93: {  	v41 =	vld [tilespmem:s7+$0x35E0];
	[tilespmem:$0x1FFD0] =	vst v50;
	v49 =	vmul.f32 v63, v10;
	v50 =	vimm.s32 $0x5;
	v33 =	vmul.f32 v33, v10  }
0x94: {  	v28 =	vld [tilespmem:s7+$0x3540];
	v6 =	vadd.f32 v61, v1;
	v7 =	vadd.f32 v34, v51;
	v34 =	vperm.xlane v19, v50  }
0x95: {  	v29 =	vld [tilespmem:s7+$0x3560];
	v8 =	vadd.f32 v38, v52;
	v38 =	vadd.f32 v48, v2;
	v51 =	vmul.f32 v12, v10  }
0x96: {  	[tilespmem:$0x1FF90] =	vst v39;
	v39 =	vld [tilespmem:s7+$0x35C0];
	v9 =	vadd.f32 v49, v3;
	v10 =	vmul.f32 v13, v10;
	v60 =	vmul.f32 v24, v34  }
0x97: {  	v46 =	vld [tilespmem:s7+$0x35F0];
	v11 =	vadd.f32 v33, v5;
	v61 =	vmul.f32 v14, v34;
	v3 =	vmul.f32 v15, v34  }
0x98: {  	v40 =	vld [tilespmem:s7+$0x35D0];
	v4 =	vadd.f32 v51, v4;
	v24 =	vmul.f32 v16, v34;
	v33 =	vmul.f32 v23, v34  }
0x99: {  	v44 =	vld [tilespmem:s7+$0x3630];
	v0 =	vadd.f32 v10, v0;
	v58 =	vmul.f32 v17, v34;
	v16 =	vperm.xlane v19, v59  }
0x9a: {  	v43 =	vld [tilespmem:s7+$0x35B0];
	v2 =	vmul.f32 v20, v34;
	v59 =	vimm.s32 $0x7;
	v10 =	vadd.f32 v60, v6  }
0x9b: {  	v45 =	vld [tilespmem:s7+$0x3640];
	v7 =	vadd.f32 v61, v7;
	v61 =	vadd.f32 v33, v9;
	v52 =	vmul.f32 v31, v16  }
0x9c: {  	[tilespmem:$0x1FFC0] =	vst v46;
	v46 =	vld [tilespmem:s7+$0x3650];
	v15 =	vadd.f32 v3, v8;
	v60 =	vadd.f32 v24, v38;
	v3 =	vmul.f32 v21, v34  }
0x9d: {  	v5 =	vmul.f32 v22, v16;
	v49 =	vmul.f32 v30, v16;
	v24 =	vadd.f32 v52, v61;
	v52 =	vld [tilespmem:$0x1FE00]  }
0x9e: {  	v4 =	vadd.f32 v58, v4;
	v34 =	vmul.f32 v26, v16;
	v26 =	vperm.xlane v19, v59;
	v59 =	vld [tilespmem:$0x1FE10]  }
0x9f: {  	v33 =	vmul.f32 v25, v16;
	v23 =	vadd.f32 v49, v60;
	v60 =	vmul.f32 v35, v16;
	v35 =	vld [tilespmem:$0x1FDD0]  }
0xa0: {  	v11 =	vadd.f32 v2, v11;
	v58 =	vmul.f32 v32, v16;
	v61 =	vmul.f32 v37, v26;
	v37 =	vld [tilespmem:$0x1FDE0]  }
0xa1: {  	v38 =	vadd.f32 v3, v0;
	v48 =	vadd.f32 v5, v10;
	v5 =	vmul.f32 v47, v26;
	v47 =	vld [tilespmem:$0x1FDF0]  }
0xa2: {  	v30 =	vadd.f32 v58, v4;
	v49 =	vimm.s32 $0x8;
	v4 =	vld [tilespmem:$0x1FE30];
	v58 =	vmul.f32 v52, v26  }
0xa3: {  	v21 =	vadd.f32 v34, v15;
	v16 =	vmul.f32 v36, v16;
	v34 =	vperm.xlane v19, v49;
	v49 =	vld [tilespmem:$0x1FE50]  }
0xa4: {  	v32 =	vadd.f32 v60, v11;
	v60 =	vmul.f32 v59, v26;
	v30 =	vadd.f32 v58, v30;
	v58 =	vld [tilespmem:$0x1FE60]  }
0xa5: {  	v20 =	vadd.f32 v33, v7;
	v25 =	vadd.f32 v61, v48;
	v61 =	vld [tilespmem:$0x1FE20]  }
0xa6: {  	v22 =	vadd.f32 v16, v38;
	v32 =	vadd.f32 v60, v32;
	v60 =	vld [tilespmem:$0x1FE70]  }
0xa7: {  	v31 =	vadd.f32 v5, v20;
	v38 =	vmul.f32 v37, v26;
	v5 =	vmul.f32 v4, v34;
	v4 =	vld [tilespmem:$0x1FE80]  }
0xa8: {  	v37 =	vld [tilespmem:$0x1FE90]  }
0xa9: {  	v23 =	vadd.f32 v38, v23;
	v38 =	vld [tilespmem:$0x1FE40];
	v59 =	vmul.f32 v58, v34  }
0xaa: {  	v36 =	vmul.f32 v35, v26;
	v48 =	vmul.f32 v47, v26;
	v58 =	vld [tilespmem:$0x1FEA0]  }
0xab: {  	v26 =	vmul.f32 v61, v26;
	v23 =	vadd.f32 v59, v23;
	v59 =	vld [tilespmem:$0x1FEB0]  }
0xac: {  	v42 =	vld [tilespmem:s7+$0x3600];
	v52 =	vmul.f32 v49, v34;
	v33 =	vadd.f32 v36, v21;
	v24 =	vadd.f32 v48, v24  }
0xad: {  	v55 =	vld [tilespmem:s7+$0x3690];
	v26 =	vadd.f32 v26, v22;
	v22 =	vimm.s32 $0x9;
	v61 =	vmul.f32 v60, v34  }
0xae: {  	v25 =	vadd.f32 v5, v25;
	v5 =	vmul.f32 v4, v34;
	v48 =	vperm.xlane v19, v22;
	v60 =	vld [tilespmem:$0x1FEC0]  }
0xaf: {  	v54 =	vld [tilespmem:s7+$0x36B0];
	v33 =	vadd.f32 v52, v33;
	v52 =	vmul.f32 v37, v34;
	v47 =	vmul.f32 v38, v34  }
0xb0: {  	v38 =	vadd.f32 v5, v30;
	v30 =	vmul.f32 v58, v34;
	v34 =	vmul.f32 v59, v48;
	v59 =	vld [tilespmem:$0x1FEE0]  }
0xb1: {  	v4 =	vld [tilespmem:$0x1FED0]  }
0xb2: {  	v53 =	vld [tilespmem:s7+$0x36C0]  }
0xb3: {  	[tilespmem:$0x1FFB0] =	vst v43;
	v43 =	vld [tilespmem:s7+$0x3620];
	v24 =	vadd.f32 v61, v24;
	v36 =	vadd.f32 v47, v31;
	v61 =	vmul.f32 v60, v48  }
0xb4: {  	v57 =	vld [tilespmem:s7+$0x3660]  }
0xb5: {  	v60 =	vmul.f32 v59, v48;
	v59 =	vadd.f32 v61, v36;
	v61 =	vld [tilespmem:$0x1FEF0]  }
0xb6: {  	v5 =	vmul.f32 v4, v48;
	v4 =	vld [tilespmem:$0x1FF00]  }
0xb7: {  	v62 =	vld [tilespmem:s7+$0x3670]  }
0xb8: {  	v63 =	vld [tilespmem:s7+$0x3680]  }
0xb9: {  	v56 =	vld [tilespmem:s7+$0x36A0]  }
0xba: {  	v50 =	vld [tilespmem:s7+$0x36F0];
	v58 =	vmul.f32 v61, v48  }
0xbb: {  	v33 =	vadd.f32 v5, v33;
	v5 =	vmul.f32 v4, v48;
	v4 =	vld [tilespmem:$0x1FF20]  }
0xbc: {  	v24 =	vadd.f32 v58, v24;
	v58 =	vld [tilespmem:$0x1FF10]  }
0xbd: {  	v13 =	vld [tilespmem:s7+$0x3710]  }
0xbe: {  	v12 =	vld [tilespmem:s7+$0x3730]  }
0xbf: {  	v51 =	vld [tilespmem:s7+$0x36D0]  }
0xc0: {  	v14 =	vld [tilespmem:s7+$0x3720]  }
0xc1: {  	v58 =	vmul.f32 v58, v48;
	v48 =	vmul.f32 v4, v48;
	v4 =	vld [tilespmem:$0x1FF50]  }
0xc2: {  	v17 =	vld [tilespmem:s7+$0x3740]  }
0xc3: {  	v6 =	vld [tilespmem:s7+$0x36E0];
	v36 =	vimm.s32 $0xA  }
0xc4: {  	v52 =	vadd.f32 v52, v32;
	v38 =	vadd.f32 v5, v38;
	v5 =	vld [tilespmem:$0x1FF30];
	v61 =	vperm.xlane v19, v36  }
0xc5: {  	v34 =	vadd.f32 v34, v25;
	v25 =	vld [tilespmem:$0x1FF40]  }
0xc6: {  	v52 =	vadd.f32 v58, v52;
	v58 =	vmul.f32 v4, v61;
	v4 =	vld [tilespmem:$0x1FF60]  }
0xc7: {  	v8 =	vld [tilespmem:s7+$0x3700]  }
0xc8: {  	v9 =	vld [tilespmem:s7+$0x3770]  }
0xc9: {  	v15 =	vld [tilespmem:s7+$0x3750];
	v60 =	vadd.f32 v60, v23;
	v0 =	vmul.f32 v5, v61;
	v5 =	vmul.f32 v27, v61  }
0xca: {  	v10 =	vld [tilespmem:s7+$0x3760];
	v1 =	vmul.f32 v25, v61  }
0xcb: {  	v2 =	vadd.f32 v0, v34;
	v34 =	vadd.f32 v5, v60;
	v60 =	vmul.f32 v4, v61;
	v4 =	vld [tilespmem:$0x1FF80]  }
0xcc: {  	v7 =	vld [tilespmem:s7+$0x3780];
	v58 =	vadd.f32 v58, v33;
	v33 =	vmul.f32 v28, v61  }
0xcd: {  	v11 =	vld [tilespmem:s7+$0x3790];
	v3 =	vadd.f32 v1, v59;
	v59 =	vimm.s32 $0xB  }
0xce: {  	v5 =	vmul.f32 v29, v61;
	v59 =	vperm.xlane v19, v59;
	v24 =	vadd.f32 v33, v24;
	v33 =	vld [tilespmem:$0x1FF70]  }
0xcf: {  	v16 =	vld [tilespmem:s7+$0x37A0]  }
0xd0: {  	v1 =	vmul.f32 v4, v59;
	v4 =	vadd.f32 v5, v52;
	v5 =	vld [tilespmem:$0x1FF90]  }
0xd1: {  	v20 =	vld [tilespmem:s7+$0x37B0];
	v26 =	vadd.f32 v30, v26  }
0xd2: {  	v35 =	vld [tilespmem:s7+$0x3810]  }
0xd3: {  	v49 =	vld [tilespmem:s7+$0x37D0];
	v48 =	vadd.f32 v48, v26;
	v33 =	vmul.f32 v33, v61  }
0xd4: {  	v21 =	vld [tilespmem:s7+$0x37C0]  }
0xd5: {  	v48 =	vadd.f32 v33, v48;
	v33 =	vld [tilespmem:$0x1FFA0];
	v52 =	vmul.f32 v5, v59  }
0xd6: {  	v22 =	vld [tilespmem:s7+$0x37F0]  }
0xd7: {  	v3 =	vadd.f32 v52, v3;
	v52 =	vld [tilespmem:$0x1FFB0]  }
0xd8: {  	v37 =	vld [tilespmem:s7+$0x3800]  }
0xd9: {  	v32 =	vld [tilespmem:s7+$0x3840]  }
0xda: {  	v47 =	vld [tilespmem:s7+$0x37E0];
	v5 =	vadd.f32 v1, v2;
	v2 =	vmul.f32 v33, v59  }
0xdb: {  	v31 =	vld [tilespmem:s7+$0x3820];
	v60 =	vadd.f32 v60, v38  }
0xdc: {  	v30 =	vld [tilespmem:s7+$0x3830];
	v2 =	vadd.f32 v2, v58;
	v58 =	vmul.f32 v40, v59;
	v52 =	vmul.f32 v52, v59  }
0xdd: {  	v23 =	vld [tilespmem:s7+$0x3860]  }
0xde: {  	v34 =	vadd.f32 v52, v34;
	v52 =	vadd.f32 v58, v60;
	v60 =	vld [tilespmem:$0x1FFC0]  }
0xdf: {  	v36 =	vld [tilespmem:s7+$0x3850]  }
0xe0: {  	v25 =	vld [tilespmem:s7+$0x3870]  }
0xe1: {  	v27 =	vld [tilespmem:s7+$0x3890]  }
0xe2: {  	v29 =	vld [tilespmem:s7+$0x38B0]  }
0xe3: {  	v58 =	vmul.f32 v60, v59;
	v60 =	vld [tilespmem:$0x1FFD0]  }
0xe4: {  	v26 =	vld [tilespmem:s7+$0x3880];
	v1 =	vmul.f32 v39, v59;
	v40 =	vimm.s32 $0xC  }
0xe5: {  	v28 =	vld [tilespmem:s7+$0x38A0];
	v0 =	vperm.xlane v19, v40  }
0xe6: {  	v38 =	vld [tilespmem:s7+$0x38D0];
	v1 =	vadd.f32 v1, v24;
	v24 =	vmul.f32 v41, v59  }
0xe7: {  	v61 =	vld [tilespmem:s7+$0x38C0];
	v59 =	vmul.f32 v42, v0  }
0xe8: {  	v39 =	vld [tilespmem:s7+$0x38F0];
	v4 =	vadd.f32 v24, v4;
	v24 =	vmul.f32 v60, v0  }
0xe9: {  	v33 =	vld [tilespmem:s7+$0x38E0];
	v48 =	vadd.f32 v58, v48;
	v5 =	vadd.f32 v59, v5;
	v60 =	vmul.f32 v43, v0  }
0xea: {  	v41 =	vld [tilespmem:s7+$0x3910];
	v58 =	vmul.f32 v44, v0;
	v59 =	vmul.f32 v46, v0;
	v3 =	vadd.f32 v24, v3  }
0xeb: {  	v40 =	vld [tilespmem:s7+$0x3900];
	v24 =	vadd.f32 v60, v2;
	v2 =	vmul.f32 v45, v0;
	v60 =	vimm.s32 $0xD  }
0xec: {  	v62 =	vmul.f32 v62, v0;
	v42 =	vld [tilespmem:s7+$0x3920];
	v58 =	vadd.f32 v58, v34;
	v60 =	vperm.xlane v19, v60  }
0xed: {  	v44 =	vld [tilespmem:s7+$0x3940];
	v52 =	vadd.f32 v59, v52;
	v34 =	vadd.f32 v2, v1;
	v2 =	vmul.f32 v57, v0  }
0xee: {  	v46 =	vld [tilespmem:s7+$0x3960];
	v48 =	vadd.f32 v62, v48;
	v63 =	vmul.f32 v63, v60;
	v55 =	vmul.f32 v55, v60  }
0xef: {  	v59 =	vimm.s32 $0xE;
	v43 =	vld [tilespmem:s7+$0x3930];
	v56 =	vmul.f32 v56, v60;
	v54 =	vmul.f32 v54, v60  }
0xf0: {  	v45 =	vld [tilespmem:s7+$0x3950];
	v57 =	vimm.s32 $0xF;
	v53 =	vmul.f32 v53, v60;
	v51 =	vmul.f32 v51, v60  }
0xf1: {  	v0 =	vld [tilespmem:s7+$0x3970];
	v50 =	vmul.f32 v50, v60;
	v4 =	vadd.f32 v2, v4;
	v62 =	vadd.f32 v63, v5  }
0xf2: {  	v1 =	vld [tilespmem:s7+$0x3980];
	v55 =	vadd.f32 v55, v3;
	v24 =	vadd.f32 v56, v24;
	v56 =	vperm.xlane v19, v59  }
0xf3: {  	v2 =	vld [tilespmem:s7+$0x3990];
	v54 =	vadd.f32 v54, v58;
	v63 =	vmul.f32 v6, v60;
	v19 =	vperm.xlane v19, v57  }
0xf4: {  	v3 =	vld [tilespmem:s7+$0x39A0];
	v34 =	vadd.f32 v53, v34;
	v60 =	vmul.f32 v8, v56;
	v13 =	vmul.f32 v13, v56  }
0xf5: {  	v5 =	vld [tilespmem:s7+$0x39B0];
	v51 =	vadd.f32 v51, v52;
	v14 =	vmul.f32 v14, v56;
	v12 =	vmul.f32 v12, v56  }
0xf6: {  	v6 =	vld [tilespmem:s7+$0x39C0];
	v48 =	vadd.f32 v50, v48;
	v17 =	vmul.f32 v17, v56;
	v15 =	vmul.f32 v15, v56  }
0xf7: {  	v52 =	vld [tilespmem:s7+$0x39E0];
	v4 =	vadd.f32 v63, v4;
	v10 =	vmul.f32 v10, v56;
	v9 =	vmul.f32 v9, v56  }
0xf8: {  	v53 =	vld [tilespmem:s7+$0x39F0];
	v7 =	vmul.f32 v7, v19;
	v63 =	vmul.f32 v11, v19;
	v62 =	vadd.f32 v60, v62  }
0xf9: {  	v8 =	vld [tilespmem:s7+$0x39D0];
	v20 =	vmul.f32 v20, v19;
	v13 =	vadd.f32 v13, v55;
	v14 =	vadd.f32 v14, v24  }
0xfa: {  	v58 =	vmul.f32 v49, v19;
	v49 =	vld [tilespmem:s7+$0x3A70];
	v12 =	vadd.f32 v12, v54;
	v17 =	vadd.f32 v17, v34  }
0xfb: {  	v56 =	vmul.f32 v21, v19;
	v55 =	vld [tilespmem:s7+$0x3A00];
	v15 =	vadd.f32 v15, v51;
	v4 =	vadd.f32 v10, v4  }
0xfc: {  	v24 =	vld [tilespmem:s7+$0x3A10];
	v54 =	vmul.f32 v16, v19;
	v9 =	vadd.f32 v9, v48;
	v60 =	vimm.s32 $0x0  }
0xfd: {  	v34 =	vld [tilespmem:s7+$0x3A20];
	v21 =	vperm.xlane v18, v60;
	v7 =	vadd.f32 v7, v62;
	v10 =	vadd.f32 v63, v13  }
0xfe: {  	v51 =	vld [tilespmem:s7+$0x3A30];
	v11 =	vadd.f32 v54, v14;
	v12 =	vadd.f32 v20, v12;
	v62 =	vmul.f32 v47, v19  }
0xff: {  	v16 =	vld [tilespmem:s7+$0x3A40];
	v13 =	vadd.f32 v56, v17;
	v19 =	vmul.f32 v22, v19;
	v63 =	vmul.f32 v37, v21  }
0x100: {  	v48 =	vld [tilespmem:s7+$0x3A50];
	v15 =	vadd.f32 v58, v15;
	v35 =	vmul.f32 v35, v21;
	v50 =	vmul.f32 v31, v21  }
0x101: {  	v14 =	vld [tilespmem:s7+$0x3A60];
	v58 =	vimm.s32 $0x1;
	v54 =	vmul.f32 v30, v21;
	v56 =	vmul.f32 v32, v21  }
0x102: {  	v47 =	vimm.s32 $0x2;
	v22 =	vld [tilespmem:s7+$0x3A80];
	v31 =	vperm.xlane v18, v58;
	v60 =	vmul.f32 v36, v21  }
0x103: {  	v17 =	vld [tilespmem:s7+$0x3BA0];
	v23 =	vmul.f32 v23, v21;
	v4 =	vadd.f32 v62, v4;
	v9 =	vadd.f32 v19, v9  }
0x104: {  	v20 =	vld [tilespmem:s7+$0x3BE0];
	v62 =	vmul.f32 v25, v21;
	v7 =	vadd.f32 v63, v7;
	v10 =	vadd.f32 v35, v10  }
0x105: {  	v37 =	vld [tilespmem:s7+$0x3A90];
	v11 =	vadd.f32 v50, v11;
	v12 =	vadd.f32 v54, v12;
	v63 =	vmul.f32 v26, v31  }
0x106: {  	v30 =	vld [tilespmem:s7+$0x3AB0];
	v13 =	vadd.f32 v56, v13;
	v27 =	vmul.f32 v27, v31;
	v36 =	vmul.f32 v28, v31  }
0x107: {  	v32 =	vld [tilespmem:s7+$0x3AC0];
	v15 =	vadd.f32 v60, v15;
	v50 =	vmul.f32 v29, v31;
	v54 =	vmul.f32 v61, v31  }
0x108: {  	v19 =	vld [tilespmem:s7+$0x3AA0];
	v56 =	vmul.f32 v38, v31;
	v28 =	vperm.xlane v18, v47;
	v4 =	vadd.f32 v23, v4  }
0x109: {  	v25 =	vld [tilespmem:s7+$0x3AE0];
	v58 =	vmul.f32 v33, v31;
	v9 =	vadd.f32 v62, v9;
	v7 =	vadd.f32 v63, v7  }
0x10a: {  	v21 =	vld [tilespmem:s7+$0x3B00];
	v60 =	vmul.f32 v39, v31;
	v10 =	vadd.f32 v27, v10;
	v11 =	vadd.f32 v36, v11  }
0x10b: {  	v35 =	vld [tilespmem:s7+$0x3AD0];
	v12 =	vadd.f32 v50, v12;
	v13 =	vadd.f32 v54, v13;
	v61 =	vmul.f32 v40, v28  }
0x10c: {  	v29 =	vld [tilespmem:s7+$0x3B20];
	v15 =	vadd.f32 v56, v15;
	v62 =	vmul.f32 v41, v28;
	v63 =	vmul.f32 v42, v28  }
0x10d: {  	v26 =	vld [tilespmem:s7+$0x3B30];
	v47 =	vmul.f32 v43, v28;
	v42 =	vimm.s32 $0x5;
	v50 =	vimm.s32 $0x4  }
0x10e: {  	v33 =	vld [tilespmem:s7+$0x3B40];
	v54 =	vimm.s32 $0x3;
	v56 =	vmul.f32 v44, v28;
	v0 =	vmul.f32 v0, v28  }
0x10f: {  	v38 =	vld [tilespmem:s7+$0x3B50];
	v4 =	vadd.f32 v58, v4;
	v9 =	vadd.f32 v60, v9;
	v39 =	vperm.xlane v18, v54  }
0x110: {  	v31 =	vld [tilespmem:s7+$0x3B60];
	v58 =	vmul.f32 v45, v28;
	v60 =	vmul.f32 v46, v28;
	v7 =	vadd.f32 v61, v7  }
0x111: {  	v23 =	vld [tilespmem:s7+$0x3AF0];
	v10 =	vadd.f32 v62, v10;
	v61 =	vperm.xlane v18, v50;
	v1 =	vmul.f32 v1, v39  }
0x112: {  	v27 =	vld [tilespmem:s7+$0x3B10];
	v11 =	vadd.f32 v63, v11;
	v2 =	vmul.f32 v2, v39;
	v3 =	vmul.f32 v3, v39  }
0x113: {  	v36 =	vld [tilespmem:s7+$0x3B70];
	v12 =	vadd.f32 v47, v12;
	v5 =	vmul.f32 v5, v39;
	v6 =	vmul.f32 v6, v39  }
0x114: {  	v40 =	vld [tilespmem:s7+$0x3B80];
	v13 =	vadd.f32 v56, v13;
	v8 =	vmul.f32 v8, v39;
	v62 =	vmul.f32 v52, v39  }
0x115: {  	v41 =	vld [tilespmem:s7+$0x3BF0];
	v15 =	vadd.f32 v58, v15;
	v63 =	vmul.f32 v53, v39;
	v44 =	vmul.f32 v55, v61  }
0x116: {  	v28 =	vld [tilespmem:s7+$0x3B90];
	v4 =	vadd.f32 v60, v4;
	v45 =	vmul.f32 v24, v61;
	v46 =	vmul.f32 v34, v61  }
0x117: {  	v0 =	vadd.f32 v0, v9;
	v9 =	vld [tilespmem:s7+$0x3BB0];
	v47 =	vmul.f32 v51, v61;
	v16 =	vmul.f32 v16, v61  }
0x118: {  	v24 =	vld [tilespmem:s7+$0x3C10];
	v50 =	vmul.f32 v48, v61;
	v51 =	vperm.xlane v18, v42;
	v1 =	vadd.f32 v1, v7  }
0x119: {  	v34 =	vld [tilespmem:s7+$0x3C20];
	v52 =	vmul.f32 v14, v61;
	v2 =	vadd.f32 v2, v10;
	v3 =	vadd.f32 v3, v11  }
0x11a: {  	v42 =	vld [tilespmem:s7+$0x3C30];
	v55 =	vimm.s32 $0x6;
	v5 =	vadd.f32 v5, v12;
	v6 =	vadd.f32 v6, v13  }
0x11b: {  	v14 =	vld [tilespmem:s7+$0x3C40];
	v8 =	vadd.f32 v8, v15;
	v10 =	vmul.f32 v49, v61;
	v61 =	vperm.xlane v18, v55  }
0x11c: {  	v7 =	vld [tilespmem:s7+$0x3BC0];
	v4 =	vadd.f32 v62, v4;
	v53 =	vmul.f32 v22, v51;
	v54 =	vmul.f32 v37, v51  }
0x11d: {  	v11 =	vld [tilespmem:s7+$0x3BD0];
	v0 =	vadd.f32 v63, v0;
	v19 =	vmul.f32 v19, v51;
	v56 =	vmul.f32 v30, v51  }
0x11e: {  	v15 =	vld [tilespmem:s7+$0x3C00];
	v62 =	vimm.s32 $0x7;
	v58 =	vmul.f32 v32, v51;
	v60 =	vmul.f32 v35, v51  }
0x11f: {  	v13 =	vld [tilespmem:s7+$0x3C70];
	v63 =	vmul.f32 v25, v51;
	v1 =	vadd.f32 v44, v1;
	v2 =	vadd.f32 v45, v2  }
0x120: {  	v22 =	vld [tilespmem:s7+$0x3C60];
	v23 =	vmul.f32 v23, v51;
	v3 =	vadd.f32 v46, v3;
	v5 =	vadd.f32 v47, v5  }
0x121: {  	v32 =	vld [tilespmem:s7+$0x3C90];
	v6 =	vadd.f32 v16, v6;
	v37 =	vmul.f32 v21, v61;
	v39 =	vmul.f32 v27, v61  }
0x122: {  	v25 =	vld [tilespmem:s7+$0x3CA0];
	v8 =	vadd.f32 v50, v8;
	v43 =	vmul.f32 v29, v61;
	v44 =	vmul.f32 v26, v61  }
0x123: {  	v35 =	vld [tilespmem:s7+$0x3D00];
	v4 =	vadd.f32 v52, v4;
	v45 =	vmul.f32 v33, v61;
	v46 =	vperm.xlane v18, v62  }
0x124: {  	v30 =	vld [tilespmem:s7+$0x3D40];
	v0 =	vadd.f32 v10, v0;
	v47 =	vmul.f32 v38, v61;
	v31 =	vmul.f32 v31, v61  }
0x125: {  	v16 =	vld [tilespmem:s7+$0x3C50];
	v48 =	vmul.f32 v36, v61;
	v50 =	vimm.s32 $0x8;
	v1 =	vadd.f32 v53, v1  }
0x126: {  	v27 =	vld [tilespmem:s7+$0x3CB0];
	v36 =	vimm.s32 $0xA;
	v2 =	vadd.f32 v54, v2;
	v3 =	vadd.f32 v19, v3  }
0x127: {  	v21 =	vld [tilespmem:s7+$0x3CD0];
	v5 =	vadd.f32 v56, v5;
	v6 =	vadd.f32 v58, v6;
	v49 =	vmul.f32 v40, v46  }
0x128: {  	v29 =	vld [tilespmem:s7+$0x3CE0];
	v8 =	vadd.f32 v60, v8;
	v51 =	vmul.f32 v28, v46;
	v52 =	vmul.f32 v17, v46  }
0x129: {  	v33 =	vld [tilespmem:s7+$0x3CF0];
	v4 =	vadd.f32 v63, v4;
	v9 =	vmul.f32 v9, v46;
	v53 =	vperm.xlane v18, v50  }
0x12a: {  	v10 =	vld [tilespmem:s7+$0x3D30];
	v0 =	vadd.f32 v23, v0;
	v55 =	vmul.f32 v20, v46;
	v56 =	vmul.f32 v41, v46  }
0x12b: {  	v26 =	vld [tilespmem:s7+$0x3D70];
	v54 =	vimm.s32 $0x9;
	v7 =	vmul.f32 v7, v46;
	v11 =	vmul.f32 v11, v46  }
0x12c: {  	v19 =	vld [tilespmem:s7+$0x3C80];
	v46 =	vperm.xlane v18, v36;
	v1 =	vadd.f32 v37, v1;
	v2 =	vadd.f32 v39, v2  }
0x12d: {  	v23 =	vld [tilespmem:s7+$0x3CC0];
	v3 =	vadd.f32 v43, v3;
	v5 =	vadd.f32 v44, v5;
	v15 =	vmul.f32 v15, v53  }
0x12e: {  	v28 =	vld [tilespmem:s7+$0x3D10];
	v6 =	vadd.f32 v45, v6;
	v58 =	vmul.f32 v24, v53;
	v60 =	vmul.f32 v34, v53  }
0x12f: {  	v17 =	vld [tilespmem:s7+$0x3D20];
	v8 =	vadd.f32 v47, v8;
	v61 =	vmul.f32 v42, v53;
	v62 =	vmul.f32 v14, v53  }
0x130: {  	v20 =	vld [tilespmem:s7+$0x3D60];
	v4 =	vadd.f32 v31, v4;
	v34 =	vperm.xlane v18, v54;
	v38 =	vmul.f32 v22, v53  }
0x131: {  	v41 =	vld [tilespmem:s7+$0x3DC0];
	v0 =	vadd.f32 v48, v0;
	v12 =	vmul.f32 v13, v53;
	v63 =	vmul.f32 v16, v53  }
0x132: {  	v14 =	vld [tilespmem:s7+$0x3D90];
	v50 =	vmul.f32 v35, v46;
	v1 =	vadd.f32 v49, v1;
	v2 =	vadd.f32 v51, v2  }
0x133: {  	v37 =	vld [tilespmem:s7+$0x3DA0];
	v10 =	vmul.f32 v10, v46;
	v3 =	vadd.f32 v52, v3;
	v5 =	vadd.f32 v9, v5  }
0x134: {  	v13 =	vld [tilespmem:s7+$0x3DB0];
	v6 =	vadd.f32 v7, v6;
	v40 =	vmul.f32 v32, v34;
	v42 =	vmul.f32 v25, v34  }
0x135: {  	v43 =	vld [tilespmem:s7+$0x3DD0];
	v8 =	vadd.f32 v11, v8;
	v44 =	vmul.f32 v27, v34;
	v47 =	vmul.f32 v21, v34  }
0x136: {  	v53 =	vld [tilespmem:s7+$0x3E20];
	v4 =	vadd.f32 v55, v4;
	v48 =	vmul.f32 v29, v34;
	v49 =	vmul.f32 v33, v34  }
0x137: {  	v35 =	vld [tilespmem:s7+$0x3E70];
	v0 =	vadd.f32 v56, v0;
	v56 =	vmul.f32 v30, v46;
	v33 =	vmul.f32 v26, v46  }
0x138: {  	v9 =	vld [tilespmem:s7+$0x3D50];
	v39 =	vmul.f32 v19, v34;
	v45 =	vmul.f32 v23, v34;
	v1 =	vadd.f32 v15, v1  }
0x139: {  	v25 =	vld [tilespmem:s7+$0x3DF0];
	v52 =	vmul.f32 v28, v46;
	v2 =	vadd.f32 v58, v2;
	v3 =	vadd.f32 v60, v3  }
0x13a: {  	v27 =	vld [tilespmem:s7+$0x3E00];
	v54 =	vmul.f32 v17, v46;
	v5 =	vadd.f32 v61, v5;
	v6 =	vadd.f32 v62, v6  }
0x13b: {  	v51 =	vld [tilespmem:s7+$0x3E10];
	v31 =	vmul.f32 v20, v46;
	v8 =	vadd.f32 v63, v8;
	v4 =	vadd.f32 v38, v4  }
0x13c: {  	v55 =	vld [tilespmem:s7+$0x3E30];
	v34 =	vimm.s32 $0xC;
	v0 =	vadd.f32 v12, v0;
	v1 =	vadd.f32 v39, v1  }
0x13d: {  	v32 =	vld [tilespmem:s7+$0x3E60];
	v58 =	vimm.s32 $0xB;
	v2 =	vadd.f32 v40, v2;
	v3 =	vadd.f32 v42, v3  }
0x13e: {  	v26 =	vld [tilespmem:s7+$0x3F20];
	v62 =	vperm.xlane v18, v58;
	v5 =	vadd.f32 v44, v5;
	v6 =	vadd.f32 v45, v6  }
0x13f: {  	v30 =	vld [tilespmem:s7+$0x3F40];
	v8 =	vadd.f32 v47, v8;
	v44 =	vperm.xlane v18, v34;
	v61 =	vmul.f32 v9, v46  }
0x140: {  	v19 =	vld [tilespmem:s7+$0x3DE0];
	v4 =	vadd.f32 v48, v4;
	v36 =	vmul.f32 v14, v62;
	v37 =	vmul.f32 v37, v62  }
0x141: {  	v28 =	vld [tilespmem:s7+$0x3F30];
	v0 =	vadd.f32 v49, v0;
	v39 =	vmul.f32 v13, v62;
	v41 =	vmul.f32 v41, v62  }
0x142: {  	v15 =	vld [tilespmem:s7+$0x3D80];
	v47 =	vimm.s32 $0xD;
	v43 =	vmul.f32 v43, v62;
	v9 =	vmul.f32 v25, v62  }
0x143: {  	v60 =	vld [tilespmem:s7+$0x3E40];
	v58 =	vperm.xlane v18, v47;
	v1 =	vadd.f32 v50, v1;
	v2 =	vadd.f32 v52, v2  }
0x144: {  	v63 =	vld [tilespmem:s7+$0x3E50];
	v47 =	vperm.xlane v18, v57;
	v3 =	vadd.f32 v54, v3;
	v5 =	vadd.f32 v10, v5  }
0x145: {  	v38 =	vld [tilespmem:s7+$0x3E80];
	v6 =	vadd.f32 v56, v6;
	v46 =	vmul.f32 v19, v62;
	v49 =	vmul.f32 v27, v44  }
0x146: {  	v40 =	vld [tilespmem:s7+$0x3E90];
	v4 =	vadd.f32 v31, v4;
	v50 =	vmul.f32 v51, v44;
	v52 =	vmul.f32 v53, v44  }
0x147: {  	v42 =	vld [tilespmem:s7+$0x3EA0];
	v0 =	vadd.f32 v33, v0;
	v54 =	vmul.f32 v55, v44;
	v11 =	vmul.f32 v32, v44  }
0x148: {  	v45 =	vld [tilespmem:s7+$0x3EB0];
	v7 =	vadd.f32 v61, v8;
	v15 =	vmul.f32 v15, v62;
	v56 =	vmul.f32 v60, v44  }
0x149: {  	v48 =	vld [tilespmem:s7+$0x3EC0];
	v61 =	vmul.f32 v63, v44;
	v63 =	vmul.f32 v35, v44;
	v2 =	vadd.f32 v36, v2  }
0x14a: {  	v51 =	vld [tilespmem:s7+$0x3ED0];
	v25 =	vmul.f32 v38, v58;
	v3 =	vadd.f32 v37, v3;
	v5 =	vadd.f32 v39, v5  }
0x14b: {  	v53 =	vld [tilespmem:s7+$0x3EE0];
	v35 =	vperm.xlane v18, v59;
	v6 =	vadd.f32 v41, v6;
	v4 =	vadd.f32 v46, v4  }
0x14c: {  	v55 =	vld [tilespmem:s7+$0x3EF0];
	v0 =	vadd.f32 v9, v0;
	v1 =	vadd.f32 v15, v1;
	v27 =	vmul.f32 v40, v58  }
0x14d: {  	v33 =	vld [tilespmem:s7+$0x3F50];
	v7 =	vadd.f32 v43, v7;
	v29 =	vmul.f32 v42, v58;
	v31 =	vmul.f32 v45, v58  }
0x14e: {  	v60 =	vld [tilespmem:s7+$0x3F00];
	v32 =	vmul.f32 v48, v58;
	v2 =	vadd.f32 v50, v2;
	v3 =	vadd.f32 v52, v3  }
0x14f: {  	v62 =	vld [tilespmem:s7+$0x3F10];
	v44 =	vmul.f32 v26, v35;
	v5 =	vadd.f32 v54, v5;
	v6 =	vadd.f32 v56, v6  }
0x150: {  	v36 =	vld [tilespmem:s7+$0x3F60];
	v46 =	vmul.f32 v30, v35;
	v4 =	vadd.f32 v11, v4;
	v0 =	vadd.f32 v63, v0  }
0x151: {  	v39 =	vld [tilespmem:s7+$0x3F70];
	v11 =	vmul.f32 v28, v35;
	v1 =	vadd.f32 v49, v1;
	v34 =	vmul.f32 v51, v58  }
0x152: {  	v41 =	vld [tilespmem:s7+$0x3F80];
	v7 =	vadd.f32 v61, v7;
	v37 =	vmul.f32 v53, v58;
	v38 =	vmul.f32 v55, v58  }
0x153: {  	v43 =	vld [tilespmem:s7+$0x3F90];
	v49 =	vmul.f32 v33, v35;
	v2 =	vadd.f32 v27, v2;
	v3 =	vadd.f32 v29, v3  }
0x154: {  	v58 =	vld [tilespmem:$0x1FFF0];
	v5 =	vadd.f32 v31, v5;
	v6 =	vadd.f32 v32, v6;
	v40 =	vmul.f32 v60, v35  }
0x155: {  	v45 =	vld [tilespmem:s7+$0x3FA0];
	v42 =	vmul.f32 v62, v35;
	v1 =	vadd.f32 v25, v1;
	v7 =	vadd.f32 v34, v7  }
0x156: {  	v48 =	vld [tilespmem:s7+$0x3FB0];
	v4 =	vadd.f32 v37, v4;
	v0 =	vadd.f32 v38, v0;
	v51 =	vmul.f32 v36, v35  }
0x157: {  	v50 =	vld [tilespmem:s7+$0x3FC0];
	v13 =	vmul.f32 v41, v47;
	v2 =	vadd.f32 v42, v2;
	v3 =	vadd.f32 v44, v3  }
0x158: {  	v52 =	vld [tilespmem:s7+$0x3FD0];
	v53 =	vmul.f32 v39, v35;
	v5 =	vadd.f32 v11, v5;
	v1 =	vadd.f32 v40, v1  }
0x159: {  	v54 =	vld [tilespmem:s7+$0x3FE0];
	v6 =	vadd.f32 v46, v6;
	v10 =	vmul.f32 v43, v47;
	v7 =	vadd.f32 v49, v7  }
0x15a: {  	v56 =	vld [tilespmem:s7+$0x3FF0];
	v55 =	vmul.f32 v45, v47;
	v4 =	vadd.f32 v51, v4;
	v1 =	vadd.f32 v13, v1  }
0x15b: {  	s0 =	sand.u32 $0x3FFFFF80, s0;
	v57 =	vmul.f32 v48, v47;
	v0 =	vadd.f32 v53, v0;
	v2 =	vadd.f32 v10, v2  }
0x15c: {  	v59 =	vmul.f32 v50, v47;
	v3 =	vadd.f32 v55, v3;
	[tilespmem:v58+s0+$0x0 ss:$0x1] =	vst.idx.msk $0xffff, v1  }
0x15d: {  	v60 =	vmul.f32 v52, v47;
	v5 =	vadd.f32 v57, v5;
	[tilespmem:v58+s0+$0x10 ss:$0x1] =	vst.idx.msk $0xffff, v2  }
0x15e: {  	p1 =	sne.s32 s31, $0x3;
	v61 =	vmul.f32 v54, v47;
	v1 =	vadd.f32 v59, v6;
	[tilespmem:v58+s0+$0x20 ss:$0x1] =	vst.idx.msk $0xffff, v3  }
.Ltmp0:
0x15f: {  	v63 =	vmul.f32 v56, v47;
	v62 =	vadd.f32 v60, v7;
	[tilespmem:v58+s0+$0x30 ss:$0x1] =	vst.idx.msk $0xffff, v5;
	(pc) =	sbr.rel @p1 .LBB2_4-.Ltmp0, $4  }
0x160: {  	v2 =	vadd.f32 v61, v4;
	[tilespmem:v58+s0+$0x40 ss:$0x1] =	vst.idx.msk $0xffff, v1  }
0x161: {  	v0 =	vadd.f32 v63, v0;
	[tilespmem:v58+s0+$0x50 ss:$0x1] =	vst.idx.msk $0xffff, v62  }
0x162: {  	[tilespmem:v58+s0+$0x60 ss:$0x1] =	vst.idx.msk $0xffff, v2  }
0x163: {  	s31 =	sadd.s32 $0x1, s31;
	[tilespmem:v58+s0+$0x70 ss:$0x1] =	vst.idx.msk $0xffff, v0  }
0x164: {  	_ =	swait.ge [sflag:s21], $0x4000  }
0x165: {  	s31 =	sor.u32 $0x200, s29;
	[sflag:s21] =	ssyncset.done $0x0  }
0x166: {  	s0 =	sadd.s32 $0x100, s30;
	s5 =	sshra.s32 s31, $0x2;
	[sflag:s21] =	ssyncadd.s32 $0xFFFFC000  }
0x167: {  	[tilespmem:s16], [sflag:$0x1] =	stream.indirect.gather [spmem:s1], $0x80, s0, s15, $0xb8;
	[tilespmem:$0x1F880] =	vst v63  }
0x168: {  	s5 =	sadd.s32 $0x2C00, s5;
	s0 =	sand.u32 $0x3FFFFE00, s31  }
0x169: {  	v0 =	vmov s5;
	s0 =	sadd.s32 $0xB000, s0  }
0x16a: {  	[tilespmem:$0x1FDB0] =	vst v0;
	v63 =	vmov s0  }
0x16b: {  	s29 =	simm.s32 $0x0;
	[tilespmem:$0x1FDC0] =	vst v63  }
.LBB2_6:
0x16c: {  	s7 =	sshll.u32 s29, $0xC  }
0x16d: {  	s31 =	sand.u32 $0x3FFFF000, s7  }
0x16e: {  	v49 =	vld [tilespmem:s31+$0x73A0];
	_ =	sdelay $0x4  }
0x16f: {  	[tilespmem:$0x1FBA0] =	vst v49;
	v49 =	vld [tilespmem:s31+$0x73B0];
	_ =	sdelay $0x4  }
0x170: {  	[tilespmem:$0x1FBB0] =	vst v49;
	v49 =	vld [tilespmem:s31+$0x73C0];
	_ =	sdelay $0x4  }
0x171: {  	[tilespmem:$0x1FBC0] =	vst v49;
	v49 =	vld [tilespmem:s31+$0x73D0];
	_ =	sdelay $0x4  }
0x172: {  	[tilespmem:$0x1FBD0] =	vst v49;
	v49 =	vld [tilespmem:s31+$0x73E0];
	_ =	sdelay $0x4  }
0x173: {  	[tilespmem:$0x1FBE0] =	vst v49;
	v49 =	vld [tilespmem:s31+$0x73F0];
	_ =	sdelay $0x4  }
0x174: {  	[tilespmem:$0x1FBF0] =	vst v49;
	v49 =	vld [tilespmem:s31+$0x7400];
	_ =	sdelay $0x4  }
0x175: {  	[tilespmem:$0x1FC00] =	vst v49;
	v49 =	vld [tilespmem:s31+$0x7410];
	_ =	sdelay $0x4  }
0x176: {  	[tilespmem:$0x1FC10] =	vst v49;
	v49 =	vld [tilespmem:s31+$0x7420];
	_ =	sdelay $0x4  }
0x177: {  	[tilespmem:$0x1FC20] =	vst v49;
	v49 =	vld [tilespmem:s31+$0x7430];
	_ =	sdelay $0x4  }
0x178: {  	[tilespmem:$0x1FC30] =	vst v49;
	v49 =	vld [tilespmem:s31+$0x7440];
	_ =	sdelay $0x4  }
0x179: {  	[tilespmem:$0x1FC40] =	vst v49;
	v49 =	vld [tilespmem:s31+$0x7450];
	_ =	sdelay $0x3  }
0x17a: {  	v0 =	vld [tilespmem:$0x1FDB0]  }
0x17b: {  	[tilespmem:$0x1FC50] =	vst v49;
	v49 =	vld [tilespmem:s31+$0x7460]  }
0x17c: {  	v27 =	vld [tilespmem:s31+$0x7000]  }
0x17d: {  	v28 =	vld [tilespmem:s31+$0x7010]  }
0x17e: {  	v29 =	vld [tilespmem:s31+$0x7020]  }
0x17f: {  	v38 =	vld [tilespmem:s31+$0x7030]  }
0x180: {  	[tilespmem:$0x1FC60] =	vst v49;
	v49 =	vld [tilespmem:s31+$0x7470]  }
0x181: {  	v39 =	vld [tilespmem:s31+$0x7040]  }
0x182: {  	v40 =	vld [tilespmem:s31+$0x7050]  }
0x183: {  	v41 =	vld [tilespmem:s31+$0x7060]  }
0x184: {  	v42 =	vld [tilespmem:s31+$0x7070]  }
0x185: {  	[tilespmem:$0x1FC70] =	vst v49;
	v49 =	vld [tilespmem:s31+$0x7480]  }
0x186: {  	v43 =	vld [tilespmem:s31+$0x7080]  }
0x187: {  	v44 =	vld [tilespmem:s31+$0x7090]  }
0x188: {  	v45 =	vld [tilespmem:s31+$0x70A0]  }
0x189: {  	v46 =	vld [tilespmem:s31+$0x70B0]  }
0x18a: {  	[tilespmem:$0x1FC80] =	vst v49;
	v49 =	vld [tilespmem:s31+$0x7490]  }
0x18b: {  	v51 =	vld [tilespmem:s31+$0x70C0]  }
0x18c: {  	v50 =	vld [tilespmem:s31+$0x70D0]  }
0x18d: {  	v52 =	vld [tilespmem:s31+$0x70E0]  }
0x18e: {  	s0 =	sshll.u32 s29, $0x7;
	v58 =	vld [tilespmem:s31+$0x70F0]  }
0x18f: {  	s5 =	sshra.s32 s0, $0x2;
	[tilespmem:$0x1FC90] =	vst v49;
	v49 =	vld [tilespmem:s31+$0x74A0]  }
0x190: {  	v19 =	vld.idx.msk [tilespmem:v0+s5+$0x0 ss:$0x1], $0xffff  }
0x191: {  	v59 =	vld [tilespmem:s31+$0x7100]  }
0x192: {  	v60 =	vld [tilespmem:s31+$0x7110]  }
0x193: {  	v61 =	vld [tilespmem:s31+$0x7120]  }
0x194: {  	v18 =	vld.idx.msk [tilespmem:v0+s5+$0x10 ss:$0x1], $0xffff;
	[tilespmem:$0x1FCA0] =	vst v49;
	v49 =	vimm.s32 $0x0  }
0x195: {  	v0 =	vperm.xlane v19, v49;
	v49 =	vld [tilespmem:s31+$0x74C0]  }
0x196: {  	v2 =	vld [tilespmem:s31+$0x7130]  }
0x197: {  	v3 =	vld [tilespmem:s31+$0x7140]  }
0x198: {  	v4 =	vld [tilespmem:s31+$0x7150]  }
0x199: {  	v5 =	vld [tilespmem:s31+$0x7160]  }
0x19a: {  	[tilespmem:$0x1FCC0] =	vst v49;
	v49 =	vld [tilespmem:s31+$0x74D0]  }
0x19b: {  	v1 =	vld [tilespmem:s31+$0x74B0]  }
0x19c: {  	v6 =	vld [tilespmem:s31+$0x7170]  }
0x19d: {  	v7 =	vld [tilespmem:s31+$0x7180]  }
0x19e: {  	v8 =	vld [tilespmem:s31+$0x7190]  }
0x19f: {  	v9 =	vld [tilespmem:s31+$0x71A0];
	[tilespmem:$0x1FCD0] =	vst v49;
	v49 =	vimm.s32 $0x1  }
0x1a0: {  	[tilespmem:$0x1FCB0] =	vst v1;
	v1 =	vperm.xlane v19, v49;
	v49 =	vld [tilespmem:s31+$0x74E0]  }
0x1a1: {  	v10 =	vld [tilespmem:s31+$0x71B0]  }
0x1a2: {  	v53 =	vld [tilespmem:s31+$0x71C0]  }
0x1a3: {  	v54 =	vld [tilespmem:s31+$0x71D0]  }
0x1a4: {  	v55 =	vld [tilespmem:s31+$0x71E0]  }
0x1a5: {  	[tilespmem:$0x1FCE0] =	vst v49;
	v49 =	vld [tilespmem:s31+$0x74F0]  }
0x1a6: {  	v48 =	vld [tilespmem:s31+$0x71F0]  }
0x1a7: {  	v56 =	vld [tilespmem:s31+$0x7200]  }
0x1a8: {  	v34 =	vld [tilespmem:s31+$0x7210]  }
0x1a9: {  	v57 =	vld [tilespmem:s31+$0x7220]  }
0x1aa: {  	[tilespmem:$0x1FCF0] =	vst v49;
	v49 =	vld [tilespmem:s31+$0x7500]  }
0x1ab: {  	v62 =	vld [tilespmem:s31+$0x7230]  }
0x1ac: {  	v63 =	vld [tilespmem:s31+$0x7240]  }
0x1ad: {  	v12 =	vld [tilespmem:s31+$0x7250];
	v28 =	vmul.f32 v28, v0  }
0x1ae: {  	v33 =	vld [tilespmem:s31+$0x7260]  }
0x1af: {  	v28 =	vadd.f32 $0.0e+00, v28;
	v44 =	vmul.f32 v44, v1;
	[tilespmem:$0x1FD00] =	vst v49;
	v49 =	vld [tilespmem:s31+$0x7510]  }
0x1b0: {  	v13 =	vld [tilespmem:s31+$0x7270]  }
0x1b1: {  	v29 =	vmul.f32 v29, v0;
	v44 =	vadd.f32 v44, v28;
	v28 =	vmul.f32 v38, v0;
	v38 =	vld [tilespmem:s31+$0x7520]  }
0x1b2: {  	v24 =	vld [tilespmem:s31+$0x7280]  }
0x1b3: {  	v14 =	vld [tilespmem:s31+$0x7290];
	v27 =	vmul.f32 v27, v0;
	v29 =	vadd.f32 $0.0e+00, v29;
	v45 =	vmul.f32 v45, v1  }
0x1b4: {  	v15 =	vld [tilespmem:s31+$0x72A0];
	v41 =	vmul.f32 v41, v0;
	[tilespmem:$0x1FD10] =	vst v49;
	v49 =	vmul.f32 v39, v0  }
0x1b5: {  	v39 =	vmul.f32 v40, v0;
	v0 =	vmul.f32 v42, v0;
	v42 =	vadd.f32 v45, v29;
	v45 =	vld [tilespmem:s31+$0x7570]  }
0x1b6: {  	[tilespmem:$0x1FD20] =	vst v38;
	v38 =	vadd.f32 $0.0e+00, v49;
	v49 =	vld [tilespmem:s31+$0x7550]  }
0x1b7: {  	v11 =	vimm.s32 $0x2;
	v16 =	vld [tilespmem:s31+$0x72B0];
	v27 =	vadd.f32 $0.0e+00, v27;
	v43 =	vmul.f32 v43, v1  }
0x1b8: {  	v23 =	vld [tilespmem:s31+$0x72C0];
	v41 =	vadd.f32 $0.0e+00, v41;
	v51 =	vmul.f32 v51, v1;
	v52 =	vmul.f32 v52, v1  }
0x1b9: {  	v17 =	vld [tilespmem:s31+$0x72D0];
	v46 =	vmul.f32 v46, v1;
	v43 =	vadd.f32 v43, v27;
	v40 =	vadd.f32 $0.0e+00, v28  }
0x1ba: {  	v20 =	vld [tilespmem:s31+$0x72E0];
	v52 =	vadd.f32 v52, v41;
	v51 =	vadd.f32 v51, v38;
	v38 =	vperm.xlane v19, v11;
	[tilespmem:$0x1FD40] =	vst v45  }
0x1bb: {  	v46 =	vadd.f32 v46, v40;
	v45 =	vmul.f32 v50, v1;
	v1 =	vmul.f32 v58, v1;
	[tilespmem:$0x1FD30] =	vst v49;
	v49 =	vld [tilespmem:s31+$0x7580]  }
0x1bc: {  	v21 =	vld [tilespmem:s31+$0x72F0];
	v40 =	vadd.f32 $0.0e+00, v39;
	v50 =	vmul.f32 v59, v38;
	v2 =	vmul.f32 v2, v38  }
0x1bd: {  	v22 =	vld [tilespmem:s31+$0x7300];
	v0 =	vadd.f32 $0.0e+00, v0;
	v3 =	vmul.f32 v3, v38;
	v4 =	vmul.f32 v4, v38  }
0x1be: {  	v25 =	vld [tilespmem:s31+$0x7310];
	v5 =	vmul.f32 v5, v38;
	v59 =	vadd.f32 v45, v40;
	v40 =	vmul.f32 v60, v38  }
0x1bf: {  	v26 =	vld [tilespmem:s31+$0x7320];
	v0 =	vadd.f32 v1, v0;
	v45 =	vimm.s32 $0x3;
	v2 =	vadd.f32 v2, v46  }
0x1c0: {  	v30 =	vld [tilespmem:s31+$0x7330];
	[tilespmem:$0x1FD50] =	vst v49;
	v49 =	vadd.f32 v50, v43;
	v50 =	vmul.f32 v61, v38;
	v61 =	vperm.xlane v19, v45  }
0x1c1: {  	v31 =	vld [tilespmem:s31+$0x7340];
	v6 =	vmul.f32 v6, v38;
	v3 =	vadd.f32 v3, v51;
	v5 =	vadd.f32 v5, v52  }
0x1c2: {  	v32 =	vld [tilespmem:s31+$0x7350];
	v60 =	vadd.f32 v40, v44;
	v4 =	vadd.f32 v4, v59;
	v7 =	vmul.f32 v7, v61  }
0x1c3: {  	v35 =	vld [tilespmem:s31+$0x7360];
	v0 =	vadd.f32 v6, v0;
	v8 =	vmul.f32 v8, v61;
	v9 =	vmul.f32 v9, v61  }
0x1c4: {  	v36 =	vld [tilespmem:s31+$0x7370];
	v58 =	vadd.f32 v50, v42;
	v53 =	vmul.f32 v53, v61;
	v54 =	vmul.f32 v54, v61  }
0x1c5: {  	v41 =	vld [tilespmem:s31+$0x75A0];
	v59 =	vmul.f32 v55, v61;
	v1 =	vadd.f32 v7, v49;
	v49 =	vmul.f32 v10, v61  }
0x1c6: {  	v50 =	vld [tilespmem:s31+$0x7610];
	v51 =	vadd.f32 v8, v60;
	v52 =	vadd.f32 v9, v58;
	v58 =	vimm.s32 $0x4  }
0x1c7: {  	v37 =	vld [tilespmem:s31+$0x7380];
	v3 =	vadd.f32 v53, v3;
	v60 =	vmul.f32 v48, v61;
	v10 =	vperm.xlane v19, v58  }
0x1c8: {  	v47 =	vld [tilespmem:s31+$0x7390];
	v4 =	vadd.f32 v54, v4;
	v5 =	vadd.f32 v59, v5;
	v59 =	vimm.s32 $0x6  }
0x1c9: {  	v39 =	vld [tilespmem:s31+$0x7590];
	v2 =	vadd.f32 v49, v2;
	v61 =	vmul.f32 v56, v10;
	v34 =	vmul.f32 v34, v10  }
0x1ca: {  	v27 =	vld [tilespmem:s31+$0x7530];
	[tilespmem:$0x1FD70] =	vst v41;
	v0 =	vadd.f32 v60, v0;
	v38 =	vmul.f32 v57, v10;
	v48 =	vmul.f32 v62, v10  }
0x1cb: {  	v41 =	vld [tilespmem:s31+$0x75E0];
	[tilespmem:$0x1FDA0] =	vst v50;
	v49 =	vmul.f32 v63, v10;
	v50 =	vimm.s32 $0x5;
	v33 =	vmul.f32 v33, v10  }
0x1cc: {  	v28 =	vld [tilespmem:s31+$0x7540];
	v6 =	vadd.f32 v61, v1;
	v7 =	vadd.f32 v34, v51;
	v34 =	vperm.xlane v19, v50  }
0x1cd: {  	v29 =	vld [tilespmem:s31+$0x7560];
	v8 =	vadd.f32 v38, v52;
	v38 =	vadd.f32 v48, v2;
	v51 =	vmul.f32 v12, v10  }
0x1ce: {  	[tilespmem:$0x1FD60] =	vst v39;
	v39 =	vld [tilespmem:s31+$0x75C0];
	v9 =	vadd.f32 v49, v3;
	v10 =	vmul.f32 v13, v10;
	v60 =	vmul.f32 v24, v34  }
0x1cf: {  	v46 =	vld [tilespmem:s31+$0x75F0];
	v11 =	vadd.f32 v33, v5;
	v61 =	vmul.f32 v14, v34;
	v3 =	vmul.f32 v15, v34  }
0x1d0: {  	v40 =	vld [tilespmem:s31+$0x75D0];
	v4 =	vadd.f32 v51, v4;
	v24 =	vmul.f32 v16, v34;
	v33 =	vmul.f32 v23, v34  }
0x1d1: {  	v44 =	vld [tilespmem:s31+$0x7630];
	v0 =	vadd.f32 v10, v0;
	v58 =	vmul.f32 v17, v34;
	v16 =	vperm.xlane v19, v59  }
0x1d2: {  	v43 =	vld [tilespmem:s31+$0x75B0];
	v2 =	vmul.f32 v20, v34;
	v59 =	vimm.s32 $0x7;
	v10 =	vadd.f32 v60, v6  }
0x1d3: {  	v45 =	vld [tilespmem:s31+$0x7640];
	v7 =	vadd.f32 v61, v7;
	v61 =	vadd.f32 v33, v9;
	v52 =	vmul.f32 v31, v16  }
0x1d4: {  	[tilespmem:$0x1FD90] =	vst v46;
	v46 =	vld [tilespmem:s31+$0x7650];
	v15 =	vadd.f32 v3, v8;
	v60 =	vadd.f32 v24, v38;
	v3 =	vmul.f32 v21, v34  }
0x1d5: {  	v5 =	vmul.f32 v22, v16;
	v49 =	vmul.f32 v30, v16;
	v24 =	vadd.f32 v52, v61;
	v52 =	vld [tilespmem:$0x1FBD0]  }
0x1d6: {  	v4 =	vadd.f32 v58, v4;
	v34 =	vmul.f32 v26, v16;
	v26 =	vperm.xlane v19, v59;
	v59 =	vld [tilespmem:$0x1FBE0]  }
0x1d7: {  	v33 =	vmul.f32 v25, v16;
	v23 =	vadd.f32 v49, v60;
	v60 =	vmul.f32 v35, v16;
	v35 =	vld [tilespmem:$0x1FBA0]  }
0x1d8: {  	v11 =	vadd.f32 v2, v11;
	v58 =	vmul.f32 v32, v16;
	v61 =	vmul.f32 v37, v26;
	v37 =	vld [tilespmem:$0x1FBB0]  }
0x1d9: {  	v38 =	vadd.f32 v3, v0;
	v48 =	vadd.f32 v5, v10;
	v5 =	vmul.f32 v47, v26;
	v47 =	vld [tilespmem:$0x1FBC0]  }
0x1da: {  	v30 =	vadd.f32 v58, v4;
	v49 =	vimm.s32 $0x8;
	v4 =	vld [tilespmem:$0x1FC00];
	v58 =	vmul.f32 v52, v26  }
0x1db: {  	v21 =	vadd.f32 v34, v15;
	v16 =	vmul.f32 v36, v16;
	v34 =	vperm.xlane v19, v49;
	v49 =	vld [tilespmem:$0x1FC20]  }
0x1dc: {  	v32 =	vadd.f32 v60, v11;
	v60 =	vmul.f32 v59, v26;
	v30 =	vadd.f32 v58, v30;
	v58 =	vld [tilespmem:$0x1FC30]  }
0x1dd: {  	v20 =	vadd.f32 v33, v7;
	v25 =	vadd.f32 v61, v48;
	v61 =	vld [tilespmem:$0x1FBF0]  }
0x1de: {  	v22 =	vadd.f32 v16, v38;
	v32 =	vadd.f32 v60, v32;
	v60 =	vld [tilespmem:$0x1FC40]  }
0x1df: {  	v31 =	vadd.f32 v5, v20;
	v38 =	vmul.f32 v37, v26;
	v5 =	vmul.f32 v4, v34;
	v4 =	vld [tilespmem:$0x1FC50]  }
0x1e0: {  	v37 =	vld [tilespmem:$0x1FC60]  }
0x1e1: {  	v23 =	vadd.f32 v38, v23;
	v38 =	vld [tilespmem:$0x1FC10];
	v59 =	vmul.f32 v58, v34  }
0x1e2: {  	v36 =	vmul.f32 v35, v26;
	v48 =	vmul.f32 v47, v26;
	v58 =	vld [tilespmem:$0x1FC70]  }
0x1e3: {  	v26 =	vmul.f32 v61, v26;
	v23 =	vadd.f32 v59, v23;
	v59 =	vld [tilespmem:$0x1FC80]  }
0x1e4: {  	v42 =	vld [tilespmem:s31+$0x7600];
	v52 =	vmul.f32 v49, v34;
	v33 =	vadd.f32 v36, v21;
	v24 =	vadd.f32 v48, v24  }
0x1e5: {  	v55 =	vld [tilespmem:s31+$0x7690];
	v26 =	vadd.f32 v26, v22;
	v22 =	vimm.s32 $0x9;
	v61 =	vmul.f32 v60, v34  }
0x1e6: {  	v25 =	vadd.f32 v5, v25;
	v5 =	vmul.f32 v4, v34;
	v48 =	vperm.xlane v19, v22;
	v60 =	vld [tilespmem:$0x1FC90]  }
0x1e7: {  	v54 =	vld [tilespmem:s31+$0x76B0];
	v33 =	vadd.f32 v52, v33;
	v52 =	vmul.f32 v37, v34;
	v47 =	vmul.f32 v38, v34  }
0x1e8: {  	v38 =	vadd.f32 v5, v30;
	v30 =	vmul.f32 v58, v34;
	v34 =	vmul.f32 v59, v48;
	v59 =	vld [tilespmem:$0x1FCB0]  }
0x1e9: {  	v4 =	vld [tilespmem:$0x1FCA0]  }
0x1ea: {  	v53 =	vld [tilespmem:s31+$0x76C0]  }
0x1eb: {  	[tilespmem:$0x1FD80] =	vst v43;
	v43 =	vld [tilespmem:s31+$0x7620];
	v24 =	vadd.f32 v61, v24;
	v36 =	vadd.f32 v47, v31;
	v61 =	vmul.f32 v60, v48  }
0x1ec: {  	v57 =	vld [tilespmem:s31+$0x7660]  }
0x1ed: {  	v60 =	vmul.f32 v59, v48;
	v59 =	vadd.f32 v61, v36;
	v61 =	vld [tilespmem:$0x1FCC0]  }
0x1ee: {  	v5 =	vmul.f32 v4, v48;
	v4 =	vld [tilespmem:$0x1FCD0]  }
0x1ef: {  	v62 =	vld [tilespmem:s31+$0x7670]  }
0x1f0: {  	v63 =	vld [tilespmem:s31+$0x7680]  }
0x1f1: {  	v56 =	vld [tilespmem:s31+$0x76A0]  }
0x1f2: {  	v50 =	vld [tilespmem:s31+$0x76F0];
	v58 =	vmul.f32 v61, v48  }
0x1f3: {  	v33 =	vadd.f32 v5, v33;
	v5 =	vmul.f32 v4, v48;
	v4 =	vld [tilespmem:$0x1FCF0]  }
0x1f4: {  	v24 =	vadd.f32 v58, v24;
	v58 =	vld [tilespmem:$0x1FCE0]  }
0x1f5: {  	v13 =	vld [tilespmem:s31+$0x7710]  }
0x1f6: {  	v12 =	vld [tilespmem:s31+$0x7730]  }
0x1f7: {  	v51 =	vld [tilespmem:s31+$0x76D0]  }
0x1f8: {  	v14 =	vld [tilespmem:s31+$0x7720]  }
0x1f9: {  	v58 =	vmul.f32 v58, v48;
	v48 =	vmul.f32 v4, v48;
	v4 =	vld [tilespmem:$0x1FD20]  }
0x1fa: {  	v17 =	vld [tilespmem:s31+$0x7740]  }
0x1fb: {  	v6 =	vld [tilespmem:s31+$0x76E0];
	v36 =	vimm.s32 $0xA  }
0x1fc: {  	v52 =	vadd.f32 v52, v32;
	v38 =	vadd.f32 v5, v38;
	v5 =	vld [tilespmem:$0x1FD00];
	v61 =	vperm.xlane v19, v36  }
0x1fd: {  	v34 =	vadd.f32 v34, v25;
	v25 =	vld [tilespmem:$0x1FD10]  }
0x1fe: {  	v52 =	vadd.f32 v58, v52;
	v58 =	vmul.f32 v4, v61;
	v4 =	vld [tilespmem:$0x1FD30]  }
0x1ff: {  	v8 =	vld [tilespmem:s31+$0x7700]  }
0x200: {  	v9 =	vld [tilespmem:s31+$0x7770]  }
0x201: {  	v15 =	vld [tilespmem:s31+$0x7750];
	v60 =	vadd.f32 v60, v23;
	v0 =	vmul.f32 v5, v61;
	v5 =	vmul.f32 v27, v61  }
0x202: {  	v10 =	vld [tilespmem:s31+$0x7760];
	v1 =	vmul.f32 v25, v61  }
0x203: {  	v2 =	vadd.f32 v0, v34;
	v34 =	vadd.f32 v5, v60;
	v60 =	vmul.f32 v4, v61;
	v4 =	vld [tilespmem:$0x1FD50]  }
0x204: {  	v7 =	vld [tilespmem:s31+$0x7780];
	v58 =	vadd.f32 v58, v33;
	v33 =	vmul.f32 v28, v61  }
0x205: {  	v11 =	vld [tilespmem:s31+$0x7790];
	v3 =	vadd.f32 v1, v59;
	v59 =	vimm.s32 $0xB  }
0x206: {  	v5 =	vmul.f32 v29, v61;
	v59 =	vperm.xlane v19, v59;
	v24 =	vadd.f32 v33, v24;
	v33 =	vld [tilespmem:$0x1FD40]  }
0x207: {  	v16 =	vld [tilespmem:s31+$0x77A0]  }
0x208: {  	v1 =	vmul.f32 v4, v59;
	v4 =	vadd.f32 v5, v52;
	v5 =	vld [tilespmem:$0x1FD60]  }
0x209: {  	v20 =	vld [tilespmem:s31+$0x77B0];
	v26 =	vadd.f32 v30, v26  }
0x20a: {  	v35 =	vld [tilespmem:s31+$0x7810]  }
0x20b: {  	v49 =	vld [tilespmem:s31+$0x77D0];
	v48 =	vadd.f32 v48, v26;
	v33 =	vmul.f32 v33, v61  }
0x20c: {  	v21 =	vld [tilespmem:s31+$0x77C0]  }
0x20d: {  	v48 =	vadd.f32 v33, v48;
	v33 =	vld [tilespmem:$0x1FD70];
	v52 =	vmul.f32 v5, v59  }
0x20e: {  	v22 =	vld [tilespmem:s31+$0x77F0]  }
0x20f: {  	v3 =	vadd.f32 v52, v3;
	v52 =	vld [tilespmem:$0x1FD80]  }
0x210: {  	v37 =	vld [tilespmem:s31+$0x7800]  }
0x211: {  	v32 =	vld [tilespmem:s31+$0x7840]  }
0x212: {  	v47 =	vld [tilespmem:s31+$0x77E0];
	v5 =	vadd.f32 v1, v2;
	v2 =	vmul.f32 v33, v59  }
0x213: {  	v31 =	vld [tilespmem:s31+$0x7820];
	v60 =	vadd.f32 v60, v38  }
0x214: {  	v30 =	vld [tilespmem:s31+$0x7830];
	v2 =	vadd.f32 v2, v58;
	v58 =	vmul.f32 v40, v59;
	v52 =	vmul.f32 v52, v59  }
0x215: {  	v23 =	vld [tilespmem:s31+$0x7860]  }
0x216: {  	v34 =	vadd.f32 v52, v34;
	v52 =	vadd.f32 v58, v60;
	v60 =	vld [tilespmem:$0x1FD90]  }
0x217: {  	v36 =	vld [tilespmem:s31+$0x7850]  }
0x218: {  	v25 =	vld [tilespmem:s31+$0x7870]  }
0x219: {  	v27 =	vld [tilespmem:s31+$0x7890]  }
0x21a: {  	v29 =	vld [tilespmem:s31+$0x78B0]  }
0x21b: {  	v58 =	vmul.f32 v60, v59;
	v60 =	vld [tilespmem:$0x1FDA0]  }
0x21c: {  	v26 =	vld [tilespmem:s31+$0x7880];
	v1 =	vmul.f32 v39, v59;
	v40 =	vimm.s32 $0xC  }
0x21d: {  	v28 =	vld [tilespmem:s31+$0x78A0];
	v0 =	vperm.xlane v19, v40  }
0x21e: {  	v38 =	vld [tilespmem:s31+$0x78D0];
	v1 =	vadd.f32 v1, v24;
	v24 =	vmul.f32 v41, v59  }
0x21f: {  	v61 =	vld [tilespmem:s31+$0x78C0];
	v59 =	vmul.f32 v42, v0  }
0x220: {  	v39 =	vld [tilespmem:s31+$0x78F0];
	v4 =	vadd.f32 v24, v4;
	v24 =	vmul.f32 v60, v0  }
0x221: {  	v33 =	vld [tilespmem:s31+$0x78E0];
	v48 =	vadd.f32 v58, v48;
	v5 =	vadd.f32 v59, v5;
	v60 =	vmul.f32 v43, v0  }
0x222: {  	v41 =	vld [tilespmem:s31+$0x7910];
	v58 =	vmul.f32 v44, v0;
	v59 =	vmul.f32 v46, v0;
	v3 =	vadd.f32 v24, v3  }
0x223: {  	v40 =	vld [tilespmem:s31+$0x7900];
	v24 =	vadd.f32 v60, v2;
	v2 =	vmul.f32 v45, v0;
	v60 =	vimm.s32 $0xD  }
0x224: {  	v62 =	vmul.f32 v62, v0;
	v42 =	vld [tilespmem:s31+$0x7920];
	v58 =	vadd.f32 v58, v34;
	v60 =	vperm.xlane v19, v60  }
0x225: {  	v44 =	vld [tilespmem:s31+$0x7940];
	v52 =	vadd.f32 v59, v52;
	v34 =	vadd.f32 v2, v1;
	v2 =	vmul.f32 v57, v0  }
0x226: {  	v46 =	vld [tilespmem:s31+$0x7960];
	v48 =	vadd.f32 v62, v48;
	v63 =	vmul.f32 v63, v60;
	v55 =	vmul.f32 v55, v60  }
0x227: {  	v59 =	vimm.s32 $0xE;
	v43 =	vld [tilespmem:s31+$0x7930];
	v56 =	vmul.f32 v56, v60;
	v54 =	vmul.f32 v54, v60  }
0x228: {  	v45 =	vld [tilespmem:s31+$0x7950];
	v57 =	vimm.s32 $0xF;
	v53 =	vmul.f32 v53, v60;
	v51 =	vmul.f32 v51, v60  }
0x229: {  	v0 =	vld [tilespmem:s31+$0x7970];
	v50 =	vmul.f32 v50, v60;
	v4 =	vadd.f32 v2, v4;
	v62 =	vadd.f32 v63, v5  }
0x22a: {  	v1 =	vld [tilespmem:s31+$0x7980];
	v55 =	vadd.f32 v55, v3;
	v24 =	vadd.f32 v56, v24;
	v56 =	vperm.xlane v19, v59  }
0x22b: {  	v2 =	vld [tilespmem:s31+$0x7990];
	v54 =	vadd.f32 v54, v58;
	v63 =	vmul.f32 v6, v60;
	v19 =	vperm.xlane v19, v57  }
0x22c: {  	v3 =	vld [tilespmem:s31+$0x79A0];
	v34 =	vadd.f32 v53, v34;
	v60 =	vmul.f32 v8, v56;
	v13 =	vmul.f32 v13, v56  }
0x22d: {  	v5 =	vld [tilespmem:s31+$0x79B0];
	v51 =	vadd.f32 v51, v52;
	v14 =	vmul.f32 v14, v56;
	v12 =	vmul.f32 v12, v56  }
0x22e: {  	v6 =	vld [tilespmem:s31+$0x79C0];
	v48 =	vadd.f32 v50, v48;
	v17 =	vmul.f32 v17, v56;
	v15 =	vmul.f32 v15, v56  }
0x22f: {  	v52 =	vld [tilespmem:s31+$0x79E0];
	v4 =	vadd.f32 v63, v4;
	v10 =	vmul.f32 v10, v56;
	v9 =	vmul.f32 v9, v56  }
0x230: {  	v53 =	vld [tilespmem:s31+$0x79F0];
	v7 =	vmul.f32 v7, v19;
	v63 =	vmul.f32 v11, v19;
	v62 =	vadd.f32 v60, v62  }
0x231: {  	v8 =	vld [tilespmem:s31+$0x79D0];
	v20 =	vmul.f32 v20, v19;
	v13 =	vadd.f32 v13, v55;
	v14 =	vadd.f32 v14, v24  }
0x232: {  	v58 =	vmul.f32 v49, v19;
	v49 =	vld [tilespmem:s31+$0x7A70];
	v12 =	vadd.f32 v12, v54;
	v17 =	vadd.f32 v17, v34  }
0x233: {  	v56 =	vmul.f32 v21, v19;
	v55 =	vld [tilespmem:s31+$0x7A00];
	v15 =	vadd.f32 v15, v51;
	v4 =	vadd.f32 v10, v4  }
0x234: {  	v24 =	vld [tilespmem:s31+$0x7A10];
	v54 =	vmul.f32 v16, v19;
	v9 =	vadd.f32 v9, v48;
	v60 =	vimm.s32 $0x0  }
0x235: {  	v34 =	vld [tilespmem:s31+$0x7A20];
	v21 =	vperm.xlane v18, v60;
	v7 =	vadd.f32 v7, v62;
	v10 =	vadd.f32 v63, v13  }
0x236: {  	v51 =	vld [tilespmem:s31+$0x7A30];
	v11 =	vadd.f32 v54, v14;
	v12 =	vadd.f32 v20, v12;
	v62 =	vmul.f32 v47, v19  }
0x237: {  	v16 =	vld [tilespmem:s31+$0x7A40];
	v13 =	vadd.f32 v56, v17;
	v19 =	vmul.f32 v22, v19;
	v63 =	vmul.f32 v37, v21  }
0x238: {  	v48 =	vld [tilespmem:s31+$0x7A50];
	v15 =	vadd.f32 v58, v15;
	v35 =	vmul.f32 v35, v21;
	v50 =	vmul.f32 v31, v21  }
0x239: {  	v14 =	vld [tilespmem:s31+$0x7A60];
	v58 =	vimm.s32 $0x1;
	v54 =	vmul.f32 v30, v21;
	v56 =	vmul.f32 v32, v21  }
0x23a: {  	v47 =	vimm.s32 $0x2;
	v22 =	vld [tilespmem:s31+$0x7A80];
	v31 =	vperm.xlane v18, v58;
	v60 =	vmul.f32 v36, v21  }
0x23b: {  	v17 =	vld [tilespmem:s31+$0x7BA0];
	v23 =	vmul.f32 v23, v21;
	v4 =	vadd.f32 v62, v4;
	v9 =	vadd.f32 v19, v9  }
0x23c: {  	v20 =	vld [tilespmem:s31+$0x7BE0];
	v62 =	vmul.f32 v25, v21;
	v7 =	vadd.f32 v63, v7;
	v10 =	vadd.f32 v35, v10  }
0x23d: {  	v37 =	vld [tilespmem:s31+$0x7A90];
	v11 =	vadd.f32 v50, v11;
	v12 =	vadd.f32 v54, v12;
	v63 =	vmul.f32 v26, v31  }
0x23e: {  	v30 =	vld [tilespmem:s31+$0x7AB0];
	v13 =	vadd.f32 v56, v13;
	v27 =	vmul.f32 v27, v31;
	v36 =	vmul.f32 v28, v31  }
0x23f: {  	v32 =	vld [tilespmem:s31+$0x7AC0];
	v15 =	vadd.f32 v60, v15;
	v50 =	vmul.f32 v29, v31;
	v54 =	vmul.f32 v61, v31  }
0x240: {  	v19 =	vld [tilespmem:s31+$0x7AA0];
	v56 =	vmul.f32 v38, v31;
	v28 =	vperm.xlane v18, v47;
	v4 =	vadd.f32 v23, v4  }
0x241: {  	v25 =	vld [tilespmem:s31+$0x7AE0];
	v58 =	vmul.f32 v33, v31;
	v9 =	vadd.f32 v62, v9;
	v7 =	vadd.f32 v63, v7  }
0x242: {  	v21 =	vld [tilespmem:s31+$0x7B00];
	v60 =	vmul.f32 v39, v31;
	v10 =	vadd.f32 v27, v10;
	v11 =	vadd.f32 v36, v11  }
0x243: {  	v35 =	vld [tilespmem:s31+$0x7AD0];
	v12 =	vadd.f32 v50, v12;
	v13 =	vadd.f32 v54, v13;
	v61 =	vmul.f32 v40, v28  }
0x244: {  	v29 =	vld [tilespmem:s31+$0x7B20];
	v15 =	vadd.f32 v56, v15;
	v62 =	vmul.f32 v41, v28;
	v63 =	vmul.f32 v42, v28  }
0x245: {  	v26 =	vld [tilespmem:s31+$0x7B30];
	v47 =	vmul.f32 v43, v28;
	v42 =	vimm.s32 $0x5;
	v50 =	vimm.s32 $0x4  }
0x246: {  	v33 =	vld [tilespmem:s31+$0x7B40];
	v54 =	vimm.s32 $0x3;
	v56 =	vmul.f32 v44, v28;
	v0 =	vmul.f32 v0, v28  }
0x247: {  	v38 =	vld [tilespmem:s31+$0x7B50];
	v4 =	vadd.f32 v58, v4;
	v9 =	vadd.f32 v60, v9;
	v39 =	vperm.xlane v18, v54  }
0x248: {  	v31 =	vld [tilespmem:s31+$0x7B60];
	v58 =	vmul.f32 v45, v28;
	v60 =	vmul.f32 v46, v28;
	v7 =	vadd.f32 v61, v7  }
0x249: {  	v23 =	vld [tilespmem:s31+$0x7AF0];
	v10 =	vadd.f32 v62, v10;
	v61 =	vperm.xlane v18, v50;
	v1 =	vmul.f32 v1, v39  }
0x24a: {  	v27 =	vld [tilespmem:s31+$0x7B10];
	v11 =	vadd.f32 v63, v11;
	v2 =	vmul.f32 v2, v39;
	v3 =	vmul.f32 v3, v39  }
0x24b: {  	v36 =	vld [tilespmem:s31+$0x7B70];
	v12 =	vadd.f32 v47, v12;
	v5 =	vmul.f32 v5, v39;
	v6 =	vmul.f32 v6, v39  }
0x24c: {  	v40 =	vld [tilespmem:s31+$0x7B80];
	v13 =	vadd.f32 v56, v13;
	v8 =	vmul.f32 v8, v39;
	v62 =	vmul.f32 v52, v39  }
0x24d: {  	v41 =	vld [tilespmem:s31+$0x7BF0];
	v15 =	vadd.f32 v58, v15;
	v63 =	vmul.f32 v53, v39;
	v44 =	vmul.f32 v55, v61  }
0x24e: {  	v28 =	vld [tilespmem:s31+$0x7B90];
	v4 =	vadd.f32 v60, v4;
	v45 =	vmul.f32 v24, v61;
	v46 =	vmul.f32 v34, v61  }
0x24f: {  	v0 =	vadd.f32 v0, v9;
	v9 =	vld [tilespmem:s31+$0x7BB0];
	v47 =	vmul.f32 v51, v61;
	v16 =	vmul.f32 v16, v61  }
0x250: {  	v24 =	vld [tilespmem:s31+$0x7C10];
	v50 =	vmul.f32 v48, v61;
	v51 =	vperm.xlane v18, v42;
	v1 =	vadd.f32 v1, v7  }
0x251: {  	v34 =	vld [tilespmem:s31+$0x7C20];
	v52 =	vmul.f32 v14, v61;
	v2 =	vadd.f32 v2, v10;
	v3 =	vadd.f32 v3, v11  }
0x252: {  	v42 =	vld [tilespmem:s31+$0x7C30];
	v55 =	vimm.s32 $0x6;
	v5 =	vadd.f32 v5, v12;
	v6 =	vadd.f32 v6, v13  }
0x253: {  	v14 =	vld [tilespmem:s31+$0x7C40];
	v8 =	vadd.f32 v8, v15;
	v10 =	vmul.f32 v49, v61;
	v61 =	vperm.xlane v18, v55  }
0x254: {  	v7 =	vld [tilespmem:s31+$0x7BC0];
	v4 =	vadd.f32 v62, v4;
	v53 =	vmul.f32 v22, v51;
	v54 =	vmul.f32 v37, v51  }
0x255: {  	v11 =	vld [tilespmem:s31+$0x7BD0];
	v0 =	vadd.f32 v63, v0;
	v19 =	vmul.f32 v19, v51;
	v56 =	vmul.f32 v30, v51  }
0x256: {  	v15 =	vld [tilespmem:s31+$0x7C00];
	v62 =	vimm.s32 $0x7;
	v58 =	vmul.f32 v32, v51;
	v60 =	vmul.f32 v35, v51  }
0x257: {  	v13 =	vld [tilespmem:s31+$0x7C70];
	v63 =	vmul.f32 v25, v51;
	v1 =	vadd.f32 v44, v1;
	v2 =	vadd.f32 v45, v2  }
0x258: {  	v22 =	vld [tilespmem:s31+$0x7C60];
	v23 =	vmul.f32 v23, v51;
	v3 =	vadd.f32 v46, v3;
	v5 =	vadd.f32 v47, v5  }
0x259: {  	v32 =	vld [tilespmem:s31+$0x7C90];
	v6 =	vadd.f32 v16, v6;
	v37 =	vmul.f32 v21, v61;
	v39 =	vmul.f32 v27, v61  }
0x25a: {  	v25 =	vld [tilespmem:s31+$0x7CA0];
	v8 =	vadd.f32 v50, v8;
	v43 =	vmul.f32 v29, v61;
	v44 =	vmul.f32 v26, v61  }
0x25b: {  	v35 =	vld [tilespmem:s31+$0x7D00];
	v4 =	vadd.f32 v52, v4;
	v45 =	vmul.f32 v33, v61;
	v46 =	vperm.xlane v18, v62  }
0x25c: {  	v30 =	vld [tilespmem:s31+$0x7D40];
	v0 =	vadd.f32 v10, v0;
	v47 =	vmul.f32 v38, v61;
	v31 =	vmul.f32 v31, v61  }
0x25d: {  	v16 =	vld [tilespmem:s31+$0x7C50];
	v48 =	vmul.f32 v36, v61;
	v50 =	vimm.s32 $0x8;
	v1 =	vadd.f32 v53, v1  }
0x25e: {  	v27 =	vld [tilespmem:s31+$0x7CB0];
	v36 =	vimm.s32 $0xA;
	v2 =	vadd.f32 v54, v2;
	v3 =	vadd.f32 v19, v3  }
0x25f: {  	v21 =	vld [tilespmem:s31+$0x7CD0];
	v5 =	vadd.f32 v56, v5;
	v6 =	vadd.f32 v58, v6;
	v49 =	vmul.f32 v40, v46  }
0x260: {  	v29 =	vld [tilespmem:s31+$0x7CE0];
	v8 =	vadd.f32 v60, v8;
	v51 =	vmul.f32 v28, v46;
	v52 =	vmul.f32 v17, v46  }
0x261: {  	v33 =	vld [tilespmem:s31+$0x7CF0];
	v4 =	vadd.f32 v63, v4;
	v9 =	vmul.f32 v9, v46;
	v53 =	vperm.xlane v18, v50  }
0x262: {  	v10 =	vld [tilespmem:s31+$0x7D30];
	v0 =	vadd.f32 v23, v0;
	v55 =	vmul.f32 v20, v46;
	v56 =	vmul.f32 v41, v46  }
0x263: {  	v26 =	vld [tilespmem:s31+$0x7D70];
	v54 =	vimm.s32 $0x9;
	v7 =	vmul.f32 v7, v46;
	v11 =	vmul.f32 v11, v46  }
0x264: {  	v19 =	vld [tilespmem:s31+$0x7C80];
	v46 =	vperm.xlane v18, v36;
	v1 =	vadd.f32 v37, v1;
	v2 =	vadd.f32 v39, v2  }
0x265: {  	v23 =	vld [tilespmem:s31+$0x7CC0];
	v3 =	vadd.f32 v43, v3;
	v5 =	vadd.f32 v44, v5;
	v15 =	vmul.f32 v15, v53  }
0x266: {  	v28 =	vld [tilespmem:s31+$0x7D10];
	v6 =	vadd.f32 v45, v6;
	v58 =	vmul.f32 v24, v53;
	v60 =	vmul.f32 v34, v53  }
0x267: {  	v17 =	vld [tilespmem:s31+$0x7D20];
	v8 =	vadd.f32 v47, v8;
	v61 =	vmul.f32 v42, v53;
	v62 =	vmul.f32 v14, v53  }
0x268: {  	v20 =	vld [tilespmem:s31+$0x7D60];
	v4 =	vadd.f32 v31, v4;
	v34 =	vperm.xlane v18, v54;
	v38 =	vmul.f32 v22, v53  }
0x269: {  	v41 =	vld [tilespmem:s31+$0x7DC0];
	v0 =	vadd.f32 v48, v0;
	v12 =	vmul.f32 v13, v53;
	v63 =	vmul.f32 v16, v53  }
0x26a: {  	v14 =	vld [tilespmem:s31+$0x7D90];
	v50 =	vmul.f32 v35, v46;
	v1 =	vadd.f32 v49, v1;
	v2 =	vadd.f32 v51, v2  }
0x26b: {  	v37 =	vld [tilespmem:s31+$0x7DA0];
	v10 =	vmul.f32 v10, v46;
	v3 =	vadd.f32 v52, v3;
	v5 =	vadd.f32 v9, v5  }
0x26c: {  	v13 =	vld [tilespmem:s31+$0x7DB0];
	v6 =	vadd.f32 v7, v6;
	v40 =	vmul.f32 v32, v34;
	v42 =	vmul.f32 v25, v34  }
0x26d: {  	v43 =	vld [tilespmem:s31+$0x7DD0];
	v8 =	vadd.f32 v11, v8;
	v44 =	vmul.f32 v27, v34;
	v47 =	vmul.f32 v21, v34  }
0x26e: {  	v53 =	vld [tilespmem:s31+$0x7E20];
	v4 =	vadd.f32 v55, v4;
	v48 =	vmul.f32 v29, v34;
	v49 =	vmul.f32 v33, v34  }
0x26f: {  	v35 =	vld [tilespmem:s31+$0x7E70];
	v0 =	vadd.f32 v56, v0;
	v56 =	vmul.f32 v30, v46;
	v33 =	vmul.f32 v26, v46  }
0x270: {  	v9 =	vld [tilespmem:s31+$0x7D50];
	v39 =	vmul.f32 v19, v34;
	v45 =	vmul.f32 v23, v34;
	v1 =	vadd.f32 v15, v1  }
0x271: {  	v25 =	vld [tilespmem:s31+$0x7DF0];
	v52 =	vmul.f32 v28, v46;
	v2 =	vadd.f32 v58, v2;
	v3 =	vadd.f32 v60, v3  }
0x272: {  	v27 =	vld [tilespmem:s31+$0x7E00];
	v54 =	vmul.f32 v17, v46;
	v5 =	vadd.f32 v61, v5;
	v6 =	vadd.f32 v62, v6  }
0x273: {  	v51 =	vld [tilespmem:s31+$0x7E10];
	v31 =	vmul.f32 v20, v46;
	v8 =	vadd.f32 v63, v8;
	v4 =	vadd.f32 v38, v4  }
0x274: {  	v55 =	vld [tilespmem:s31+$0x7E30];
	v34 =	vimm.s32 $0xC;
	v0 =	vadd.f32 v12, v0;
	v1 =	vadd.f32 v39, v1  }
0x275: {  	v32 =	vld [tilespmem:s31+$0x7E60];
	v58 =	vimm.s32 $0xB;
	v2 =	vadd.f32 v40, v2;
	v3 =	vadd.f32 v42, v3  }
0x276: {  	v26 =	vld [tilespmem:s31+$0x7F20];
	v62 =	vperm.xlane v18, v58;
	v5 =	vadd.f32 v44, v5;
	v6 =	vadd.f32 v45, v6  }
0x277: {  	v30 =	vld [tilespmem:s31+$0x7F40];
	v8 =	vadd.f32 v47, v8;
	v44 =	vperm.xlane v18, v34;
	v61 =	vmul.f32 v9, v46  }
0x278: {  	v19 =	vld [tilespmem:s31+$0x7DE0];
	v4 =	vadd.f32 v48, v4;
	v36 =	vmul.f32 v14, v62;
	v37 =	vmul.f32 v37, v62  }
0x279: {  	v28 =	vld [tilespmem:s31+$0x7F30];
	v0 =	vadd.f32 v49, v0;
	v39 =	vmul.f32 v13, v62;
	v41 =	vmul.f32 v41, v62  }
0x27a: {  	v15 =	vld [tilespmem:s31+$0x7D80];
	v47 =	vimm.s32 $0xD;
	v43 =	vmul.f32 v43, v62;
	v9 =	vmul.f32 v25, v62  }
0x27b: {  	v60 =	vld [tilespmem:s31+$0x7E40];
	v58 =	vperm.xlane v18, v47;
	v1 =	vadd.f32 v50, v1;
	v2 =	vadd.f32 v52, v2  }
0x27c: {  	v63 =	vld [tilespmem:s31+$0x7E50];
	v47 =	vperm.xlane v18, v57;
	v3 =	vadd.f32 v54, v3;
	v5 =	vadd.f32 v10, v5  }
0x27d: {  	v38 =	vld [tilespmem:s31+$0x7E80];
	v6 =	vadd.f32 v56, v6;
	v46 =	vmul.f32 v19, v62;
	v49 =	vmul.f32 v27, v44  }
0x27e: {  	v40 =	vld [tilespmem:s31+$0x7E90];
	v4 =	vadd.f32 v31, v4;
	v50 =	vmul.f32 v51, v44;
	v52 =	vmul.f32 v53, v44  }
0x27f: {  	v42 =	vld [tilespmem:s31+$0x7EA0];
	v0 =	vadd.f32 v33, v0;
	v54 =	vmul.f32 v55, v44;
	v11 =	vmul.f32 v32, v44  }
0x280: {  	v45 =	vld [tilespmem:s31+$0x7EB0];
	v7 =	vadd.f32 v61, v8;
	v15 =	vmul.f32 v15, v62;
	v56 =	vmul.f32 v60, v44  }
0x281: {  	v48 =	vld [tilespmem:s31+$0x7EC0];
	v61 =	vmul.f32 v63, v44;
	v63 =	vmul.f32 v35, v44;
	v2 =	vadd.f32 v36, v2  }
0x282: {  	v51 =	vld [tilespmem:s31+$0x7ED0];
	v25 =	vmul.f32 v38, v58;
	v3 =	vadd.f32 v37, v3;
	v5 =	vadd.f32 v39, v5  }
0x283: {  	v53 =	vld [tilespmem:s31+$0x7EE0];
	v35 =	vperm.xlane v18, v59;
	v6 =	vadd.f32 v41, v6;
	v4 =	vadd.f32 v46, v4  }
0x284: {  	v55 =	vld [tilespmem:s31+$0x7EF0];
	v0 =	vadd.f32 v9, v0;
	v1 =	vadd.f32 v15, v1;
	v27 =	vmul.f32 v40, v58  }
0x285: {  	v33 =	vld [tilespmem:s31+$0x7F50];
	v7 =	vadd.f32 v43, v7;
	v29 =	vmul.f32 v42, v58;
	v31 =	vmul.f32 v45, v58  }
0x286: {  	v60 =	vld [tilespmem:s31+$0x7F00];
	v32 =	vmul.f32 v48, v58;
	v2 =	vadd.f32 v50, v2;
	v3 =	vadd.f32 v52, v3  }
0x287: {  	v62 =	vld [tilespmem:s31+$0x7F10];
	v44 =	vmul.f32 v26, v35;
	v5 =	vadd.f32 v54, v5;
	v6 =	vadd.f32 v56, v6  }
0x288: {  	v36 =	vld [tilespmem:s31+$0x7F60];
	v46 =	vmul.f32 v30, v35;
	v4 =	vadd.f32 v11, v4;
	v0 =	vadd.f32 v63, v0  }
0x289: {  	v39 =	vld [tilespmem:s31+$0x7F70];
	v11 =	vmul.f32 v28, v35;
	v1 =	vadd.f32 v49, v1;
	v34 =	vmul.f32 v51, v58  }
0x28a: {  	v41 =	vld [tilespmem:s31+$0x7F80];
	v7 =	vadd.f32 v61, v7;
	v37 =	vmul.f32 v53, v58;
	v38 =	vmul.f32 v55, v58  }
0x28b: {  	v43 =	vld [tilespmem:s31+$0x7F90];
	v49 =	vmul.f32 v33, v35;
	v2 =	vadd.f32 v27, v2;
	v3 =	vadd.f32 v29, v3  }
0x28c: {  	v58 =	vld [tilespmem:$0x1FDC0];
	v5 =	vadd.f32 v31, v5;
	v6 =	vadd.f32 v32, v6;
	v40 =	vmul.f32 v60, v35  }
0x28d: {  	v45 =	vld [tilespmem:s31+$0x7FA0];
	v42 =	vmul.f32 v62, v35;
	v1 =	vadd.f32 v25, v1;
	v7 =	vadd.f32 v34, v7  }
0x28e: {  	v48 =	vld [tilespmem:s31+$0x7FB0];
	v4 =	vadd.f32 v37, v4;
	v0 =	vadd.f32 v38, v0;
	v51 =	vmul.f32 v36, v35  }
0x28f: {  	v50 =	vld [tilespmem:s31+$0x7FC0];
	v13 =	vmul.f32 v41, v47;
	v2 =	vadd.f32 v42, v2;
	v3 =	vadd.f32 v44, v3  }
0x290: {  	v52 =	vld [tilespmem:s31+$0x7FD0];
	v53 =	vmul.f32 v39, v35;
	v5 =	vadd.f32 v11, v5;
	v1 =	vadd.f32 v40, v1  }
0x291: {  	v54 =	vld [tilespmem:s31+$0x7FE0];
	v6 =	vadd.f32 v46, v6;
	v10 =	vmul.f32 v43, v47;
	v7 =	vadd.f32 v49, v7  }
0x292: {  	v56 =	vld [tilespmem:s31+$0x7FF0];
	v55 =	vmul.f32 v45, v47;
	v4 =	vadd.f32 v51, v4;
	v1 =	vadd.f32 v13, v1  }
0x293: {  	s0 =	sand.u32 $0x3FFFFF80, s0;
	v57 =	vmul.f32 v48, v47;
	v0 =	vadd.f32 v53, v0;
	v2 =	vadd.f32 v10, v2  }
0x294: {  	v59 =	vmul.f32 v50, v47;
	v3 =	vadd.f32 v55, v3;
	[tilespmem:v58+s0+$0x0 ss:$0x1] =	vst.idx.msk $0xffff, v1  }
0x295: {  	v60 =	vmul.f32 v52, v47;
	v5 =	vadd.f32 v57, v5;
	[tilespmem:v58+s0+$0x10 ss:$0x1] =	vst.idx.msk $0xffff, v2  }
0x296: {  	p1 =	sne.s32 s29, $0x3;
	v61 =	vmul.f32 v54, v47;
	v1 =	vadd.f32 v59, v6;
	[tilespmem:v58+s0+$0x20 ss:$0x1] =	vst.idx.msk $0xffff, v3  }
.Ltmp1:
0x297: {  	v63 =	vmul.f32 v56, v47;
	v62 =	vadd.f32 v60, v7;
	[tilespmem:v58+s0+$0x30 ss:$0x1] =	vst.idx.msk $0xffff, v5;
	(pc) =	sbr.rel @p1 .LBB2_6-.Ltmp1, $4  }
0x298: {  	v2 =	vadd.f32 v61, v4;
	[tilespmem:v58+s0+$0x40 ss:$0x1] =	vst.idx.msk $0xffff, v1  }
0x299: {  	v0 =	vadd.f32 v63, v0;
	[tilespmem:v58+s0+$0x50 ss:$0x1] =	vst.idx.msk $0xffff, v62  }
0x29a: {  	[tilespmem:v58+s0+$0x60 ss:$0x1] =	vst.idx.msk $0xffff, v2  }
0x29b: {  	s29 =	sadd.s32 $0x1, s29;
	[tilespmem:v58+s0+$0x70 ss:$0x1] =	vst.idx.msk $0xffff, v0  }
0x29c: {  	s28 =	sadd.s32 $0x1, s28  }
0x29d: {  	p1 =	sne.s32 s28, $0x4  }
.Ltmp2:
0x29e: {  	_ = 	snop;
	(pc) =	sbr.rel @p1 .LBB2_3-.Ltmp2, $1  }
0x29f: {  	_ =	sdelay $0x3  }
0x2a0: {  	s0 =	sadd.s32 s10, s25;
	s24 =	sadd.s32 $0x1, s24  }
0x2a1: {  	s0 =	sshrl.u32 s0, $0x3;
	p1 =	sne.s32 s24, $0xA  }
.Ltmp3:
0x2a2: {  	s0 =	sadd.s32 s4, s0;
	(pc) =	sbr.rel @p1 .LBB2_2-.Ltmp3, $4  }
0x2a3: {  	[hbm4b:s0+s2] =	stream.linear.scatter [tilespmem:s22], [sflag:$0x3], $0x1000, $0x38;
	[tilespmem:$0x1F880] =	vst v63  }
0x2a4: {  	_ =	swait.ge [sflag:s13], $0x1000  }
0x2a5: {  	[sflag:s13] =	ssyncset.done $0x0  }
0x2a6: {  	[sflag:s13] =	ssyncadd.s32 $0xFFFFF000  }
0x2a7: {  	s23 =	sadd.s32 $0x1, s23  }
0x2a8: {  	p1 =	sne.s32 s23, s11  }
.Ltmp4:
0x2a9: {  	_ = 	snop;
	(pc) =	sbr.rel @p1 .LBB2_1-.Ltmp4, $4  }
0x2aa: {  	_ = 	snop  }
0x2ab: {  	_ =	swait.ge [sflag:s19], $0x4000  }
0x2ac: {  	[sflag:s19] =	ssyncset.done $0x0  }
0x2ad: {  	[sflag:s19] =	ssyncadd.s32 $0xFFFFC000  }
0x2ae: {  	_ =	sfence.sel $0x180000  }
0x2af: {  	[bflag:$0x0] =	sbarrier.arrive $0xFFFF  }
0x2b0: {  	_ =	strace $0x90000047  }
0x2b1: {  	[bflag:$0x2] =	sbarrier.arrive $0xFFFF  }
0x2b2: {  	s0 =	rddreg [dreg:$0x4]  }
0x2b3: {  	s0 =	sadd.s32 @!p0 $0x100000, s0  }
0x2b4: {  	[sflag:s0] =	ssyncadd.tile.s32 @!p0 $0x1;
	_ =	shalt  }
.Lfunc_end2:
_tile_overlayer_lowered:
.L_overlay_start_2:
0x2b5: {  	(tag) =	ssettag $0x2  }
0x2b6: {  	s0 =	rddreg [dreg:$0x0];
	s2 =	stileid.u32  }
0x2b7: {  	s1 =	rddreg [dreg:$0x1];
	p0 =	sne.s32 s2, $0x0  }
0x2b8: {  	s3 =	rddreg [dreg:$0x2];
	[bflag:$0x3] =	sbarrier.arrive $0xFFFF;
	s2 =	simm.s32 @!p0 $0x1C03  }
0x2b9: {  	[timem:s3], [sflag:s2] =	dma.local @!p0 [hbm:s0], s1  }
0x2ba: {  	s0 =	simm.s32 @!p0 $0x3  }
0x2bb: {  	_ =	swait.ge @!p0 [sflag:s0], s1  }
0x2bc: {  	s1 =	ssub.s32 @!p0 $0x0, s1;
	[sflag:s0] =	ssyncset.done @!p0 $0x0  }
0x2bd: {  	[sflag:s0] =	ssyncadd.s32 @!p0 s1  }
0x2be: {  	[bflag:$0x3] =	sbarrier.arrive $0xFFFF  }
0x2bf: {  	_ =	shalt  }

</sc_bundles>
